<compile_context>
chip_gen: v7x
topology: tpu7x:2x2x1
jax: 0.10.2.dev20260603
libtpu: 0.0.44.dev20260713+nightly
codegen_flags: <defaults>
</compile_context>

<pallas_src>
import functools

import jax
import jax.numpy as jnp
from jax import lax
from jax.experimental import pallas as pl
from jax.experimental.pallas import tpu as pltpu
from jax.experimental.pallas import tpu_sc as plsc

N_NODES = 100000
F_X = 128
N_GRAPHS = 64
F_OUT = 128

NC = 2
NS = 16
NW = NC * NS

CHUNK = 128
N_CHUNKS = N_NODES // CHUNK
N_MAIN = N_CHUNKS * CHUNK
TAIL = N_NODES - N_MAIN


STEPS = -(-N_CHUNKS // NW)
N_FULL_W = N_CHUNKS - (STEPS - 1) * NW
NBUF = 6


def _sc_segment_partials(x, batch):
    mesh = plsc.VectorSubcoreMesh(
        core_axis_name="c", subcore_axis_name="s", num_cores=NC, num_subcores=NS
    )
    zrows = N_GRAPHS // NS

    @functools.partial(
        pl.kernel,
        out_type=jax.ShapeDtypeStruct((NC, N_GRAPHS, F_X), jnp.float32),
        mesh=mesh,
        scratch_types=[
            pltpu.VMEM((NBUF, CHUNK, F_X), jnp.float32),
            pltpu.VMEM((NBUF, CHUNK), jnp.int32),
            pltpu.VMEM((zrows, F_X), jnp.float32),
            pltpu.VMEM((TAIL, F_X), jnp.float32),
            pltpu.VMEM((TAIL,), jnp.int32),
            pltpu.VMEM_SHARED((N_GRAPHS, F_X), jnp.float32),
            [pltpu.SemaphoreType.DMA] * NBUF,
            [pltpu.SemaphoreType.DMA] * NBUF,
        ],
    )
    def sc_kernel(x_hbm, b_hbm, out_hbm, rows_v, idx_v, zbuf_v, trow_v, tidx_v,
                  acc_sh, lsem, ssem):
        cid = lax.axis_index("c")
        sid = lax.axis_index("s")
        wid = sid * NC + cid
        valid_last = wid < N_FULL_W

        def maybe(i, fn):
            if i == STEPS - 1:
                pl.when(valid_last)(fn)
            else:
                fn()

        def issue_load(i):
            base = (wid + i * NW) * CHUNK
            pltpu.async_copy(b_hbm.at[pl.ds(base, CHUNK)], idx_v.at[i % NBUF],
                             lsem[i % NBUF])
            pltpu.async_copy(x_hbm.at[pl.ds(base, CHUNK)], rows_v.at[i % NBUF],
                             lsem[i % NBUF])

        def wait_load(i):
            base = (wid + i * NW) * CHUNK
            pltpu.make_async_copy(b_hbm.at[pl.ds(base, CHUNK)],
                                  idx_v.at[i % NBUF], lsem[i % NBUF]).wait()
            pltpu.make_async_copy(x_hbm.at[pl.ds(base, CHUNK)],
                                  rows_v.at[i % NBUF], lsem[i % NBUF]).wait()

        def issue_scatter(i):
            pltpu.async_copy(rows_v.at[i % NBUF], acc_sh.at[idx_v.at[i % NBUF]],
                             ssem[i % NBUF], priority=1, add=True)

        def wait_scatter(i):
            pltpu.make_async_copy(rows_v.at[i % NBUF],
                                  acc_sh.at[idx_v.at[i % NBUF]],
                                  ssem[i % NBUF]).wait()

        for i in range(NBUF - 1):
            issue_load(i)

        zeros = jnp.zeros((16,), jnp.float32)
        for r in range(zrows):
            for f in range(F_X // 16):
                zbuf_v[r, pl.ds(16 * f, 16)] = zeros
        pltpu.sync_copy(zbuf_v, acc_sh.at[pl.ds(sid * zrows, zrows)])
        plsc.subcore_barrier()

        for i in range(STEPS):
            def step(i=i):
                wait_load(i)
                issue_scatter(i)
            maybe(i, step)
            f = i + NBUF - 1
            if f < STEPS:
                def prefetch(f=f):
                    if f >= NBUF:
                        wait_scatter(f - NBUF)
                    issue_load(f)
                maybe(f, prefetch)

        for i in range(STEPS - NBUF, STEPS):
            maybe(i, lambda i=i: wait_scatter(i))

        @pl.when(wid == 0)
        def _tail():
            pltpu.sync_copy(b_hbm.at[pl.ds(N_MAIN, TAIL)], tidx_v)
            pltpu.sync_copy(x_hbm.at[pl.ds(N_MAIN, TAIL)], trow_v)
            pltpu.sync_copy(trow_v, acc_sh.at[tidx_v], add=True)

        plsc.subcore_barrier()

        @pl.when(sid == 0)
        def _writeback():
            pltpu.sync_copy(acc_sh, out_hbm.at[cid])

    return sc_kernel(x, batch)


def _tc_head(partials, u, W, b2d):

    def tc_kernel(p_ref, u_ref, w_ref, b_ref, o_ref):
        x_agg = p_ref[0] + p_ref[1]
        out = jnp.dot(x_agg, w_ref[:F_X, :], preferred_element_type=jnp.float32)
        out = out + jnp.dot(u_ref[...], w_ref[F_X:, :], preferred_element_type=jnp.float32)
        o_ref[...] = out + b_ref[...]

    return pl.pallas_call(
        tc_kernel,
        out_shape=jax.ShapeDtypeStruct((N_GRAPHS, F_OUT), jnp.float32),
    )(partials, u, W, b2d)


def kernel(x, edge_index, e, u, batch, W, b):
    del edge_index, e
    batch32 = batch.astype(jnp.int32)
    partials = _sc_segment_partials(x, batch32)
    return _tc_head(partials, u, W, b.reshape(1, F_OUT).astype(jnp.float32))

# --- scband reference (transcript-rebuilt; emitter-appended) ---
"""Pipeline reference for scband-global-model-node-only-26302379720748 (READ-ONLY COPY).

The authoritative reference and input builder live on the scoring server;
editing this copy changes nothing except your own understanding.
"""

import jax, jax.numpy as jnp
import numpy as np

N_NODES = 100000
N_EDGES = 1600000
N_GRAPHS = 64
F_X = 128
F_U = 128
F_U_OUT = 128
D_EDGE = 16


def setup_inputs(seed: int = 0) -> dict:
    key = jax.random.key(seed)
    k_x, k_ei, k_e, k_u, k_b, k_w = jax.random.split(key, 6)
    x = jax.random.normal(k_x, (N_NODES, F_X), dtype=jnp.float32)
    edge_index = jax.random.randint(k_ei, (2, N_EDGES), 0, N_NODES, dtype=jnp.int64)
    e = jax.random.normal(k_e, (N_EDGES, D_EDGE), dtype=jnp.float32)
    u = jax.random.normal(k_u, (N_GRAPHS, F_U), dtype=jnp.float32)
    batch = jnp.sort(jax.random.randint(k_b, (N_NODES,), 0, N_GRAPHS, dtype=jnp.int64))
    # learned params of phi_u = Linear(f_x + f_u, f_u_out)
    W = jax.random.normal(k_w, (F_X + F_U, F_U_OUT), dtype=jnp.float32) * 0.02
    b = jnp.zeros((F_U_OUT,), dtype=jnp.float32)
    return {"x": x, "edge_index": edge_index, "e": e, "u": u, "batch": batch, "W": W, "b": b}


def reference(x, edge_index, e, u, batch, W, b):
    # src, dest = edge_index  (unused in this module's forward math)
    # x_agg = scatter_add(x, batch, dim=0)
    x_agg = jax.ops.segment_sum(x, batch, num_segments=u.shape[0])
    out = jnp.concatenate([x_agg, u], axis=1)
    # phi_u(out) = Linear
    return out @ W + b

if __name__ == "__main__":
    import jax
    _d = setup_inputs()
    print(jax.jit(kernel)(*tuple(_d.values())))

</pallas_src>

<mosaic_0001>
#map = affine_map<(d0, d1) -> (0, 0)>
#map1 = affine_map<(d0, d1) -> (0)>
#map2 = affine_map<(d0, d1) -> (0, 0, 0)>
module attributes {stable_mosaic.version = 14 : i64} {
  func.func @sc_kernel(%arg0: i32, %arg1: i32, %arg2: memref<100000x128xf32, #tpu.memory_space<hbm>>, %arg3: memref<100000xi32, #tpu.memory_space<hbm>>, %arg4: memref<2x64x128xf32, #tpu.memory_space<hbm>>, %arg5: memref<6x128x128xf32, #tpu.memory_space<vmem>>, %arg6: memref<6x128xi32, #tpu.memory_space<vmem>>, %arg7: memref<4x128xf32, #tpu.memory_space<vmem>>, %arg8: memref<32x128xf32, #tpu.memory_space<vmem>>, %arg9: memref<32xi32, #tpu.memory_space<vmem>>, %arg10: memref<64x128xf32, #tpu.memory_space<vmem_shared>>, %arg11: memref<!tpu.dma_semaphore, #tpu.memory_space<semaphore_mem>>, %arg12: memref<!tpu.dma_semaphore, #tpu.memory_space<semaphore_mem>>, %arg13: memref<!tpu.dma_semaphore, #tpu.memory_space<semaphore_mem>>, %arg14: memref<!tpu.dma_semaphore, #tpu.memory_space<semaphore_mem>>, %arg15: memref<!tpu.dma_semaphore, #tpu.memory_space<semaphore_mem>>, %arg16: memref<!tpu.dma_semaphore, #tpu.memory_space<semaphore_mem>>, %arg17: memref<!tpu.dma_semaphore, #tpu.memory_space<semaphore_mem>>, %arg18: memref<!tpu.dma_semaphore, #tpu.memory_space<semaphore_mem>>, %arg19: memref<!tpu.dma_semaphore, #tpu.memory_space<semaphore_mem>>, %arg20: memref<!tpu.dma_semaphore, #tpu.memory_space<semaphore_mem>>, %arg21: memref<!tpu.dma_semaphore, #tpu.memory_space<semaphore_mem>>, %arg22: memref<!tpu.dma_semaphore, #tpu.memory_space<semaphore_mem>>) attributes {dimension_semantics = [#tpu.dimension_semantics<core_parallel>, #tpu.dimension_semantics<subcore_parallel>], iteration_bounds = array<i64: 2, 16>, scalar_prefetch = 0 : i64, scratch_operands = 18 : i64, tpu.core_type = #tpu.core_type<sc_vector_subcore>, window_params = [{transform_indices = #map}, {transform_indices = #map1}, {transform_indices = #map2}]} {
    %mul3A = arith.constant 2 : i32
    %mul3A_0 = arith.muli %arg1, %mul3A : i32
    %add3A = arith.addi %mul3A_0, %arg0 : i32
    %lt3A = arith.constant 13 : i32
    %lt3A_1 = arith.cmpi slt, %add3A, %lt3A : i32
    %add3A_2 = arith.constant 0 : i32
    %add3A_3 = arith.addi %add3A, %add3A_2 : i32
    %mul3A_4 = arith.constant 128 : i32
    %mul3A_5 = arith.muli %add3A_3, %mul3A_4 : i32
    %dma_start3A = arith.constant 0 : i32
    %dma_start3A_6 = arith.constant 0 : i32
    %dma_start3A_7 = tpu.memref_slice %arg6[%dma_start3A, %dma_start3A_6] : memref<6x128xi32, #tpu.memory_space<vmem>> -> memref<1x128xi32, #tpu.memory_space<vmem>>
    %dma_start3A_8 = tpu.memref_squeeze %dma_start3A_7 : memref<1x128xi32, #tpu.memory_space<vmem>> -> memref<128xi32, #tpu.memory_space<vmem>>
    %dma_start3A_9 = tpu.memref_slice %arg3[%mul3A_5] : memref<100000xi32, #tpu.memory_space<hbm>> -> memref<128xi32, #tpu.memory_space<hbm>>
    %dma_start3A_10 = arith.constant 0 : i32
    %dma_start3A_11 = tpu.memref_slice %arg6[%dma_start3A, %dma_start3A_10] : memref<6x128xi32, #tpu.memory_space<vmem>> -> memref<1x128xi32, #tpu.memory_space<vmem>>
    %dma_start3A_12 = tpu.memref_squeeze %dma_start3A_11 : memref<1x128xi32, #tpu.memory_space<vmem>> -> memref<128xi32, #tpu.memory_space<vmem>>
    %dma_start3A_13 = tpu.memref_slice %arg3[%mul3A_5] : memref<100000xi32, #tpu.memory_space<hbm>> -> memref<128xi32, #tpu.memory_space<hbm>>
    tpu.enqueue_dma source(%dma_start3A_13 : memref<128xi32, #tpu.memory_space<hbm>>) target(%dma_start3A_12 : memref<128xi32, #tpu.memory_space<vmem>>) target_semaphore(%arg11 : memref<!tpu.dma_semaphore, #tpu.memory_space<semaphore_mem>>)
    %dma_start3A_14 = arith.constant 0 : i32
    %dma_start3A_15 = arith.constant 0 : i32
    %dma_start3A_16 = arith.constant 0 : i32
    %dma_start3A_17 = tpu.memref_slice %arg5[%dma_start3A_14, %dma_start3A_15, %dma_start3A_16] : memref<6x128x128xf32, #tpu.memory_space<vmem>> -> memref<1x128x128xf32, #tpu.memory_space<vmem>>
    %dma_start3A_18 = tpu.memref_squeeze %dma_start3A_17 : memref<1x128x128xf32, #tpu.memory_space<vmem>> -> memref<128x128xf32, #tpu.memory_space<vmem>>
    %dma_start3A_19 = arith.constant 0 : i32
    %dma_start3A_20 = tpu.memref_slice %arg2[%mul3A_5, %dma_start3A_19] : memref<100000x128xf32, #tpu.memory_space<hbm>> -> memref<128x128xf32, #tpu.memory_space<hbm>>
    %dma_start3A_21 = arith.constant 0 : i32
    %dma_start3A_22 = arith.constant 0 : i32
    %dma_start3A_23 = tpu.memref_slice %arg5[%dma_start3A_14, %dma_start3A_21, %dma_start3A_22] : memref<6x128x128xf32, #tpu.memory_space<vmem>> -> memref<1x128x128xf32, #tpu.memory_space<vmem>>
    %dma_start3A_24 = tpu.memref_squeeze %dma_start3A_23 : memref<1x128x128xf32, #tpu.memory_space<vmem>> -> memref<128x128xf32, #tpu.memory_space<vmem>>
    %dma_start3A_25 = arith.constant 0 : i32
    %dma_start3A_26 = tpu.memref_slice %arg2[%mul3A_5, %dma_start3A_25] : memref<100000x128xf32, #tpu.memory_space<hbm>> -> memref<128x128xf32, #tpu.memory_space<hbm>>
    tpu.enqueue_dma source(%dma_start3A_26 : memref<128x128xf32, #tpu.memory_space<hbm>>) target(%dma_start3A_24 : memref<128x128xf32, #tpu.memory_space<vmem>>) target_semaphore(%arg11 : memref<!tpu.dma_semaphore, #tpu.memory_space<semaphore_mem>>)
    %add3A_27 = arith.constant 32 : i32
    %add3A_28 = arith.addi %add3A, %add3A_27 : i32
    %mul3A_29 = arith.constant 128 : i32
    %mul3A_30 = arith.muli %add3A_28, %mul3A_29 : i32
    %dma_start3A_31 = arith.constant 1 : i32
    %dma_start3A_32 = arith.constant 0 : i32
    %dma_start3A_33 = tpu.memref_slice %arg6[%dma_start3A_31, %dma_start3A_32] : memref<6x128xi32, #tpu.memory_space<vmem>> -> memref<1x128xi32, #tpu.memory_space<vmem>>
    %dma_start3A_34 = tpu.memref_squeeze %dma_start3A_33 : memref<1x128xi32, #tpu.memory_space<vmem>> -> memref<128xi32, #tpu.memory_space<vmem>>
    %dma_start3A_35 = tpu.memref_slice %arg3[%mul3A_30] : memref<100000xi32, #tpu.memory_space<hbm>> -> memref<128xi32, #tpu.memory_space<hbm>>
    %dma_start3A_36 = arith.constant 0 : i32
    %dma_start3A_37 = tpu.memref_slice %arg6[%dma_start3A_31, %dma_start3A_36] : memref<6x128xi32, #tpu.memory_space<vmem>> -> memref<1x128xi32, #tpu.memory_space<vmem>>
    %dma_start3A_38 = tpu.memref_squeeze %dma_start3A_37 : memref<1x128xi32, #tpu.memory_space<vmem>> -> memref<128xi32, #tpu.memory_space<vmem>>
    %dma_start3A_39 = tpu.memref_slice %arg3[%mul3A_30] : memref<100000xi32, #tpu.memory_space<hbm>> -> memref<128xi32, #tpu.memory_space<hbm>>
    tpu.enqueue_dma source(%dma_start3A_39 : memref<128xi32, #tpu.memory_space<hbm>>) target(%dma_start3A_38 : memref<128xi32, #tpu.memory_space<vmem>>) target_semaphore(%arg12 : memref<!tpu.dma_semaphore, #tpu.memory_space<semaphore_mem>>)
    %dma_start3A_40 = arith.constant 1 : i32
    %dma_start3A_41 = arith.constant 0 : i32
    %dma_start3A_42 = arith.constant 0 : i32
    %dma_start3A_43 = tpu.memref_slice %arg5[%dma_start3A_40, %dma_start3A_41, %dma_start3A_42] : memref<6x128x128xf32, #tpu.memory_space<vmem>> -> memref<1x128x128xf32, #tpu.memory_space<vmem>>
    %dma_start3A_44 = tpu.memref_squeeze %dma_start3A_43 : memref<1x128x128xf32, #tpu.memory_space<vmem>> -> memref<128x128xf32, #tpu.memory_space<vmem>>
    %dma_start3A_45 = arith.constant 0 : i32
    %dma_start3A_46 = tpu.memref_slice %arg2[%mul3A_30, %dma_start3A_45] : memref<100000x128xf32, #tpu.memory_space<hbm>> -> memref<128x128xf32, #tpu.memory_space<hbm>>
    %dma_start3A_47 = arith.constant 0 : i32
    %dma_start3A_48 = arith.constant 0 : i32
    %dma_start3A_49 = tpu.memref_slice %arg5[%dma_start3A_40, %dma_start3A_47, %dma_start3A_48] : memref<6x128x128xf32, #tpu.memory_space<vmem>> -> memref<1x128x128xf32, #tpu.memory_space<vmem>>
    %dma_start3A_50 = tpu.memref_squeeze %dma_start3A_49 : memref<1x128x128xf32, #tpu.memory_space<vmem>> -> memref<128x128xf32, #tpu.memory_space<vmem>>
    %dma_start3A_51 = arith.constant 0 : i32
    %dma_start3A_52 = tpu.memref_slice %arg2[%mul3A_30, %dma_start3A_51] : memref<100000x128xf32, #tpu.memory_space<hbm>> -> memref<128x128xf32, #tpu.memory_space<hbm>>
    tpu.enqueue_dma source(%dma_start3A_52 : memref<128x128xf32, #tpu.memory_space<hbm>>) target(%dma_start3A_50 : memref<128x128xf32, #tpu.memory_space<vmem>>) target_semaphore(%arg12 : memref<!tpu.dma_semaphore, #tpu.memory_space<semaphore_mem>>)
    %add3A_53 = arith.constant 64 : i32
    %add3A_54 = arith.addi %add3A, %add3A_53 : i32
    %mul3A_55 = arith.constant 128 : i32
    %mul3A_56 = arith.muli %add3A_54, %mul3A_55 : i32
    %dma_start3A_57 = arith.constant 2 : i32
    %dma_start3A_58 = arith.constant 0 : i32
    %dma_start3A_59 = tpu.memref_slice %arg6[%dma_start3A_57, %dma_start3A_58] : memref<6x128xi32, #tpu.memory_space<vmem>> -> memref<1x128xi32, #tpu.memory_space<vmem>>
    %dma_start3A_60 = tpu.memref_squeeze %dma_start3A_59 : memref<1x128xi32, #tpu.memory_space<vmem>> -> memref<128xi32, #tpu.memory_space<vmem>>
    %dma_start3A_61 = tpu.memref_slice %arg3[%mul3A_56] : memref<100000xi32, #tpu.memory_space<hbm>> -> memref<128xi32, #tpu.memory_space<hbm>>
    %dma_start3A_62 = arith.constant 0 : i32
    %dma_start3A_63 = tpu.memref_slice %arg6[%dma_start3A_57, %dma_start3A_62] : memref<6x128xi32, #tpu.memory_space<vmem>> -> memref<1x128xi32, #tpu.memory_space<vmem>>
    %dma_start3A_64 = tpu.memref_squeeze %dma_start3A_63 : memref<1x128xi32, #tpu.memory_space<vmem>> -> memref<128xi32, #tpu.memory_space<vmem>>
    %dma_start3A_65 = tpu.memref_slice %arg3[%mul3A_56] : memref<100000xi32, #tpu.memory_space<hbm>> -> memref<128xi32, #tpu.memory_space<hbm>>
    tpu.enqueue_dma source(%dma_start3A_65 : memref<128xi32, #tpu.memory_space<hbm>>) target(%dma_start3A_64 : memref<128xi32, #tpu.memory_space<vmem>>) target_semaphore(%arg13 : memref<!tpu.dma_semaphore, #tpu.memory_space<semaphore_mem>>)
    %dma_start3A_66 = arith.constant 2 : i32
    %dma_start3A_67 = arith.constant 0 : i32
    %dma_start3A_68 = arith.constant 0 : i32
    %dma_start3A_69 = tpu.memref_slice %arg5[%dma_start3A_66, %dma_start3A_67, %dma_start3A_68] : memref<6x128x128xf32, #tpu.memory_space<vmem>> -> memref<1x128x128xf32, #tpu.memory_space<vmem>>
    %dma_start3A_70 = tpu.memref_squeeze %dma_start3A_69 : memref<1x128x128xf32, #tpu.memory_space<vmem>> -> memref<128x128xf32, #tpu.memory_space<vmem>>
    %dma_start3A_71 = arith.constant 0 : i32
    %dma_start3A_72 = tpu.memref_slice %arg2[%mul3A_56, %dma_start3A_71] : memref<100000x128xf32, #tpu.memory_space<hbm>> -> memref<128x128xf32, #tpu.memory_space<hbm>>
    %dma_start3A_73 = arith.constant 0 : i32
    %dma_start3A_74 = arith.constant 0 : i32
    %dma_start3A_75 = tpu.memref_slice %arg5[%dma_start3A_66, %dma_start3A_73, %dma_start3A_74] : memref<6x128x128xf32, #tpu.memory_space<vmem>> -> memref<1x128x128xf32, #tpu.memory_space<vmem>>
    %dma_start3A_76 = tpu.memref_squeeze %dma_start3A_75 : memref<1x128x128xf32, #tpu.memory_space<vmem>> -> memref<128x128xf32, #tpu.memory_space<vmem>>
    %dma_start3A_77 = arith.constant 0 : i32
    %dma_start3A_78 = tpu.memref_slice %arg2[%mul3A_56, %dma_start3A_77] : memref<100000x128xf32, #tpu.memory_space<hbm>> -> memref<128x128xf32, #tpu.memory_space<hbm>>
    tpu.enqueue_dma source(%dma_start3A_78 : memref<128x128xf32, #tpu.memory_space<hbm>>) target(%dma_start3A_76 : memref<128x128xf32, #tpu.memory_space<vmem>>) target_semaphore(%arg13 : memref<!tpu.dma_semaphore, #tpu.memory_space<semaphore_mem>>)
    %add3A_79 = arith.constant 96 : i32
    %add3A_80 = arith.addi %add3A, %add3A_79 : i32
    %mul3A_81 = arith.constant 128 : i32
    %mul3A_82 = arith.muli %add3A_80, %mul3A_81 : i32
    %dma_start3A_83 = arith.constant 3 : i32
    %dma_start3A_84 = arith.constant 0 : i32
    %dma_start3A_85 = tpu.memref_slice %arg6[%dma_start3A_83, %dma_start3A_84] : memref<6x128xi32, #tpu.memory_space<vmem>> -> memref<1x128xi32, #tpu.memory_space<vmem>>
    %dma_start3A_86 = tpu.memref_squeeze %dma_start3A_85 : memref<1x128xi32, #tpu.memory_space<vmem>> -> memref<128xi32, #tpu.memory_space<vmem>>
    %dma_start3A_87 = tpu.memref_slice %arg3[%mul3A_82] : memref<100000xi32, #tpu.memory_space<hbm>> -> memref<128xi32, #tpu.memory_space<hbm>>
    %dma_start3A_88 = arith.constant 0 : i32
    %dma_start3A_89 = tpu.memref_slice %arg6[%dma_start3A_83, %dma_start3A_88] : memref<6x128xi32, #tpu.memory_space<vmem>> -> memref<1x128xi32, #tpu.memory_space<vmem>>
    %dma_start3A_90 = tpu.memref_squeeze %dma_start3A_89 : memref<1x128xi32, #tpu.memory_space<vmem>> -> memref<128xi32, #tpu.memory_space<vmem>>
    %dma_start3A_91 = tpu.memref_slice %arg3[%mul3A_82] : memref<100000xi32, #tpu.memory_space<hbm>> -> memref<128xi32, #tpu.memory_space<hbm>>
    tpu.enqueue_dma source(%dma_start3A_91 : memref<128xi32, #tpu.memory_space<hbm>>) target(%dma_start3A_90 : memref<128xi32, #tpu.memory_space<vmem>>) target_semaphore(%arg14 : memref<!tpu.dma_semaphore, #tpu.memory_space<semaphore_mem>>)
    %dma_start3A_92 = arith.constant 3 : i32
    %dma_start3A_93 = arith.constant 0 : i32
    %dma_start3A_94 = arith.constant 0 : i32
    %dma_start3A_95 = tpu.memref_slice %arg5[%dma_start3A_92, %dma_start3A_93, %dma_start3A_94] : memref<6x128x128xf32, #tpu.memory_space<vmem>> -> memref<1x128x128xf32, #tpu.memory_space<vmem>>
    %dma_start3A_96 = tpu.memref_squeeze %dma_start3A_95 : memref<1x128x128xf32, #tpu.memory_space<vmem>> -> memref<128x128xf32, #tpu.memory_space<vmem>>
    %dma_start3A_97 = arith.constant 0 : i32
    %dma_start3A_98 = tpu.memref_slice %arg2[%mul3A_82, %dma_start3A_97] : memref<100000x128xf32, #tpu.memory_space<hbm>> -> memref<128x128xf32, #tpu.memory_space<hbm>>
    %dma_start3A_99 = arith.constant 0 : i32
    %dma_start3A_100 = arith.constant 0 : i32
    %dma_start3A_101 = tpu.memref_slice %arg5[%dma_start3A_92, %dma_start3A_99, %dma_start3A_100] : memref<6x128x128xf32, #tpu.memory_space<vmem>> -> memref<1x128x128xf32, #tpu.memory_space<vmem>>
    %dma_start3A_102 = tpu.memref_squeeze %dma_start3A_101 : memref<1x128x128xf32, #tpu.memory_space<vmem>> -> memref<128x128xf32, #tpu.memory_space<vmem>>
    %dma_start3A_103 = arith.constant 0 : i32
    %dma_start3A_104 = tpu.memref_slice %arg2[%mul3A_82, %dma_start3A_103] : memref<100000x128xf32, #tpu.memory_space<hbm>> -> memref<128x128xf32, #tpu.memory_space<hbm>>
    tpu.enqueue_dma source(%dma_start3A_104 : memref<128x128xf32, #tpu.memory_space<hbm>>) target(%dma_start3A_102 : memref<128x128xf32, #tpu.memory_space<vmem>>) target_semaphore(%arg14 : memref<!tpu.dma_semaphore, #tpu.memory_space<semaphore_mem>>)
    %add3A_105 = arith.constant 128 : i32
    %add3A_106 = arith.addi %add3A, %add3A_105 : i32
    %mul3A_107 = arith.constant 128 : i32
    %mul3A_108 = arith.muli %add3A_106, %mul3A_107 : i32
    %dma_start3A_109 = arith.constant 4 : i32
    %dma_start3A_110 = arith.constant 0 : i32
    %dma_start3A_111 = tpu.memref_slice %arg6[%dma_start3A_109, %dma_start3A_110] : memref<6x128xi32, #tpu.memory_space<vmem>> -> memref<1x128xi32, #tpu.memory_space<vmem>>
    %dma_start3A_112 = tpu.memref_squeeze %dma_start3A_111 : memref<1x128xi32, #tpu.memory_space<vmem>> -> memref<128xi32, #tpu.memory_space<vmem>>
    %dma_start3A_113 = tpu.memref_slice %arg3[%mul3A_108] : memref<100000xi32, #tpu.memory_space<hbm>> -> memref<128xi32, #tpu.memory_space<hbm>>
    %dma_start3A_114 = arith.constant 0 : i32
    %dma_start3A_115 = tpu.memref_slice %arg6[%dma_start3A_109, %dma_start3A_114] : memref<6x128xi32, #tpu.memory_space<vmem>> -> memref<1x128xi32, #tpu.memory_space<vmem>>
    %dma_start3A_116 = tpu.memref_squeeze %dma_start3A_115 : memref<1x128xi32, #tpu.memory_space<vmem>> -> memref<128xi32, #tpu.memory_space<vmem>>
    %dma_start3A_117 = tpu.memref_slice %arg3[%mul3A_108] : memref<100000xi32, #tpu.memory_space<hbm>> -> memref<128xi32, #tpu.memory_space<hbm>>
    tpu.enqueue_dma source(%dma_start3A_117 : memref<128xi32, #tpu.memory_space<hbm>>) target(%dma_start3A_116 : memref<128xi32, #tpu.memory_space<vmem>>) target_semaphore(%arg15 : memref<!tpu.dma_semaphore, #tpu.memory_space<semaphore_mem>>)
    %dma_start3A_118 = arith.constant 4 : i32
    %dma_start3A_119 = arith.constant 0 : i32
    %dma_start3A_120 = arith.constant 0 : i32
    %dma_start3A_121 = tpu.memref_slice %arg5[%dma_start3A_118, %dma_start3A_119, %dma_start3A_120] : memref<6x128x128xf32, #tpu.memory_space<vmem>> -> memref<1x128x128xf32, #tpu.memory_space<vmem>>
    %dma_start3A_122 = tpu.memref_squeeze %dma_start3A_121 : memref<1x128x128xf32, #tpu.memory_space<vmem>> -> memref<128x128xf32, #tpu.memory_space<vmem>>
    %dma_start3A_123 = arith.constant 0 : i32
    %dma_start3A_124 = tpu.memref_slice %arg2[%mul3A_108, %dma_start3A_123] : memref<100000x128xf32, #tpu.memory_space<hbm>> -> memref<128x128xf32, #tpu.memory_space<hbm>>
    %dma_start3A_125 = arith.constant 0 : i32
    %dma_start3A_126 = arith.constant 0 : i32
    %dma_start3A_127 = tpu.memref_slice %arg5[%dma_start3A_118, %dma_start3A_125, %dma_start3A_126] : memref<6x128x128xf32, #tpu.memory_space<vmem>> -> memref<1x128x128xf32, #tpu.memory_space<vmem>>
    %dma_start3A_128 = tpu.memref_squeeze %dma_start3A_127 : memref<1x128x128xf32, #tpu.memory_space<vmem>> -> memref<128x128xf32, #tpu.memory_space<vmem>>
    %dma_start3A_129 = arith.constant 0 : i32
    %dma_start3A_130 = tpu.memref_slice %arg2[%mul3A_108, %dma_start3A_129] : memref<100000x128xf32, #tpu.memory_space<hbm>> -> memref<128x128xf32, #tpu.memory_space<hbm>>
    tpu.enqueue_dma source(%dma_start3A_130 : memref<128x128xf32, #tpu.memory_space<hbm>>) target(%dma_start3A_128 : memref<128x128xf32, #tpu.memory_space<vmem>>) target_semaphore(%arg15 : memref<!tpu.dma_semaphore, #tpu.memory_space<semaphore_mem>>)
    %broadcast_in_dim3A = arith.constant 0.000000e+00 : f32
    %broadcast_in_dim3A_131 = vector.broadcast %broadcast_in_dim3A : f32 to vector<16xf32>
    %swap3A = arith.constant 0 : i32
    %swap3A_132 = arith.index_cast %swap3A : i32 to index
    %swap3A_133 = arith.constant 0 : index
    %swap3A_134 = tpu.vector_load %arg7[%swap3A_132, %swap3A_133] {strides = array<i32>} : memref<4x128xf32, #tpu.memory_space<vmem>>, vector<1x16xf32>,
    %swap3A_135 = vector.shape_cast %swap3A_134 : vector<1x16xf32> to vector<16xf32>
    %swap3A_136 = vector.shape_cast %broadcast_in_dim3A_131 : vector<16xf32> to vector<1x16xf32>
    tpu.vector_store %arg7[%swap3A_132, %swap3A_133], %swap3A_136 {strides = array<i32>} : memref<4x128xf32, #tpu.memory_space<vmem>>, vector<1x16xf32>,
    %swap3A_137 = arith.constant 0 : i32
    %swap3A_138 = arith.index_cast %swap3A_137 : i32 to index
    %swap3A_139 = arith.constant 16 : index
    %swap3A_140 = tpu.vector_load %arg7[%swap3A_138, %swap3A_139] {strides = array<i32>} : memref<4x128xf32, #tpu.memory_space<vmem>>, vector<1x16xf32>,
    %swap3A_141 = vector.shape_cast %swap3A_140 : vector<1x16xf32> to vector<16xf32>
    %swap3A_142 = vector.shape_cast %broadcast_in_dim3A_131 : vector<16xf32> to vector<1x16xf32>
    tpu.vector_store %arg7[%swap3A_138, %swap3A_139], %swap3A_142 {strides = array<i32>} : memref<4x128xf32, #tpu.memory_space<vmem>>, vector<1x16xf32>,
    %swap3A_143 = arith.constant 0 : i32
    %swap3A_144 = arith.index_cast %swap3A_143 : i32 to index
    %swap3A_145 = arith.constant 32 : index
    %swap3A_146 = tpu.vector_load %arg7[%swap3A_144, %swap3A_145] {strides = array<i32>} : memref<4x128xf32, #tpu.memory_space<vmem>>, vector<1x16xf32>,
    %swap3A_147 = vector.shape_cast %swap3A_146 : vector<1x16xf32> to vector<16xf32>
    %swap3A_148 = vector.shape_cast %broadcast_in_dim3A_131 : vector<16xf32> to vector<1x16xf32>
    tpu.vector_store %arg7[%swap3A_144, %swap3A_145], %swap3A_148 {strides = array<i32>} : memref<4x128xf32, #tpu.memory_space<vmem>>, vector<1x16xf32>,
    %swap3A_149 = arith.constant 0 : i32
    %swap3A_150 = arith.index_cast %swap3A_149 : i32 to index
    %swap3A_151 = arith.constant 48 : index
    %swap3A_152 = tpu.vector_load %arg7[%swap3A_150, %swap3A_151] {strides = array<i32>} : memref<4x128xf32, #tpu.memory_space<vmem>>, vector<1x16xf32>,
    %swap3A_153 = vector.shape_cast %swap3A_152 : vector<1x16xf32> to vector<16xf32>
    %swap3A_154 = vector.shape_cast %broadcast_in_dim3A_131 : vector<16xf32> to vector<1x16xf32>
    tpu.vector_store %arg7[%swap3A_150, %swap3A_151], %swap3A_154 {strides = array<i32>} : memref<4x128xf32, #tpu.memory_space<vmem>>, vector<1x16xf32>,
    %swap3A_155 = arith.constant 0 : i32
    %swap3A_156 = arith.index_cast %swap3A_155 : i32 to index
    %swap3A_157 = arith.constant 64 : index
    %swap3A_158 = tpu.vector_load %arg7[%swap3A_156, %swap3A_157] {strides = array<i32>} : memref<4x128xf32, #tpu.memory_space<vmem>>, vector<1x16xf32>,
    %swap3A_159 = vector.shape_cast %swap3A_158 : vector<1x16xf32> to vector<16xf32>
    %swap3A_160 = vector.shape_cast %broadcast_in_dim3A_131 : vector<16xf32> to vector<1x16xf32>
    tpu.vector_store %arg7[%swap3A_156, %swap3A_157], %swap3A_160 {strides = array<i32>} : memref<4x128xf32, #tpu.memory_space<vmem>>, vector<1x16xf32>,
    %swap3A_161 = arith.constant 0 : i32
    %swap3A_162 = arith.index_cast %swap3A_161 : i32 to index
    %swap3A_163 = arith.constant 80 : index
    %swap3A_164 = tpu.vector_load %arg7[%swap3A_162, %swap3A_163] {strides = array<i32>} : memref<4x128xf32, #tpu.memory_space<vmem>>, vector<1x16xf32>,
    %swap3A_165 = vector.shape_cast %swap3A_164 : vector<1x16xf32> to vector<16xf32>
    %swap3A_166 = vector.shape_cast %broadcast_in_dim3A_131 : vector<16xf32> to vector<1x16xf32>
    tpu.vector_store %arg7[%swap3A_162, %swap3A_163], %swap3A_166 {strides = array<i32>} : memref<4x128xf32, #tpu.memory_space<vmem>>, vector<1x16xf32>,
    %swap3A_167 = arith.constant 0 : i32
    %swap3A_168 = arith.index_cast %swap3A_167 : i32 to index
    %swap3A_169 = arith.constant 96 : index
    %swap3A_170 = tpu.vector_load %arg7[%swap3A_168, %swap3A_169] {strides = array<i32>} : memref<4x128xf32, #tpu.memory_space<vmem>>, vector<1x16xf32>,
    %swap3A_171 = vector.shape_cast %swap3A_170 : vector<1x16xf32> to vector<16xf32>
    %swap3A_172 = vector.shape_cast %broadcast_in_dim3A_131 : vector<16xf32> to vector<1x16xf32>
    tpu.vector_store %arg7[%swap3A_168, %swap3A_169], %swap3A_172 {strides = array<i32>} : memref<4x128xf32, #tpu.memory_space<vmem>>, vector<1x16xf32>,
    %swap3A_173 = arith.constant 0 : i32
    %swap3A_174 = arith.index_cast %swap3A_173 : i32 to index
    %swap3A_175 = arith.constant 112 : index
    %swap3A_176 = tpu.vector_load %arg7[%swap3A_174, %swap3A_175] {strides = array<i32>} : memref<4x128xf32, #tpu.memory_space<vmem>>, vector<1x16xf32>,
    %swap3A_177 = vector.shape_cast %swap3A_176 : vector<1x16xf32> to vector<16xf32>
    %swap3A_178 = vector.shape_cast %broadcast_in_dim3A_131 : vector<16xf32> to vector<1x16xf32>
    tpu.vector_store %arg7[%swap3A_174, %swap3A_175], %swap3A_178 {strides = array<i32>} : memref<4x128xf32, #tpu.memory_space<vmem>>, vector<1x16xf32>,
    %swap3A_179 = arith.constant 1 : i32
    %swap3A_180 = arith.index_cast %swap3A_179 : i32 to index
    %swap3A_181 = arith.constant 0 : index
    %swap3A_182 = tpu.vector_load %arg7[%swap3A_180, %swap3A_181] {strides = array<i32>} : memref<4x128xf32, #tpu.memory_space<vmem>>, vector<1x16xf32>,
    %swap3A_183 = vector.shape_cast %swap3A_182 : vector<1x16xf32> to vector<16xf32>
    %swap3A_184 = vector.shape_cast %broadcast_in_dim3A_131 : vector<16xf32> to vector<1x16xf32>
    tpu.vector_store %arg7[%swap3A_180, %swap3A_181], %swap3A_184 {strides = array<i32>} : memref<4x128xf32, #tpu.memory_space<vmem>>, vector<1x16xf32>,
    %swap3A_185 = arith.constant 1 : i32
    %swap3A_186 = arith.index_cast %swap3A_185 : i32 to index
    %swap3A_187 = arith.constant 16 : index
    %swap3A_188 = tpu.vector_load %arg7[%swap3A_186, %swap3A_187] {strides = array<i32>} : memref<4x128xf32, #tpu.memory_space<vmem>>, vector<1x16xf32>,
    %swap3A_189 = vector.shape_cast %swap3A_188 : vector<1x16xf32> to vector<16xf32>
    %swap3A_190 = vector.shape_cast %broadcast_in_dim3A_131 : vector<16xf32> to vector<1x16xf32>
    tpu.vector_store %arg7[%swap3A_186, %swap3A_187], %swap3A_190 {strides = array<i32>} : memref<4x128xf32, #tpu.memory_space<vmem>>, vector<1x16xf32>,
    %swap3A_191 = arith.constant 1 : i32
    %swap3A_192 = arith.index_cast %swap3A_191 : i32 to index
    %swap3A_193 = arith.constant 32 : index
    %swap3A_194 = tpu.vector_load %arg7[%swap3A_192, %swap3A_193] {strides = array<i32>} : memref<4x128xf32, #tpu.memory_space<vmem>>, vector<1x16xf32>,
    %swap3A_195 = vector.shape_cast %swap3A_194 : vector<1x16xf32> to vector<16xf32>
    %swap3A_196 = vector.shape_cast %broadcast_in_dim3A_131 : vector<16xf32> to vector<1x16xf32>
    tpu.vector_store %arg7[%swap3A_192, %swap3A_193], %swap3A_196 {strides = array<i32>} : memref<4x128xf32, #tpu.memory_space<vmem>>, vector<1x16xf32>,
    %swap3A_197 = arith.constant 1 : i32
    %swap3A_198 = arith.index_cast %swap3A_197 : i32 to index
    %swap3A_199 = arith.constant 48 : index
    %swap3A_200 = tpu.vector_load %arg7[%swap3A_198, %swap3A_199] {strides = array<i32>} : memref<4x128xf32, #tpu.memory_space<vmem>>, vector<1x16xf32>,
    %swap3A_201 = vector.shape_cast %swap3A_200 : vector<1x16xf32> to vector<16xf32>
    %swap3A_202 = vector.shape_cast %broadcast_in_dim3A_131 : vector<16xf32> to vector<1x16xf32>
    tpu.vector_store %arg7[%swap3A_198, %swap3A_199], %swap3A_202 {strides = array<i32>} : memref<4x128xf32, #tpu.memory_space<vmem>>, vector<1x16xf32>,
    %swap3A_203 = arith.constant 1 : i32
    %swap3A_204 = arith.index_cast %swap3A_203 : i32 to index
    %swap3A_205 = arith.constant 64 : index
    %swap3A_206 = tpu.vector_load %arg7[%swap3A_204, %swap3A_205] {strides = array<i32>} : memref<4x128xf32, #tpu.memory_space<vmem>>, vector<1x16xf32>,
    %swap3A_207 = vector.shape_cast %swap3A_206 : vector<1x16xf32> to vector<16xf32>
    %swap3A_208 = vector.shape_cast %broadcast_in_dim3A_131 : vector<16xf32> to vector<1x16xf32>
    tpu.vector_store %arg7[%swap3A_204, %swap3A_205], %swap3A_208 {strides = array<i32>} : memref<4x128xf32, #tpu.memory_space<vmem>>, vector<1x16xf32>,
    %swap3A_209 = arith.constant 1 : i32
    %swap3A_210 = arith.index_cast %swap3A_209 : i32 to index
    %swap3A_211 = arith.constant 80 : index
    %swap3A_212 = tpu.vector_load %arg7[%swap3A_210, %swap3A_211] {strides = array<i32>} : memref<4x128xf32, #tpu.memory_space<vmem>>, vector<1x16xf32>,
    %swap3A_213 = vector.shape_cast %swap3A_212 : vector<1x16xf32> to vector<16xf32>
    %swap3A_214 = vector.shape_cast %broadcast_in_dim3A_131 : vector<16xf32> to vector<1x16xf32>
    tpu.vector_store %arg7[%swap3A_210, %swap3A_211], %swap3A_214 {strides = array<i32>} : memref<4x128xf32, #tpu.memory_space<vmem>>, vector<1x16xf32>,
    %swap3A_215 = arith.constant 1 : i32
    %swap3A_216 = arith.index_cast %swap3A_215 : i32 to index
    %swap3A_217 = arith.constant 96 : index
    %swap3A_218 = tpu.vector_load %arg7[%swap3A_216, %swap3A_217] {strides = array<i32>} : memref<4x128xf32, #tpu.memory_space<vmem>>, vector<1x16xf32>,
    %swap3A_219 = vector.shape_cast %swap3A_218 : vector<1x16xf32> to vector<16xf32>
    %swap3A_220 = vector.shape_cast %broadcast_in_dim3A_131 : vector<16xf32> to vector<1x16xf32>
    tpu.vector_store %arg7[%swap3A_216, %swap3A_217], %swap3A_220 {strides = array<i32>} : memref<4x128xf32, #tpu.memory_space<vmem>>, vector<1x16xf32>,
    %swap3A_221 = arith.constant 1 : i32
    %swap3A_222 = arith.index_cast %swap3A_221 : i32 to index
    %swap3A_223 = arith.constant 112 : index
    %swap3A_224 = tpu.vector_load %arg7[%swap3A_222, %swap3A_223] {strides = array<i32>} : memref<4x128xf32, #tpu.memory_space<vmem>>, vector<1x16xf32>,
    %swap3A_225 = vector.shape_cast %swap3A_224 : vector<1x16xf32> to vector<16xf32>
    %swap3A_226 = vector.shape_cast %broadcast_in_dim3A_131 : vector<16xf32> to vector<1x16xf32>
    tpu.vector_store %arg7[%swap3A_222, %swap3A_223], %swap3A_226 {strides = array<i32>} : memref<4x128xf32, #tpu.memory_space<vmem>>, vector<1x16xf32>,
    %swap3A_227 = arith.constant 2 : i32
    %swap3A_228 = arith.index_cast %swap3A_227 : i32 to index
    %swap3A_229 = arith.constant 0 : index
    %swap3A_230 = tpu.vector_load %arg7[%swap3A_228, %swap3A_229] {strides = array<i32>} : memref<4x128xf32, #tpu.memory_space<vmem>>, vector<1x16xf32>,
    %swap3A_231 = vector.shape_cast %swap3A_230 : vector<1x16xf32> to vector<16xf32>
    %swap3A_232 = vector.shape_cast %broadcast_in_dim3A_131 : vector<16xf32> to vector<1x16xf32>
    tpu.vector_store %arg7[%swap3A_228, %swap3A_229], %swap3A_232 {strides = array<i32>} : memref<4x128xf32, #tpu.memory_space<vmem>>, vector<1x16xf32>,
    %swap3A_233 = arith.constant 2 : i32
    %swap3A_234 = arith.index_cast %swap3A_233 : i32 to index
    %swap3A_235 = arith.constant 16 : index
    %swap3A_236 = tpu.vector_load %arg7[%swap3A_234, %swap3A_235] {strides = array<i32>} : memref<4x128xf32, #tpu.memory_space<vmem>>, vector<1x16xf32>,
    %swap3A_237 = vector.shape_cast %swap3A_236 : vector<1x16xf32> to vector<16xf32>
    %swap3A_238 = vector.shape_cast %broadcast_in_dim3A_131 : vector<16xf32> to vector<1x16xf32>
    tpu.vector_store %arg7[%swap3A_234, %swap3A_235], %swap3A_238 {strides = array<i32>} : memref<4x128xf32, #tpu.memory_space<vmem>>, vector<1x16xf32>,
    %swap3A_239 = arith.constant 2 : i32
    %swap3A_240 = arith.index_cast %swap3A_239 : i32 to index
    %swap3A_241 = arith.constant 32 : index
    %swap3A_242 = tpu.vector_load %arg7[%swap3A_240, %swap3A_241] {strides = array<i32>} : memref<4x128xf32, #tpu.memory_space<vmem>>, vector<1x16xf32>,
    %swap3A_243 = vector.shape_cast %swap3A_242 : vector<1x16xf32> to vector<16xf32>
    %swap3A_244 = vector.shape_cast %broadcast_in_dim3A_131 : vector<16xf32> to vector<1x16xf32>
    tpu.vector_store %arg7[%swap3A_240, %swap3A_241], %swap3A_244 {strides = array<i32>} : memref<4x128xf32, #tpu.memory_space<vmem>>, vector<1x16xf32>,
    %swap3A_245 = arith.constant 2 : i32
    %swap3A_246 = arith.index_cast %swap3A_245 : i32 to index
    %swap3A_247 = arith.constant 48 : index
    %swap3A_248 = tpu.vector_load %arg7[%swap3A_246, %swap3A_247] {strides = array<i32>} : memref<4x128xf32, #tpu.memory_space<vmem>>, vector<1x16xf32>,
    %swap3A_249 = vector.shape_cast %swap3A_248 : vector<1x16xf32> to vector<16xf32>
    %swap3A_250 = vector.shape_cast %broadcast_in_dim3A_131 : vector<16xf32> to vector<1x16xf32>
    tpu.vector_store %arg7[%swap3A_246, %swap3A_247], %swap3A_250 {strides = array<i32>} : memref<4x128xf32, #tpu.memory_space<vmem>>, vector<1x16xf32>,
    %swap3A_251 = arith.constant 2 : i32
    %swap3A_252 = arith.index_cast %swap3A_251 : i32 to index
    %swap3A_253 = arith.constant 64 : index
    %swap3A_254 = tpu.vector_load %arg7[%swap3A_252, %swap3A_253] {strides = array<i32>} : memref<4x128xf32, #tpu.memory_space<vmem>>, vector<1x16xf32>,
    %swap3A_255 = vector.shape_cast %swap3A_254 : vector<1x16xf32> to vector<16xf32>
    %swap3A_256 = vector.shape_cast %broadcast_in_dim3A_131 : vector<16xf32> to vector<1x16xf32>
    tpu.vector_store %arg7[%swap3A_252, %swap3A_253], %swap3A_256 {strides = array<i32>} : memref<4x128xf32, #tpu.memory_space<vmem>>, vector<1x16xf32>,
    %swap3A_257 = arith.constant 2 : i32
    %swap3A_258 = arith.index_cast %swap3A_257 : i32 to index
    %swap3A_259 = arith.constant 80 : index
    %swap3A_260 = tpu.vector_load %arg7[%swap3A_258, %swap3A_259] {strides = array<i32>} : memref<4x128xf32, #tpu.memory_space<vmem>>, vector<1x16xf32>,
    %swap3A_261 = vector.shape_cast %swap3A_260 : vector<1x16xf32> to vector<16xf32>
    %swap3A_262 = vector.shape_cast %broadcast_in_dim3A_131 : vector<16xf32> to vector<1x16xf32>
    tpu.vector_store %arg7[%swap3A_258, %swap3A_259], %swap3A_262 {strides = array<i32>} : memref<4x128xf32, #tpu.memory_space<vmem>>, vector<1x16xf32>,
    %swap3A_263 = arith.constant 2 : i32
    %swap3A_264 = arith.index_cast %swap3A_263 : i32 to index
    %swap3A_265 = arith.constant 96 : index
    %swap3A_266 = tpu.vector_load %arg7[%swap3A_264, %swap3A_265] {strides = array<i32>} : memref<4x128xf32, #tpu.memory_space<vmem>>, vector<1x16xf32>,
    %swap3A_267 = vector.shape_cast %swap3A_266 : vector<1x16xf32> to vector<16xf32>
    %swap3A_268 = vector.shape_cast %broadcast_in_dim3A_131 : vector<16xf32> to vector<1x16xf32>
    tpu.vector_store %arg7[%swap3A_264, %swap3A_265], %swap3A_268 {strides = array<i32>} : memref<4x128xf32, #tpu.memory_space<vmem>>, vector<1x16xf32>,
    %swap3A_269 = arith.constant 2 : i32
    %swap3A_270 = arith.index_cast %swap3A_269 : i32 to index
    %swap3A_271 = arith.constant 112 : index
    %swap3A_272 = tpu.vector_load %arg7[%swap3A_270, %swap3A_271] {strides = array<i32>} : memref<4x128xf32, #tpu.memory_space<vmem>>, vector<1x16xf32>,
    %swap3A_273 = vector.shape_cast %swap3A_272 : vector<1x16xf32> to vector<16xf32>
    %swap3A_274 = vector.shape_cast %broadcast_in_dim3A_131 : vector<16xf32> to vector<1x16xf32>
    tpu.vector_store %arg7[%swap3A_270, %swap3A_271], %swap3A_274 {strides = array<i32>} : memref<4x128xf32, #tpu.memory_space<vmem>>, vector<1x16xf32>,
    %swap3A_275 = arith.constant 3 : i32
    %swap3A_276 = arith.index_cast %swap3A_275 : i32 to index
    %swap3A_277 = arith.constant 0 : index
    %swap3A_278 = tpu.vector_load %arg7[%swap3A_276, %swap3A_277] {strides = array<i32>} : memref<4x128xf32, #tpu.memory_space<vmem>>, vector<1x16xf32>,
    %swap3A_279 = vector.shape_cast %swap3A_278 : vector<1x16xf32> to vector<16xf32>
    %swap3A_280 = vector.shape_cast %broadcast_in_dim3A_131 : vector<16xf32> to vector<1x16xf32>
    tpu.vector_store %arg7[%swap3A_276, %swap3A_277], %swap3A_280 {strides = array<i32>} : memref<4x128xf32, #tpu.memory_space<vmem>>, vector<1x16xf32>,
    %swap3A_281 = arith.constant 3 : i32
    %swap3A_282 = arith.index_cast %swap3A_281 : i32 to index
    %swap3A_283 = arith.constant 16 : index
    %swap3A_284 = tpu.vector_load %arg7[%swap3A_282, %swap3A_283] {strides = array<i32>} : memref<4x128xf32, #tpu.memory_space<vmem>>, vector<1x16xf32>,
    %swap3A_285 = vector.shape_cast %swap3A_284 : vector<1x16xf32> to vector<16xf32>
    %swap3A_286 = vector.shape_cast %broadcast_in_dim3A_131 : vector<16xf32> to vector<1x16xf32>
    tpu.vector_store %arg7[%swap3A_282, %swap3A_283], %swap3A_286 {strides = array<i32>} : memref<4x128xf32, #tpu.memory_space<vmem>>, vector<1x16xf32>,
    %swap3A_287 = arith.constant 3 : i32
    %swap3A_288 = arith.index_cast %swap3A_287 : i32 to index
    %swap3A_289 = arith.constant 32 : index
    %swap3A_290 = tpu.vector_load %arg7[%swap3A_288, %swap3A_289] {strides = array<i32>} : memref<4x128xf32, #tpu.memory_space<vmem>>, vector<1x16xf32>,
    %swap3A_291 = vector.shape_cast %swap3A_290 : vector<1x16xf32> to vector<16xf32>
    %swap3A_292 = vector.shape_cast %broadcast_in_dim3A_131 : vector<16xf32> to vector<1x16xf32>
    tpu.vector_store %arg7[%swap3A_288, %swap3A_289], %swap3A_292 {strides = array<i32>} : memref<4x128xf32, #tpu.memory_space<vmem>>, vector<1x16xf32>,
    %swap3A_293 = arith.constant 3 : i32
    %swap3A_294 = arith.index_cast %swap3A_293 : i32 to index
    %swap3A_295 = arith.constant 48 : index
    %swap3A_296 = tpu.vector_load %arg7[%swap3A_294, %swap3A_295] {strides = array<i32>} : memref<4x128xf32, #tpu.memory_space<vmem>>, vector<1x16xf32>,
    %swap3A_297 = vector.shape_cast %swap3A_296 : vector<1x16xf32> to vector<16xf32>
    %swap3A_298 = vector.shape_cast %broadcast_in_dim3A_131 : vector<16xf32> to vector<1x16xf32>
    tpu.vector_store %arg7[%swap3A_294, %swap3A_295], %swap3A_298 {strides = array<i32>} : memref<4x128xf32, #tpu.memory_space<vmem>>, vector<1x16xf32>,
    %swap3A_299 = arith.constant 3 : i32
    %swap3A_300 = arith.index_cast %swap3A_299 : i32 to index
    %swap3A_301 = arith.constant 64 : index
    %swap3A_302 = tpu.vector_load %arg7[%swap3A_300, %swap3A_301] {strides = array<i32>} : memref<4x128xf32, #tpu.memory_space<vmem>>, vector<1x16xf32>,
    %swap3A_303 = vector.shape_cast %swap3A_302 : vector<1x16xf32> to vector<16xf32>
    %swap3A_304 = vector.shape_cast %broadcast_in_dim3A_131 : vector<16xf32> to vector<1x16xf32>
    tpu.vector_store %arg7[%swap3A_300, %swap3A_301], %swap3A_304 {strides = array<i32>} : memref<4x128xf32, #tpu.memory_space<vmem>>, vector<1x16xf32>,
    %swap3A_305 = arith.constant 3 : i32
    %swap3A_306 = arith.index_cast %swap3A_305 : i32 to index
    %swap3A_307 = arith.constant 80 : index
    %swap3A_308 = tpu.vector_load %arg7[%swap3A_306, %swap3A_307] {strides = array<i32>} : memref<4x128xf32, #tpu.memory_space<vmem>>, vector<1x16xf32>,
    %swap3A_309 = vector.shape_cast %swap3A_308 : vector<1x16xf32> to vector<16xf32>
    %swap3A_310 = vector.shape_cast %broadcast_in_dim3A_131 : vector<16xf32> to vector<1x16xf32>
    tpu.vector_store %arg7[%swap3A_306, %swap3A_307], %swap3A_310 {strides = array<i32>} : memref<4x128xf32, #tpu.memory_space<vmem>>, vector<1x16xf32>,
    %swap3A_311 = arith.constant 3 : i32
    %swap3A_312 = arith.index_cast %swap3A_311 : i32 to index
    %swap3A_313 = arith.constant 96 : index
    %swap3A_314 = tpu.vector_load %arg7[%swap3A_312, %swap3A_313] {strides = array<i32>} : memref<4x128xf32, #tpu.memory_space<vmem>>, vector<1x16xf32>,
    %swap3A_315 = vector.shape_cast %swap3A_314 : vector<1x16xf32> to vector<16xf32>
    %swap3A_316 = vector.shape_cast %broadcast_in_dim3A_131 : vector<16xf32> to vector<1x16xf32>
    tpu.vector_store %arg7[%swap3A_312, %swap3A_313], %swap3A_316 {strides = array<i32>} : memref<4x128xf32, #tpu.memory_space<vmem>>, vector<1x16xf32>,
    %swap3A_317 = arith.constant 3 : i32
    %swap3A_318 = arith.index_cast %swap3A_317 : i32 to index
    %swap3A_319 = arith.constant 112 : index
    %swap3A_320 = tpu.vector_load %arg7[%swap3A_318, %swap3A_319] {strides = array<i32>} : memref<4x128xf32, #tpu.memory_space<vmem>>, vector<1x16xf32>,
    %swap3A_321 = vector.shape_cast %swap3A_320 : vector<1x16xf32> to vector<16xf32>
    %swap3A_322 = vector.shape_cast %broadcast_in_dim3A_131 : vector<16xf32> to vector<1x16xf32>
    tpu.vector_store %arg7[%swap3A_318, %swap3A_319], %swap3A_322 {strides = array<i32>} : memref<4x128xf32, #tpu.memory_space<vmem>>, vector<1x16xf32>,
    %mul3A_323 = arith.constant 4 : i32
    %mul3A_324 = arith.muli %arg1, %mul3A_323 : i32
    "tpu.region"() ({
      %run_scoped3A = tpu.sem_alloc : memref<!tpu.dma_semaphore, #tpu.memory_space<semaphore_mem>>
      %dma_start3A_2023 = arith.constant 0 : i32
      %dma_start3A_2024 = tpu.memref_slice %arg10[%mul3A_324, %dma_start3A_2023] : memref<64x128xf32, #tpu.memory_space<vmem_shared>> -> memref<4x128xf32, #tpu.memory_space<vmem_shared>>
      %dma_start3A_2025 = arith.constant 0 : i32
      %dma_start3A_2026 = tpu.memref_slice %arg10[%mul3A_324, %dma_start3A_2025] : memref<64x128xf32, #tpu.memory_space<vmem_shared>> -> memref<4x128xf32, #tpu.memory_space<vmem_shared>>
      tpu.enqueue_dma source(%arg7 : memref<4x128xf32, #tpu.memory_space<vmem>>) target(%dma_start3A_2026 : memref<4x128xf32, #tpu.memory_space<vmem_shared>>) target_semaphore(%run_scoped3A : memref<!tpu.dma_semaphore, #tpu.memory_space<semaphore_mem>>)
      %dma_wait3A_2027 = arith.constant 0 : i32
      %dma_wait3A_2028 = tpu.memref_slice %arg10[%mul3A_324, %dma_wait3A_2027] : memref<64x128xf32, #tpu.memory_space<vmem_shared>> -> memref<4x128xf32, #tpu.memory_space<vmem_shared>>
      %dma_wait3A_2029 = arith.constant 0 : i32
      %dma_wait3A_2030 = tpu.memref_slice %arg10[%mul3A_324, %dma_wait3A_2029] : memref<64x128xf32, #tpu.memory_space<vmem_shared>> -> memref<4x128xf32, #tpu.memory_space<vmem_shared>>
      tpu.wait_dma2 semaphore(%run_scoped3A : memref<!tpu.dma_semaphore, #tpu.memory_space<semaphore_mem>>) src(%arg7 : memref<4x128xf32, #tpu.memory_space<vmem>>) dst(%dma_wait3A_2030 : memref<4x128xf32, #tpu.memory_space<vmem_shared>>)
      tpu.yield
    }) : () -> ()
    %barrier3A = arith.constant 0 : index
    tpu.barrier barrier_id(%barrier3A)
    %add3A_325 = arith.constant 0 : i32
    %add3A_326 = arith.addi %add3A, %add3A_325 : i32
    %mul3A_327 = arith.constant 128 : i32
    %mul3A_328 = arith.muli %add3A_326, %mul3A_327 : i32
    %dma_wait3A = arith.constant 0 : i32
    %dma_wait3A_329 = arith.constant 0 : i32
    %dma_wait3A_330 = tpu.memref_slice %arg6[%dma_wait3A, %dma_wait3A_329] : memref<6x128xi32, #tpu.memory_space<vmem>> -> memref<1x128xi32, #tpu.memory_space<vmem>>
    %dma_wait3A_331 = tpu.memref_squeeze %dma_wait3A_330 : memref<1x128xi32, #tpu.memory_space<vmem>> -> memref<128xi32, #tpu.memory_space<vmem>>
    %dma_wait3A_332 = tpu.memref_slice %arg3[%mul3A_328] : memref<100000xi32, #tpu.memory_space<hbm>> -> memref<128xi32, #tpu.memory_space<hbm>>
    %dma_wait3A_333 = arith.constant 0 : i32
    %dma_wait3A_334 = tpu.memref_slice %arg6[%dma_wait3A, %dma_wait3A_333] : memref<6x128xi32, #tpu.memory_space<vmem>> -> memref<1x128xi32, #tpu.memory_space<vmem>>
    %dma_wait3A_335 = tpu.memref_squeeze %dma_wait3A_334 : memref<1x128xi32, #tpu.memory_space<vmem>> -> memref<128xi32, #tpu.memory_space<vmem>>
    %dma_wait3A_336 = tpu.memref_slice %arg3[%mul3A_328] : memref<100000xi32, #tpu.memory_space<hbm>> -> memref<128xi32, #tpu.memory_space<hbm>>
    tpu.wait_dma2 semaphore(%arg11 : memref<!tpu.dma_semaphore, #tpu.memory_space<semaphore_mem>>) src(%dma_wait3A_336 : memref<128xi32, #tpu.memory_space<hbm>>) dst(%dma_wait3A_335 : memref<128xi32, #tpu.memory_space<vmem>>)
    %dma_wait3A_337 = arith.constant 0 : i32
    %dma_wait3A_338 = arith.constant 0 : i32
    %dma_wait3A_339 = arith.constant 0 : i32
    %dma_wait3A_340 = tpu.memref_slice %arg5[%dma_wait3A_337, %dma_wait3A_338, %dma_wait3A_339] : memref<6x128x128xf32, #tpu.memory_space<vmem>> -> memref<1x128x128xf32, #tpu.memory_space<vmem>>
    %dma_wait3A_341 = tpu.memref_squeeze %dma_wait3A_340 : memref<1x128x128xf32, #tpu.memory_space<vmem>> -> memref<128x128xf32, #tpu.memory_space<vmem>>
    %dma_wait3A_342 = arith.constant 0 : i32
    %dma_wait3A_343 = tpu.memref_slice %arg2[%mul3A_328, %dma_wait3A_342] : memref<100000x128xf32, #tpu.memory_space<hbm>> -> memref<128x128xf32, #tpu.memory_space<hbm>>
    %dma_wait3A_344 = arith.constant 0 : i32
    %dma_wait3A_345 = arith.constant 0 : i32
    %dma_wait3A_346 = tpu.memref_slice %arg5[%dma_wait3A_337, %dma_wait3A_344, %dma_wait3A_345] : memref<6x128x128xf32, #tpu.memory_space<vmem>> -> memref<1x128x128xf32, #tpu.memory_space<vmem>>
    %dma_wait3A_347 = tpu.memref_squeeze %dma_wait3A_346 : memref<1x128x128xf32, #tpu.memory_space<vmem>> -> memref<128x128xf32, #tpu.memory_space<vmem>>
    %dma_wait3A_348 = arith.constant 0 : i32
    %dma_wait3A_349 = tpu.memref_slice %arg2[%mul3A_328, %dma_wait3A_348] : memref<100000x128xf32, #tpu.memory_space<hbm>> -> memref<128x128xf32, #tpu.memory_space<hbm>>
    tpu.wait_dma2 semaphore(%arg11 : memref<!tpu.dma_semaphore, #tpu.memory_space<semaphore_mem>>) src(%dma_wait3A_349 : memref<128x128xf32, #tpu.memory_space<hbm>>) dst(%dma_wait3A_347 : memref<128x128xf32, #tpu.memory_space<vmem>>)
    %dma_start3A_350 = arith.constant 0 : i32
    %dma_start3A_351 = arith.constant 0 : i32
    %dma_start3A_352 = arith.constant 0 : i32
    %dma_start3A_353 = arith.constant 0 : i32
    %dma_start3A_354 = tpu.memref_slice %arg5[%dma_start3A_350, %dma_start3A_352, %dma_start3A_353] : memref<6x128x128xf32, #tpu.memory_space<vmem>> -> memref<1x128x128xf32, #tpu.memory_space<vmem>>
    %dma_start3A_355 = tpu.memref_squeeze %dma_start3A_354 : memref<1x128x128xf32, #tpu.memory_space<vmem>> -> memref<128x128xf32, #tpu.memory_space<vmem>>
    %dma_start3A_356 = arith.constant 0 : i32
    %dma_start3A_357 = tpu.memref_slice %arg6[%dma_start3A_351, %dma_start3A_356] : memref<6x128xi32, #tpu.memory_space<vmem>> -> memref<1x128xi32, #tpu.memory_space<vmem>>
    %dma_start3A_358 = tpu.memref_squeeze %dma_start3A_357 : memref<1x128xi32, #tpu.memory_space<vmem>> -> memref<128xi32, #tpu.memory_space<vmem>>
    %dma_start3A_359 = arith.constant 0 : i32
    %dma_start3A_360 = arith.constant 0 : i32
    %dma_start3A_361 = tpu.memref_slice %arg10[%dma_start3A_359, %dma_start3A_360] : memref<64x128xf32, #tpu.memory_space<vmem_shared>> -> memref<64x128xf32, #tpu.memory_space<vmem_shared>>
    tpu.enqueue_indirect_dma source(%dma_start3A_355 : memref<128x128xf32, #tpu.memory_space<vmem>>) target(%dma_start3A_361 : memref<64x128xf32, #tpu.memory_space<vmem_shared>>) offsets(%dma_start3A_358 : memref<128xi32, #tpu.memory_space<vmem>>) semaphore(%arg17 : memref<!tpu.dma_semaphore, #tpu.memory_space<semaphore_mem>>) {add = true}
    %add3A_362 = arith.constant 160 : i32
    %add3A_363 = arith.addi %add3A, %add3A_362 : i32
    %mul3A_364 = arith.constant 128 : i32
    %mul3A_365 = arith.muli %add3A_363, %mul3A_364 : i32
    %dma_start3A_366 = arith.constant 5 : i32
    %dma_start3A_367 = arith.constant 0 : i32
    %dma_start3A_368 = tpu.memref_slice %arg6[%dma_start3A_366, %dma_start3A_367] : memref<6x128xi32, #tpu.memory_space<vmem>> -> memref<1x128xi32, #tpu.memory_space<vmem>>
    %dma_start3A_369 = tpu.memref_squeeze %dma_start3A_368 : memref<1x128xi32, #tpu.memory_space<vmem>> -> memref<128xi32, #tpu.memory_space<vmem>>
    %dma_start3A_370 = tpu.memref_slice %arg3[%mul3A_365] : memref<100000xi32, #tpu.memory_space<hbm>> -> memref<128xi32, #tpu.memory_space<hbm>>
    %dma_start3A_371 = arith.constant 0 : i32
    %dma_start3A_372 = tpu.memref_slice %arg6[%dma_start3A_366, %dma_start3A_371] : memref<6x128xi32, #tpu.memory_space<vmem>> -> memref<1x128xi32, #tpu.memory_space<vmem>>
    %dma_start3A_373 = tpu.memref_squeeze %dma_start3A_372 : memref<1x128xi32, #tpu.memory_space<vmem>> -> memref<128xi32, #tpu.memory_space<vmem>>
    %dma_start3A_374 = tpu.memref_slice %arg3[%mul3A_365] : memref<100000xi32, #tpu.memory_space<hbm>> -> memref<128xi32, #tpu.memory_space<hbm>>
    tpu.enqueue_dma source(%dma_start3A_374 : memref<128xi32, #tpu.memory_space<hbm>>) target(%dma_start3A_373 : memref<128xi32, #tpu.memory_space<vmem>>) target_semaphore(%arg16 : memref<!tpu.dma_semaphore, #tpu.memory_space<semaphore_mem>>)
    %dma_start3A_375 = arith.constant 5 : i32
    %dma_start3A_376 = arith.constant 0 : i32
    %dma_start3A_377 = arith.constant 0 : i32
    %dma_start3A_378 = tpu.memref_slice %arg5[%dma_start3A_375, %dma_start3A_376, %dma_start3A_377] : memref<6x128x128xf32, #tpu.memory_space<vmem>> -> memref<1x128x128xf32, #tpu.memory_space<vmem>>
    %dma_start3A_379 = tpu.memref_squeeze %dma_start3A_378 : memref<1x128x128xf32, #tpu.memory_space<vmem>> -> memref<128x128xf32, #tpu.memory_space<vmem>>
    %dma_start3A_380 = arith.constant 0 : i32
    %dma_start3A_381 = tpu.memref_slice %arg2[%mul3A_365, %dma_start3A_380] : memref<100000x128xf32, #tpu.memory_space<hbm>> -> memref<128x128xf32, #tpu.memory_space<hbm>>
    %dma_start3A_382 = arith.constant 0 : i32
    %dma_start3A_383 = arith.constant 0 : i32
    %dma_start3A_384 = tpu.memref_slice %arg5[%dma_start3A_375, %dma_start3A_382, %dma_start3A_383] : memref<6x128x128xf32, #tpu.memory_space<vmem>> -> memref<1x128x128xf32, #tpu.memory_space<vmem>>
    %dma_start3A_385 = tpu.memref_squeeze %dma_start3A_384 : memref<1x128x128xf32, #tpu.memory_space<vmem>> -> memref<128x128xf32, #tpu.memory_space<vmem>>
    %dma_start3A_386 = arith.constant 0 : i32
    %dma_start3A_387 = tpu.memref_slice %arg2[%mul3A_365, %dma_start3A_386] : memref<100000x128xf32, #tpu.memory_space<hbm>> -> memref<128x128xf32, #tpu.memory_space<hbm>>
    tpu.enqueue_dma source(%dma_start3A_387 : memref<128x128xf32, #tpu.memory_space<hbm>>) target(%dma_start3A_385 : memref<128x128xf32, #tpu.memory_space<vmem>>) target_semaphore(%arg16 : memref<!tpu.dma_semaphore, #tpu.memory_space<semaphore_mem>>)
    %add3A_388 = arith.constant 32 : i32
    %add3A_389 = arith.addi %add3A, %add3A_388 : i32
    %mul3A_390 = arith.constant 128 : i32
    %mul3A_391 = arith.muli %add3A_389, %mul3A_390 : i32
    %dma_wait3A_392 = arith.constant 1 : i32
    %dma_wait3A_393 = arith.constant 0 : i32
    %dma_wait3A_394 = tpu.memref_slice %arg6[%dma_wait3A_392, %dma_wait3A_393] : memref<6x128xi32, #tpu.memory_space<vmem>> -> memref<1x128xi32, #tpu.memory_space<vmem>>
    %dma_wait3A_395 = tpu.memref_squeeze %dma_wait3A_394 : memref<1x128xi32, #tpu.memory_space<vmem>> -> memref<128xi32, #tpu.memory_space<vmem>>
    %dma_wait3A_396 = tpu.memref_slice %arg3[%mul3A_391] : memref<100000xi32, #tpu.memory_space<hbm>> -> memref<128xi32, #tpu.memory_space<hbm>>
    %dma_wait3A_397 = arith.constant 0 : i32
    %dma_wait3A_398 = tpu.memref_slice %arg6[%dma_wait3A_392, %dma_wait3A_397] : memref<6x128xi32, #tpu.memory_space<vmem>> -> memref<1x128xi32, #tpu.memory_space<vmem>>
    %dma_wait3A_399 = tpu.memref_squeeze %dma_wait3A_398 : memref<1x128xi32, #tpu.memory_space<vmem>> -> memref<128xi32, #tpu.memory_space<vmem>>
    %dma_wait3A_400 = tpu.memref_slice %arg3[%mul3A_391] : memref<100000xi32, #tpu.memory_space<hbm>> -> memref<128xi32, #tpu.memory_space<hbm>>
    tpu.wait_dma2 semaphore(%arg12 : memref<!tpu.dma_semaphore, #tpu.memory_space<semaphore_mem>>) src(%dma_wait3A_400 : memref<128xi32, #tpu.memory_space<hbm>>) dst(%dma_wait3A_399 : memref<128xi32, #tpu.memory_space<vmem>>)
    %dma_wait3A_401 = arith.constant 1 : i32
    %dma_wait3A_402 = arith.constant 0 : i32
    %dma_wait3A_403 = arith.constant 0 : i32
    %dma_wait3A_404 = tpu.memref_slice %arg5[%dma_wait3A_401, %dma_wait3A_402, %dma_wait3A_403] : memref<6x128x128xf32, #tpu.memory_space<vmem>> -> memref<1x128x128xf32, #tpu.memory_space<vmem>>
    %dma_wait3A_405 = tpu.memref_squeeze %dma_wait3A_404 : memref<1x128x128xf32, #tpu.memory_space<vmem>> -> memref<128x128xf32, #tpu.memory_space<vmem>>
    %dma_wait3A_406 = arith.constant 0 : i32
    %dma_wait3A_407 = tpu.memref_slice %arg2[%mul3A_391, %dma_wait3A_406] : memref<100000x128xf32, #tpu.memory_space<hbm>> -> memref<128x128xf32, #tpu.memory_space<hbm>>
    %dma_wait3A_408 = arith.constant 0 : i32
    %dma_wait3A_409 = arith.constant 0 : i32
    %dma_wait3A_410 = tpu.memref_slice %arg5[%dma_wait3A_401, %dma_wait3A_408, %dma_wait3A_409] : memref<6x128x128xf32, #tpu.memory_space<vmem>> -> memref<1x128x128xf32, #tpu.memory_space<vmem>>
    %dma_wait3A_411 = tpu.memref_squeeze %dma_wait3A_410 : memref<1x128x128xf32, #tpu.memory_space<vmem>> -> memref<128x128xf32, #tpu.memory_space<vmem>>
    %dma_wait3A_412 = arith.constant 0 : i32
    %dma_wait3A_413 = tpu.memref_slice %arg2[%mul3A_391, %dma_wait3A_412] : memref<100000x128xf32, #tpu.memory_space<hbm>> -> memref<128x128xf32, #tpu.memory_space<hbm>>
    tpu.wait_dma2 semaphore(%arg12 : memref<!tpu.dma_semaphore, #tpu.memory_space<semaphore_mem>>) src(%dma_wait3A_413 : memref<128x128xf32, #tpu.memory_space<hbm>>) dst(%dma_wait3A_411 : memref<128x128xf32, #tpu.memory_space<vmem>>)
    %dma_start3A_414 = arith.constant 1 : i32
    %dma_start3A_415 = arith.constant 1 : i32
    %dma_start3A_416 = arith.constant 0 : i32
    %dma_start3A_417 = arith.constant 0 : i32
    %dma_start3A_418 = tpu.memref_slice %arg5[%dma_start3A_414, %dma_start3A_416, %dma_start3A_417] : memref<6x128x128xf32, #tpu.memory_space<vmem>> -> memref<1x128x128xf32, #tpu.memory_space<vmem>>
    %dma_start3A_419 = tpu.memref_squeeze %dma_start3A_418 : memref<1x128x128xf32, #tpu.memory_space<vmem>> -> memref<128x128xf32, #tpu.memory_space<vmem>>
    %dma_start3A_420 = arith.constant 0 : i32
    %dma_start3A_421 = tpu.memref_slice %arg6[%dma_start3A_415, %dma_start3A_420] : memref<6x128xi32, #tpu.memory_space<vmem>> -> memref<1x128xi32, #tpu.memory_space<vmem>>
    %dma_start3A_422 = tpu.memref_squeeze %dma_start3A_421 : memref<1x128xi32, #tpu.memory_space<vmem>> -> memref<128xi32, #tpu.memory_space<vmem>>
    %dma_start3A_423 = arith.constant 0 : i32
    %dma_start3A_424 = arith.constant 0 : i32
    %dma_start3A_425 = tpu.memref_slice %arg10[%dma_start3A_423, %dma_start3A_424] : memref<64x128xf32, #tpu.memory_space<vmem_shared>> -> memref<64x128xf32, #tpu.memory_space<vmem_shared>>
    tpu.enqueue_indirect_dma source(%dma_start3A_419 : memref<128x128xf32, #tpu.memory_space<vmem>>) target(%dma_start3A_425 : memref<64x128xf32, #tpu.memory_space<vmem_shared>>) offsets(%dma_start3A_422 : memref<128xi32, #tpu.memory_space<vmem>>) semaphore(%arg18 : memref<!tpu.dma_semaphore, #tpu.memory_space<semaphore_mem>>) {add = true}
    %dma_wait3A_426 = arith.constant 0 : i32
    %dma_wait3A_427 = arith.constant 0 : i32
    %dma_wait3A_428 = arith.constant 0 : i32
    %dma_wait3A_429 = arith.constant 0 : i32
    %dma_wait3A_430 = tpu.memref_slice %arg5[%dma_wait3A_426, %dma_wait3A_428, %dma_wait3A_429] : memref<6x128x128xf32, #tpu.memory_space<vmem>> -> memref<1x128x128xf32, #tpu.memory_space<vmem>>
    %dma_wait3A_431 = tpu.memref_squeeze %dma_wait3A_430 : memref<1x128x128xf32, #tpu.memory_space<vmem>> -> memref<128x128xf32, #tpu.memory_space<vmem>>
    %dma_wait3A_432 = arith.constant 0 : i32
    %dma_wait3A_433 = tpu.memref_slice %arg6[%dma_wait3A_427, %dma_wait3A_432] : memref<6x128xi32, #tpu.memory_space<vmem>> -> memref<1x128xi32, #tpu.memory_space<vmem>>
    %dma_wait3A_434 = tpu.memref_squeeze %dma_wait3A_433 : memref<1x128xi32, #tpu.memory_space<vmem>> -> memref<128xi32, #tpu.memory_space<vmem>>
    %dma_wait3A_435 = arith.constant 0 : i32
    %dma_wait3A_436 = arith.constant 0 : i32
    %dma_wait3A_437 = tpu.memref_slice %arg10[%dma_wait3A_435, %dma_wait3A_436] : memref<64x128xf32, #tpu.memory_space<vmem_shared>> -> memref<64x128xf32, #tpu.memory_space<vmem_shared>>
    tpu.wait_indirect_dma semaphore(%arg17 : memref<!tpu.dma_semaphore, #tpu.memory_space<semaphore_mem>>) src(%dma_wait3A_431 : memref<128x128xf32, #tpu.memory_space<vmem>>) dst(%dma_wait3A_437 : memref<64x128xf32, #tpu.memory_space<vmem_shared>>)
    %add3A_438 = arith.constant 192 : i32
    %add3A_439 = arith.addi %add3A, %add3A_438 : i32
    %mul3A_440 = arith.constant 128 : i32
    %mul3A_441 = arith.muli %add3A_439, %mul3A_440 : i32
    %dma_start3A_442 = arith.constant 0 : i32
    %dma_start3A_443 = arith.constant 0 : i32
    %dma_start3A_444 = tpu.memref_slice %arg6[%dma_start3A_442, %dma_start3A_443] : memref<6x128xi32, #tpu.memory_space<vmem>> -> memref<1x128xi32, #tpu.memory_space<vmem>>
    %dma_start3A_445 = tpu.memref_squeeze %dma_start3A_444 : memref<1x128xi32, #tpu.memory_space<vmem>> -> memref<128xi32, #tpu.memory_space<vmem>>
    %dma_start3A_446 = tpu.memref_slice %arg3[%mul3A_441] : memref<100000xi32, #tpu.memory_space<hbm>> -> memref<128xi32, #tpu.memory_space<hbm>>
    %dma_start3A_447 = arith.constant 0 : i32
    %dma_start3A_448 = tpu.memref_slice %arg6[%dma_start3A_442, %dma_start3A_447] : memref<6x128xi32, #tpu.memory_space<vmem>> -> memref<1x128xi32, #tpu.memory_space<vmem>>
    %dma_start3A_449 = tpu.memref_squeeze %dma_start3A_448 : memref<1x128xi32, #tpu.memory_space<vmem>> -> memref<128xi32, #tpu.memory_space<vmem>>
    %dma_start3A_450 = tpu.memref_slice %arg3[%mul3A_441] : memref<100000xi32, #tpu.memory_space<hbm>> -> memref<128xi32, #tpu.memory_space<hbm>>
    tpu.enqueue_dma source(%dma_start3A_450 : memref<128xi32, #tpu.memory_space<hbm>>) target(%dma_start3A_449 : memref<128xi32, #tpu.memory_space<vmem>>) target_semaphore(%arg11 : memref<!tpu.dma_semaphore, #tpu.memory_space<semaphore_mem>>)
    %dma_start3A_451 = arith.constant 0 : i32
    %dma_start3A_452 = arith.constant 0 : i32
    %dma_start3A_453 = arith.constant 0 : i32
    %dma_start3A_454 = tpu.memref_slice %arg5[%dma_start3A_451, %dma_start3A_452, %dma_start3A_453] : memref<6x128x128xf32, #tpu.memory_space<vmem>> -> memref<1x128x128xf32, #tpu.memory_space<vmem>>
    %dma_start3A_455 = tpu.memref_squeeze %dma_start3A_454 : memref<1x128x128xf32, #tpu.memory_space<vmem>> -> memref<128x128xf32, #tpu.memory_space<vmem>>
    %dma_start3A_456 = arith.constant 0 : i32
    %dma_start3A_457 = tpu.memref_slice %arg2[%mul3A_441, %dma_start3A_456] : memref<100000x128xf32, #tpu.memory_space<hbm>> -> memref<128x128xf32, #tpu.memory_space<hbm>>
    %dma_start3A_458 = arith.constant 0 : i32
    %dma_start3A_459 = arith.constant 0 : i32
    %dma_start3A_460 = tpu.memref_slice %arg5[%dma_start3A_451, %dma_start3A_458, %dma_start3A_459] : memref<6x128x128xf32, #tpu.memory_space<vmem>> -> memref<1x128x128xf32, #tpu.memory_space<vmem>>
    %dma_start3A_461 = tpu.memref_squeeze %dma_start3A_460 : memref<1x128x128xf32, #tpu.memory_space<vmem>> -> memref<128x128xf32, #tpu.memory_space<vmem>>
    %dma_start3A_462 = arith.constant 0 : i32
    %dma_start3A_463 = tpu.memref_slice %arg2[%mul3A_441, %dma_start3A_462] : memref<100000x128xf32, #tpu.memory_space<hbm>> -> memref<128x128xf32, #tpu.memory_space<hbm>>
    tpu.enqueue_dma source(%dma_start3A_463 : memref<128x128xf32, #tpu.memory_space<hbm>>) target(%dma_start3A_461 : memref<128x128xf32, #tpu.memory_space<vmem>>) target_semaphore(%arg11 : memref<!tpu.dma_semaphore, #tpu.memory_space<semaphore_mem>>)
    %add3A_464 = arith.constant 64 : i32
    %add3A_465 = arith.addi %add3A, %add3A_464 : i32
    %mul3A_466 = arith.constant 128 : i32
    %mul3A_467 = arith.muli %add3A_465, %mul3A_466 : i32
    %dma_wait3A_468 = arith.constant 2 : i32
    %dma_wait3A_469 = arith.constant 0 : i32
    %dma_wait3A_470 = tpu.memref_slice %arg6[%dma_wait3A_468, %dma_wait3A_469] : memref<6x128xi32, #tpu.memory_space<vmem>> -> memref<1x128xi32, #tpu.memory_space<vmem>>
    %dma_wait3A_471 = tpu.memref_squeeze %dma_wait3A_470 : memref<1x128xi32, #tpu.memory_space<vmem>> -> memref<128xi32, #tpu.memory_space<vmem>>
    %dma_wait3A_472 = tpu.memref_slice %arg3[%mul3A_467] : memref<100000xi32, #tpu.memory_space<hbm>> -> memref<128xi32, #tpu.memory_space<hbm>>
    %dma_wait3A_473 = arith.constant 0 : i32
    %dma_wait3A_474 = tpu.memref_slice %arg6[%dma_wait3A_468, %dma_wait3A_473] : memref<6x128xi32, #tpu.memory_space<vmem>> -> memref<1x128xi32, #tpu.memory_space<vmem>>
    %dma_wait3A_475 = tpu.memref_squeeze %dma_wait3A_474 : memref<1x128xi32, #tpu.memory_space<vmem>> -> memref<128xi32, #tpu.memory_space<vmem>>
    %dma_wait3A_476 = tpu.memref_slice %arg3[%mul3A_467] : memref<100000xi32, #tpu.memory_space<hbm>> -> memref<128xi32, #tpu.memory_space<hbm>>
    tpu.wait_dma2 semaphore(%arg13 : memref<!tpu.dma_semaphore, #tpu.memory_space<semaphore_mem>>) src(%dma_wait3A_476 : memref<128xi32, #tpu.memory_space<hbm>>) dst(%dma_wait3A_475 : memref<128xi32, #tpu.memory_space<vmem>>)
    %dma_wait3A_477 = arith.constant 2 : i32
    %dma_wait3A_478 = arith.constant 0 : i32
    %dma_wait3A_479 = arith.constant 0 : i32
    %dma_wait3A_480 = tpu.memref_slice %arg5[%dma_wait3A_477, %dma_wait3A_478, %dma_wait3A_479] : memref<6x128x128xf32, #tpu.memory_space<vmem>> -> memref<1x128x128xf32, #tpu.memory_space<vmem>>
    %dma_wait3A_481 = tpu.memref_squeeze %dma_wait3A_480 : memref<1x128x128xf32, #tpu.memory_space<vmem>> -> memref<128x128xf32, #tpu.memory_space<vmem>>
    %dma_wait3A_482 = arith.constant 0 : i32
    %dma_wait3A_483 = tpu.memref_slice %arg2[%mul3A_467, %dma_wait3A_482] : memref<100000x128xf32, #tpu.memory_space<hbm>> -> memref<128x128xf32, #tpu.memory_space<hbm>>
    %dma_wait3A_484 = arith.constant 0 : i32
    %dma_wait3A_485 = arith.constant 0 : i32
    %dma_wait3A_486 = tpu.memref_slice %arg5[%dma_wait3A_477, %dma_wait3A_484, %dma_wait3A_485] : memref<6x128x128xf32, #tpu.memory_space<vmem>> -> memref<1x128x128xf32, #tpu.memory_space<vmem>>
    %dma_wait3A_487 = tpu.memref_squeeze %dma_wait3A_486 : memref<1x128x128xf32, #tpu.memory_space<vmem>> -> memref<128x128xf32, #tpu.memory_space<vmem>>
    %dma_wait3A_488 = arith.constant 0 : i32
    %dma_wait3A_489 = tpu.memref_slice %arg2[%mul3A_467, %dma_wait3A_488] : memref<100000x128xf32, #tpu.memory_space<hbm>> -> memref<128x128xf32, #tpu.memory_space<hbm>>
    tpu.wait_dma2 semaphore(%arg13 : memref<!tpu.dma_semaphore, #tpu.memory_space<semaphore_mem>>) src(%dma_wait3A_489 : memref<128x128xf32, #tpu.memory_space<hbm>>) dst(%dma_wait3A_487 : memref<128x128xf32, #tpu.memory_space<vmem>>)
    %dma_start3A_490 = arith.constant 2 : i32
    %dma_start3A_491 = arith.constant 2 : i32
    %dma_start3A_492 = arith.constant 0 : i32
    %dma_start3A_493 = arith.constant 0 : i32
    %dma_start3A_494 = tpu.memref_slice %arg5[%dma_start3A_490, %dma_start3A_492, %dma_start3A_493] : memref<6x128x128xf32, #tpu.memory_space<vmem>> -> memref<1x128x128xf32, #tpu.memory_space<vmem>>
    %dma_start3A_495 = tpu.memref_squeeze %dma_start3A_494 : memref<1x128x128xf32, #tpu.memory_space<vmem>> -> memref<128x128xf32, #tpu.memory_space<vmem>>
    %dma_start3A_496 = arith.constant 0 : i32
    %dma_start3A_497 = tpu.memref_slice %arg6[%dma_start3A_491, %dma_start3A_496] : memref<6x128xi32, #tpu.memory_space<vmem>> -> memref<1x128xi32, #tpu.memory_space<vmem>>
    %dma_start3A_498 = tpu.memref_squeeze %dma_start3A_497 : memref<1x128xi32, #tpu.memory_space<vmem>> -> memref<128xi32, #tpu.memory_space<vmem>>
    %dma_start3A_499 = arith.constant 0 : i32
    %dma_start3A_500 = arith.constant 0 : i32
    %dma_start3A_501 = tpu.memref_slice %arg10[%dma_start3A_499, %dma_start3A_500] : memref<64x128xf32, #tpu.memory_space<vmem_shared>> -> memref<64x128xf32, #tpu.memory_space<vmem_shared>>
    tpu.enqueue_indirect_dma source(%dma_start3A_495 : memref<128x128xf32, #tpu.memory_space<vmem>>) target(%dma_start3A_501 : memref<64x128xf32, #tpu.memory_space<vmem_shared>>) offsets(%dma_start3A_498 : memref<128xi32, #tpu.memory_space<vmem>>) semaphore(%arg19 : memref<!tpu.dma_semaphore, #tpu.memory_space<semaphore_mem>>) {add = true}
    %dma_wait3A_502 = arith.constant 1 : i32
    %dma_wait3A_503 = arith.constant 1 : i32
    %dma_wait3A_504 = arith.constant 0 : i32
    %dma_wait3A_505 = arith.constant 0 : i32
    %dma_wait3A_506 = tpu.memref_slice %arg5[%dma_wait3A_502, %dma_wait3A_504, %dma_wait3A_505] : memref<6x128x128xf32, #tpu.memory_space<vmem>> -> memref<1x128x128xf32, #tpu.memory_space<vmem>>
    %dma_wait3A_507 = tpu.memref_squeeze %dma_wait3A_506 : memref<1x128x128xf32, #tpu.memory_space<vmem>> -> memref<128x128xf32, #tpu.memory_space<vmem>>
    %dma_wait3A_508 = arith.constant 0 : i32
    %dma_wait3A_509 = tpu.memref_slice %arg6[%dma_wait3A_503, %dma_wait3A_508] : memref<6x128xi32, #tpu.memory_space<vmem>> -> memref<1x128xi32, #tpu.memory_space<vmem>>
    %dma_wait3A_510 = tpu.memref_squeeze %dma_wait3A_509 : memref<1x128xi32, #tpu.memory_space<vmem>> -> memref<128xi32, #tpu.memory_space<vmem>>
    %dma_wait3A_511 = arith.constant 0 : i32
    %dma_wait3A_512 = arith.constant 0 : i32
    %dma_wait3A_513 = tpu.memref_slice %arg10[%dma_wait3A_511, %dma_wait3A_512] : memref<64x128xf32, #tpu.memory_space<vmem_shared>> -> memref<64x128xf32, #tpu.memory_space<vmem_shared>>
    tpu.wait_indirect_dma semaphore(%arg18 : memref<!tpu.dma_semaphore, #tpu.memory_space<semaphore_mem>>) src(%dma_wait3A_507 : memref<128x128xf32, #tpu.memory_space<vmem>>) dst(%dma_wait3A_513 : memref<64x128xf32, #tpu.memory_space<vmem_shared>>)
    %add3A_514 = arith.constant 224 : i32
    %add3A_515 = arith.addi %add3A, %add3A_514 : i32
    %mul3A_516 = arith.constant 128 : i32
    %mul3A_517 = arith.muli %add3A_515, %mul3A_516 : i32
    %dma_start3A_518 = arith.constant 1 : i32
    %dma_start3A_519 = arith.constant 0 : i32
    %dma_start3A_520 = tpu.memref_slice %arg6[%dma_start3A_518, %dma_start3A_519] : memref<6x128xi32, #tpu.memory_space<vmem>> -> memref<1x128xi32, #tpu.memory_space<vmem>>
    %dma_start3A_521 = tpu.memref_squeeze %dma_start3A_520 : memref<1x128xi32, #tpu.memory_space<vmem>> -> memref<128xi32, #tpu.memory_space<vmem>>
    %dma_start3A_522 = tpu.memref_slice %arg3[%mul3A_517] : memref<100000xi32, #tpu.memory_space<hbm>> -> memref<128xi32, #tpu.memory_space<hbm>>
    %dma_start3A_523 = arith.constant 0 : i32
    %dma_start3A_524 = tpu.memref_slice %arg6[%dma_start3A_518, %dma_start3A_523] : memref<6x128xi32, #tpu.memory_space<vmem>> -> memref<1x128xi32, #tpu.memory_space<vmem>>
    %dma_start3A_525 = tpu.memref_squeeze %dma_start3A_524 : memref<1x128xi32, #tpu.memory_space<vmem>> -> memref<128xi32, #tpu.memory_space<vmem>>
    %dma_start3A_526 = tpu.memref_slice %arg3[%mul3A_517] : memref<100000xi32, #tpu.memory_space<hbm>> -> memref<128xi32, #tpu.memory_space<hbm>>
    tpu.enqueue_dma source(%dma_start3A_526 : memref<128xi32, #tpu.memory_space<hbm>>) target(%dma_start3A_525 : memref<128xi32, #tpu.memory_space<vmem>>) target_semaphore(%arg12 : memref<!tpu.dma_semaphore, #tpu.memory_space<semaphore_mem>>)
    %dma_start3A_527 = arith.constant 1 : i32
    %dma_start3A_528 = arith.constant 0 : i32
    %dma_start3A_529 = arith.constant 0 : i32
    %dma_start3A_530 = tpu.memref_slice %arg5[%dma_start3A_527, %dma_start3A_528, %dma_start3A_529] : memref<6x128x128xf32, #tpu.memory_space<vmem>> -> memref<1x128x128xf32, #tpu.memory_space<vmem>>
    %dma_start3A_531 = tpu.memref_squeeze %dma_start3A_530 : memref<1x128x128xf32, #tpu.memory_space<vmem>> -> memref<128x128xf32, #tpu.memory_space<vmem>>
    %dma_start3A_532 = arith.constant 0 : i32
    %dma_start3A_533 = tpu.memref_slice %arg2[%mul3A_517, %dma_start3A_532] : memref<100000x128xf32, #tpu.memory_space<hbm>> -> memref<128x128xf32, #tpu.memory_space<hbm>>
    %dma_start3A_534 = arith.constant 0 : i32
    %dma_start3A_535 = arith.constant 0 : i32
    %dma_start3A_536 = tpu.memref_slice %arg5[%dma_start3A_527, %dma_start3A_534, %dma_start3A_535] : memref<6x128x128xf32, #tpu.memory_space<vmem>> -> memref<1x128x128xf32, #tpu.memory_space<vmem>>
    %dma_start3A_537 = tpu.memref_squeeze %dma_start3A_536 : memref<1x128x128xf32, #tpu.memory_space<vmem>> -> memref<128x128xf32, #tpu.memory_space<vmem>>
    %dma_start3A_538 = arith.constant 0 : i32
    %dma_start3A_539 = tpu.memref_slice %arg2[%mul3A_517, %dma_start3A_538] : memref<100000x128xf32, #tpu.memory_space<hbm>> -> memref<128x128xf32, #tpu.memory_space<hbm>>
    tpu.enqueue_dma source(%dma_start3A_539 : memref<128x128xf32, #tpu.memory_space<hbm>>) target(%dma_start3A_537 : memref<128x128xf32, #tpu.memory_space<vmem>>) target_semaphore(%arg12 : memref<!tpu.dma_semaphore, #tpu.memory_space<semaphore_mem>>)
    %add3A_540 = arith.constant 96 : i32
    %add3A_541 = arith.addi %add3A, %add3A_540 : i32
    %mul3A_542 = arith.constant 128 : i32
    %mul3A_543 = arith.muli %add3A_541, %mul3A_542 : i32
    %dma_wait3A_544 = arith.constant 3 : i32
    %dma_wait3A_545 = arith.constant 0 : i32
    %dma_wait3A_546 = tpu.memref_slice %arg6[%dma_wait3A_544, %dma_wait3A_545] : memref<6x128xi32, #tpu.memory_space<vmem>> -> memref<1x128xi32, #tpu.memory_space<vmem>>
    %dma_wait3A_547 = tpu.memref_squeeze %dma_wait3A_546 : memref<1x128xi32, #tpu.memory_space<vmem>> -> memref<128xi32, #tpu.memory_space<vmem>>
    %dma_wait3A_548 = tpu.memref_slice %arg3[%mul3A_543] : memref<100000xi32, #tpu.memory_space<hbm>> -> memref<128xi32, #tpu.memory_space<hbm>>
    %dma_wait3A_549 = arith.constant 0 : i32
    %dma_wait3A_550 = tpu.memref_slice %arg6[%dma_wait3A_544, %dma_wait3A_549] : memref<6x128xi32, #tpu.memory_space<vmem>> -> memref<1x128xi32, #tpu.memory_space<vmem>>
    %dma_wait3A_551 = tpu.memref_squeeze %dma_wait3A_550 : memref<1x128xi32, #tpu.memory_space<vmem>> -> memref<128xi32, #tpu.memory_space<vmem>>
    %dma_wait3A_552 = tpu.memref_slice %arg3[%mul3A_543] : memref<100000xi32, #tpu.memory_space<hbm>> -> memref<128xi32, #tpu.memory_space<hbm>>
    tpu.wait_dma2 semaphore(%arg14 : memref<!tpu.dma_semaphore, #tpu.memory_space<semaphore_mem>>) src(%dma_wait3A_552 : memref<128xi32, #tpu.memory_space<hbm>>) dst(%dma_wait3A_551 : memref<128xi32, #tpu.memory_space<vmem>>)
    %dma_wait3A_553 = arith.constant 3 : i32
    %dma_wait3A_554 = arith.constant 0 : i32
    %dma_wait3A_555 = arith.constant 0 : i32
    %dma_wait3A_556 = tpu.memref_slice %arg5[%dma_wait3A_553, %dma_wait3A_554, %dma_wait3A_555] : memref<6x128x128xf32, #tpu.memory_space<vmem>> -> memref<1x128x128xf32, #tpu.memory_space<vmem>>
    %dma_wait3A_557 = tpu.memref_squeeze %dma_wait3A_556 : memref<1x128x128xf32, #tpu.memory_space<vmem>> -> memref<128x128xf32, #tpu.memory_space<vmem>>
    %dma_wait3A_558 = arith.constant 0 : i32
    %dma_wait3A_559 = tpu.memref_slice %arg2[%mul3A_543, %dma_wait3A_558] : memref<100000x128xf32, #tpu.memory_space<hbm>> -> memref<128x128xf32, #tpu.memory_space<hbm>>
    %dma_wait3A_560 = arith.constant 0 : i32
    %dma_wait3A_561 = arith.constant 0 : i32
    %dma_wait3A_562 = tpu.memref_slice %arg5[%dma_wait3A_553, %dma_wait3A_560, %dma_wait3A_561] : memref<6x128x128xf32, #tpu.memory_space<vmem>> -> memref<1x128x128xf32, #tpu.memory_space<vmem>>
    %dma_wait3A_563 = tpu.memref_squeeze %dma_wait3A_562 : memref<1x128x128xf32, #tpu.memory_space<vmem>> -> memref<128x128xf32, #tpu.memory_space<vmem>>
    %dma_wait3A_564 = arith.constant 0 : i32
    %dma_wait3A_565 = tpu.memref_slice %arg2[%mul3A_543, %dma_wait3A_564] : memref<100000x128xf32, #tpu.memory_space<hbm>> -> memref<128x128xf32, #tpu.memory_space<hbm>>
    tpu.wait_dma2 semaphore(%arg14 : memref<!tpu.dma_semaphore, #tpu.memory_space<semaphore_mem>>) src(%dma_wait3A_565 : memref<128x128xf32, #tpu.memory_space<hbm>>) dst(%dma_wait3A_563 : memref<128x128xf32, #tpu.memory_space<vmem>>)
    %dma_start3A_566 = arith.constant 3 : i32
    %dma_start3A_567 = arith.constant 3 : i32
    %dma_start3A_568 = arith.constant 0 : i32
    %dma_start3A_569 = arith.constant 0 : i32
    %dma_start3A_570 = tpu.memref_slice %arg5[%dma_start3A_566, %dma_start3A_568, %dma_start3A_569] : memref<6x128x128xf32, #tpu.memory_space<vmem>> -> memref<1x128x128xf32, #tpu.memory_space<vmem>>
    %dma_start3A_571 = tpu.memref_squeeze %dma_start3A_570 : memref<1x128x128xf32, #tpu.memory_space<vmem>> -> memref<128x128xf32, #tpu.memory_space<vmem>>
    %dma_start3A_572 = arith.constant 0 : i32
    %dma_start3A_573 = tpu.memref_slice %arg6[%dma_start3A_567, %dma_start3A_572] : memref<6x128xi32, #tpu.memory_space<vmem>> -> memref<1x128xi32, #tpu.memory_space<vmem>>
    %dma_start3A_574 = tpu.memref_squeeze %dma_start3A_573 : memref<1x128xi32, #tpu.memory_space<vmem>> -> memref<128xi32, #tpu.memory_space<vmem>>
    %dma_start3A_575 = arith.constant 0 : i32
    %dma_start3A_576 = arith.constant 0 : i32
    %dma_start3A_577 = tpu.memref_slice %arg10[%dma_start3A_575, %dma_start3A_576] : memref<64x128xf32, #tpu.memory_space<vmem_shared>> -> memref<64x128xf32, #tpu.memory_space<vmem_shared>>
    tpu.enqueue_indirect_dma source(%dma_start3A_571 : memref<128x128xf32, #tpu.memory_space<vmem>>) target(%dma_start3A_577 : memref<64x128xf32, #tpu.memory_space<vmem_shared>>) offsets(%dma_start3A_574 : memref<128xi32, #tpu.memory_space<vmem>>) semaphore(%arg20 : memref<!tpu.dma_semaphore, #tpu.memory_space<semaphore_mem>>) {add = true}
    %dma_wait3A_578 = arith.constant 2 : i32
    %dma_wait3A_579 = arith.constant 2 : i32
    %dma_wait3A_580 = arith.constant 0 : i32
    %dma_wait3A_581 = arith.constant 0 : i32
    %dma_wait3A_582 = tpu.memref_slice %arg5[%dma_wait3A_578, %dma_wait3A_580, %dma_wait3A_581] : memref<6x128x128xf32, #tpu.memory_space<vmem>> -> memref<1x128x128xf32, #tpu.memory_space<vmem>>
    %dma_wait3A_583 = tpu.memref_squeeze %dma_wait3A_582 : memref<1x128x128xf32, #tpu.memory_space<vmem>> -> memref<128x128xf32, #tpu.memory_space<vmem>>
    %dma_wait3A_584 = arith.constant 0 : i32
    %dma_wait3A_585 = tpu.memref_slice %arg6[%dma_wait3A_579, %dma_wait3A_584] : memref<6x128xi32, #tpu.memory_space<vmem>> -> memref<1x128xi32, #tpu.memory_space<vmem>>
    %dma_wait3A_586 = tpu.memref_squeeze %dma_wait3A_585 : memref<1x128xi32, #tpu.memory_space<vmem>> -> memref<128xi32, #tpu.memory_space<vmem>>
    %dma_wait3A_587 = arith.constant 0 : i32
    %dma_wait3A_588 = arith.constant 0 : i32
    %dma_wait3A_589 = tpu.memref_slice %arg10[%dma_wait3A_587, %dma_wait3A_588] : memref<64x128xf32, #tpu.memory_space<vmem_shared>> -> memref<64x128xf32, #tpu.memory_space<vmem_shared>>
    tpu.wait_indirect_dma semaphore(%arg19 : memref<!tpu.dma_semaphore, #tpu.memory_space<semaphore_mem>>) src(%dma_wait3A_583 : memref<128x128xf32, #tpu.memory_space<vmem>>) dst(%dma_wait3A_589 : memref<64x128xf32, #tpu.memory_space<vmem_shared>>)
    %add3A_590 = arith.constant 256 : i32
    %add3A_591 = arith.addi %add3A, %add3A_590 : i32
    %mul3A_592 = arith.constant 128 : i32
    %mul3A_593 = arith.muli %add3A_591, %mul3A_592 : i32
    %dma_start3A_594 = arith.constant 2 : i32
    %dma_start3A_595 = arith.constant 0 : i32
    %dma_start3A_596 = tpu.memref_slice %arg6[%dma_start3A_594, %dma_start3A_595] : memref<6x128xi32, #tpu.memory_space<vmem>> -> memref<1x128xi32, #tpu.memory_space<vmem>>
    %dma_start3A_597 = tpu.memref_squeeze %dma_start3A_596 : memref<1x128xi32, #tpu.memory_space<vmem>> -> memref<128xi32, #tpu.memory_space<vmem>>
    %dma_start3A_598 = tpu.memref_slice %arg3[%mul3A_593] : memref<100000xi32, #tpu.memory_space<hbm>> -> memref<128xi32, #tpu.memory_space<hbm>>
    %dma_start3A_599 = arith.constant 0 : i32
    %dma_start3A_600 = tpu.memref_slice %arg6[%dma_start3A_594, %dma_start3A_599] : memref<6x128xi32, #tpu.memory_space<vmem>> -> memref<1x128xi32, #tpu.memory_space<vmem>>
    %dma_start3A_601 = tpu.memref_squeeze %dma_start3A_600 : memref<1x128xi32, #tpu.memory_space<vmem>> -> memref<128xi32, #tpu.memory_space<vmem>>
    %dma_start3A_602 = tpu.memref_slice %arg3[%mul3A_593] : memref<100000xi32, #tpu.memory_space<hbm>> -> memref<128xi32, #tpu.memory_space<hbm>>
    tpu.enqueue_dma source(%dma_start3A_602 : memref<128xi32, #tpu.memory_space<hbm>>) target(%dma_start3A_601 : memref<128xi32, #tpu.memory_space<vmem>>) target_semaphore(%arg13 : memref<!tpu.dma_semaphore, #tpu.memory_space<semaphore_mem>>)
    %dma_start3A_603 = arith.constant 2 : i32
    %dma_start3A_604 = arith.constant 0 : i32
    %dma_start3A_605 = arith.constant 0 : i32
    %dma_start3A_606 = tpu.memref_slice %arg5[%dma_start3A_603, %dma_start3A_604, %dma_start3A_605] : memref<6x128x128xf32, #tpu.memory_space<vmem>> -> memref<1x128x128xf32, #tpu.memory_space<vmem>>
    %dma_start3A_607 = tpu.memref_squeeze %dma_start3A_606 : memref<1x128x128xf32, #tpu.memory_space<vmem>> -> memref<128x128xf32, #tpu.memory_space<vmem>>
    %dma_start3A_608 = arith.constant 0 : i32
    %dma_start3A_609 = tpu.memref_slice %arg2[%mul3A_593, %dma_start3A_608] : memref<100000x128xf32, #tpu.memory_space<hbm>> -> memref<128x128xf32, #tpu.memory_space<hbm>>
    %dma_start3A_610 = arith.constant 0 : i32
    %dma_start3A_611 = arith.constant 0 : i32
    %dma_start3A_612 = tpu.memref_slice %arg5[%dma_start3A_603, %dma_start3A_610, %dma_start3A_611] : memref<6x128x128xf32, #tpu.memory_space<vmem>> -> memref<1x128x128xf32, #tpu.memory_space<vmem>>
    %dma_start3A_613 = tpu.memref_squeeze %dma_start3A_612 : memref<1x128x128xf32, #tpu.memory_space<vmem>> -> memref<128x128xf32, #tpu.memory_space<vmem>>
    %dma_start3A_614 = arith.constant 0 : i32
    %dma_start3A_615 = tpu.memref_slice %arg2[%mul3A_593, %dma_start3A_614] : memref<100000x128xf32, #tpu.memory_space<hbm>> -> memref<128x128xf32, #tpu.memory_space<hbm>>
    tpu.enqueue_dma source(%dma_start3A_615 : memref<128x128xf32, #tpu.memory_space<hbm>>) target(%dma_start3A_613 : memref<128x128xf32, #tpu.memory_space<vmem>>) target_semaphore(%arg13 : memref<!tpu.dma_semaphore, #tpu.memory_space<semaphore_mem>>)
    %add3A_616 = arith.constant 128 : i32
    %add3A_617 = arith.addi %add3A, %add3A_616 : i32
    %mul3A_618 = arith.constant 128 : i32
    %mul3A_619 = arith.muli %add3A_617, %mul3A_618 : i32
    %dma_wait3A_620 = arith.constant 4 : i32
    %dma_wait3A_621 = arith.constant 0 : i32
    %dma_wait3A_622 = tpu.memref_slice %arg6[%dma_wait3A_620, %dma_wait3A_621] : memref<6x128xi32, #tpu.memory_space<vmem>> -> memref<1x128xi32, #tpu.memory_space<vmem>>
    %dma_wait3A_623 = tpu.memref_squeeze %dma_wait3A_622 : memref<1x128xi32, #tpu.memory_space<vmem>> -> memref<128xi32, #tpu.memory_space<vmem>>
    %dma_wait3A_624 = tpu.memref_slice %arg3[%mul3A_619] : memref<100000xi32, #tpu.memory_space<hbm>> -> memref<128xi32, #tpu.memory_space<hbm>>
    %dma_wait3A_625 = arith.constant 0 : i32
    %dma_wait3A_626 = tpu.memref_slice %arg6[%dma_wait3A_620, %dma_wait3A_625] : memref<6x128xi32, #tpu.memory_space<vmem>> -> memref<1x128xi32, #tpu.memory_space<vmem>>
    %dma_wait3A_627 = tpu.memref_squeeze %dma_wait3A_626 : memref<1x128xi32, #tpu.memory_space<vmem>> -> memref<128xi32, #tpu.memory_space<vmem>>
    %dma_wait3A_628 = tpu.memref_slice %arg3[%mul3A_619] : memref<100000xi32, #tpu.memory_space<hbm>> -> memref<128xi32, #tpu.memory_space<hbm>>
    tpu.wait_dma2 semaphore(%arg15 : memref<!tpu.dma_semaphore, #tpu.memory_space<semaphore_mem>>) src(%dma_wait3A_628 : memref<128xi32, #tpu.memory_space<hbm>>) dst(%dma_wait3A_627 : memref<128xi32, #tpu.memory_space<vmem>>)
    %dma_wait3A_629 = arith.constant 4 : i32
    %dma_wait3A_630 = arith.constant 0 : i32
    %dma_wait3A_631 = arith.constant 0 : i32
    %dma_wait3A_632 = tpu.memref_slice %arg5[%dma_wait3A_629, %dma_wait3A_630, %dma_wait3A_631] : memref<6x128x128xf32, #tpu.memory_space<vmem>> -> memref<1x128x128xf32, #tpu.memory_space<vmem>>
    %dma_wait3A_633 = tpu.memref_squeeze %dma_wait3A_632 : memref<1x128x128xf32, #tpu.memory_space<vmem>> -> memref<128x128xf32, #tpu.memory_space<vmem>>
    %dma_wait3A_634 = arith.constant 0 : i32
    %dma_wait3A_635 = tpu.memref_slice %arg2[%mul3A_619, %dma_wait3A_634] : memref<100000x128xf32, #tpu.memory_space<hbm>> -> memref<128x128xf32, #tpu.memory_space<hbm>>
    %dma_wait3A_636 = arith.constant 0 : i32
    %dma_wait3A_637 = arith.constant 0 : i32
    %dma_wait3A_638 = tpu.memref_slice %arg5[%dma_wait3A_629, %dma_wait3A_636, %dma_wait3A_637] : memref<6x128x128xf32, #tpu.memory_space<vmem>> -> memref<1x128x128xf32, #tpu.memory_space<vmem>>
    %dma_wait3A_639 = tpu.memref_squeeze %dma_wait3A_638 : memref<1x128x128xf32, #tpu.memory_space<vmem>> -> memref<128x128xf32, #tpu.memory_space<vmem>>
    %dma_wait3A_640 = arith.constant 0 : i32
    %dma_wait3A_641 = tpu.memref_slice %arg2[%mul3A_619, %dma_wait3A_640] : memref<100000x128xf32, #tpu.memory_space<hbm>> -> memref<128x128xf32, #tpu.memory_space<hbm>>
    tpu.wait_dma2 semaphore(%arg15 : memref<!tpu.dma_semaphore, #tpu.memory_space<semaphore_mem>>) src(%dma_wait3A_641 : memref<128x128xf32, #tpu.memory_space<hbm>>) dst(%dma_wait3A_639 : memref<128x128xf32, #tpu.memory_space<vmem>>)
    %dma_start3A_642 = arith.constant 4 : i32
    %dma_start3A_643 = arith.constant 4 : i32
    %dma_start3A_644 = arith.constant 0 : i32
    %dma_start3A_645 = arith.constant 0 : i32
    %dma_start3A_646 = tpu.memref_slice %arg5[%dma_start3A_642, %dma_start3A_644, %dma_start3A_645] : memref<6x128x128xf32, #tpu.memory_space<vmem>> -> memref<1x128x128xf32, #tpu.memory_space<vmem>>
    %dma_start3A_647 = tpu.memref_squeeze %dma_start3A_646 : memref<1x128x128xf32, #tpu.memory_space<vmem>> -> memref<128x128xf32, #tpu.memory_space<vmem>>
    %dma_start3A_648 = arith.constant 0 : i32
    %dma_start3A_649 = tpu.memref_slice %arg6[%dma_start3A_643, %dma_start3A_648] : memref<6x128xi32, #tpu.memory_space<vmem>> -> memref<1x128xi32, #tpu.memory_space<vmem>>
    %dma_start3A_650 = tpu.memref_squeeze %dma_start3A_649 : memref<1x128xi32, #tpu.memory_space<vmem>> -> memref<128xi32, #tpu.memory_space<vmem>>
    %dma_start3A_651 = arith.constant 0 : i32
    %dma_start3A_652 = arith.constant 0 : i32
    %dma_start3A_653 = tpu.memref_slice %arg10[%dma_start3A_651, %dma_start3A_652] : memref<64x128xf32, #tpu.memory_space<vmem_shared>> -> memref<64x128xf32, #tpu.memory_space<vmem_shared>>
    tpu.enqueue_indirect_dma source(%dma_start3A_647 : memref<128x128xf32, #tpu.memory_space<vmem>>) target(%dma_start3A_653 : memref<64x128xf32, #tpu.memory_space<vmem_shared>>) offsets(%dma_start3A_650 : memref<128xi32, #tpu.memory_space<vmem>>) semaphore(%arg21 : memref<!tpu.dma_semaphore, #tpu.memory_space<semaphore_mem>>) {add = true}
    %dma_wait3A_654 = arith.constant 3 : i32
    %dma_wait3A_655 = arith.constant 3 : i32
    %dma_wait3A_656 = arith.constant 0 : i32
    %dma_wait3A_657 = arith.constant 0 : i32
    %dma_wait3A_658 = tpu.memref_slice %arg5[%dma_wait3A_654, %dma_wait3A_656, %dma_wait3A_657] : memref<6x128x128xf32, #tpu.memory_space<vmem>> -> memref<1x128x128xf32, #tpu.memory_space<vmem>>
    %dma_wait3A_659 = tpu.memref_squeeze %dma_wait3A_658 : memref<1x128x128xf32, #tpu.memory_space<vmem>> -> memref<128x128xf32, #tpu.memory_space<vmem>>
    %dma_wait3A_660 = arith.constant 0 : i32
    %dma_wait3A_661 = tpu.memref_slice %arg6[%dma_wait3A_655, %dma_wait3A_660] : memref<6x128xi32, #tpu.memory_space<vmem>> -> memref<1x128xi32, #tpu.memory_space<vmem>>
    %dma_wait3A_662 = tpu.memref_squeeze %dma_wait3A_661 : memref<1x128xi32, #tpu.memory_space<vmem>> -> memref<128xi32, #tpu.memory_space<vmem>>
    %dma_wait3A_663 = arith.constant 0 : i32
    %dma_wait3A_664 = arith.constant 0 : i32
    %dma_wait3A_665 = tpu.memref_slice %arg10[%dma_wait3A_663, %dma_wait3A_664] : memref<64x128xf32, #tpu.memory_space<vmem_shared>> -> memref<64x128xf32, #tpu.memory_space<vmem_shared>>
    tpu.wait_indirect_dma semaphore(%arg20 : memref<!tpu.dma_semaphore, #tpu.memory_space<semaphore_mem>>) src(%dma_wait3A_659 : memref<128x128xf32, #tpu.memory_space<vmem>>) dst(%dma_wait3A_665 : memref<64x128xf32, #tpu.memory_space<vmem_shared>>)
    %add3A_666 = arith.constant 288 : i32
    %add3A_667 = arith.addi %add3A, %add3A_666 : i32
    %mul3A_668 = arith.constant 128 : i32
    %mul3A_669 = arith.muli %add3A_667, %mul3A_668 : i32
    %dma_start3A_670 = arith.constant 3 : i32
    %dma_start3A_671 = arith.constant 0 : i32
    %dma_start3A_672 = tpu.memref_slice %arg6[%dma_start3A_670, %dma_start3A_671] : memref<6x128xi32, #tpu.memory_space<vmem>> -> memref<1x128xi32, #tpu.memory_space<vmem>>
    %dma_start3A_673 = tpu.memref_squeeze %dma_start3A_672 : memref<1x128xi32, #tpu.memory_space<vmem>> -> memref<128xi32, #tpu.memory_space<vmem>>
    %dma_start3A_674 = tpu.memref_slice %arg3[%mul3A_669] : memref<100000xi32, #tpu.memory_space<hbm>> -> memref<128xi32, #tpu.memory_space<hbm>>
    %dma_start3A_675 = arith.constant 0 : i32
    %dma_start3A_676 = tpu.memref_slice %arg6[%dma_start3A_670, %dma_start3A_675] : memref<6x128xi32, #tpu.memory_space<vmem>> -> memref<1x128xi32, #tpu.memory_space<vmem>>
    %dma_start3A_677 = tpu.memref_squeeze %dma_start3A_676 : memref<1x128xi32, #tpu.memory_space<vmem>> -> memref<128xi32, #tpu.memory_space<vmem>>
    %dma_start3A_678 = tpu.memref_slice %arg3[%mul3A_669] : memref<100000xi32, #tpu.memory_space<hbm>> -> memref<128xi32, #tpu.memory_space<hbm>>
    tpu.enqueue_dma source(%dma_start3A_678 : memref<128xi32, #tpu.memory_space<hbm>>) target(%dma_start3A_677 : memref<128xi32, #tpu.memory_space<vmem>>) target_semaphore(%arg14 : memref<!tpu.dma_semaphore, #tpu.memory_space<semaphore_mem>>)
    %dma_start3A_679 = arith.constant 3 : i32
    %dma_start3A_680 = arith.constant 0 : i32
    %dma_start3A_681 = arith.constant 0 : i32
    %dma_start3A_682 = tpu.memref_slice %arg5[%dma_start3A_679, %dma_start3A_680, %dma_start3A_681] : memref<6x128x128xf32, #tpu.memory_space<vmem>> -> memref<1x128x128xf32, #tpu.memory_space<vmem>>
    %dma_start3A_683 = tpu.memref_squeeze %dma_start3A_682 : memref<1x128x128xf32, #tpu.memory_space<vmem>> -> memref<128x128xf32, #tpu.memory_space<vmem>>
    %dma_start3A_684 = arith.constant 0 : i32
    %dma_start3A_685 = tpu.memref_slice %arg2[%mul3A_669, %dma_start3A_684] : memref<100000x128xf32, #tpu.memory_space<hbm>> -> memref<128x128xf32, #tpu.memory_space<hbm>>
    %dma_start3A_686 = arith.constant 0 : i32
    %dma_start3A_687 = arith.constant 0 : i32
    %dma_start3A_688 = tpu.memref_slice %arg5[%dma_start3A_679, %dma_start3A_686, %dma_start3A_687] : memref<6x128x128xf32, #tpu.memory_space<vmem>> -> memref<1x128x128xf32, #tpu.memory_space<vmem>>
    %dma_start3A_689 = tpu.memref_squeeze %dma_start3A_688 : memref<1x128x128xf32, #tpu.memory_space<vmem>> -> memref<128x128xf32, #tpu.memory_space<vmem>>
    %dma_start3A_690 = arith.constant 0 : i32
    %dma_start3A_691 = tpu.memref_slice %arg2[%mul3A_669, %dma_start3A_690] : memref<100000x128xf32, #tpu.memory_space<hbm>> -> memref<128x128xf32, #tpu.memory_space<hbm>>
    tpu.enqueue_dma source(%dma_start3A_691 : memref<128x128xf32, #tpu.memory_space<hbm>>) target(%dma_start3A_689 : memref<128x128xf32, #tpu.memory_space<vmem>>) target_semaphore(%arg14 : memref<!tpu.dma_semaphore, #tpu.memory_space<semaphore_mem>>)
    %add3A_692 = arith.constant 160 : i32
    %add3A_693 = arith.addi %add3A, %add3A_692 : i32
    %mul3A_694 = arith.constant 128 : i32
    %mul3A_695 = arith.muli %add3A_693, %mul3A_694 : i32
    %dma_wait3A_696 = arith.constant 5 : i32
    %dma_wait3A_697 = arith.constant 0 : i32
    %dma_wait3A_698 = tpu.memref_slice %arg6[%dma_wait3A_696, %dma_wait3A_697] : memref<6x128xi32, #tpu.memory_space<vmem>> -> memref<1x128xi32, #tpu.memory_space<vmem>>
    %dma_wait3A_699 = tpu.memref_squeeze %dma_wait3A_698 : memref<1x128xi32, #tpu.memory_space<vmem>> -> memref<128xi32, #tpu.memory_space<vmem>>
    %dma_wait3A_700 = tpu.memref_slice %arg3[%mul3A_695] : memref<100000xi32, #tpu.memory_space<hbm>> -> memref<128xi32, #tpu.memory_space<hbm>>
    %dma_wait3A_701 = arith.constant 0 : i32
    %dma_wait3A_702 = tpu.memref_slice %arg6[%dma_wait3A_696, %dma_wait3A_701] : memref<6x128xi32, #tpu.memory_space<vmem>> -> memref<1x128xi32, #tpu.memory_space<vmem>>
    %dma_wait3A_703 = tpu.memref_squeeze %dma_wait3A_702 : memref<1x128xi32, #tpu.memory_space<vmem>> -> memref<128xi32, #tpu.memory_space<vmem>>
    %dma_wait3A_704 = tpu.memref_slice %arg3[%mul3A_695] : memref<100000xi32, #tpu.memory_space<hbm>> -> memref<128xi32, #tpu.memory_space<hbm>>
    tpu.wait_dma2 semaphore(%arg16 : memref<!tpu.dma_semaphore, #tpu.memory_space<semaphore_mem>>) src(%dma_wait3A_704 : memref<128xi32, #tpu.memory_space<hbm>>) dst(%dma_wait3A_703 : memref<128xi32, #tpu.memory_space<vmem>>)
    %dma_wait3A_705 = arith.constant 5 : i32
    %dma_wait3A_706 = arith.constant 0 : i32
    %dma_wait3A_707 = arith.constant 0 : i32
    %dma_wait3A_708 = tpu.memref_slice %arg5[%dma_wait3A_705, %dma_wait3A_706, %dma_wait3A_707] : memref<6x128x128xf32, #tpu.memory_space<vmem>> -> memref<1x128x128xf32, #tpu.memory_space<vmem>>
    %dma_wait3A_709 = tpu.memref_squeeze %dma_wait3A_708 : memref<1x128x128xf32, #tpu.memory_space<vmem>> -> memref<128x128xf32, #tpu.memory_space<vmem>>
    %dma_wait3A_710 = arith.constant 0 : i32
    %dma_wait3A_711 = tpu.memref_slice %arg2[%mul3A_695, %dma_wait3A_710] : memref<100000x128xf32, #tpu.memory_space<hbm>> -> memref<128x128xf32, #tpu.memory_space<hbm>>
    %dma_wait3A_712 = arith.constant 0 : i32
    %dma_wait3A_713 = arith.constant 0 : i32
    %dma_wait3A_714 = tpu.memref_slice %arg5[%dma_wait3A_705, %dma_wait3A_712, %dma_wait3A_713] : memref<6x128x128xf32, #tpu.memory_space<vmem>> -> memref<1x128x128xf32, #tpu.memory_space<vmem>>
    %dma_wait3A_715 = tpu.memref_squeeze %dma_wait3A_714 : memref<1x128x128xf32, #tpu.memory_space<vmem>> -> memref<128x128xf32, #tpu.memory_space<vmem>>
    %dma_wait3A_716 = arith.constant 0 : i32
    %dma_wait3A_717 = tpu.memref_slice %arg2[%mul3A_695, %dma_wait3A_716] : memref<100000x128xf32, #tpu.memory_space<hbm>> -> memref<128x128xf32, #tpu.memory_space<hbm>>
    tpu.wait_dma2 semaphore(%arg16 : memref<!tpu.dma_semaphore, #tpu.memory_space<semaphore_mem>>) src(%dma_wait3A_717 : memref<128x128xf32, #tpu.memory_space<hbm>>) dst(%dma_wait3A_715 : memref<128x128xf32, #tpu.memory_space<vmem>>)
    %dma_start3A_718 = arith.constant 5 : i32
    %dma_start3A_719 = arith.constant 5 : i32
    %dma_start3A_720 = arith.constant 0 : i32
    %dma_start3A_721 = arith.constant 0 : i32
    %dma_start3A_722 = tpu.memref_slice %arg5[%dma_start3A_718, %dma_start3A_720, %dma_start3A_721] : memref<6x128x128xf32, #tpu.memory_space<vmem>> -> memref<1x128x128xf32, #tpu.memory_space<vmem>>
    %dma_start3A_723 = tpu.memref_squeeze %dma_start3A_722 : memref<1x128x128xf32, #tpu.memory_space<vmem>> -> memref<128x128xf32, #tpu.memory_space<vmem>>
    %dma_start3A_724 = arith.constant 0 : i32
    %dma_start3A_725 = tpu.memref_slice %arg6[%dma_start3A_719, %dma_start3A_724] : memref<6x128xi32, #tpu.memory_space<vmem>> -> memref<1x128xi32, #tpu.memory_space<vmem>>
    %dma_start3A_726 = tpu.memref_squeeze %dma_start3A_725 : memref<1x128xi32, #tpu.memory_space<vmem>> -> memref<128xi32, #tpu.memory_space<vmem>>
    %dma_start3A_727 = arith.constant 0 : i32
    %dma_start3A_728 = arith.constant 0 : i32
    %dma_start3A_729 = tpu.memref_slice %arg10[%dma_start3A_727, %dma_start3A_728] : memref<64x128xf32, #tpu.memory_space<vmem_shared>> -> memref<64x128xf32, #tpu.memory_space<vmem_shared>>
    tpu.enqueue_indirect_dma source(%dma_start3A_723 : memref<128x128xf32, #tpu.memory_space<vmem>>) target(%dma_start3A_729 : memref<64x128xf32, #tpu.memory_space<vmem_shared>>) offsets(%dma_start3A_726 : memref<128xi32, #tpu.memory_space<vmem>>) semaphore(%arg22 : memref<!tpu.dma_semaphore, #tpu.memory_space<semaphore_mem>>) {add = true}
    %dma_wait3A_730 = arith.constant 4 : i32
    %dma_wait3A_731 = arith.constant 4 : i32
    %dma_wait3A_732 = arith.constant 0 : i32
    %dma_wait3A_733 = arith.constant 0 : i32
    %dma_wait3A_734 = tpu.memref_slice %arg5[%dma_wait3A_730, %dma_wait3A_732, %dma_wait3A_733] : memref<6x128x128xf32, #tpu.memory_space<vmem>> -> memref<1x128x128xf32, #tpu.memory_space<vmem>>
    %dma_wait3A_735 = tpu.memref_squeeze %dma_wait3A_734 : memref<1x128x128xf32, #tpu.memory_space<vmem>> -> memref<128x128xf32, #tpu.memory_space<vmem>>
    %dma_wait3A_736 = arith.constant 0 : i32
    %dma_wait3A_737 = tpu.memref_slice %arg6[%dma_wait3A_731, %dma_wait3A_736] : memref<6x128xi32, #tpu.memory_space<vmem>> -> memref<1x128xi32, #tpu.memory_space<vmem>>
    %dma_wait3A_738 = tpu.memref_squeeze %dma_wait3A_737 : memref<1x128xi32, #tpu.memory_space<vmem>> -> memref<128xi32, #tpu.memory_space<vmem>>
    %dma_wait3A_739 = arith.constant 0 : i32
    %dma_wait3A_740 = arith.constant 0 : i32
    %dma_wait3A_741 = tpu.memref_slice %arg10[%dma_wait3A_739, %dma_wait3A_740] : memref<64x128xf32, #tpu.memory_space<vmem_shared>> -> memref<64x128xf32, #tpu.memory_space<vmem_shared>>
    tpu.wait_indirect_dma semaphore(%arg21 : memref<!tpu.dma_semaphore, #tpu.memory_space<semaphore_mem>>) src(%dma_wait3A_735 : memref<128x128xf32, #tpu.memory_space<vmem>>) dst(%dma_wait3A_741 : memref<64x128xf32, #tpu.memory_space<vmem_shared>>)
    %add3A_742 = arith.constant 320 : i32
    %add3A_743 = arith.addi %add3A, %add3A_742 : i32
    %mul3A_744 = arith.constant 128 : i32
    %mul3A_745 = arith.muli %add3A_743, %mul3A_744 : i32
    %dma_start3A_746 = arith.constant 4 : i32
    %dma_start3A_747 = arith.constant 0 : i32
    %dma_start3A_748 = tpu.memref_slice %arg6[%dma_start3A_746, %dma_start3A_747] : memref<6x128xi32, #tpu.memory_space<vmem>> -> memref<1x128xi32, #tpu.memory_space<vmem>>
    %dma_start3A_749 = tpu.memref_squeeze %dma_start3A_748 : memref<1x128xi32, #tpu.memory_space<vmem>> -> memref<128xi32, #tpu.memory_space<vmem>>
    %dma_start3A_750 = tpu.memref_slice %arg3[%mul3A_745] : memref<100000xi32, #tpu.memory_space<hbm>> -> memref<128xi32, #tpu.memory_space<hbm>>
    %dma_start3A_751 = arith.constant 0 : i32
    %dma_start3A_752 = tpu.memref_slice %arg6[%dma_start3A_746, %dma_start3A_751] : memref<6x128xi32, #tpu.memory_space<vmem>> -> memref<1x128xi32, #tpu.memory_space<vmem>>
    %dma_start3A_753 = tpu.memref_squeeze %dma_start3A_752 : memref<1x128xi32, #tpu.memory_space<vmem>> -> memref<128xi32, #tpu.memory_space<vmem>>
    %dma_start3A_754 = tpu.memref_slice %arg3[%mul3A_745] : memref<100000xi32, #tpu.memory_space<hbm>> -> memref<128xi32, #tpu.memory_space<hbm>>
    tpu.enqueue_dma source(%dma_start3A_754 : memref<128xi32, #tpu.memory_space<hbm>>) target(%dma_start3A_753 : memref<128xi32, #tpu.memory_space<vmem>>) target_semaphore(%arg15 : memref<!tpu.dma_semaphore, #tpu.memory_space<semaphore_mem>>)
    %dma_start3A_755 = arith.constant 4 : i32
    %dma_start3A_756 = arith.constant 0 : i32
    %dma_start3A_757 = arith.constant 0 : i32
    %dma_start3A_758 = tpu.memref_slice %arg5[%dma_start3A_755, %dma_start3A_756, %dma_start3A_757] : memref<6x128x128xf32, #tpu.memory_space<vmem>> -> memref<1x128x128xf32, #tpu.memory_space<vmem>>
    %dma_start3A_759 = tpu.memref_squeeze %dma_start3A_758 : memref<1x128x128xf32, #tpu.memory_space<vmem>> -> memref<128x128xf32, #tpu.memory_space<vmem>>
    %dma_start3A_760 = arith.constant 0 : i32
    %dma_start3A_761 = tpu.memref_slice %arg2[%mul3A_745, %dma_start3A_760] : memref<100000x128xf32, #tpu.memory_space<hbm>> -> memref<128x128xf32, #tpu.memory_space<hbm>>
    %dma_start3A_762 = arith.constant 0 : i32
    %dma_start3A_763 = arith.constant 0 : i32
    %dma_start3A_764 = tpu.memref_slice %arg5[%dma_start3A_755, %dma_start3A_762, %dma_start3A_763] : memref<6x128x128xf32, #tpu.memory_space<vmem>> -> memref<1x128x128xf32, #tpu.memory_space<vmem>>
    %dma_start3A_765 = tpu.memref_squeeze %dma_start3A_764 : memref<1x128x128xf32, #tpu.memory_space<vmem>> -> memref<128x128xf32, #tpu.memory_space<vmem>>
    %dma_start3A_766 = arith.constant 0 : i32
    %dma_start3A_767 = tpu.memref_slice %arg2[%mul3A_745, %dma_start3A_766] : memref<100000x128xf32, #tpu.memory_space<hbm>> -> memref<128x128xf32, #tpu.memory_space<hbm>>
    tpu.enqueue_dma source(%dma_start3A_767 : memref<128x128xf32, #tpu.memory_space<hbm>>) target(%dma_start3A_765 : memref<128x128xf32, #tpu.memory_space<vmem>>) target_semaphore(%arg15 : memref<!tpu.dma_semaphore, #tpu.memory_space<semaphore_mem>>)
    %add3A_768 = arith.constant 192 : i32
    %add3A_769 = arith.addi %add3A, %add3A_768 : i32
    %mul3A_770 = arith.constant 128 : i32
    %mul3A_771 = arith.muli %add3A_769, %mul3A_770 : i32
    %dma_wait3A_772 = arith.constant 0 : i32
    %dma_wait3A_773 = arith.constant 0 : i32
    %dma_wait3A_774 = tpu.memref_slice %arg6[%dma_wait3A_772, %dma_wait3A_773] : memref<6x128xi32, #tpu.memory_space<vmem>> -> memref<1x128xi32, #tpu.memory_space<vmem>>
    %dma_wait3A_775 = tpu.memref_squeeze %dma_wait3A_774 : memref<1x128xi32, #tpu.memory_space<vmem>> -> memref<128xi32, #tpu.memory_space<vmem>>
    %dma_wait3A_776 = tpu.memref_slice %arg3[%mul3A_771] : memref<100000xi32, #tpu.memory_space<hbm>> -> memref<128xi32, #tpu.memory_space<hbm>>
    %dma_wait3A_777 = arith.constant 0 : i32
    %dma_wait3A_778 = tpu.memref_slice %arg6[%dma_wait3A_772, %dma_wait3A_777] : memref<6x128xi32, #tpu.memory_space<vmem>> -> memref<1x128xi32, #tpu.memory_space<vmem>>
    %dma_wait3A_779 = tpu.memref_squeeze %dma_wait3A_778 : memref<1x128xi32, #tpu.memory_space<vmem>> -> memref<128xi32, #tpu.memory_space<vmem>>
    %dma_wait3A_780 = tpu.memref_slice %arg3[%mul3A_771] : memref<100000xi32, #tpu.memory_space<hbm>> -> memref<128xi32, #tpu.memory_space<hbm>>
    tpu.wait_dma2 semaphore(%arg11 : memref<!tpu.dma_semaphore, #tpu.memory_space<semaphore_mem>>) src(%dma_wait3A_780 : memref<128xi32, #tpu.memory_space<hbm>>) dst(%dma_wait3A_779 : memref<128xi32, #tpu.memory_space<vmem>>)
    %dma_wait3A_781 = arith.constant 0 : i32
    %dma_wait3A_782 = arith.constant 0 : i32
    %dma_wait3A_783 = arith.constant 0 : i32
    %dma_wait3A_784 = tpu.memref_slice %arg5[%dma_wait3A_781, %dma_wait3A_782, %dma_wait3A_783] : memref<6x128x128xf32, #tpu.memory_space<vmem>> -> memref<1x128x128xf32, #tpu.memory_space<vmem>>
    %dma_wait3A_785 = tpu.memref_squeeze %dma_wait3A_784 : memref<1x128x128xf32, #tpu.memory_space<vmem>> -> memref<128x128xf32, #tpu.memory_space<vmem>>
    %dma_wait3A_786 = arith.constant 0 : i32
    %dma_wait3A_787 = tpu.memref_slice %arg2[%mul3A_771, %dma_wait3A_786] : memref<100000x128xf32, #tpu.memory_space<hbm>> -> memref<128x128xf32, #tpu.memory_space<hbm>>
    %dma_wait3A_788 = arith.constant 0 : i32
    %dma_wait3A_789 = arith.constant 0 : i32
    %dma_wait3A_790 = tpu.memref_slice %arg5[%dma_wait3A_781, %dma_wait3A_788, %dma_wait3A_789] : memref<6x128x128xf32, #tpu.memory_space<vmem>> -> memref<1x128x128xf32, #tpu.memory_space<vmem>>
    %dma_wait3A_791 = tpu.memref_squeeze %dma_wait3A_790 : memref<1x128x128xf32, #tpu.memory_space<vmem>> -> memref<128x128xf32, #tpu.memory_space<vmem>>
    %dma_wait3A_792 = arith.constant 0 : i32
    %dma_wait3A_793 = tpu.memref_slice %arg2[%mul3A_771, %dma_wait3A_792] : memref<100000x128xf32, #tpu.memory_space<hbm>> -> memref<128x128xf32, #tpu.memory_space<hbm>>
    tpu.wait_dma2 semaphore(%arg11 : memref<!tpu.dma_semaphore, #tpu.memory_space<semaphore_mem>>) src(%dma_wait3A_793 : memref<128x128xf32, #tpu.memory_space<hbm>>) dst(%dma_wait3A_791 : memref<128x128xf32, #tpu.memory_space<vmem>>)
    %dma_start3A_794 = arith.constant 0 : i32
    %dma_start3A_795 = arith.constant 0 : i32
    %dma_start3A_796 = arith.constant 0 : i32
    %dma_start3A_797 = arith.constant 0 : i32
    %dma_start3A_798 = tpu.memref_slice %arg5[%dma_start3A_794, %dma_start3A_796, %dma_start3A_797] : memref<6x128x128xf32, #tpu.memory_space<vmem>> -> memref<1x128x128xf32, #tpu.memory_space<vmem>>
    %dma_start3A_799 = tpu.memref_squeeze %dma_start3A_798 : memref<1x128x128xf32, #tpu.memory_space<vmem>> -> memref<128x128xf32, #tpu.memory_space<vmem>>
    %dma_start3A_800 = arith.constant 0 : i32
    %dma_start3A_801 = tpu.memref_slice %arg6[%dma_start3A_795, %dma_start3A_800] : memref<6x128xi32, #tpu.memory_space<vmem>> -> memref<1x128xi32, #tpu.memory_space<vmem>>
    %dma_start3A_802 = tpu.memref_squeeze %dma_start3A_801 : memref<1x128xi32, #tpu.memory_space<vmem>> -> memref<128xi32, #tpu.memory_space<vmem>>
    %dma_start3A_803 = arith.constant 0 : i32
    %dma_start3A_804 = arith.constant 0 : i32
    %dma_start3A_805 = tpu.memref_slice %arg10[%dma_start3A_803, %dma_start3A_804] : memref<64x128xf32, #tpu.memory_space<vmem_shared>> -> memref<64x128xf32, #tpu.memory_space<vmem_shared>>
    tpu.enqueue_indirect_dma source(%dma_start3A_799 : memref<128x128xf32, #tpu.memory_space<vmem>>) target(%dma_start3A_805 : memref<64x128xf32, #tpu.memory_space<vmem_shared>>) offsets(%dma_start3A_802 : memref<128xi32, #tpu.memory_space<vmem>>) semaphore(%arg17 : memref<!tpu.dma_semaphore, #tpu.memory_space<semaphore_mem>>) {add = true}
    %dma_wait3A_806 = arith.constant 5 : i32
    %dma_wait3A_807 = arith.constant 5 : i32
    %dma_wait3A_808 = arith.constant 0 : i32
    %dma_wait3A_809 = arith.constant 0 : i32
    %dma_wait3A_810 = tpu.memref_slice %arg5[%dma_wait3A_806, %dma_wait3A_808, %dma_wait3A_809] : memref<6x128x128xf32, #tpu.memory_space<vmem>> -> memref<1x128x128xf32, #tpu.memory_space<vmem>>
    %dma_wait3A_811 = tpu.memref_squeeze %dma_wait3A_810 : memref<1x128x128xf32, #tpu.memory_space<vmem>> -> memref<128x128xf32, #tpu.memory_space<vmem>>
    %dma_wait3A_812 = arith.constant 0 : i32
    %dma_wait3A_813 = tpu.memref_slice %arg6[%dma_wait3A_807, %dma_wait3A_812] : memref<6x128xi32, #tpu.memory_space<vmem>> -> memref<1x128xi32, #tpu.memory_space<vmem>>
    %dma_wait3A_814 = tpu.memref_squeeze %dma_wait3A_813 : memref<1x128xi32, #tpu.memory_space<vmem>> -> memref<128xi32, #tpu.memory_space<vmem>>
    %dma_wait3A_815 = arith.constant 0 : i32
    %dma_wait3A_816 = arith.constant 0 : i32
    %dma_wait3A_817 = tpu.memref_slice %arg10[%dma_wait3A_815, %dma_wait3A_816] : memref<64x128xf32, #tpu.memory_space<vmem_shared>> -> memref<64x128xf32, #tpu.memory_space<vmem_shared>>
    tpu.wait_indirect_dma semaphore(%arg22 : memref<!tpu.dma_semaphore, #tpu.memory_space<semaphore_mem>>) src(%dma_wait3A_811 : memref<128x128xf32, #tpu.memory_space<vmem>>) dst(%dma_wait3A_817 : memref<64x128xf32, #tpu.memory_space<vmem_shared>>)
    %add3A_818 = arith.constant 352 : i32
    %add3A_819 = arith.addi %add3A, %add3A_818 : i32
    %mul3A_820 = arith.constant 128 : i32
    %mul3A_821 = arith.muli %add3A_819, %mul3A_820 : i32
    %dma_start3A_822 = arith.constant 5 : i32
    %dma_start3A_823 = arith.constant 0 : i32
    %dma_start3A_824 = tpu.memref_slice %arg6[%dma_start3A_822, %dma_start3A_823] : memref<6x128xi32, #tpu.memory_space<vmem>> -> memref<1x128xi32, #tpu.memory_space<vmem>>
    %dma_start3A_825 = tpu.memref_squeeze %dma_start3A_824 : memref<1x128xi32, #tpu.memory_space<vmem>> -> memref<128xi32, #tpu.memory_space<vmem>>
    %dma_start3A_826 = tpu.memref_slice %arg3[%mul3A_821] : memref<100000xi32, #tpu.memory_space<hbm>> -> memref<128xi32, #tpu.memory_space<hbm>>
    %dma_start3A_827 = arith.constant 0 : i32
    %dma_start3A_828 = tpu.memref_slice %arg6[%dma_start3A_822, %dma_start3A_827] : memref<6x128xi32, #tpu.memory_space<vmem>> -> memref<1x128xi32, #tpu.memory_space<vmem>>
    %dma_start3A_829 = tpu.memref_squeeze %dma_start3A_828 : memref<1x128xi32, #tpu.memory_space<vmem>> -> memref<128xi32, #tpu.memory_space<vmem>>
    %dma_start3A_830 = tpu.memref_slice %arg3[%mul3A_821] : memref<100000xi32, #tpu.memory_space<hbm>> -> memref<128xi32, #tpu.memory_space<hbm>>
    tpu.enqueue_dma source(%dma_start3A_830 : memref<128xi32, #tpu.memory_space<hbm>>) target(%dma_start3A_829 : memref<128xi32, #tpu.memory_space<vmem>>) target_semaphore(%arg16 : memref<!tpu.dma_semaphore, #tpu.memory_space<semaphore_mem>>)
    %dma_start3A_831 = arith.constant 5 : i32
    %dma_start3A_832 = arith.constant 0 : i32
    %dma_start3A_833 = arith.constant 0 : i32
    %dma_start3A_834 = tpu.memref_slice %arg5[%dma_start3A_831, %dma_start3A_832, %dma_start3A_833] : memref<6x128x128xf32, #tpu.memory_space<vmem>> -> memref<1x128x128xf32, #tpu.memory_space<vmem>>
    %dma_start3A_835 = tpu.memref_squeeze %dma_start3A_834 : memref<1x128x128xf32, #tpu.memory_space<vmem>> -> memref<128x128xf32, #tpu.memory_space<vmem>>
    %dma_start3A_836 = arith.constant 0 : i32
    %dma_start3A_837 = tpu.memref_slice %arg2[%mul3A_821, %dma_start3A_836] : memref<100000x128xf32, #tpu.memory_space<hbm>> -> memref<128x128xf32, #tpu.memory_space<hbm>>
    %dma_start3A_838 = arith.constant 0 : i32
    %dma_start3A_839 = arith.constant 0 : i32
    %dma_start3A_840 = tpu.memref_slice %arg5[%dma_start3A_831, %dma_start3A_838, %dma_start3A_839] : memref<6x128x128xf32, #tpu.memory_space<vmem>> -> memref<1x128x128xf32, #tpu.memory_space<vmem>>
    %dma_start3A_841 = tpu.memref_squeeze %dma_start3A_840 : memref<1x128x128xf32, #tpu.memory_space<vmem>> -> memref<128x128xf32, #tpu.memory_space<vmem>>
    %dma_start3A_842 = arith.constant 0 : i32
    %dma_start3A_843 = tpu.memref_slice %arg2[%mul3A_821, %dma_start3A_842] : memref<100000x128xf32, #tpu.memory_space<hbm>> -> memref<128x128xf32, #tpu.memory_space<hbm>>
    tpu.enqueue_dma source(%dma_start3A_843 : memref<128x128xf32, #tpu.memory_space<hbm>>) target(%dma_start3A_841 : memref<128x128xf32, #tpu.memory_space<vmem>>) target_semaphore(%arg16 : memref<!tpu.dma_semaphore, #tpu.memory_space<semaphore_mem>>)
    %add3A_844 = arith.constant 224 : i32
    %add3A_845 = arith.addi %add3A, %add3A_844 : i32
    %mul3A_846 = arith.constant 128 : i32
    %mul3A_847 = arith.muli %add3A_845, %mul3A_846 : i32
    %dma_wait3A_848 = arith.constant 1 : i32
    %dma_wait3A_849 = arith.constant 0 : i32
    %dma_wait3A_850 = tpu.memref_slice %arg6[%dma_wait3A_848, %dma_wait3A_849] : memref<6x128xi32, #tpu.memory_space<vmem>> -> memref<1x128xi32, #tpu.memory_space<vmem>>
    %dma_wait3A_851 = tpu.memref_squeeze %dma_wait3A_850 : memref<1x128xi32, #tpu.memory_space<vmem>> -> memref<128xi32, #tpu.memory_space<vmem>>
    %dma_wait3A_852 = tpu.memref_slice %arg3[%mul3A_847] : memref<100000xi32, #tpu.memory_space<hbm>> -> memref<128xi32, #tpu.memory_space<hbm>>
    %dma_wait3A_853 = arith.constant 0 : i32
    %dma_wait3A_854 = tpu.memref_slice %arg6[%dma_wait3A_848, %dma_wait3A_853] : memref<6x128xi32, #tpu.memory_space<vmem>> -> memref<1x128xi32, #tpu.memory_space<vmem>>
    %dma_wait3A_855 = tpu.memref_squeeze %dma_wait3A_854 : memref<1x128xi32, #tpu.memory_space<vmem>> -> memref<128xi32, #tpu.memory_space<vmem>>
    %dma_wait3A_856 = tpu.memref_slice %arg3[%mul3A_847] : memref<100000xi32, #tpu.memory_space<hbm>> -> memref<128xi32, #tpu.memory_space<hbm>>
    tpu.wait_dma2 semaphore(%arg12 : memref<!tpu.dma_semaphore, #tpu.memory_space<semaphore_mem>>) src(%dma_wait3A_856 : memref<128xi32, #tpu.memory_space<hbm>>) dst(%dma_wait3A_855 : memref<128xi32, #tpu.memory_space<vmem>>)
    %dma_wait3A_857 = arith.constant 1 : i32
    %dma_wait3A_858 = arith.constant 0 : i32
    %dma_wait3A_859 = arith.constant 0 : i32
    %dma_wait3A_860 = tpu.memref_slice %arg5[%dma_wait3A_857, %dma_wait3A_858, %dma_wait3A_859] : memref<6x128x128xf32, #tpu.memory_space<vmem>> -> memref<1x128x128xf32, #tpu.memory_space<vmem>>
    %dma_wait3A_861 = tpu.memref_squeeze %dma_wait3A_860 : memref<1x128x128xf32, #tpu.memory_space<vmem>> -> memref<128x128xf32, #tpu.memory_space<vmem>>
    %dma_wait3A_862 = arith.constant 0 : i32
    %dma_wait3A_863 = tpu.memref_slice %arg2[%mul3A_847, %dma_wait3A_862] : memref<100000x128xf32, #tpu.memory_space<hbm>> -> memref<128x128xf32, #tpu.memory_space<hbm>>
    %dma_wait3A_864 = arith.constant 0 : i32
    %dma_wait3A_865 = arith.constant 0 : i32
    %dma_wait3A_866 = tpu.memref_slice %arg5[%dma_wait3A_857, %dma_wait3A_864, %dma_wait3A_865] : memref<6x128x128xf32, #tpu.memory_space<vmem>> -> memref<1x128x128xf32, #tpu.memory_space<vmem>>
    %dma_wait3A_867 = tpu.memref_squeeze %dma_wait3A_866 : memref<1x128x128xf32, #tpu.memory_space<vmem>> -> memref<128x128xf32, #tpu.memory_space<vmem>>
    %dma_wait3A_868 = arith.constant 0 : i32
    %dma_wait3A_869 = tpu.memref_slice %arg2[%mul3A_847, %dma_wait3A_868] : memref<100000x128xf32, #tpu.memory_space<hbm>> -> memref<128x128xf32, #tpu.memory_space<hbm>>
    tpu.wait_dma2 semaphore(%arg12 : memref<!tpu.dma_semaphore, #tpu.memory_space<semaphore_mem>>) src(%dma_wait3A_869 : memref<128x128xf32, #tpu.memory_space<hbm>>) dst(%dma_wait3A_867 : memref<128x128xf32, #tpu.memory_space<vmem>>)
    %dma_start3A_870 = arith.constant 1 : i32
    %dma_start3A_871 = arith.constant 1 : i32
    %dma_start3A_872 = arith.constant 0 : i32
    %dma_start3A_873 = arith.constant 0 : i32
    %dma_start3A_874 = tpu.memref_slice %arg5[%dma_start3A_870, %dma_start3A_872, %dma_start3A_873] : memref<6x128x128xf32, #tpu.memory_space<vmem>> -> memref<1x128x128xf32, #tpu.memory_space<vmem>>
    %dma_start3A_875 = tpu.memref_squeeze %dma_start3A_874 : memref<1x128x128xf32, #tpu.memory_space<vmem>> -> memref<128x128xf32, #tpu.memory_space<vmem>>
    %dma_start3A_876 = arith.constant 0 : i32
    %dma_start3A_877 = tpu.memref_slice %arg6[%dma_start3A_871, %dma_start3A_876] : memref<6x128xi32, #tpu.memory_space<vmem>> -> memref<1x128xi32, #tpu.memory_space<vmem>>
    %dma_start3A_878 = tpu.memref_squeeze %dma_start3A_877 : memref<1x128xi32, #tpu.memory_space<vmem>> -> memref<128xi32, #tpu.memory_space<vmem>>
    %dma_start3A_879 = arith.constant 0 : i32
    %dma_start3A_880 = arith.constant 0 : i32
    %dma_start3A_881 = tpu.memref_slice %arg10[%dma_start3A_879, %dma_start3A_880] : memref<64x128xf32, #tpu.memory_space<vmem_shared>> -> memref<64x128xf32, #tpu.memory_space<vmem_shared>>
    tpu.enqueue_indirect_dma source(%dma_start3A_875 : memref<128x128xf32, #tpu.memory_space<vmem>>) target(%dma_start3A_881 : memref<64x128xf32, #tpu.memory_space<vmem_shared>>) offsets(%dma_start3A_878 : memref<128xi32, #tpu.memory_space<vmem>>) semaphore(%arg18 : memref<!tpu.dma_semaphore, #tpu.memory_space<semaphore_mem>>) {add = true}
    %dma_wait3A_882 = arith.constant 0 : i32
    %dma_wait3A_883 = arith.constant 0 : i32
    %dma_wait3A_884 = arith.constant 0 : i32
    %dma_wait3A_885 = arith.constant 0 : i32
    %dma_wait3A_886 = tpu.memref_slice %arg5[%dma_wait3A_882, %dma_wait3A_884, %dma_wait3A_885] : memref<6x128x128xf32, #tpu.memory_space<vmem>> -> memref<1x128x128xf32, #tpu.memory_space<vmem>>
    %dma_wait3A_887 = tpu.memref_squeeze %dma_wait3A_886 : memref<1x128x128xf32, #tpu.memory_space<vmem>> -> memref<128x128xf32, #tpu.memory_space<vmem>>
    %dma_wait3A_888 = arith.constant 0 : i32
    %dma_wait3A_889 = tpu.memref_slice %arg6[%dma_wait3A_883, %dma_wait3A_888] : memref<6x128xi32, #tpu.memory_space<vmem>> -> memref<1x128xi32, #tpu.memory_space<vmem>>
    %dma_wait3A_890 = tpu.memref_squeeze %dma_wait3A_889 : memref<1x128xi32, #tpu.memory_space<vmem>> -> memref<128xi32, #tpu.memory_space<vmem>>
    %dma_wait3A_891 = arith.constant 0 : i32
    %dma_wait3A_892 = arith.constant 0 : i32
    %dma_wait3A_893 = tpu.memref_slice %arg10[%dma_wait3A_891, %dma_wait3A_892] : memref<64x128xf32, #tpu.memory_space<vmem_shared>> -> memref<64x128xf32, #tpu.memory_space<vmem_shared>>
    tpu.wait_indirect_dma semaphore(%arg17 : memref<!tpu.dma_semaphore, #tpu.memory_space<semaphore_mem>>) src(%dma_wait3A_887 : memref<128x128xf32, #tpu.memory_space<vmem>>) dst(%dma_wait3A_893 : memref<64x128xf32, #tpu.memory_space<vmem_shared>>)
    %add3A_894 = arith.constant 384 : i32
    %add3A_895 = arith.addi %add3A, %add3A_894 : i32
    %mul3A_896 = arith.constant 128 : i32
    %mul3A_897 = arith.muli %add3A_895, %mul3A_896 : i32
    %dma_start3A_898 = arith.constant 0 : i32
    %dma_start3A_899 = arith.constant 0 : i32
    %dma_start3A_900 = tpu.memref_slice %arg6[%dma_start3A_898, %dma_start3A_899] : memref<6x128xi32, #tpu.memory_space<vmem>> -> memref<1x128xi32, #tpu.memory_space<vmem>>
    %dma_start3A_901 = tpu.memref_squeeze %dma_start3A_900 : memref<1x128xi32, #tpu.memory_space<vmem>> -> memref<128xi32, #tpu.memory_space<vmem>>
    %dma_start3A_902 = tpu.memref_slice %arg3[%mul3A_897] : memref<100000xi32, #tpu.memory_space<hbm>> -> memref<128xi32, #tpu.memory_space<hbm>>
    %dma_start3A_903 = arith.constant 0 : i32
    %dma_start3A_904 = tpu.memref_slice %arg6[%dma_start3A_898, %dma_start3A_903] : memref<6x128xi32, #tpu.memory_space<vmem>> -> memref<1x128xi32, #tpu.memory_space<vmem>>
    %dma_start3A_905 = tpu.memref_squeeze %dma_start3A_904 : memref<1x128xi32, #tpu.memory_space<vmem>> -> memref<128xi32, #tpu.memory_space<vmem>>
    %dma_start3A_906 = tpu.memref_slice %arg3[%mul3A_897] : memref<100000xi32, #tpu.memory_space<hbm>> -> memref<128xi32, #tpu.memory_space<hbm>>
    tpu.enqueue_dma source(%dma_start3A_906 : memref<128xi32, #tpu.memory_space<hbm>>) target(%dma_start3A_905 : memref<128xi32, #tpu.memory_space<vmem>>) target_semaphore(%arg11 : memref<!tpu.dma_semaphore, #tpu.memory_space<semaphore_mem>>)
    %dma_start3A_907 = arith.constant 0 : i32
    %dma_start3A_908 = arith.constant 0 : i32
    %dma_start3A_909 = arith.constant 0 : i32
    %dma_start3A_910 = tpu.memref_slice %arg5[%dma_start3A_907, %dma_start3A_908, %dma_start3A_909] : memref<6x128x128xf32, #tpu.memory_space<vmem>> -> memref<1x128x128xf32, #tpu.memory_space<vmem>>
    %dma_start3A_911 = tpu.memref_squeeze %dma_start3A_910 : memref<1x128x128xf32, #tpu.memory_space<vmem>> -> memref<128x128xf32, #tpu.memory_space<vmem>>
    %dma_start3A_912 = arith.constant 0 : i32
    %dma_start3A_913 = tpu.memref_slice %arg2[%mul3A_897, %dma_start3A_912] : memref<100000x128xf32, #tpu.memory_space<hbm>> -> memref<128x128xf32, #tpu.memory_space<hbm>>
    %dma_start3A_914 = arith.constant 0 : i32
    %dma_start3A_915 = arith.constant 0 : i32
    %dma_start3A_916 = tpu.memref_slice %arg5[%dma_start3A_907, %dma_start3A_914, %dma_start3A_915] : memref<6x128x128xf32, #tpu.memory_space<vmem>> -> memref<1x128x128xf32, #tpu.memory_space<vmem>>
    %dma_start3A_917 = tpu.memref_squeeze %dma_start3A_916 : memref<1x128x128xf32, #tpu.memory_space<vmem>> -> memref<128x128xf32, #tpu.memory_space<vmem>>
    %dma_start3A_918 = arith.constant 0 : i32
    %dma_start3A_919 = tpu.memref_slice %arg2[%mul3A_897, %dma_start3A_918] : memref<100000x128xf32, #tpu.memory_space<hbm>> -> memref<128x128xf32, #tpu.memory_space<hbm>>
    tpu.enqueue_dma source(%dma_start3A_919 : memref<128x128xf32, #tpu.memory_space<hbm>>) target(%dma_start3A_917 : memref<128x128xf32, #tpu.memory_space<vmem>>) target_semaphore(%arg11 : memref<!tpu.dma_semaphore, #tpu.memory_space<semaphore_mem>>)
    %add3A_920 = arith.constant 256 : i32
    %add3A_921 = arith.addi %add3A, %add3A_920 : i32
    %mul3A_922 = arith.constant 128 : i32
    %mul3A_923 = arith.muli %add3A_921, %mul3A_922 : i32
    %dma_wait3A_924 = arith.constant 2 : i32
    %dma_wait3A_925 = arith.constant 0 : i32
    %dma_wait3A_926 = tpu.memref_slice %arg6[%dma_wait3A_924, %dma_wait3A_925] : memref<6x128xi32, #tpu.memory_space<vmem>> -> memref<1x128xi32, #tpu.memory_space<vmem>>
    %dma_wait3A_927 = tpu.memref_squeeze %dma_wait3A_926 : memref<1x128xi32, #tpu.memory_space<vmem>> -> memref<128xi32, #tpu.memory_space<vmem>>
    %dma_wait3A_928 = tpu.memref_slice %arg3[%mul3A_923] : memref<100000xi32, #tpu.memory_space<hbm>> -> memref<128xi32, #tpu.memory_space<hbm>>
    %dma_wait3A_929 = arith.constant 0 : i32
    %dma_wait3A_930 = tpu.memref_slice %arg6[%dma_wait3A_924, %dma_wait3A_929] : memref<6x128xi32, #tpu.memory_space<vmem>> -> memref<1x128xi32, #tpu.memory_space<vmem>>
    %dma_wait3A_931 = tpu.memref_squeeze %dma_wait3A_930 : memref<1x128xi32, #tpu.memory_space<vmem>> -> memref<128xi32, #tpu.memory_space<vmem>>
    %dma_wait3A_932 = tpu.memref_slice %arg3[%mul3A_923] : memref<100000xi32, #tpu.memory_space<hbm>> -> memref<128xi32, #tpu.memory_space<hbm>>
    tpu.wait_dma2 semaphore(%arg13 : memref<!tpu.dma_semaphore, #tpu.memory_space<semaphore_mem>>) src(%dma_wait3A_932 : memref<128xi32, #tpu.memory_space<hbm>>) dst(%dma_wait3A_931 : memref<128xi32, #tpu.memory_space<vmem>>)
    %dma_wait3A_933 = arith.constant 2 : i32
    %dma_wait3A_934 = arith.constant 0 : i32
    %dma_wait3A_935 = arith.constant 0 : i32
    %dma_wait3A_936 = tpu.memref_slice %arg5[%dma_wait3A_933, %dma_wait3A_934, %dma_wait3A_935] : memref<6x128x128xf32, #tpu.memory_space<vmem>> -> memref<1x128x128xf32, #tpu.memory_space<vmem>>
    %dma_wait3A_937 = tpu.memref_squeeze %dma_wait3A_936 : memref<1x128x128xf32, #tpu.memory_space<vmem>> -> memref<128x128xf32, #tpu.memory_space<vmem>>
    %dma_wait3A_938 = arith.constant 0 : i32
    %dma_wait3A_939 = tpu.memref_slice %arg2[%mul3A_923, %dma_wait3A_938] : memref<100000x128xf32, #tpu.memory_space<hbm>> -> memref<128x128xf32, #tpu.memory_space<hbm>>
    %dma_wait3A_940 = arith.constant 0 : i32
    %dma_wait3A_941 = arith.constant 0 : i32
    %dma_wait3A_942 = tpu.memref_slice %arg5[%dma_wait3A_933, %dma_wait3A_940, %dma_wait3A_941] : memref<6x128x128xf32, #tpu.memory_space<vmem>> -> memref<1x128x128xf32, #tpu.memory_space<vmem>>
    %dma_wait3A_943 = tpu.memref_squeeze %dma_wait3A_942 : memref<1x128x128xf32, #tpu.memory_space<vmem>> -> memref<128x128xf32, #tpu.memory_space<vmem>>
    %dma_wait3A_944 = arith.constant 0 : i32
    %dma_wait3A_945 = tpu.memref_slice %arg2[%mul3A_923, %dma_wait3A_944] : memref<100000x128xf32, #tpu.memory_space<hbm>> -> memref<128x128xf32, #tpu.memory_space<hbm>>
    tpu.wait_dma2 semaphore(%arg13 : memref<!tpu.dma_semaphore, #tpu.memory_space<semaphore_mem>>) src(%dma_wait3A_945 : memref<128x128xf32, #tpu.memory_space<hbm>>) dst(%dma_wait3A_943 : memref<128x128xf32, #tpu.memory_space<vmem>>)
    %dma_start3A_946 = arith.constant 2 : i32
    %dma_start3A_947 = arith.constant 2 : i32
    %dma_start3A_948 = arith.constant 0 : i32
    %dma_start3A_949 = arith.constant 0 : i32
    %dma_start3A_950 = tpu.memref_slice %arg5[%dma_start3A_946, %dma_start3A_948, %dma_start3A_949] : memref<6x128x128xf32, #tpu.memory_space<vmem>> -> memref<1x128x128xf32, #tpu.memory_space<vmem>>
    %dma_start3A_951 = tpu.memref_squeeze %dma_start3A_950 : memref<1x128x128xf32, #tpu.memory_space<vmem>> -> memref<128x128xf32, #tpu.memory_space<vmem>>
    %dma_start3A_952 = arith.constant 0 : i32
    %dma_start3A_953 = tpu.memref_slice %arg6[%dma_start3A_947, %dma_start3A_952] : memref<6x128xi32, #tpu.memory_space<vmem>> -> memref<1x128xi32, #tpu.memory_space<vmem>>
    %dma_start3A_954 = tpu.memref_squeeze %dma_start3A_953 : memref<1x128xi32, #tpu.memory_space<vmem>> -> memref<128xi32, #tpu.memory_space<vmem>>
    %dma_start3A_955 = arith.constant 0 : i32
    %dma_start3A_956 = arith.constant 0 : i32
    %dma_start3A_957 = tpu.memref_slice %arg10[%dma_start3A_955, %dma_start3A_956] : memref<64x128xf32, #tpu.memory_space<vmem_shared>> -> memref<64x128xf32, #tpu.memory_space<vmem_shared>>
    tpu.enqueue_indirect_dma source(%dma_start3A_951 : memref<128x128xf32, #tpu.memory_space<vmem>>) target(%dma_start3A_957 : memref<64x128xf32, #tpu.memory_space<vmem_shared>>) offsets(%dma_start3A_954 : memref<128xi32, #tpu.memory_space<vmem>>) semaphore(%arg19 : memref<!tpu.dma_semaphore, #tpu.memory_space<semaphore_mem>>) {add = true}
    %dma_wait3A_958 = arith.constant 1 : i32
    %dma_wait3A_959 = arith.constant 1 : i32
    %dma_wait3A_960 = arith.constant 0 : i32
    %dma_wait3A_961 = arith.constant 0 : i32
    %dma_wait3A_962 = tpu.memref_slice %arg5[%dma_wait3A_958, %dma_wait3A_960, %dma_wait3A_961] : memref<6x128x128xf32, #tpu.memory_space<vmem>> -> memref<1x128x128xf32, #tpu.memory_space<vmem>>
    %dma_wait3A_963 = tpu.memref_squeeze %dma_wait3A_962 : memref<1x128x128xf32, #tpu.memory_space<vmem>> -> memref<128x128xf32, #tpu.memory_space<vmem>>
    %dma_wait3A_964 = arith.constant 0 : i32
    %dma_wait3A_965 = tpu.memref_slice %arg6[%dma_wait3A_959, %dma_wait3A_964] : memref<6x128xi32, #tpu.memory_space<vmem>> -> memref<1x128xi32, #tpu.memory_space<vmem>>
    %dma_wait3A_966 = tpu.memref_squeeze %dma_wait3A_965 : memref<1x128xi32, #tpu.memory_space<vmem>> -> memref<128xi32, #tpu.memory_space<vmem>>
    %dma_wait3A_967 = arith.constant 0 : i32
    %dma_wait3A_968 = arith.constant 0 : i32
    %dma_wait3A_969 = tpu.memref_slice %arg10[%dma_wait3A_967, %dma_wait3A_968] : memref<64x128xf32, #tpu.memory_space<vmem_shared>> -> memref<64x128xf32, #tpu.memory_space<vmem_shared>>
    tpu.wait_indirect_dma semaphore(%arg18 : memref<!tpu.dma_semaphore, #tpu.memory_space<semaphore_mem>>) src(%dma_wait3A_963 : memref<128x128xf32, #tpu.memory_space<vmem>>) dst(%dma_wait3A_969 : memref<64x128xf32, #tpu.memory_space<vmem_shared>>)
    %add3A_970 = arith.constant 416 : i32
    %add3A_971 = arith.addi %add3A, %add3A_970 : i32
    %mul3A_972 = arith.constant 128 : i32
    %mul3A_973 = arith.muli %add3A_971, %mul3A_972 : i32
    %dma_start3A_974 = arith.constant 1 : i32
    %dma_start3A_975 = arith.constant 0 : i32
    %dma_start3A_976 = tpu.memref_slice %arg6[%dma_start3A_974, %dma_start3A_975] : memref<6x128xi32, #tpu.memory_space<vmem>> -> memref<1x128xi32, #tpu.memory_space<vmem>>
    %dma_start3A_977 = tpu.memref_squeeze %dma_start3A_976 : memref<1x128xi32, #tpu.memory_space<vmem>> -> memref<128xi32, #tpu.memory_space<vmem>>
    %dma_start3A_978 = tpu.memref_slice %arg3[%mul3A_973] : memref<100000xi32, #tpu.memory_space<hbm>> -> memref<128xi32, #tpu.memory_space<hbm>>
    %dma_start3A_979 = arith.constant 0 : i32
    %dma_start3A_980 = tpu.memref_slice %arg6[%dma_start3A_974, %dma_start3A_979] : memref<6x128xi32, #tpu.memory_space<vmem>> -> memref<1x128xi32, #tpu.memory_space<vmem>>
    %dma_start3A_981 = tpu.memref_squeeze %dma_start3A_980 : memref<1x128xi32, #tpu.memory_space<vmem>> -> memref<128xi32, #tpu.memory_space<vmem>>
    %dma_start3A_982 = tpu.memref_slice %arg3[%mul3A_973] : memref<100000xi32, #tpu.memory_space<hbm>> -> memref<128xi32, #tpu.memory_space<hbm>>
    tpu.enqueue_dma source(%dma_start3A_982 : memref<128xi32, #tpu.memory_space<hbm>>) target(%dma_start3A_981 : memref<128xi32, #tpu.memory_space<vmem>>) target_semaphore(%arg12 : memref<!tpu.dma_semaphore, #tpu.memory_space<semaphore_mem>>)
    %dma_start3A_983 = arith.constant 1 : i32
    %dma_start3A_984 = arith.constant 0 : i32
    %dma_start3A_985 = arith.constant 0 : i32
    %dma_start3A_986 = tpu.memref_slice %arg5[%dma_start3A_983, %dma_start3A_984, %dma_start3A_985] : memref<6x128x128xf32, #tpu.memory_space<vmem>> -> memref<1x128x128xf32, #tpu.memory_space<vmem>>
    %dma_start3A_987 = tpu.memref_squeeze %dma_start3A_986 : memref<1x128x128xf32, #tpu.memory_space<vmem>> -> memref<128x128xf32, #tpu.memory_space<vmem>>
    %dma_start3A_988 = arith.constant 0 : i32
    %dma_start3A_989 = tpu.memref_slice %arg2[%mul3A_973, %dma_start3A_988] : memref<100000x128xf32, #tpu.memory_space<hbm>> -> memref<128x128xf32, #tpu.memory_space<hbm>>
    %dma_start3A_990 = arith.constant 0 : i32
    %dma_start3A_991 = arith.constant 0 : i32
    %dma_start3A_992 = tpu.memref_slice %arg5[%dma_start3A_983, %dma_start3A_990, %dma_start3A_991] : memref<6x128x128xf32, #tpu.memory_space<vmem>> -> memref<1x128x128xf32, #tpu.memory_space<vmem>>
    %dma_start3A_993 = tpu.memref_squeeze %dma_start3A_992 : memref<1x128x128xf32, #tpu.memory_space<vmem>> -> memref<128x128xf32, #tpu.memory_space<vmem>>
    %dma_start3A_994 = arith.constant 0 : i32
    %dma_start3A_995 = tpu.memref_slice %arg2[%mul3A_973, %dma_start3A_994] : memref<100000x128xf32, #tpu.memory_space<hbm>> -> memref<128x128xf32, #tpu.memory_space<hbm>>
    tpu.enqueue_dma source(%dma_start3A_995 : memref<128x128xf32, #tpu.memory_space<hbm>>) target(%dma_start3A_993 : memref<128x128xf32, #tpu.memory_space<vmem>>) target_semaphore(%arg12 : memref<!tpu.dma_semaphore, #tpu.memory_space<semaphore_mem>>)
    %add3A_996 = arith.constant 288 : i32
    %add3A_997 = arith.addi %add3A, %add3A_996 : i32
    %mul3A_998 = arith.constant 128 : i32
    %mul3A_999 = arith.muli %add3A_997, %mul3A_998 : i32
    %dma_wait3A_1000 = arith.constant 3 : i32
    %dma_wait3A_1001 = arith.constant 0 : i32
    %dma_wait3A_1002 = tpu.memref_slice %arg6[%dma_wait3A_1000, %dma_wait3A_1001] : memref<6x128xi32, #tpu.memory_space<vmem>> -> memref<1x128xi32, #tpu.memory_space<vmem>>
    %dma_wait3A_1003 = tpu.memref_squeeze %dma_wait3A_1002 : memref<1x128xi32, #tpu.memory_space<vmem>> -> memref<128xi32, #tpu.memory_space<vmem>>
    %dma_wait3A_1004 = tpu.memref_slice %arg3[%mul3A_999] : memref<100000xi32, #tpu.memory_space<hbm>> -> memref<128xi32, #tpu.memory_space<hbm>>
    %dma_wait3A_1005 = arith.constant 0 : i32
    %dma_wait3A_1006 = tpu.memref_slice %arg6[%dma_wait3A_1000, %dma_wait3A_1005] : memref<6x128xi32, #tpu.memory_space<vmem>> -> memref<1x128xi32, #tpu.memory_space<vmem>>
    %dma_wait3A_1007 = tpu.memref_squeeze %dma_wait3A_1006 : memref<1x128xi32, #tpu.memory_space<vmem>> -> memref<128xi32, #tpu.memory_space<vmem>>
    %dma_wait3A_1008 = tpu.memref_slice %arg3[%mul3A_999] : memref<100000xi32, #tpu.memory_space<hbm>> -> memref<128xi32, #tpu.memory_space<hbm>>
    tpu.wait_dma2 semaphore(%arg14 : memref<!tpu.dma_semaphore, #tpu.memory_space<semaphore_mem>>) src(%dma_wait3A_1008 : memref<128xi32, #tpu.memory_space<hbm>>) dst(%dma_wait3A_1007 : memref<128xi32, #tpu.memory_space<vmem>>)
    %dma_wait3A_1009 = arith.constant 3 : i32
    %dma_wait3A_1010 = arith.constant 0 : i32
    %dma_wait3A_1011 = arith.constant 0 : i32
    %dma_wait3A_1012 = tpu.memref_slice %arg5[%dma_wait3A_1009, %dma_wait3A_1010, %dma_wait3A_1011] : memref<6x128x128xf32, #tpu.memory_space<vmem>> -> memref<1x128x128xf32, #tpu.memory_space<vmem>>
    %dma_wait3A_1013 = tpu.memref_squeeze %dma_wait3A_1012 : memref<1x128x128xf32, #tpu.memory_space<vmem>> -> memref<128x128xf32, #tpu.memory_space<vmem>>
    %dma_wait3A_1014 = arith.constant 0 : i32
    %dma_wait3A_1015 = tpu.memref_slice %arg2[%mul3A_999, %dma_wait3A_1014] : memref<100000x128xf32, #tpu.memory_space<hbm>> -> memref<128x128xf32, #tpu.memory_space<hbm>>
    %dma_wait3A_1016 = arith.constant 0 : i32
    %dma_wait3A_1017 = arith.constant 0 : i32
    %dma_wait3A_1018 = tpu.memref_slice %arg5[%dma_wait3A_1009, %dma_wait3A_1016, %dma_wait3A_1017] : memref<6x128x128xf32, #tpu.memory_space<vmem>> -> memref<1x128x128xf32, #tpu.memory_space<vmem>>
    %dma_wait3A_1019 = tpu.memref_squeeze %dma_wait3A_1018 : memref<1x128x128xf32, #tpu.memory_space<vmem>> -> memref<128x128xf32, #tpu.memory_space<vmem>>
    %dma_wait3A_1020 = arith.constant 0 : i32
    %dma_wait3A_1021 = tpu.memref_slice %arg2[%mul3A_999, %dma_wait3A_1020] : memref<100000x128xf32, #tpu.memory_space<hbm>> -> memref<128x128xf32, #tpu.memory_space<hbm>>
    tpu.wait_dma2 semaphore(%arg14 : memref<!tpu.dma_semaphore, #tpu.memory_space<semaphore_mem>>) src(%dma_wait3A_1021 : memref<128x128xf32, #tpu.memory_space<hbm>>) dst(%dma_wait3A_1019 : memref<128x128xf32, #tpu.memory_space<vmem>>)
    %dma_start3A_1022 = arith.constant 3 : i32
    %dma_start3A_1023 = arith.constant 3 : i32
    %dma_start3A_1024 = arith.constant 0 : i32
    %dma_start3A_1025 = arith.constant 0 : i32
    %dma_start3A_1026 = tpu.memref_slice %arg5[%dma_start3A_1022, %dma_start3A_1024, %dma_start3A_1025] : memref<6x128x128xf32, #tpu.memory_space<vmem>> -> memref<1x128x128xf32, #tpu.memory_space<vmem>>
    %dma_start3A_1027 = tpu.memref_squeeze %dma_start3A_1026 : memref<1x128x128xf32, #tpu.memory_space<vmem>> -> memref<128x128xf32, #tpu.memory_space<vmem>>
    %dma_start3A_1028 = arith.constant 0 : i32
    %dma_start3A_1029 = tpu.memref_slice %arg6[%dma_start3A_1023, %dma_start3A_1028] : memref<6x128xi32, #tpu.memory_space<vmem>> -> memref<1x128xi32, #tpu.memory_space<vmem>>
    %dma_start3A_1030 = tpu.memref_squeeze %dma_start3A_1029 : memref<1x128xi32, #tpu.memory_space<vmem>> -> memref<128xi32, #tpu.memory_space<vmem>>
    %dma_start3A_1031 = arith.constant 0 : i32
    %dma_start3A_1032 = arith.constant 0 : i32
    %dma_start3A_1033 = tpu.memref_slice %arg10[%dma_start3A_1031, %dma_start3A_1032] : memref<64x128xf32, #tpu.memory_space<vmem_shared>> -> memref<64x128xf32, #tpu.memory_space<vmem_shared>>
    tpu.enqueue_indirect_dma source(%dma_start3A_1027 : memref<128x128xf32, #tpu.memory_space<vmem>>) target(%dma_start3A_1033 : memref<64x128xf32, #tpu.memory_space<vmem_shared>>) offsets(%dma_start3A_1030 : memref<128xi32, #tpu.memory_space<vmem>>) semaphore(%arg20 : memref<!tpu.dma_semaphore, #tpu.memory_space<semaphore_mem>>) {add = true}
    %dma_wait3A_1034 = arith.constant 2 : i32
    %dma_wait3A_1035 = arith.constant 2 : i32
    %dma_wait3A_1036 = arith.constant 0 : i32
    %dma_wait3A_1037 = arith.constant 0 : i32
    %dma_wait3A_1038 = tpu.memref_slice %arg5[%dma_wait3A_1034, %dma_wait3A_1036, %dma_wait3A_1037] : memref<6x128x128xf32, #tpu.memory_space<vmem>> -> memref<1x128x128xf32, #tpu.memory_space<vmem>>
    %dma_wait3A_1039 = tpu.memref_squeeze %dma_wait3A_1038 : memref<1x128x128xf32, #tpu.memory_space<vmem>> -> memref<128x128xf32, #tpu.memory_space<vmem>>
    %dma_wait3A_1040 = arith.constant 0 : i32
    %dma_wait3A_1041 = tpu.memref_slice %arg6[%dma_wait3A_1035, %dma_wait3A_1040] : memref<6x128xi32, #tpu.memory_space<vmem>> -> memref<1x128xi32, #tpu.memory_space<vmem>>
    %dma_wait3A_1042 = tpu.memref_squeeze %dma_wait3A_1041 : memref<1x128xi32, #tpu.memory_space<vmem>> -> memref<128xi32, #tpu.memory_space<vmem>>
    %dma_wait3A_1043 = arith.constant 0 : i32
    %dma_wait3A_1044 = arith.constant 0 : i32
    %dma_wait3A_1045 = tpu.memref_slice %arg10[%dma_wait3A_1043, %dma_wait3A_1044] : memref<64x128xf32, #tpu.memory_space<vmem_shared>> -> memref<64x128xf32, #tpu.memory_space<vmem_shared>>
    tpu.wait_indirect_dma semaphore(%arg19 : memref<!tpu.dma_semaphore, #tpu.memory_space<semaphore_mem>>) src(%dma_wait3A_1039 : memref<128x128xf32, #tpu.memory_space<vmem>>) dst(%dma_wait3A_1045 : memref<64x128xf32, #tpu.memory_space<vmem_shared>>)
    %add3A_1046 = arith.constant 448 : i32
    %add3A_1047 = arith.addi %add3A, %add3A_1046 : i32
    %mul3A_1048 = arith.constant 128 : i32
    %mul3A_1049 = arith.muli %add3A_1047, %mul3A_1048 : i32
    %dma_start3A_1050 = arith.constant 2 : i32
    %dma_start3A_1051 = arith.constant 0 : i32
    %dma_start3A_1052 = tpu.memref_slice %arg6[%dma_start3A_1050, %dma_start3A_1051] : memref<6x128xi32, #tpu.memory_space<vmem>> -> memref<1x128xi32, #tpu.memory_space<vmem>>
    %dma_start3A_1053 = tpu.memref_squeeze %dma_start3A_1052 : memref<1x128xi32, #tpu.memory_space<vmem>> -> memref<128xi32, #tpu.memory_space<vmem>>
    %dma_start3A_1054 = tpu.memref_slice %arg3[%mul3A_1049] : memref<100000xi32, #tpu.memory_space<hbm>> -> memref<128xi32, #tpu.memory_space<hbm>>
    %dma_start3A_1055 = arith.constant 0 : i32
    %dma_start3A_1056 = tpu.memref_slice %arg6[%dma_start3A_1050, %dma_start3A_1055] : memref<6x128xi32, #tpu.memory_space<vmem>> -> memref<1x128xi32, #tpu.memory_space<vmem>>
    %dma_start3A_1057 = tpu.memref_squeeze %dma_start3A_1056 : memref<1x128xi32, #tpu.memory_space<vmem>> -> memref<128xi32, #tpu.memory_space<vmem>>
    %dma_start3A_1058 = tpu.memref_slice %arg3[%mul3A_1049] : memref<100000xi32, #tpu.memory_space<hbm>> -> memref<128xi32, #tpu.memory_space<hbm>>
    tpu.enqueue_dma source(%dma_start3A_1058 : memref<128xi32, #tpu.memory_space<hbm>>) target(%dma_start3A_1057 : memref<128xi32, #tpu.memory_space<vmem>>) target_semaphore(%arg13 : memref<!tpu.dma_semaphore, #tpu.memory_space<semaphore_mem>>)
    %dma_start3A_1059 = arith.constant 2 : i32
    %dma_start3A_1060 = arith.constant 0 : i32
    %dma_start3A_1061 = arith.constant 0 : i32
    %dma_start3A_1062 = tpu.memref_slice %arg5[%dma_start3A_1059, %dma_start3A_1060, %dma_start3A_1061] : memref<6x128x128xf32, #tpu.memory_space<vmem>> -> memref<1x128x128xf32, #tpu.memory_space<vmem>>
    %dma_start3A_1063 = tpu.memref_squeeze %dma_start3A_1062 : memref<1x128x128xf32, #tpu.memory_space<vmem>> -> memref<128x128xf32, #tpu.memory_space<vmem>>
    %dma_start3A_1064 = arith.constant 0 : i32
    %dma_start3A_1065 = tpu.memref_slice %arg2[%mul3A_1049, %dma_start3A_1064] : memref<100000x128xf32, #tpu.memory_space<hbm>> -> memref<128x128xf32, #tpu.memory_space<hbm>>
    %dma_start3A_1066 = arith.constant 0 : i32
    %dma_start3A_1067 = arith.constant 0 : i32
    %dma_start3A_1068 = tpu.memref_slice %arg5[%dma_start3A_1059, %dma_start3A_1066, %dma_start3A_1067] : memref<6x128x128xf32, #tpu.memory_space<vmem>> -> memref<1x128x128xf32, #tpu.memory_space<vmem>>
    %dma_start3A_1069 = tpu.memref_squeeze %dma_start3A_1068 : memref<1x128x128xf32, #tpu.memory_space<vmem>> -> memref<128x128xf32, #tpu.memory_space<vmem>>
    %dma_start3A_1070 = arith.constant 0 : i32
    %dma_start3A_1071 = tpu.memref_slice %arg2[%mul3A_1049, %dma_start3A_1070] : memref<100000x128xf32, #tpu.memory_space<hbm>> -> memref<128x128xf32, #tpu.memory_space<hbm>>
    tpu.enqueue_dma source(%dma_start3A_1071 : memref<128x128xf32, #tpu.memory_space<hbm>>) target(%dma_start3A_1069 : memref<128x128xf32, #tpu.memory_space<vmem>>) target_semaphore(%arg13 : memref<!tpu.dma_semaphore, #tpu.memory_space<semaphore_mem>>)
    %add3A_1072 = arith.constant 320 : i32
    %add3A_1073 = arith.addi %add3A, %add3A_1072 : i32
    %mul3A_1074 = arith.constant 128 : i32
    %mul3A_1075 = arith.muli %add3A_1073, %mul3A_1074 : i32
    %dma_wait3A_1076 = arith.constant 4 : i32
    %dma_wait3A_1077 = arith.constant 0 : i32
    %dma_wait3A_1078 = tpu.memref_slice %arg6[%dma_wait3A_1076, %dma_wait3A_1077] : memref<6x128xi32, #tpu.memory_space<vmem>> -> memref<1x128xi32, #tpu.memory_space<vmem>>
    %dma_wait3A_1079 = tpu.memref_squeeze %dma_wait3A_1078 : memref<1x128xi32, #tpu.memory_space<vmem>> -> memref<128xi32, #tpu.memory_space<vmem>>
    %dma_wait3A_1080 = tpu.memref_slice %arg3[%mul3A_1075] : memref<100000xi32, #tpu.memory_space<hbm>> -> memref<128xi32, #tpu.memory_space<hbm>>
    %dma_wait3A_1081 = arith.constant 0 : i32
    %dma_wait3A_1082 = tpu.memref_slice %arg6[%dma_wait3A_1076, %dma_wait3A_1081] : memref<6x128xi32, #tpu.memory_space<vmem>> -> memref<1x128xi32, #tpu.memory_space<vmem>>
    %dma_wait3A_1083 = tpu.memref_squeeze %dma_wait3A_1082 : memref<1x128xi32, #tpu.memory_space<vmem>> -> memref<128xi32, #tpu.memory_space<vmem>>
    %dma_wait3A_1084 = tpu.memref_slice %arg3[%mul3A_1075] : memref<100000xi32, #tpu.memory_space<hbm>> -> memref<128xi32, #tpu.memory_space<hbm>>
    tpu.wait_dma2 semaphore(%arg15 : memref<!tpu.dma_semaphore, #tpu.memory_space<semaphore_mem>>) src(%dma_wait3A_1084 : memref<128xi32, #tpu.memory_space<hbm>>) dst(%dma_wait3A_1083 : memref<128xi32, #tpu.memory_space<vmem>>)
    %dma_wait3A_1085 = arith.constant 4 : i32
    %dma_wait3A_1086 = arith.constant 0 : i32
    %dma_wait3A_1087 = arith.constant 0 : i32
    %dma_wait3A_1088 = tpu.memref_slice %arg5[%dma_wait3A_1085, %dma_wait3A_1086, %dma_wait3A_1087] : memref<6x128x128xf32, #tpu.memory_space<vmem>> -> memref<1x128x128xf32, #tpu.memory_space<vmem>>
    %dma_wait3A_1089 = tpu.memref_squeeze %dma_wait3A_1088 : memref<1x128x128xf32, #tpu.memory_space<vmem>> -> memref<128x128xf32, #tpu.memory_space<vmem>>
    %dma_wait3A_1090 = arith.constant 0 : i32
    %dma_wait3A_1091 = tpu.memref_slice %arg2[%mul3A_1075, %dma_wait3A_1090] : memref<100000x128xf32, #tpu.memory_space<hbm>> -> memref<128x128xf32, #tpu.memory_space<hbm>>
    %dma_wait3A_1092 = arith.constant 0 : i32
    %dma_wait3A_1093 = arith.constant 0 : i32
    %dma_wait3A_1094 = tpu.memref_slice %arg5[%dma_wait3A_1085, %dma_wait3A_1092, %dma_wait3A_1093] : memref<6x128x128xf32, #tpu.memory_space<vmem>> -> memref<1x128x128xf32, #tpu.memory_space<vmem>>
    %dma_wait3A_1095 = tpu.memref_squeeze %dma_wait3A_1094 : memref<1x128x128xf32, #tpu.memory_space<vmem>> -> memref<128x128xf32, #tpu.memory_space<vmem>>
    %dma_wait3A_1096 = arith.constant 0 : i32
    %dma_wait3A_1097 = tpu.memref_slice %arg2[%mul3A_1075, %dma_wait3A_1096] : memref<100000x128xf32, #tpu.memory_space<hbm>> -> memref<128x128xf32, #tpu.memory_space<hbm>>
    tpu.wait_dma2 semaphore(%arg15 : memref<!tpu.dma_semaphore, #tpu.memory_space<semaphore_mem>>) src(%dma_wait3A_1097 : memref<128x128xf32, #tpu.memory_space<hbm>>) dst(%dma_wait3A_1095 : memref<128x128xf32, #tpu.memory_space<vmem>>)
    %dma_start3A_1098 = arith.constant 4 : i32
    %dma_start3A_1099 = arith.constant 4 : i32
    %dma_start3A_1100 = arith.constant 0 : i32
    %dma_start3A_1101 = arith.constant 0 : i32
    %dma_start3A_1102 = tpu.memref_slice %arg5[%dma_start3A_1098, %dma_start3A_1100, %dma_start3A_1101] : memref<6x128x128xf32, #tpu.memory_space<vmem>> -> memref<1x128x128xf32, #tpu.memory_space<vmem>>
    %dma_start3A_1103 = tpu.memref_squeeze %dma_start3A_1102 : memref<1x128x128xf32, #tpu.memory_space<vmem>> -> memref<128x128xf32, #tpu.memory_space<vmem>>
    %dma_start3A_1104 = arith.constant 0 : i32
    %dma_start3A_1105 = tpu.memref_slice %arg6[%dma_start3A_1099, %dma_start3A_1104] : memref<6x128xi32, #tpu.memory_space<vmem>> -> memref<1x128xi32, #tpu.memory_space<vmem>>
    %dma_start3A_1106 = tpu.memref_squeeze %dma_start3A_1105 : memref<1x128xi32, #tpu.memory_space<vmem>> -> memref<128xi32, #tpu.memory_space<vmem>>
    %dma_start3A_1107 = arith.constant 0 : i32
    %dma_start3A_1108 = arith.constant 0 : i32
    %dma_start3A_1109 = tpu.memref_slice %arg10[%dma_start3A_1107, %dma_start3A_1108] : memref<64x128xf32, #tpu.memory_space<vmem_shared>> -> memref<64x128xf32, #tpu.memory_space<vmem_shared>>
    tpu.enqueue_indirect_dma source(%dma_start3A_1103 : memref<128x128xf32, #tpu.memory_space<vmem>>) target(%dma_start3A_1109 : memref<64x128xf32, #tpu.memory_space<vmem_shared>>) offsets(%dma_start3A_1106 : memref<128xi32, #tpu.memory_space<vmem>>) semaphore(%arg21 : memref<!tpu.dma_semaphore, #tpu.memory_space<semaphore_mem>>) {add = true}
    %dma_wait3A_1110 = arith.constant 3 : i32
    %dma_wait3A_1111 = arith.constant 3 : i32
    %dma_wait3A_1112 = arith.constant 0 : i32
    %dma_wait3A_1113 = arith.constant 0 : i32
    %dma_wait3A_1114 = tpu.memref_slice %arg5[%dma_wait3A_1110, %dma_wait3A_1112, %dma_wait3A_1113] : memref<6x128x128xf32, #tpu.memory_space<vmem>> -> memref<1x128x128xf32, #tpu.memory_space<vmem>>
    %dma_wait3A_1115 = tpu.memref_squeeze %dma_wait3A_1114 : memref<1x128x128xf32, #tpu.memory_space<vmem>> -> memref<128x128xf32, #tpu.memory_space<vmem>>
    %dma_wait3A_1116 = arith.constant 0 : i32
    %dma_wait3A_1117 = tpu.memref_slice %arg6[%dma_wait3A_1111, %dma_wait3A_1116] : memref<6x128xi32, #tpu.memory_space<vmem>> -> memref<1x128xi32, #tpu.memory_space<vmem>>
    %dma_wait3A_1118 = tpu.memref_squeeze %dma_wait3A_1117 : memref<1x128xi32, #tpu.memory_space<vmem>> -> memref<128xi32, #tpu.memory_space<vmem>>
    %dma_wait3A_1119 = arith.constant 0 : i32
    %dma_wait3A_1120 = arith.constant 0 : i32
    %dma_wait3A_1121 = tpu.memref_slice %arg10[%dma_wait3A_1119, %dma_wait3A_1120] : memref<64x128xf32, #tpu.memory_space<vmem_shared>> -> memref<64x128xf32, #tpu.memory_space<vmem_shared>>
    tpu.wait_indirect_dma semaphore(%arg20 : memref<!tpu.dma_semaphore, #tpu.memory_space<semaphore_mem>>) src(%dma_wait3A_1115 : memref<128x128xf32, #tpu.memory_space<vmem>>) dst(%dma_wait3A_1121 : memref<64x128xf32, #tpu.memory_space<vmem_shared>>)
    %add3A_1122 = arith.constant 480 : i32
    %add3A_1123 = arith.addi %add3A, %add3A_1122 : i32
    %mul3A_1124 = arith.constant 128 : i32
    %mul3A_1125 = arith.muli %add3A_1123, %mul3A_1124 : i32
    %dma_start3A_1126 = arith.constant 3 : i32
    %dma_start3A_1127 = arith.constant 0 : i32
    %dma_start3A_1128 = tpu.memref_slice %arg6[%dma_start3A_1126, %dma_start3A_1127] : memref<6x128xi32, #tpu.memory_space<vmem>> -> memref<1x128xi32, #tpu.memory_space<vmem>>
    %dma_start3A_1129 = tpu.memref_squeeze %dma_start3A_1128 : memref<1x128xi32, #tpu.memory_space<vmem>> -> memref<128xi32, #tpu.memory_space<vmem>>
    %dma_start3A_1130 = tpu.memref_slice %arg3[%mul3A_1125] : memref<100000xi32, #tpu.memory_space<hbm>> -> memref<128xi32, #tpu.memory_space<hbm>>
    %dma_start3A_1131 = arith.constant 0 : i32
    %dma_start3A_1132 = tpu.memref_slice %arg6[%dma_start3A_1126, %dma_start3A_1131] : memref<6x128xi32, #tpu.memory_space<vmem>> -> memref<1x128xi32, #tpu.memory_space<vmem>>
    %dma_start3A_1133 = tpu.memref_squeeze %dma_start3A_1132 : memref<1x128xi32, #tpu.memory_space<vmem>> -> memref<128xi32, #tpu.memory_space<vmem>>
    %dma_start3A_1134 = tpu.memref_slice %arg3[%mul3A_1125] : memref<100000xi32, #tpu.memory_space<hbm>> -> memref<128xi32, #tpu.memory_space<hbm>>
    tpu.enqueue_dma source(%dma_start3A_1134 : memref<128xi32, #tpu.memory_space<hbm>>) target(%dma_start3A_1133 : memref<128xi32, #tpu.memory_space<vmem>>) target_semaphore(%arg14 : memref<!tpu.dma_semaphore, #tpu.memory_space<semaphore_mem>>)
    %dma_start3A_1135 = arith.constant 3 : i32
    %dma_start3A_1136 = arith.constant 0 : i32
    %dma_start3A_1137 = arith.constant 0 : i32
    %dma_start3A_1138 = tpu.memref_slice %arg5[%dma_start3A_1135, %dma_start3A_1136, %dma_start3A_1137] : memref<6x128x128xf32, #tpu.memory_space<vmem>> -> memref<1x128x128xf32, #tpu.memory_space<vmem>>
    %dma_start3A_1139 = tpu.memref_squeeze %dma_start3A_1138 : memref<1x128x128xf32, #tpu.memory_space<vmem>> -> memref<128x128xf32, #tpu.memory_space<vmem>>
    %dma_start3A_1140 = arith.constant 0 : i32
    %dma_start3A_1141 = tpu.memref_slice %arg2[%mul3A_1125, %dma_start3A_1140] : memref<100000x128xf32, #tpu.memory_space<hbm>> -> memref<128x128xf32, #tpu.memory_space<hbm>>
    %dma_start3A_1142 = arith.constant 0 : i32
    %dma_start3A_1143 = arith.constant 0 : i32
    %dma_start3A_1144 = tpu.memref_slice %arg5[%dma_start3A_1135, %dma_start3A_1142, %dma_start3A_1143] : memref<6x128x128xf32, #tpu.memory_space<vmem>> -> memref<1x128x128xf32, #tpu.memory_space<vmem>>
    %dma_start3A_1145 = tpu.memref_squeeze %dma_start3A_1144 : memref<1x128x128xf32, #tpu.memory_space<vmem>> -> memref<128x128xf32, #tpu.memory_space<vmem>>
    %dma_start3A_1146 = arith.constant 0 : i32
    %dma_start3A_1147 = tpu.memref_slice %arg2[%mul3A_1125, %dma_start3A_1146] : memref<100000x128xf32, #tpu.memory_space<hbm>> -> memref<128x128xf32, #tpu.memory_space<hbm>>
    tpu.enqueue_dma source(%dma_start3A_1147 : memref<128x128xf32, #tpu.memory_space<hbm>>) target(%dma_start3A_1145 : memref<128x128xf32, #tpu.memory_space<vmem>>) target_semaphore(%arg14 : memref<!tpu.dma_semaphore, #tpu.memory_space<semaphore_mem>>)
    %add3A_1148 = arith.constant 352 : i32
    %add3A_1149 = arith.addi %add3A, %add3A_1148 : i32
    %mul3A_1150 = arith.constant 128 : i32
    %mul3A_1151 = arith.muli %add3A_1149, %mul3A_1150 : i32
    %dma_wait3A_1152 = arith.constant 5 : i32
    %dma_wait3A_1153 = arith.constant 0 : i32
    %dma_wait3A_1154 = tpu.memref_slice %arg6[%dma_wait3A_1152, %dma_wait3A_1153] : memref<6x128xi32, #tpu.memory_space<vmem>> -> memref<1x128xi32, #tpu.memory_space<vmem>>
    %dma_wait3A_1155 = tpu.memref_squeeze %dma_wait3A_1154 : memref<1x128xi32, #tpu.memory_space<vmem>> -> memref<128xi32, #tpu.memory_space<vmem>>
    %dma_wait3A_1156 = tpu.memref_slice %arg3[%mul3A_1151] : memref<100000xi32, #tpu.memory_space<hbm>> -> memref<128xi32, #tpu.memory_space<hbm>>
    %dma_wait3A_1157 = arith.constant 0 : i32
    %dma_wait3A_1158 = tpu.memref_slice %arg6[%dma_wait3A_1152, %dma_wait3A_1157] : memref<6x128xi32, #tpu.memory_space<vmem>> -> memref<1x128xi32, #tpu.memory_space<vmem>>
    %dma_wait3A_1159 = tpu.memref_squeeze %dma_wait3A_1158 : memref<1x128xi32, #tpu.memory_space<vmem>> -> memref<128xi32, #tpu.memory_space<vmem>>
    %dma_wait3A_1160 = tpu.memref_slice %arg3[%mul3A_1151] : memref<100000xi32, #tpu.memory_space<hbm>> -> memref<128xi32, #tpu.memory_space<hbm>>
    tpu.wait_dma2 semaphore(%arg16 : memref<!tpu.dma_semaphore, #tpu.memory_space<semaphore_mem>>) src(%dma_wait3A_1160 : memref<128xi32, #tpu.memory_space<hbm>>) dst(%dma_wait3A_1159 : memref<128xi32, #tpu.memory_space<vmem>>)
    %dma_wait3A_1161 = arith.constant 5 : i32
    %dma_wait3A_1162 = arith.constant 0 : i32
    %dma_wait3A_1163 = arith.constant 0 : i32
    %dma_wait3A_1164 = tpu.memref_slice %arg5[%dma_wait3A_1161, %dma_wait3A_1162, %dma_wait3A_1163] : memref<6x128x128xf32, #tpu.memory_space<vmem>> -> memref<1x128x128xf32, #tpu.memory_space<vmem>>
    %dma_wait3A_1165 = tpu.memref_squeeze %dma_wait3A_1164 : memref<1x128x128xf32, #tpu.memory_space<vmem>> -> memref<128x128xf32, #tpu.memory_space<vmem>>
    %dma_wait3A_1166 = arith.constant 0 : i32
    %dma_wait3A_1167 = tpu.memref_slice %arg2[%mul3A_1151, %dma_wait3A_1166] : memref<100000x128xf32, #tpu.memory_space<hbm>> -> memref<128x128xf32, #tpu.memory_space<hbm>>
    %dma_wait3A_1168 = arith.constant 0 : i32
    %dma_wait3A_1169 = arith.constant 0 : i32
    %dma_wait3A_1170 = tpu.memref_slice %arg5[%dma_wait3A_1161, %dma_wait3A_1168, %dma_wait3A_1169] : memref<6x128x128xf32, #tpu.memory_space<vmem>> -> memref<1x128x128xf32, #tpu.memory_space<vmem>>
    %dma_wait3A_1171 = tpu.memref_squeeze %dma_wait3A_1170 : memref<1x128x128xf32, #tpu.memory_space<vmem>> -> memref<128x128xf32, #tpu.memory_space<vmem>>
    %dma_wait3A_1172 = arith.constant 0 : i32
    %dma_wait3A_1173 = tpu.memref_slice %arg2[%mul3A_1151, %dma_wait3A_1172] : memref<100000x128xf32, #tpu.memory_space<hbm>> -> memref<128x128xf32, #tpu.memory_space<hbm>>
    tpu.wait_dma2 semaphore(%arg16 : memref<!tpu.dma_semaphore, #tpu.memory_space<semaphore_mem>>) src(%dma_wait3A_1173 : memref<128x128xf32, #tpu.memory_space<hbm>>) dst(%dma_wait3A_1171 : memref<128x128xf32, #tpu.memory_space<vmem>>)
    %dma_start3A_1174 = arith.constant 5 : i32
    %dma_start3A_1175 = arith.constant 5 : i32
    %dma_start3A_1176 = arith.constant 0 : i32
    %dma_start3A_1177 = arith.constant 0 : i32
    %dma_start3A_1178 = tpu.memref_slice %arg5[%dma_start3A_1174, %dma_start3A_1176, %dma_start3A_1177] : memref<6x128x128xf32, #tpu.memory_space<vmem>> -> memref<1x128x128xf32, #tpu.memory_space<vmem>>
    %dma_start3A_1179 = tpu.memref_squeeze %dma_start3A_1178 : memref<1x128x128xf32, #tpu.memory_space<vmem>> -> memref<128x128xf32, #tpu.memory_space<vmem>>
    %dma_start3A_1180 = arith.constant 0 : i32
    %dma_start3A_1181 = tpu.memref_slice %arg6[%dma_start3A_1175, %dma_start3A_1180] : memref<6x128xi32, #tpu.memory_space<vmem>> -> memref<1x128xi32, #tpu.memory_space<vmem>>
    %dma_start3A_1182 = tpu.memref_squeeze %dma_start3A_1181 : memref<1x128xi32, #tpu.memory_space<vmem>> -> memref<128xi32, #tpu.memory_space<vmem>>
    %dma_start3A_1183 = arith.constant 0 : i32
    %dma_start3A_1184 = arith.constant 0 : i32
    %dma_start3A_1185 = tpu.memref_slice %arg10[%dma_start3A_1183, %dma_start3A_1184] : memref<64x128xf32, #tpu.memory_space<vmem_shared>> -> memref<64x128xf32, #tpu.memory_space<vmem_shared>>
    tpu.enqueue_indirect_dma source(%dma_start3A_1179 : memref<128x128xf32, #tpu.memory_space<vmem>>) target(%dma_start3A_1185 : memref<64x128xf32, #tpu.memory_space<vmem_shared>>) offsets(%dma_start3A_1182 : memref<128xi32, #tpu.memory_space<vmem>>) semaphore(%arg22 : memref<!tpu.dma_semaphore, #tpu.memory_space<semaphore_mem>>) {add = true}
    %dma_wait3A_1186 = arith.constant 4 : i32
    %dma_wait3A_1187 = arith.constant 4 : i32
    %dma_wait3A_1188 = arith.constant 0 : i32
    %dma_wait3A_1189 = arith.constant 0 : i32
    %dma_wait3A_1190 = tpu.memref_slice %arg5[%dma_wait3A_1186, %dma_wait3A_1188, %dma_wait3A_1189] : memref<6x128x128xf32, #tpu.memory_space<vmem>> -> memref<1x128x128xf32, #tpu.memory_space<vmem>>
    %dma_wait3A_1191 = tpu.memref_squeeze %dma_wait3A_1190 : memref<1x128x128xf32, #tpu.memory_space<vmem>> -> memref<128x128xf32, #tpu.memory_space<vmem>>
    %dma_wait3A_1192 = arith.constant 0 : i32
    %dma_wait3A_1193 = tpu.memref_slice %arg6[%dma_wait3A_1187, %dma_wait3A_1192] : memref<6x128xi32, #tpu.memory_space<vmem>> -> memref<1x128xi32, #tpu.memory_space<vmem>>
    %dma_wait3A_1194 = tpu.memref_squeeze %dma_wait3A_1193 : memref<1x128xi32, #tpu.memory_space<vmem>> -> memref<128xi32, #tpu.memory_space<vmem>>
    %dma_wait3A_1195 = arith.constant 0 : i32
    %dma_wait3A_1196 = arith.constant 0 : i32
    %dma_wait3A_1197 = tpu.memref_slice %arg10[%dma_wait3A_1195, %dma_wait3A_1196] : memref<64x128xf32, #tpu.memory_space<vmem_shared>> -> memref<64x128xf32, #tpu.memory_space<vmem_shared>>
    tpu.wait_indirect_dma semaphore(%arg21 : memref<!tpu.dma_semaphore, #tpu.memory_space<semaphore_mem>>) src(%dma_wait3A_1191 : memref<128x128xf32, #tpu.memory_space<vmem>>) dst(%dma_wait3A_1197 : memref<64x128xf32, #tpu.memory_space<vmem_shared>>)
    %add3A_1198 = arith.constant 512 : i32
    %add3A_1199 = arith.addi %add3A, %add3A_1198 : i32
    %mul3A_1200 = arith.constant 128 : i32
    %mul3A_1201 = arith.muli %add3A_1199, %mul3A_1200 : i32
    %dma_start3A_1202 = arith.constant 4 : i32
    %dma_start3A_1203 = arith.constant 0 : i32
    %dma_start3A_1204 = tpu.memref_slice %arg6[%dma_start3A_1202, %dma_start3A_1203] : memref<6x128xi32, #tpu.memory_space<vmem>> -> memref<1x128xi32, #tpu.memory_space<vmem>>
    %dma_start3A_1205 = tpu.memref_squeeze %dma_start3A_1204 : memref<1x128xi32, #tpu.memory_space<vmem>> -> memref<128xi32, #tpu.memory_space<vmem>>
    %dma_start3A_1206 = tpu.memref_slice %arg3[%mul3A_1201] : memref<100000xi32, #tpu.memory_space<hbm>> -> memref<128xi32, #tpu.memory_space<hbm>>
    %dma_start3A_1207 = arith.constant 0 : i32
    %dma_start3A_1208 = tpu.memref_slice %arg6[%dma_start3A_1202, %dma_start3A_1207] : memref<6x128xi32, #tpu.memory_space<vmem>> -> memref<1x128xi32, #tpu.memory_space<vmem>>
    %dma_start3A_1209 = tpu.memref_squeeze %dma_start3A_1208 : memref<1x128xi32, #tpu.memory_space<vmem>> -> memref<128xi32, #tpu.memory_space<vmem>>
    %dma_start3A_1210 = tpu.memref_slice %arg3[%mul3A_1201] : memref<100000xi32, #tpu.memory_space<hbm>> -> memref<128xi32, #tpu.memory_space<hbm>>
    tpu.enqueue_dma source(%dma_start3A_1210 : memref<128xi32, #tpu.memory_space<hbm>>) target(%dma_start3A_1209 : memref<128xi32, #tpu.memory_space<vmem>>) target_semaphore(%arg15 : memref<!tpu.dma_semaphore, #tpu.memory_space<semaphore_mem>>)
    %dma_start3A_1211 = arith.constant 4 : i32
    %dma_start3A_1212 = arith.constant 0 : i32
    %dma_start3A_1213 = arith.constant 0 : i32
    %dma_start3A_1214 = tpu.memref_slice %arg5[%dma_start3A_1211, %dma_start3A_1212, %dma_start3A_1213] : memref<6x128x128xf32, #tpu.memory_space<vmem>> -> memref<1x128x128xf32, #tpu.memory_space<vmem>>
    %dma_start3A_1215 = tpu.memref_squeeze %dma_start3A_1214 : memref<1x128x128xf32, #tpu.memory_space<vmem>> -> memref<128x128xf32, #tpu.memory_space<vmem>>
    %dma_start3A_1216 = arith.constant 0 : i32
    %dma_start3A_1217 = tpu.memref_slice %arg2[%mul3A_1201, %dma_start3A_1216] : memref<100000x128xf32, #tpu.memory_space<hbm>> -> memref<128x128xf32, #tpu.memory_space<hbm>>
    %dma_start3A_1218 = arith.constant 0 : i32
    %dma_start3A_1219 = arith.constant 0 : i32
    %dma_start3A_1220 = tpu.memref_slice %arg5[%dma_start3A_1211, %dma_start3A_1218, %dma_start3A_1219] : memref<6x128x128xf32, #tpu.memory_space<vmem>> -> memref<1x128x128xf32, #tpu.memory_space<vmem>>
    %dma_start3A_1221 = tpu.memref_squeeze %dma_start3A_1220 : memref<1x128x128xf32, #tpu.memory_space<vmem>> -> memref<128x128xf32, #tpu.memory_space<vmem>>
    %dma_start3A_1222 = arith.constant 0 : i32
    %dma_start3A_1223 = tpu.memref_slice %arg2[%mul3A_1201, %dma_start3A_1222] : memref<100000x128xf32, #tpu.memory_space<hbm>> -> memref<128x128xf32, #tpu.memory_space<hbm>>
    tpu.enqueue_dma source(%dma_start3A_1223 : memref<128x128xf32, #tpu.memory_space<hbm>>) target(%dma_start3A_1221 : memref<128x128xf32, #tpu.memory_space<vmem>>) target_semaphore(%arg15 : memref<!tpu.dma_semaphore, #tpu.memory_space<semaphore_mem>>)
    %add3A_1224 = arith.constant 384 : i32
    %add3A_1225 = arith.addi %add3A, %add3A_1224 : i32
    %mul3A_1226 = arith.constant 128 : i32
    %mul3A_1227 = arith.muli %add3A_1225, %mul3A_1226 : i32
    %dma_wait3A_1228 = arith.constant 0 : i32
    %dma_wait3A_1229 = arith.constant 0 : i32
    %dma_wait3A_1230 = tpu.memref_slice %arg6[%dma_wait3A_1228, %dma_wait3A_1229] : memref<6x128xi32, #tpu.memory_space<vmem>> -> memref<1x128xi32, #tpu.memory_space<vmem>>
    %dma_wait3A_1231 = tpu.memref_squeeze %dma_wait3A_1230 : memref<1x128xi32, #tpu.memory_space<vmem>> -> memref<128xi32, #tpu.memory_space<vmem>>
    %dma_wait3A_1232 = tpu.memref_slice %arg3[%mul3A_1227] : memref<100000xi32, #tpu.memory_space<hbm>> -> memref<128xi32, #tpu.memory_space<hbm>>
    %dma_wait3A_1233 = arith.constant 0 : i32
    %dma_wait3A_1234 = tpu.memref_slice %arg6[%dma_wait3A_1228, %dma_wait3A_1233] : memref<6x128xi32, #tpu.memory_space<vmem>> -> memref<1x128xi32, #tpu.memory_space<vmem>>
    %dma_wait3A_1235 = tpu.memref_squeeze %dma_wait3A_1234 : memref<1x128xi32, #tpu.memory_space<vmem>> -> memref<128xi32, #tpu.memory_space<vmem>>
    %dma_wait3A_1236 = tpu.memref_slice %arg3[%mul3A_1227] : memref<100000xi32, #tpu.memory_space<hbm>> -> memref<128xi32, #tpu.memory_space<hbm>>
    tpu.wait_dma2 semaphore(%arg11 : memref<!tpu.dma_semaphore, #tpu.memory_space<semaphore_mem>>) src(%dma_wait3A_1236 : memref<128xi32, #tpu.memory_space<hbm>>) dst(%dma_wait3A_1235 : memref<128xi32, #tpu.memory_space<vmem>>)
    %dma_wait3A_1237 = arith.constant 0 : i32
    %dma_wait3A_1238 = arith.constant 0 : i32
    %dma_wait3A_1239 = arith.constant 0 : i32
    %dma_wait3A_1240 = tpu.memref_slice %arg5[%dma_wait3A_1237, %dma_wait3A_1238, %dma_wait3A_1239] : memref<6x128x128xf32, #tpu.memory_space<vmem>> -> memref<1x128x128xf32, #tpu.memory_space<vmem>>
    %dma_wait3A_1241 = tpu.memref_squeeze %dma_wait3A_1240 : memref<1x128x128xf32, #tpu.memory_space<vmem>> -> memref<128x128xf32, #tpu.memory_space<vmem>>
    %dma_wait3A_1242 = arith.constant 0 : i32
    %dma_wait3A_1243 = tpu.memref_slice %arg2[%mul3A_1227, %dma_wait3A_1242] : memref<100000x128xf32, #tpu.memory_space<hbm>> -> memref<128x128xf32, #tpu.memory_space<hbm>>
    %dma_wait3A_1244 = arith.constant 0 : i32
    %dma_wait3A_1245 = arith.constant 0 : i32
    %dma_wait3A_1246 = tpu.memref_slice %arg5[%dma_wait3A_1237, %dma_wait3A_1244, %dma_wait3A_1245] : memref<6x128x128xf32, #tpu.memory_space<vmem>> -> memref<1x128x128xf32, #tpu.memory_space<vmem>>
    %dma_wait3A_1247 = tpu.memref_squeeze %dma_wait3A_1246 : memref<1x128x128xf32, #tpu.memory_space<vmem>> -> memref<128x128xf32, #tpu.memory_space<vmem>>
    %dma_wait3A_1248 = arith.constant 0 : i32
    %dma_wait3A_1249 = tpu.memref_slice %arg2[%mul3A_1227, %dma_wait3A_1248] : memref<100000x128xf32, #tpu.memory_space<hbm>> -> memref<128x128xf32, #tpu.memory_space<hbm>>
    tpu.wait_dma2 semaphore(%arg11 : memref<!tpu.dma_semaphore, #tpu.memory_space<semaphore_mem>>) src(%dma_wait3A_1249 : memref<128x128xf32, #tpu.memory_space<hbm>>) dst(%dma_wait3A_1247 : memref<128x128xf32, #tpu.memory_space<vmem>>)
    %dma_start3A_1250 = arith.constant 0 : i32
    %dma_start3A_1251 = arith.constant 0 : i32
    %dma_start3A_1252 = arith.constant 0 : i32
    %dma_start3A_1253 = arith.constant 0 : i32
    %dma_start3A_1254 = tpu.memref_slice %arg5[%dma_start3A_1250, %dma_start3A_1252, %dma_start3A_1253] : memref<6x128x128xf32, #tpu.memory_space<vmem>> -> memref<1x128x128xf32, #tpu.memory_space<vmem>>
    %dma_start3A_1255 = tpu.memref_squeeze %dma_start3A_1254 : memref<1x128x128xf32, #tpu.memory_space<vmem>> -> memref<128x128xf32, #tpu.memory_space<vmem>>
    %dma_start3A_1256 = arith.constant 0 : i32
    %dma_start3A_1257 = tpu.memref_slice %arg6[%dma_start3A_1251, %dma_start3A_1256] : memref<6x128xi32, #tpu.memory_space<vmem>> -> memref<1x128xi32, #tpu.memory_space<vmem>>
    %dma_start3A_1258 = tpu.memref_squeeze %dma_start3A_1257 : memref<1x128xi32, #tpu.memory_space<vmem>> -> memref<128xi32, #tpu.memory_space<vmem>>
    %dma_start3A_1259 = arith.constant 0 : i32
    %dma_start3A_1260 = arith.constant 0 : i32
    %dma_start3A_1261 = tpu.memref_slice %arg10[%dma_start3A_1259, %dma_start3A_1260] : memref<64x128xf32, #tpu.memory_space<vmem_shared>> -> memref<64x128xf32, #tpu.memory_space<vmem_shared>>
    tpu.enqueue_indirect_dma source(%dma_start3A_1255 : memref<128x128xf32, #tpu.memory_space<vmem>>) target(%dma_start3A_1261 : memref<64x128xf32, #tpu.memory_space<vmem_shared>>) offsets(%dma_start3A_1258 : memref<128xi32, #tpu.memory_space<vmem>>) semaphore(%arg17 : memref<!tpu.dma_semaphore, #tpu.memory_space<semaphore_mem>>) {add = true}
    %dma_wait3A_1262 = arith.constant 5 : i32
    %dma_wait3A_1263 = arith.constant 5 : i32
    %dma_wait3A_1264 = arith.constant 0 : i32
    %dma_wait3A_1265 = arith.constant 0 : i32
    %dma_wait3A_1266 = tpu.memref_slice %arg5[%dma_wait3A_1262, %dma_wait3A_1264, %dma_wait3A_1265] : memref<6x128x128xf32, #tpu.memory_space<vmem>> -> memref<1x128x128xf32, #tpu.memory_space<vmem>>
    %dma_wait3A_1267 = tpu.memref_squeeze %dma_wait3A_1266 : memref<1x128x128xf32, #tpu.memory_space<vmem>> -> memref<128x128xf32, #tpu.memory_space<vmem>>
    %dma_wait3A_1268 = arith.constant 0 : i32
    %dma_wait3A_1269 = tpu.memref_slice %arg6[%dma_wait3A_1263, %dma_wait3A_1268] : memref<6x128xi32, #tpu.memory_space<vmem>> -> memref<1x128xi32, #tpu.memory_space<vmem>>
    %dma_wait3A_1270 = tpu.memref_squeeze %dma_wait3A_1269 : memref<1x128xi32, #tpu.memory_space<vmem>> -> memref<128xi32, #tpu.memory_space<vmem>>
    %dma_wait3A_1271 = arith.constant 0 : i32
    %dma_wait3A_1272 = arith.constant 0 : i32
    %dma_wait3A_1273 = tpu.memref_slice %arg10[%dma_wait3A_1271, %dma_wait3A_1272] : memref<64x128xf32, #tpu.memory_space<vmem_shared>> -> memref<64x128xf32, #tpu.memory_space<vmem_shared>>
    tpu.wait_indirect_dma semaphore(%arg22 : memref<!tpu.dma_semaphore, #tpu.memory_space<semaphore_mem>>) src(%dma_wait3A_1267 : memref<128x128xf32, #tpu.memory_space<vmem>>) dst(%dma_wait3A_1273 : memref<64x128xf32, #tpu.memory_space<vmem_shared>>)
    %add3A_1274 = arith.constant 544 : i32
    %add3A_1275 = arith.addi %add3A, %add3A_1274 : i32
    %mul3A_1276 = arith.constant 128 : i32
    %mul3A_1277 = arith.muli %add3A_1275, %mul3A_1276 : i32
    %dma_start3A_1278 = arith.constant 5 : i32
    %dma_start3A_1279 = arith.constant 0 : i32
    %dma_start3A_1280 = tpu.memref_slice %arg6[%dma_start3A_1278, %dma_start3A_1279] : memref<6x128xi32, #tpu.memory_space<vmem>> -> memref<1x128xi32, #tpu.memory_space<vmem>>
    %dma_start3A_1281 = tpu.memref_squeeze %dma_start3A_1280 : memref<1x128xi32, #tpu.memory_space<vmem>> -> memref<128xi32, #tpu.memory_space<vmem>>
    %dma_start3A_1282 = tpu.memref_slice %arg3[%mul3A_1277] : memref<100000xi32, #tpu.memory_space<hbm>> -> memref<128xi32, #tpu.memory_space<hbm>>
    %dma_start3A_1283 = arith.constant 0 : i32
    %dma_start3A_1284 = tpu.memref_slice %arg6[%dma_start3A_1278, %dma_start3A_1283] : memref<6x128xi32, #tpu.memory_space<vmem>> -> memref<1x128xi32, #tpu.memory_space<vmem>>
    %dma_start3A_1285 = tpu.memref_squeeze %dma_start3A_1284 : memref<1x128xi32, #tpu.memory_space<vmem>> -> memref<128xi32, #tpu.memory_space<vmem>>
    %dma_start3A_1286 = tpu.memref_slice %arg3[%mul3A_1277] : memref<100000xi32, #tpu.memory_space<hbm>> -> memref<128xi32, #tpu.memory_space<hbm>>
    tpu.enqueue_dma source(%dma_start3A_1286 : memref<128xi32, #tpu.memory_space<hbm>>) target(%dma_start3A_1285 : memref<128xi32, #tpu.memory_space<vmem>>) target_semaphore(%arg16 : memref<!tpu.dma_semaphore, #tpu.memory_space<semaphore_mem>>)
    %dma_start3A_1287 = arith.constant 5 : i32
    %dma_start3A_1288 = arith.constant 0 : i32
    %dma_start3A_1289 = arith.constant 0 : i32
    %dma_start3A_1290 = tpu.memref_slice %arg5[%dma_start3A_1287, %dma_start3A_1288, %dma_start3A_1289] : memref<6x128x128xf32, #tpu.memory_space<vmem>> -> memref<1x128x128xf32, #tpu.memory_space<vmem>>
    %dma_start3A_1291 = tpu.memref_squeeze %dma_start3A_1290 : memref<1x128x128xf32, #tpu.memory_space<vmem>> -> memref<128x128xf32, #tpu.memory_space<vmem>>
    %dma_start3A_1292 = arith.constant 0 : i32
    %dma_start3A_1293 = tpu.memref_slice %arg2[%mul3A_1277, %dma_start3A_1292] : memref<100000x128xf32, #tpu.memory_space<hbm>> -> memref<128x128xf32, #tpu.memory_space<hbm>>
    %dma_start3A_1294 = arith.constant 0 : i32
    %dma_start3A_1295 = arith.constant 0 : i32
    %dma_start3A_1296 = tpu.memref_slice %arg5[%dma_start3A_1287, %dma_start3A_1294, %dma_start3A_1295] : memref<6x128x128xf32, #tpu.memory_space<vmem>> -> memref<1x128x128xf32, #tpu.memory_space<vmem>>
    %dma_start3A_1297 = tpu.memref_squeeze %dma_start3A_1296 : memref<1x128x128xf32, #tpu.memory_space<vmem>> -> memref<128x128xf32, #tpu.memory_space<vmem>>
    %dma_start3A_1298 = arith.constant 0 : i32
    %dma_start3A_1299 = tpu.memref_slice %arg2[%mul3A_1277, %dma_start3A_1298] : memref<100000x128xf32, #tpu.memory_space<hbm>> -> memref<128x128xf32, #tpu.memory_space<hbm>>
    tpu.enqueue_dma source(%dma_start3A_1299 : memref<128x128xf32, #tpu.memory_space<hbm>>) target(%dma_start3A_1297 : memref<128x128xf32, #tpu.memory_space<vmem>>) target_semaphore(%arg16 : memref<!tpu.dma_semaphore, #tpu.memory_space<semaphore_mem>>)
    %add3A_1300 = arith.constant 416 : i32
    %add3A_1301 = arith.addi %add3A, %add3A_1300 : i32
    %mul3A_1302 = arith.constant 128 : i32
    %mul3A_1303 = arith.muli %add3A_1301, %mul3A_1302 : i32
    %dma_wait3A_1304 = arith.constant 1 : i32
    %dma_wait3A_1305 = arith.constant 0 : i32
    %dma_wait3A_1306 = tpu.memref_slice %arg6[%dma_wait3A_1304, %dma_wait3A_1305] : memref<6x128xi32, #tpu.memory_space<vmem>> -> memref<1x128xi32, #tpu.memory_space<vmem>>
    %dma_wait3A_1307 = tpu.memref_squeeze %dma_wait3A_1306 : memref<1x128xi32, #tpu.memory_space<vmem>> -> memref<128xi32, #tpu.memory_space<vmem>>
    %dma_wait3A_1308 = tpu.memref_slice %arg3[%mul3A_1303] : memref<100000xi32, #tpu.memory_space<hbm>> -> memref<128xi32, #tpu.memory_space<hbm>>
    %dma_wait3A_1309 = arith.constant 0 : i32
    %dma_wait3A_1310 = tpu.memref_slice %arg6[%dma_wait3A_1304, %dma_wait3A_1309] : memref<6x128xi32, #tpu.memory_space<vmem>> -> memref<1x128xi32, #tpu.memory_space<vmem>>
    %dma_wait3A_1311 = tpu.memref_squeeze %dma_wait3A_1310 : memref<1x128xi32, #tpu.memory_space<vmem>> -> memref<128xi32, #tpu.memory_space<vmem>>
    %dma_wait3A_1312 = tpu.memref_slice %arg3[%mul3A_1303] : memref<100000xi32, #tpu.memory_space<hbm>> -> memref<128xi32, #tpu.memory_space<hbm>>
    tpu.wait_dma2 semaphore(%arg12 : memref<!tpu.dma_semaphore, #tpu.memory_space<semaphore_mem>>) src(%dma_wait3A_1312 : memref<128xi32, #tpu.memory_space<hbm>>) dst(%dma_wait3A_1311 : memref<128xi32, #tpu.memory_space<vmem>>)
    %dma_wait3A_1313 = arith.constant 1 : i32
    %dma_wait3A_1314 = arith.constant 0 : i32
    %dma_wait3A_1315 = arith.constant 0 : i32
    %dma_wait3A_1316 = tpu.memref_slice %arg5[%dma_wait3A_1313, %dma_wait3A_1314, %dma_wait3A_1315] : memref<6x128x128xf32, #tpu.memory_space<vmem>> -> memref<1x128x128xf32, #tpu.memory_space<vmem>>
    %dma_wait3A_1317 = tpu.memref_squeeze %dma_wait3A_1316 : memref<1x128x128xf32, #tpu.memory_space<vmem>> -> memref<128x128xf32, #tpu.memory_space<vmem>>
    %dma_wait3A_1318 = arith.constant 0 : i32
    %dma_wait3A_1319 = tpu.memref_slice %arg2[%mul3A_1303, %dma_wait3A_1318] : memref<100000x128xf32, #tpu.memory_space<hbm>> -> memref<128x128xf32, #tpu.memory_space<hbm>>
    %dma_wait3A_1320 = arith.constant 0 : i32
    %dma_wait3A_1321 = arith.constant 0 : i32
    %dma_wait3A_1322 = tpu.memref_slice %arg5[%dma_wait3A_1313, %dma_wait3A_1320, %dma_wait3A_1321] : memref<6x128x128xf32, #tpu.memory_space<vmem>> -> memref<1x128x128xf32, #tpu.memory_space<vmem>>
    %dma_wait3A_1323 = tpu.memref_squeeze %dma_wait3A_1322 : memref<1x128x128xf32, #tpu.memory_space<vmem>> -> memref<128x128xf32, #tpu.memory_space<vmem>>
    %dma_wait3A_1324 = arith.constant 0 : i32
    %dma_wait3A_1325 = tpu.memref_slice %arg2[%mul3A_1303, %dma_wait3A_1324] : memref<100000x128xf32, #tpu.memory_space<hbm>> -> memref<128x128xf32, #tpu.memory_space<hbm>>
    tpu.wait_dma2 semaphore(%arg12 : memref<!tpu.dma_semaphore, #tpu.memory_space<semaphore_mem>>) src(%dma_wait3A_1325 : memref<128x128xf32, #tpu.memory_space<hbm>>) dst(%dma_wait3A_1323 : memref<128x128xf32, #tpu.memory_space<vmem>>)
    %dma_start3A_1326 = arith.constant 1 : i32
    %dma_start3A_1327 = arith.constant 1 : i32
    %dma_start3A_1328 = arith.constant 0 : i32
    %dma_start3A_1329 = arith.constant 0 : i32
    %dma_start3A_1330 = tpu.memref_slice %arg5[%dma_start3A_1326, %dma_start3A_1328, %dma_start3A_1329] : memref<6x128x128xf32, #tpu.memory_space<vmem>> -> memref<1x128x128xf32, #tpu.memory_space<vmem>>
    %dma_start3A_1331 = tpu.memref_squeeze %dma_start3A_1330 : memref<1x128x128xf32, #tpu.memory_space<vmem>> -> memref<128x128xf32, #tpu.memory_space<vmem>>
    %dma_start3A_1332 = arith.constant 0 : i32
    %dma_start3A_1333 = tpu.memref_slice %arg6[%dma_start3A_1327, %dma_start3A_1332] : memref<6x128xi32, #tpu.memory_space<vmem>> -> memref<1x128xi32, #tpu.memory_space<vmem>>
    %dma_start3A_1334 = tpu.memref_squeeze %dma_start3A_1333 : memref<1x128xi32, #tpu.memory_space<vmem>> -> memref<128xi32, #tpu.memory_space<vmem>>
    %dma_start3A_1335 = arith.constant 0 : i32
    %dma_start3A_1336 = arith.constant 0 : i32
    %dma_start3A_1337 = tpu.memref_slice %arg10[%dma_start3A_1335, %dma_start3A_1336] : memref<64x128xf32, #tpu.memory_space<vmem_shared>> -> memref<64x128xf32, #tpu.memory_space<vmem_shared>>
    tpu.enqueue_indirect_dma source(%dma_start3A_1331 : memref<128x128xf32, #tpu.memory_space<vmem>>) target(%dma_start3A_1337 : memref<64x128xf32, #tpu.memory_space<vmem_shared>>) offsets(%dma_start3A_1334 : memref<128xi32, #tpu.memory_space<vmem>>) semaphore(%arg18 : memref<!tpu.dma_semaphore, #tpu.memory_space<semaphore_mem>>) {add = true}
    %dma_wait3A_1338 = arith.constant 0 : i32
    %dma_wait3A_1339 = arith.constant 0 : i32
    %dma_wait3A_1340 = arith.constant 0 : i32
    %dma_wait3A_1341 = arith.constant 0 : i32
    %dma_wait3A_1342 = tpu.memref_slice %arg5[%dma_wait3A_1338, %dma_wait3A_1340, %dma_wait3A_1341] : memref<6x128x128xf32, #tpu.memory_space<vmem>> -> memref<1x128x128xf32, #tpu.memory_space<vmem>>
    %dma_wait3A_1343 = tpu.memref_squeeze %dma_wait3A_1342 : memref<1x128x128xf32, #tpu.memory_space<vmem>> -> memref<128x128xf32, #tpu.memory_space<vmem>>
    %dma_wait3A_1344 = arith.constant 0 : i32
    %dma_wait3A_1345 = tpu.memref_slice %arg6[%dma_wait3A_1339, %dma_wait3A_1344] : memref<6x128xi32, #tpu.memory_space<vmem>> -> memref<1x128xi32, #tpu.memory_space<vmem>>
    %dma_wait3A_1346 = tpu.memref_squeeze %dma_wait3A_1345 : memref<1x128xi32, #tpu.memory_space<vmem>> -> memref<128xi32, #tpu.memory_space<vmem>>
    %dma_wait3A_1347 = arith.constant 0 : i32
    %dma_wait3A_1348 = arith.constant 0 : i32
    %dma_wait3A_1349 = tpu.memref_slice %arg10[%dma_wait3A_1347, %dma_wait3A_1348] : memref<64x128xf32, #tpu.memory_space<vmem_shared>> -> memref<64x128xf32, #tpu.memory_space<vmem_shared>>
    tpu.wait_indirect_dma semaphore(%arg17 : memref<!tpu.dma_semaphore, #tpu.memory_space<semaphore_mem>>) src(%dma_wait3A_1343 : memref<128x128xf32, #tpu.memory_space<vmem>>) dst(%dma_wait3A_1349 : memref<64x128xf32, #tpu.memory_space<vmem_shared>>)
    %add3A_1350 = arith.constant 576 : i32
    %add3A_1351 = arith.addi %add3A, %add3A_1350 : i32
    %mul3A_1352 = arith.constant 128 : i32
    %mul3A_1353 = arith.muli %add3A_1351, %mul3A_1352 : i32
    %dma_start3A_1354 = arith.constant 0 : i32
    %dma_start3A_1355 = arith.constant 0 : i32
    %dma_start3A_1356 = tpu.memref_slice %arg6[%dma_start3A_1354, %dma_start3A_1355] : memref<6x128xi32, #tpu.memory_space<vmem>> -> memref<1x128xi32, #tpu.memory_space<vmem>>
    %dma_start3A_1357 = tpu.memref_squeeze %dma_start3A_1356 : memref<1x128xi32, #tpu.memory_space<vmem>> -> memref<128xi32, #tpu.memory_space<vmem>>
    %dma_start3A_1358 = tpu.memref_slice %arg3[%mul3A_1353] : memref<100000xi32, #tpu.memory_space<hbm>> -> memref<128xi32, #tpu.memory_space<hbm>>
    %dma_start3A_1359 = arith.constant 0 : i32
    %dma_start3A_1360 = tpu.memref_slice %arg6[%dma_start3A_1354, %dma_start3A_1359] : memref<6x128xi32, #tpu.memory_space<vmem>> -> memref<1x128xi32, #tpu.memory_space<vmem>>
    %dma_start3A_1361 = tpu.memref_squeeze %dma_start3A_1360 : memref<1x128xi32, #tpu.memory_space<vmem>> -> memref<128xi32, #tpu.memory_space<vmem>>
    %dma_start3A_1362 = tpu.memref_slice %arg3[%mul3A_1353] : memref<100000xi32, #tpu.memory_space<hbm>> -> memref<128xi32, #tpu.memory_space<hbm>>
    tpu.enqueue_dma source(%dma_start3A_1362 : memref<128xi32, #tpu.memory_space<hbm>>) target(%dma_start3A_1361 : memref<128xi32, #tpu.memory_space<vmem>>) target_semaphore(%arg11 : memref<!tpu.dma_semaphore, #tpu.memory_space<semaphore_mem>>)
    %dma_start3A_1363 = arith.constant 0 : i32
    %dma_start3A_1364 = arith.constant 0 : i32
    %dma_start3A_1365 = arith.constant 0 : i32
    %dma_start3A_1366 = tpu.memref_slice %arg5[%dma_start3A_1363, %dma_start3A_1364, %dma_start3A_1365] : memref<6x128x128xf32, #tpu.memory_space<vmem>> -> memref<1x128x128xf32, #tpu.memory_space<vmem>>
    %dma_start3A_1367 = tpu.memref_squeeze %dma_start3A_1366 : memref<1x128x128xf32, #tpu.memory_space<vmem>> -> memref<128x128xf32, #tpu.memory_space<vmem>>
    %dma_start3A_1368 = arith.constant 0 : i32
    %dma_start3A_1369 = tpu.memref_slice %arg2[%mul3A_1353, %dma_start3A_1368] : memref<100000x128xf32, #tpu.memory_space<hbm>> -> memref<128x128xf32, #tpu.memory_space<hbm>>
    %dma_start3A_1370 = arith.constant 0 : i32
    %dma_start3A_1371 = arith.constant 0 : i32
    %dma_start3A_1372 = tpu.memref_slice %arg5[%dma_start3A_1363, %dma_start3A_1370, %dma_start3A_1371] : memref<6x128x128xf32, #tpu.memory_space<vmem>> -> memref<1x128x128xf32, #tpu.memory_space<vmem>>
    %dma_start3A_1373 = tpu.memref_squeeze %dma_start3A_1372 : memref<1x128x128xf32, #tpu.memory_space<vmem>> -> memref<128x128xf32, #tpu.memory_space<vmem>>
    %dma_start3A_1374 = arith.constant 0 : i32
    %dma_start3A_1375 = tpu.memref_slice %arg2[%mul3A_1353, %dma_start3A_1374] : memref<100000x128xf32, #tpu.memory_space<hbm>> -> memref<128x128xf32, #tpu.memory_space<hbm>>
    tpu.enqueue_dma source(%dma_start3A_1375 : memref<128x128xf32, #tpu.memory_space<hbm>>) target(%dma_start3A_1373 : memref<128x128xf32, #tpu.memory_space<vmem>>) target_semaphore(%arg11 : memref<!tpu.dma_semaphore, #tpu.memory_space<semaphore_mem>>)
    %add3A_1376 = arith.constant 448 : i32
    %add3A_1377 = arith.addi %add3A, %add3A_1376 : i32
    %mul3A_1378 = arith.constant 128 : i32
    %mul3A_1379 = arith.muli %add3A_1377, %mul3A_1378 : i32
    %dma_wait3A_1380 = arith.constant 2 : i32
    %dma_wait3A_1381 = arith.constant 0 : i32
    %dma_wait3A_1382 = tpu.memref_slice %arg6[%dma_wait3A_1380, %dma_wait3A_1381] : memref<6x128xi32, #tpu.memory_space<vmem>> -> memref<1x128xi32, #tpu.memory_space<vmem>>
    %dma_wait3A_1383 = tpu.memref_squeeze %dma_wait3A_1382 : memref<1x128xi32, #tpu.memory_space<vmem>> -> memref<128xi32, #tpu.memory_space<vmem>>
    %dma_wait3A_1384 = tpu.memref_slice %arg3[%mul3A_1379] : memref<100000xi32, #tpu.memory_space<hbm>> -> memref<128xi32, #tpu.memory_space<hbm>>
    %dma_wait3A_1385 = arith.constant 0 : i32
    %dma_wait3A_1386 = tpu.memref_slice %arg6[%dma_wait3A_1380, %dma_wait3A_1385] : memref<6x128xi32, #tpu.memory_space<vmem>> -> memref<1x128xi32, #tpu.memory_space<vmem>>
    %dma_wait3A_1387 = tpu.memref_squeeze %dma_wait3A_1386 : memref<1x128xi32, #tpu.memory_space<vmem>> -> memref<128xi32, #tpu.memory_space<vmem>>
    %dma_wait3A_1388 = tpu.memref_slice %arg3[%mul3A_1379] : memref<100000xi32, #tpu.memory_space<hbm>> -> memref<128xi32, #tpu.memory_space<hbm>>
    tpu.wait_dma2 semaphore(%arg13 : memref<!tpu.dma_semaphore, #tpu.memory_space<semaphore_mem>>) src(%dma_wait3A_1388 : memref<128xi32, #tpu.memory_space<hbm>>) dst(%dma_wait3A_1387 : memref<128xi32, #tpu.memory_space<vmem>>)
    %dma_wait3A_1389 = arith.constant 2 : i32
    %dma_wait3A_1390 = arith.constant 0 : i32
    %dma_wait3A_1391 = arith.constant 0 : i32
    %dma_wait3A_1392 = tpu.memref_slice %arg5[%dma_wait3A_1389, %dma_wait3A_1390, %dma_wait3A_1391] : memref<6x128x128xf32, #tpu.memory_space<vmem>> -> memref<1x128x128xf32, #tpu.memory_space<vmem>>
    %dma_wait3A_1393 = tpu.memref_squeeze %dma_wait3A_1392 : memref<1x128x128xf32, #tpu.memory_space<vmem>> -> memref<128x128xf32, #tpu.memory_space<vmem>>
    %dma_wait3A_1394 = arith.constant 0 : i32
    %dma_wait3A_1395 = tpu.memref_slice %arg2[%mul3A_1379, %dma_wait3A_1394] : memref<100000x128xf32, #tpu.memory_space<hbm>> -> memref<128x128xf32, #tpu.memory_space<hbm>>
    %dma_wait3A_1396 = arith.constant 0 : i32
    %dma_wait3A_1397 = arith.constant 0 : i32
    %dma_wait3A_1398 = tpu.memref_slice %arg5[%dma_wait3A_1389, %dma_wait3A_1396, %dma_wait3A_1397] : memref<6x128x128xf32, #tpu.memory_space<vmem>> -> memref<1x128x128xf32, #tpu.memory_space<vmem>>
    %dma_wait3A_1399 = tpu.memref_squeeze %dma_wait3A_1398 : memref<1x128x128xf32, #tpu.memory_space<vmem>> -> memref<128x128xf32, #tpu.memory_space<vmem>>
    %dma_wait3A_1400 = arith.constant 0 : i32
    %dma_wait3A_1401 = tpu.memref_slice %arg2[%mul3A_1379, %dma_wait3A_1400] : memref<100000x128xf32, #tpu.memory_space<hbm>> -> memref<128x128xf32, #tpu.memory_space<hbm>>
    tpu.wait_dma2 semaphore(%arg13 : memref<!tpu.dma_semaphore, #tpu.memory_space<semaphore_mem>>) src(%dma_wait3A_1401 : memref<128x128xf32, #tpu.memory_space<hbm>>) dst(%dma_wait3A_1399 : memref<128x128xf32, #tpu.memory_space<vmem>>)
    %dma_start3A_1402 = arith.constant 2 : i32
    %dma_start3A_1403 = arith.constant 2 : i32
    %dma_start3A_1404 = arith.constant 0 : i32
    %dma_start3A_1405 = arith.constant 0 : i32
    %dma_start3A_1406 = tpu.memref_slice %arg5[%dma_start3A_1402, %dma_start3A_1404, %dma_start3A_1405] : memref<6x128x128xf32, #tpu.memory_space<vmem>> -> memref<1x128x128xf32, #tpu.memory_space<vmem>>
    %dma_start3A_1407 = tpu.memref_squeeze %dma_start3A_1406 : memref<1x128x128xf32, #tpu.memory_space<vmem>> -> memref<128x128xf32, #tpu.memory_space<vmem>>
    %dma_start3A_1408 = arith.constant 0 : i32
    %dma_start3A_1409 = tpu.memref_slice %arg6[%dma_start3A_1403, %dma_start3A_1408] : memref<6x128xi32, #tpu.memory_space<vmem>> -> memref<1x128xi32, #tpu.memory_space<vmem>>
    %dma_start3A_1410 = tpu.memref_squeeze %dma_start3A_1409 : memref<1x128xi32, #tpu.memory_space<vmem>> -> memref<128xi32, #tpu.memory_space<vmem>>
    %dma_start3A_1411 = arith.constant 0 : i32
    %dma_start3A_1412 = arith.constant 0 : i32
    %dma_start3A_1413 = tpu.memref_slice %arg10[%dma_start3A_1411, %dma_start3A_1412] : memref<64x128xf32, #tpu.memory_space<vmem_shared>> -> memref<64x128xf32, #tpu.memory_space<vmem_shared>>
    tpu.enqueue_indirect_dma source(%dma_start3A_1407 : memref<128x128xf32, #tpu.memory_space<vmem>>) target(%dma_start3A_1413 : memref<64x128xf32, #tpu.memory_space<vmem_shared>>) offsets(%dma_start3A_1410 : memref<128xi32, #tpu.memory_space<vmem>>) semaphore(%arg19 : memref<!tpu.dma_semaphore, #tpu.memory_space<semaphore_mem>>) {add = true}
    %dma_wait3A_1414 = arith.constant 1 : i32
    %dma_wait3A_1415 = arith.constant 1 : i32
    %dma_wait3A_1416 = arith.constant 0 : i32
    %dma_wait3A_1417 = arith.constant 0 : i32
    %dma_wait3A_1418 = tpu.memref_slice %arg5[%dma_wait3A_1414, %dma_wait3A_1416, %dma_wait3A_1417] : memref<6x128x128xf32, #tpu.memory_space<vmem>> -> memref<1x128x128xf32, #tpu.memory_space<vmem>>
    %dma_wait3A_1419 = tpu.memref_squeeze %dma_wait3A_1418 : memref<1x128x128xf32, #tpu.memory_space<vmem>> -> memref<128x128xf32, #tpu.memory_space<vmem>>
    %dma_wait3A_1420 = arith.constant 0 : i32
    %dma_wait3A_1421 = tpu.memref_slice %arg6[%dma_wait3A_1415, %dma_wait3A_1420] : memref<6x128xi32, #tpu.memory_space<vmem>> -> memref<1x128xi32, #tpu.memory_space<vmem>>
    %dma_wait3A_1422 = tpu.memref_squeeze %dma_wait3A_1421 : memref<1x128xi32, #tpu.memory_space<vmem>> -> memref<128xi32, #tpu.memory_space<vmem>>
    %dma_wait3A_1423 = arith.constant 0 : i32
    %dma_wait3A_1424 = arith.constant 0 : i32
    %dma_wait3A_1425 = tpu.memref_slice %arg10[%dma_wait3A_1423, %dma_wait3A_1424] : memref<64x128xf32, #tpu.memory_space<vmem_shared>> -> memref<64x128xf32, #tpu.memory_space<vmem_shared>>
    tpu.wait_indirect_dma semaphore(%arg18 : memref<!tpu.dma_semaphore, #tpu.memory_space<semaphore_mem>>) src(%dma_wait3A_1419 : memref<128x128xf32, #tpu.memory_space<vmem>>) dst(%dma_wait3A_1425 : memref<64x128xf32, #tpu.memory_space<vmem_shared>>)
    %add3A_1426 = arith.constant 608 : i32
    %add3A_1427 = arith.addi %add3A, %add3A_1426 : i32
    %mul3A_1428 = arith.constant 128 : i32
    %mul3A_1429 = arith.muli %add3A_1427, %mul3A_1428 : i32
    %dma_start3A_1430 = arith.constant 1 : i32
    %dma_start3A_1431 = arith.constant 0 : i32
    %dma_start3A_1432 = tpu.memref_slice %arg6[%dma_start3A_1430, %dma_start3A_1431] : memref<6x128xi32, #tpu.memory_space<vmem>> -> memref<1x128xi32, #tpu.memory_space<vmem>>
    %dma_start3A_1433 = tpu.memref_squeeze %dma_start3A_1432 : memref<1x128xi32, #tpu.memory_space<vmem>> -> memref<128xi32, #tpu.memory_space<vmem>>
    %dma_start3A_1434 = tpu.memref_slice %arg3[%mul3A_1429] : memref<100000xi32, #tpu.memory_space<hbm>> -> memref<128xi32, #tpu.memory_space<hbm>>
    %dma_start3A_1435 = arith.constant 0 : i32
    %dma_start3A_1436 = tpu.memref_slice %arg6[%dma_start3A_1430, %dma_start3A_1435] : memref<6x128xi32, #tpu.memory_space<vmem>> -> memref<1x128xi32, #tpu.memory_space<vmem>>
    %dma_start3A_1437 = tpu.memref_squeeze %dma_start3A_1436 : memref<1x128xi32, #tpu.memory_space<vmem>> -> memref<128xi32, #tpu.memory_space<vmem>>
    %dma_start3A_1438 = tpu.memref_slice %arg3[%mul3A_1429] : memref<100000xi32, #tpu.memory_space<hbm>> -> memref<128xi32, #tpu.memory_space<hbm>>
    tpu.enqueue_dma source(%dma_start3A_1438 : memref<128xi32, #tpu.memory_space<hbm>>) target(%dma_start3A_1437 : memref<128xi32, #tpu.memory_space<vmem>>) target_semaphore(%arg12 : memref<!tpu.dma_semaphore, #tpu.memory_space<semaphore_mem>>)
    %dma_start3A_1439 = arith.constant 1 : i32
    %dma_start3A_1440 = arith.constant 0 : i32
    %dma_start3A_1441 = arith.constant 0 : i32
    %dma_start3A_1442 = tpu.memref_slice %arg5[%dma_start3A_1439, %dma_start3A_1440, %dma_start3A_1441] : memref<6x128x128xf32, #tpu.memory_space<vmem>> -> memref<1x128x128xf32, #tpu.memory_space<vmem>>
    %dma_start3A_1443 = tpu.memref_squeeze %dma_start3A_1442 : memref<1x128x128xf32, #tpu.memory_space<vmem>> -> memref<128x128xf32, #tpu.memory_space<vmem>>
    %dma_start3A_1444 = arith.constant 0 : i32
    %dma_start3A_1445 = tpu.memref_slice %arg2[%mul3A_1429, %dma_start3A_1444] : memref<100000x128xf32, #tpu.memory_space<hbm>> -> memref<128x128xf32, #tpu.memory_space<hbm>>
    %dma_start3A_1446 = arith.constant 0 : i32
    %dma_start3A_1447 = arith.constant 0 : i32
    %dma_start3A_1448 = tpu.memref_slice %arg5[%dma_start3A_1439, %dma_start3A_1446, %dma_start3A_1447] : memref<6x128x128xf32, #tpu.memory_space<vmem>> -> memref<1x128x128xf32, #tpu.memory_space<vmem>>
    %dma_start3A_1449 = tpu.memref_squeeze %dma_start3A_1448 : memref<1x128x128xf32, #tpu.memory_space<vmem>> -> memref<128x128xf32, #tpu.memory_space<vmem>>
    %dma_start3A_1450 = arith.constant 0 : i32
    %dma_start3A_1451 = tpu.memref_slice %arg2[%mul3A_1429, %dma_start3A_1450] : memref<100000x128xf32, #tpu.memory_space<hbm>> -> memref<128x128xf32, #tpu.memory_space<hbm>>
    tpu.enqueue_dma source(%dma_start3A_1451 : memref<128x128xf32, #tpu.memory_space<hbm>>) target(%dma_start3A_1449 : memref<128x128xf32, #tpu.memory_space<vmem>>) target_semaphore(%arg12 : memref<!tpu.dma_semaphore, #tpu.memory_space<semaphore_mem>>)
    %add3A_1452 = arith.constant 480 : i32
    %add3A_1453 = arith.addi %add3A, %add3A_1452 : i32
    %mul3A_1454 = arith.constant 128 : i32
    %mul3A_1455 = arith.muli %add3A_1453, %mul3A_1454 : i32
    %dma_wait3A_1456 = arith.constant 3 : i32
    %dma_wait3A_1457 = arith.constant 0 : i32
    %dma_wait3A_1458 = tpu.memref_slice %arg6[%dma_wait3A_1456, %dma_wait3A_1457] : memref<6x128xi32, #tpu.memory_space<vmem>> -> memref<1x128xi32, #tpu.memory_space<vmem>>
    %dma_wait3A_1459 = tpu.memref_squeeze %dma_wait3A_1458 : memref<1x128xi32, #tpu.memory_space<vmem>> -> memref<128xi32, #tpu.memory_space<vmem>>
    %dma_wait3A_1460 = tpu.memref_slice %arg3[%mul3A_1455] : memref<100000xi32, #tpu.memory_space<hbm>> -> memref<128xi32, #tpu.memory_space<hbm>>
    %dma_wait3A_1461 = arith.constant 0 : i32
    %dma_wait3A_1462 = tpu.memref_slice %arg6[%dma_wait3A_1456, %dma_wait3A_1461] : memref<6x128xi32, #tpu.memory_space<vmem>> -> memref<1x128xi32, #tpu.memory_space<vmem>>
    %dma_wait3A_1463 = tpu.memref_squeeze %dma_wait3A_1462 : memref<1x128xi32, #tpu.memory_space<vmem>> -> memref<128xi32, #tpu.memory_space<vmem>>
    %dma_wait3A_1464 = tpu.memref_slice %arg3[%mul3A_1455] : memref<100000xi32, #tpu.memory_space<hbm>> -> memref<128xi32, #tpu.memory_space<hbm>>
    tpu.wait_dma2 semaphore(%arg14 : memref<!tpu.dma_semaphore, #tpu.memory_space<semaphore_mem>>) src(%dma_wait3A_1464 : memref<128xi32, #tpu.memory_space<hbm>>) dst(%dma_wait3A_1463 : memref<128xi32, #tpu.memory_space<vmem>>)
    %dma_wait3A_1465 = arith.constant 3 : i32
    %dma_wait3A_1466 = arith.constant 0 : i32
    %dma_wait3A_1467 = arith.constant 0 : i32
    %dma_wait3A_1468 = tpu.memref_slice %arg5[%dma_wait3A_1465, %dma_wait3A_1466, %dma_wait3A_1467] : memref<6x128x128xf32, #tpu.memory_space<vmem>> -> memref<1x128x128xf32, #tpu.memory_space<vmem>>
    %dma_wait3A_1469 = tpu.memref_squeeze %dma_wait3A_1468 : memref<1x128x128xf32, #tpu.memory_space<vmem>> -> memref<128x128xf32, #tpu.memory_space<vmem>>
    %dma_wait3A_1470 = arith.constant 0 : i32
    %dma_wait3A_1471 = tpu.memref_slice %arg2[%mul3A_1455, %dma_wait3A_1470] : memref<100000x128xf32, #tpu.memory_space<hbm>> -> memref<128x128xf32, #tpu.memory_space<hbm>>
    %dma_wait3A_1472 = arith.constant 0 : i32
    %dma_wait3A_1473 = arith.constant 0 : i32
    %dma_wait3A_1474 = tpu.memref_slice %arg5[%dma_wait3A_1465, %dma_wait3A_1472, %dma_wait3A_1473] : memref<6x128x128xf32, #tpu.memory_space<vmem>> -> memref<1x128x128xf32, #tpu.memory_space<vmem>>
    %dma_wait3A_1475 = tpu.memref_squeeze %dma_wait3A_1474 : memref<1x128x128xf32, #tpu.memory_space<vmem>> -> memref<128x128xf32, #tpu.memory_space<vmem>>
    %dma_wait3A_1476 = arith.constant 0 : i32
    %dma_wait3A_1477 = tpu.memref_slice %arg2[%mul3A_1455, %dma_wait3A_1476] : memref<100000x128xf32, #tpu.memory_space<hbm>> -> memref<128x128xf32, #tpu.memory_space<hbm>>
    tpu.wait_dma2 semaphore(%arg14 : memref<!tpu.dma_semaphore, #tpu.memory_space<semaphore_mem>>) src(%dma_wait3A_1477 : memref<128x128xf32, #tpu.memory_space<hbm>>) dst(%dma_wait3A_1475 : memref<128x128xf32, #tpu.memory_space<vmem>>)
    %dma_start3A_1478 = arith.constant 3 : i32
    %dma_start3A_1479 = arith.constant 3 : i32
    %dma_start3A_1480 = arith.constant 0 : i32
    %dma_start3A_1481 = arith.constant 0 : i32
    %dma_start3A_1482 = tpu.memref_slice %arg5[%dma_start3A_1478, %dma_start3A_1480, %dma_start3A_1481] : memref<6x128x128xf32, #tpu.memory_space<vmem>> -> memref<1x128x128xf32, #tpu.memory_space<vmem>>
    %dma_start3A_1483 = tpu.memref_squeeze %dma_start3A_1482 : memref<1x128x128xf32, #tpu.memory_space<vmem>> -> memref<128x128xf32, #tpu.memory_space<vmem>>
    %dma_start3A_1484 = arith.constant 0 : i32
    %dma_start3A_1485 = tpu.memref_slice %arg6[%dma_start3A_1479, %dma_start3A_1484] : memref<6x128xi32, #tpu.memory_space<vmem>> -> memref<1x128xi32, #tpu.memory_space<vmem>>
    %dma_start3A_1486 = tpu.memref_squeeze %dma_start3A_1485 : memref<1x128xi32, #tpu.memory_space<vmem>> -> memref<128xi32, #tpu.memory_space<vmem>>
    %dma_start3A_1487 = arith.constant 0 : i32
    %dma_start3A_1488 = arith.constant 0 : i32
    %dma_start3A_1489 = tpu.memref_slice %arg10[%dma_start3A_1487, %dma_start3A_1488] : memref<64x128xf32, #tpu.memory_space<vmem_shared>> -> memref<64x128xf32, #tpu.memory_space<vmem_shared>>
    tpu.enqueue_indirect_dma source(%dma_start3A_1483 : memref<128x128xf32, #tpu.memory_space<vmem>>) target(%dma_start3A_1489 : memref<64x128xf32, #tpu.memory_space<vmem_shared>>) offsets(%dma_start3A_1486 : memref<128xi32, #tpu.memory_space<vmem>>) semaphore(%arg20 : memref<!tpu.dma_semaphore, #tpu.memory_space<semaphore_mem>>) {add = true}
    %dma_wait3A_1490 = arith.constant 2 : i32
    %dma_wait3A_1491 = arith.constant 2 : i32
    %dma_wait3A_1492 = arith.constant 0 : i32
    %dma_wait3A_1493 = arith.constant 0 : i32
    %dma_wait3A_1494 = tpu.memref_slice %arg5[%dma_wait3A_1490, %dma_wait3A_1492, %dma_wait3A_1493] : memref<6x128x128xf32, #tpu.memory_space<vmem>> -> memref<1x128x128xf32, #tpu.memory_space<vmem>>
    %dma_wait3A_1495 = tpu.memref_squeeze %dma_wait3A_1494 : memref<1x128x128xf32, #tpu.memory_space<vmem>> -> memref<128x128xf32, #tpu.memory_space<vmem>>
    %dma_wait3A_1496 = arith.constant 0 : i32
    %dma_wait3A_1497 = tpu.memref_slice %arg6[%dma_wait3A_1491, %dma_wait3A_1496] : memref<6x128xi32, #tpu.memory_space<vmem>> -> memref<1x128xi32, #tpu.memory_space<vmem>>
    %dma_wait3A_1498 = tpu.memref_squeeze %dma_wait3A_1497 : memref<1x128xi32, #tpu.memory_space<vmem>> -> memref<128xi32, #tpu.memory_space<vmem>>
    %dma_wait3A_1499 = arith.constant 0 : i32
    %dma_wait3A_1500 = arith.constant 0 : i32
    %dma_wait3A_1501 = tpu.memref_slice %arg10[%dma_wait3A_1499, %dma_wait3A_1500] : memref<64x128xf32, #tpu.memory_space<vmem_shared>> -> memref<64x128xf32, #tpu.memory_space<vmem_shared>>
    tpu.wait_indirect_dma semaphore(%arg19 : memref<!tpu.dma_semaphore, #tpu.memory_space<semaphore_mem>>) src(%dma_wait3A_1495 : memref<128x128xf32, #tpu.memory_space<vmem>>) dst(%dma_wait3A_1501 : memref<64x128xf32, #tpu.memory_space<vmem_shared>>)
    %add3A_1502 = arith.constant 640 : i32
    %add3A_1503 = arith.addi %add3A, %add3A_1502 : i32
    %mul3A_1504 = arith.constant 128 : i32
    %mul3A_1505 = arith.muli %add3A_1503, %mul3A_1504 : i32
    %dma_start3A_1506 = arith.constant 2 : i32
    %dma_start3A_1507 = arith.constant 0 : i32
    %dma_start3A_1508 = tpu.memref_slice %arg6[%dma_start3A_1506, %dma_start3A_1507] : memref<6x128xi32, #tpu.memory_space<vmem>> -> memref<1x128xi32, #tpu.memory_space<vmem>>
    %dma_start3A_1509 = tpu.memref_squeeze %dma_start3A_1508 : memref<1x128xi32, #tpu.memory_space<vmem>> -> memref<128xi32, #tpu.memory_space<vmem>>
    %dma_start3A_1510 = tpu.memref_slice %arg3[%mul3A_1505] : memref<100000xi32, #tpu.memory_space<hbm>> -> memref<128xi32, #tpu.memory_space<hbm>>
    %dma_start3A_1511 = arith.constant 0 : i32
    %dma_start3A_1512 = tpu.memref_slice %arg6[%dma_start3A_1506, %dma_start3A_1511] : memref<6x128xi32, #tpu.memory_space<vmem>> -> memref<1x128xi32, #tpu.memory_space<vmem>>
    %dma_start3A_1513 = tpu.memref_squeeze %dma_start3A_1512 : memref<1x128xi32, #tpu.memory_space<vmem>> -> memref<128xi32, #tpu.memory_space<vmem>>
    %dma_start3A_1514 = tpu.memref_slice %arg3[%mul3A_1505] : memref<100000xi32, #tpu.memory_space<hbm>> -> memref<128xi32, #tpu.memory_space<hbm>>
    tpu.enqueue_dma source(%dma_start3A_1514 : memref<128xi32, #tpu.memory_space<hbm>>) target(%dma_start3A_1513 : memref<128xi32, #tpu.memory_space<vmem>>) target_semaphore(%arg13 : memref<!tpu.dma_semaphore, #tpu.memory_space<semaphore_mem>>)
    %dma_start3A_1515 = arith.constant 2 : i32
    %dma_start3A_1516 = arith.constant 0 : i32
    %dma_start3A_1517 = arith.constant 0 : i32
    %dma_start3A_1518 = tpu.memref_slice %arg5[%dma_start3A_1515, %dma_start3A_1516, %dma_start3A_1517] : memref<6x128x128xf32, #tpu.memory_space<vmem>> -> memref<1x128x128xf32, #tpu.memory_space<vmem>>
    %dma_start3A_1519 = tpu.memref_squeeze %dma_start3A_1518 : memref<1x128x128xf32, #tpu.memory_space<vmem>> -> memref<128x128xf32, #tpu.memory_space<vmem>>
    %dma_start3A_1520 = arith.constant 0 : i32
    %dma_start3A_1521 = tpu.memref_slice %arg2[%mul3A_1505, %dma_start3A_1520] : memref<100000x128xf32, #tpu.memory_space<hbm>> -> memref<128x128xf32, #tpu.memory_space<hbm>>
    %dma_start3A_1522 = arith.constant 0 : i32
    %dma_start3A_1523 = arith.constant 0 : i32
    %dma_start3A_1524 = tpu.memref_slice %arg5[%dma_start3A_1515, %dma_start3A_1522, %dma_start3A_1523] : memref<6x128x128xf32, #tpu.memory_space<vmem>> -> memref<1x128x128xf32, #tpu.memory_space<vmem>>
    %dma_start3A_1525 = tpu.memref_squeeze %dma_start3A_1524 : memref<1x128x128xf32, #tpu.memory_space<vmem>> -> memref<128x128xf32, #tpu.memory_space<vmem>>
    %dma_start3A_1526 = arith.constant 0 : i32
    %dma_start3A_1527 = tpu.memref_slice %arg2[%mul3A_1505, %dma_start3A_1526] : memref<100000x128xf32, #tpu.memory_space<hbm>> -> memref<128x128xf32, #tpu.memory_space<hbm>>
    tpu.enqueue_dma source(%dma_start3A_1527 : memref<128x128xf32, #tpu.memory_space<hbm>>) target(%dma_start3A_1525 : memref<128x128xf32, #tpu.memory_space<vmem>>) target_semaphore(%arg13 : memref<!tpu.dma_semaphore, #tpu.memory_space<semaphore_mem>>)
    %add3A_1528 = arith.constant 512 : i32
    %add3A_1529 = arith.addi %add3A, %add3A_1528 : i32
    %mul3A_1530 = arith.constant 128 : i32
    %mul3A_1531 = arith.muli %add3A_1529, %mul3A_1530 : i32
    %dma_wait3A_1532 = arith.constant 4 : i32
    %dma_wait3A_1533 = arith.constant 0 : i32
    %dma_wait3A_1534 = tpu.memref_slice %arg6[%dma_wait3A_1532, %dma_wait3A_1533] : memref<6x128xi32, #tpu.memory_space<vmem>> -> memref<1x128xi32, #tpu.memory_space<vmem>>
    %dma_wait3A_1535 = tpu.memref_squeeze %dma_wait3A_1534 : memref<1x128xi32, #tpu.memory_space<vmem>> -> memref<128xi32, #tpu.memory_space<vmem>>
    %dma_wait3A_1536 = tpu.memref_slice %arg3[%mul3A_1531] : memref<100000xi32, #tpu.memory_space<hbm>> -> memref<128xi32, #tpu.memory_space<hbm>>
    %dma_wait3A_1537 = arith.constant 0 : i32
    %dma_wait3A_1538 = tpu.memref_slice %arg6[%dma_wait3A_1532, %dma_wait3A_1537] : memref<6x128xi32, #tpu.memory_space<vmem>> -> memref<1x128xi32, #tpu.memory_space<vmem>>
    %dma_wait3A_1539 = tpu.memref_squeeze %dma_wait3A_1538 : memref<1x128xi32, #tpu.memory_space<vmem>> -> memref<128xi32, #tpu.memory_space<vmem>>
    %dma_wait3A_1540 = tpu.memref_slice %arg3[%mul3A_1531] : memref<100000xi32, #tpu.memory_space<hbm>> -> memref<128xi32, #tpu.memory_space<hbm>>
    tpu.wait_dma2 semaphore(%arg15 : memref<!tpu.dma_semaphore, #tpu.memory_space<semaphore_mem>>) src(%dma_wait3A_1540 : memref<128xi32, #tpu.memory_space<hbm>>) dst(%dma_wait3A_1539 : memref<128xi32, #tpu.memory_space<vmem>>)
    %dma_wait3A_1541 = arith.constant 4 : i32
    %dma_wait3A_1542 = arith.constant 0 : i32
    %dma_wait3A_1543 = arith.constant 0 : i32
    %dma_wait3A_1544 = tpu.memref_slice %arg5[%dma_wait3A_1541, %dma_wait3A_1542, %dma_wait3A_1543] : memref<6x128x128xf32, #tpu.memory_space<vmem>> -> memref<1x128x128xf32, #tpu.memory_space<vmem>>
    %dma_wait3A_1545 = tpu.memref_squeeze %dma_wait3A_1544 : memref<1x128x128xf32, #tpu.memory_space<vmem>> -> memref<128x128xf32, #tpu.memory_space<vmem>>
    %dma_wait3A_1546 = arith.constant 0 : i32
    %dma_wait3A_1547 = tpu.memref_slice %arg2[%mul3A_1531, %dma_wait3A_1546] : memref<100000x128xf32, #tpu.memory_space<hbm>> -> memref<128x128xf32, #tpu.memory_space<hbm>>
    %dma_wait3A_1548 = arith.constant 0 : i32
    %dma_wait3A_1549 = arith.constant 0 : i32
    %dma_wait3A_1550 = tpu.memref_slice %arg5[%dma_wait3A_1541, %dma_wait3A_1548, %dma_wait3A_1549] : memref<6x128x128xf32, #tpu.memory_space<vmem>> -> memref<1x128x128xf32, #tpu.memory_space<vmem>>
    %dma_wait3A_1551 = tpu.memref_squeeze %dma_wait3A_1550 : memref<1x128x128xf32, #tpu.memory_space<vmem>> -> memref<128x128xf32, #tpu.memory_space<vmem>>
    %dma_wait3A_1552 = arith.constant 0 : i32
    %dma_wait3A_1553 = tpu.memref_slice %arg2[%mul3A_1531, %dma_wait3A_1552] : memref<100000x128xf32, #tpu.memory_space<hbm>> -> memref<128x128xf32, #tpu.memory_space<hbm>>
    tpu.wait_dma2 semaphore(%arg15 : memref<!tpu.dma_semaphore, #tpu.memory_space<semaphore_mem>>) src(%dma_wait3A_1553 : memref<128x128xf32, #tpu.memory_space<hbm>>) dst(%dma_wait3A_1551 : memref<128x128xf32, #tpu.memory_space<vmem>>)
    %dma_start3A_1554 = arith.constant 4 : i32
    %dma_start3A_1555 = arith.constant 4 : i32
    %dma_start3A_1556 = arith.constant 0 : i32
    %dma_start3A_1557 = arith.constant 0 : i32
    %dma_start3A_1558 = tpu.memref_slice %arg5[%dma_start3A_1554, %dma_start3A_1556, %dma_start3A_1557] : memref<6x128x128xf32, #tpu.memory_space<vmem>> -> memref<1x128x128xf32, #tpu.memory_space<vmem>>
    %dma_start3A_1559 = tpu.memref_squeeze %dma_start3A_1558 : memref<1x128x128xf32, #tpu.memory_space<vmem>> -> memref<128x128xf32, #tpu.memory_space<vmem>>
    %dma_start3A_1560 = arith.constant 0 : i32
    %dma_start3A_1561 = tpu.memref_slice %arg6[%dma_start3A_1555, %dma_start3A_1560] : memref<6x128xi32, #tpu.memory_space<vmem>> -> memref<1x128xi32, #tpu.memory_space<vmem>>
    %dma_start3A_1562 = tpu.memref_squeeze %dma_start3A_1561 : memref<1x128xi32, #tpu.memory_space<vmem>> -> memref<128xi32, #tpu.memory_space<vmem>>
    %dma_start3A_1563 = arith.constant 0 : i32
    %dma_start3A_1564 = arith.constant 0 : i32
    %dma_start3A_1565 = tpu.memref_slice %arg10[%dma_start3A_1563, %dma_start3A_1564] : memref<64x128xf32, #tpu.memory_space<vmem_shared>> -> memref<64x128xf32, #tpu.memory_space<vmem_shared>>
    tpu.enqueue_indirect_dma source(%dma_start3A_1559 : memref<128x128xf32, #tpu.memory_space<vmem>>) target(%dma_start3A_1565 : memref<64x128xf32, #tpu.memory_space<vmem_shared>>) offsets(%dma_start3A_1562 : memref<128xi32, #tpu.memory_space<vmem>>) semaphore(%arg21 : memref<!tpu.dma_semaphore, #tpu.memory_space<semaphore_mem>>) {add = true}
    %dma_wait3A_1566 = arith.constant 3 : i32
    %dma_wait3A_1567 = arith.constant 3 : i32
    %dma_wait3A_1568 = arith.constant 0 : i32
    %dma_wait3A_1569 = arith.constant 0 : i32
    %dma_wait3A_1570 = tpu.memref_slice %arg5[%dma_wait3A_1566, %dma_wait3A_1568, %dma_wait3A_1569] : memref<6x128x128xf32, #tpu.memory_space<vmem>> -> memref<1x128x128xf32, #tpu.memory_space<vmem>>
    %dma_wait3A_1571 = tpu.memref_squeeze %dma_wait3A_1570 : memref<1x128x128xf32, #tpu.memory_space<vmem>> -> memref<128x128xf32, #tpu.memory_space<vmem>>
    %dma_wait3A_1572 = arith.constant 0 : i32
    %dma_wait3A_1573 = tpu.memref_slice %arg6[%dma_wait3A_1567, %dma_wait3A_1572] : memref<6x128xi32, #tpu.memory_space<vmem>> -> memref<1x128xi32, #tpu.memory_space<vmem>>
    %dma_wait3A_1574 = tpu.memref_squeeze %dma_wait3A_1573 : memref<1x128xi32, #tpu.memory_space<vmem>> -> memref<128xi32, #tpu.memory_space<vmem>>
    %dma_wait3A_1575 = arith.constant 0 : i32
    %dma_wait3A_1576 = arith.constant 0 : i32
    %dma_wait3A_1577 = tpu.memref_slice %arg10[%dma_wait3A_1575, %dma_wait3A_1576] : memref<64x128xf32, #tpu.memory_space<vmem_shared>> -> memref<64x128xf32, #tpu.memory_space<vmem_shared>>
    tpu.wait_indirect_dma semaphore(%arg20 : memref<!tpu.dma_semaphore, #tpu.memory_space<semaphore_mem>>) src(%dma_wait3A_1571 : memref<128x128xf32, #tpu.memory_space<vmem>>) dst(%dma_wait3A_1577 : memref<64x128xf32, #tpu.memory_space<vmem_shared>>)
    %add3A_1578 = arith.constant 672 : i32
    %add3A_1579 = arith.addi %add3A, %add3A_1578 : i32
    %mul3A_1580 = arith.constant 128 : i32
    %mul3A_1581 = arith.muli %add3A_1579, %mul3A_1580 : i32
    %dma_start3A_1582 = arith.constant 3 : i32
    %dma_start3A_1583 = arith.constant 0 : i32
    %dma_start3A_1584 = tpu.memref_slice %arg6[%dma_start3A_1582, %dma_start3A_1583] : memref<6x128xi32, #tpu.memory_space<vmem>> -> memref<1x128xi32, #tpu.memory_space<vmem>>
    %dma_start3A_1585 = tpu.memref_squeeze %dma_start3A_1584 : memref<1x128xi32, #tpu.memory_space<vmem>> -> memref<128xi32, #tpu.memory_space<vmem>>
    %dma_start3A_1586 = tpu.memref_slice %arg3[%mul3A_1581] : memref<100000xi32, #tpu.memory_space<hbm>> -> memref<128xi32, #tpu.memory_space<hbm>>
    %dma_start3A_1587 = arith.constant 0 : i32
    %dma_start3A_1588 = tpu.memref_slice %arg6[%dma_start3A_1582, %dma_start3A_1587] : memref<6x128xi32, #tpu.memory_space<vmem>> -> memref<1x128xi32, #tpu.memory_space<vmem>>
    %dma_start3A_1589 = tpu.memref_squeeze %dma_start3A_1588 : memref<1x128xi32, #tpu.memory_space<vmem>> -> memref<128xi32, #tpu.memory_space<vmem>>
    %dma_start3A_1590 = tpu.memref_slice %arg3[%mul3A_1581] : memref<100000xi32, #tpu.memory_space<hbm>> -> memref<128xi32, #tpu.memory_space<hbm>>
    tpu.enqueue_dma source(%dma_start3A_1590 : memref<128xi32, #tpu.memory_space<hbm>>) target(%dma_start3A_1589 : memref<128xi32, #tpu.memory_space<vmem>>) target_semaphore(%arg14 : memref<!tpu.dma_semaphore, #tpu.memory_space<semaphore_mem>>)
    %dma_start3A_1591 = arith.constant 3 : i32
    %dma_start3A_1592 = arith.constant 0 : i32
    %dma_start3A_1593 = arith.constant 0 : i32
    %dma_start3A_1594 = tpu.memref_slice %arg5[%dma_start3A_1591, %dma_start3A_1592, %dma_start3A_1593] : memref<6x128x128xf32, #tpu.memory_space<vmem>> -> memref<1x128x128xf32, #tpu.memory_space<vmem>>
    %dma_start3A_1595 = tpu.memref_squeeze %dma_start3A_1594 : memref<1x128x128xf32, #tpu.memory_space<vmem>> -> memref<128x128xf32, #tpu.memory_space<vmem>>
    %dma_start3A_1596 = arith.constant 0 : i32
    %dma_start3A_1597 = tpu.memref_slice %arg2[%mul3A_1581, %dma_start3A_1596] : memref<100000x128xf32, #tpu.memory_space<hbm>> -> memref<128x128xf32, #tpu.memory_space<hbm>>
    %dma_start3A_1598 = arith.constant 0 : i32
    %dma_start3A_1599 = arith.constant 0 : i32
    %dma_start3A_1600 = tpu.memref_slice %arg5[%dma_start3A_1591, %dma_start3A_1598, %dma_start3A_1599] : memref<6x128x128xf32, #tpu.memory_space<vmem>> -> memref<1x128x128xf32, #tpu.memory_space<vmem>>
    %dma_start3A_1601 = tpu.memref_squeeze %dma_start3A_1600 : memref<1x128x128xf32, #tpu.memory_space<vmem>> -> memref<128x128xf32, #tpu.memory_space<vmem>>
    %dma_start3A_1602 = arith.constant 0 : i32
    %dma_start3A_1603 = tpu.memref_slice %arg2[%mul3A_1581, %dma_start3A_1602] : memref<100000x128xf32, #tpu.memory_space<hbm>> -> memref<128x128xf32, #tpu.memory_space<hbm>>
    tpu.enqueue_dma source(%dma_start3A_1603 : memref<128x128xf32, #tpu.memory_space<hbm>>) target(%dma_start3A_1601 : memref<128x128xf32, #tpu.memory_space<vmem>>) target_semaphore(%arg14 : memref<!tpu.dma_semaphore, #tpu.memory_space<semaphore_mem>>)
    %add3A_1604 = arith.constant 544 : i32
    %add3A_1605 = arith.addi %add3A, %add3A_1604 : i32
    %mul3A_1606 = arith.constant 128 : i32
    %mul3A_1607 = arith.muli %add3A_1605, %mul3A_1606 : i32
    %dma_wait3A_1608 = arith.constant 5 : i32
    %dma_wait3A_1609 = arith.constant 0 : i32
    %dma_wait3A_1610 = tpu.memref_slice %arg6[%dma_wait3A_1608, %dma_wait3A_1609] : memref<6x128xi32, #tpu.memory_space<vmem>> -> memref<1x128xi32, #tpu.memory_space<vmem>>
    %dma_wait3A_1611 = tpu.memref_squeeze %dma_wait3A_1610 : memref<1x128xi32, #tpu.memory_space<vmem>> -> memref<128xi32, #tpu.memory_space<vmem>>
    %dma_wait3A_1612 = tpu.memref_slice %arg3[%mul3A_1607] : memref<100000xi32, #tpu.memory_space<hbm>> -> memref<128xi32, #tpu.memory_space<hbm>>
    %dma_wait3A_1613 = arith.constant 0 : i32
    %dma_wait3A_1614 = tpu.memref_slice %arg6[%dma_wait3A_1608, %dma_wait3A_1613] : memref<6x128xi32, #tpu.memory_space<vmem>> -> memref<1x128xi32, #tpu.memory_space<vmem>>
    %dma_wait3A_1615 = tpu.memref_squeeze %dma_wait3A_1614 : memref<1x128xi32, #tpu.memory_space<vmem>> -> memref<128xi32, #tpu.memory_space<vmem>>
    %dma_wait3A_1616 = tpu.memref_slice %arg3[%mul3A_1607] : memref<100000xi32, #tpu.memory_space<hbm>> -> memref<128xi32, #tpu.memory_space<hbm>>
    tpu.wait_dma2 semaphore(%arg16 : memref<!tpu.dma_semaphore, #tpu.memory_space<semaphore_mem>>) src(%dma_wait3A_1616 : memref<128xi32, #tpu.memory_space<hbm>>) dst(%dma_wait3A_1615 : memref<128xi32, #tpu.memory_space<vmem>>)
    %dma_wait3A_1617 = arith.constant 5 : i32
    %dma_wait3A_1618 = arith.constant 0 : i32
    %dma_wait3A_1619 = arith.constant 0 : i32
    %dma_wait3A_1620 = tpu.memref_slice %arg5[%dma_wait3A_1617, %dma_wait3A_1618, %dma_wait3A_1619] : memref<6x128x128xf32, #tpu.memory_space<vmem>> -> memref<1x128x128xf32, #tpu.memory_space<vmem>>
    %dma_wait3A_1621 = tpu.memref_squeeze %dma_wait3A_1620 : memref<1x128x128xf32, #tpu.memory_space<vmem>> -> memref<128x128xf32, #tpu.memory_space<vmem>>
    %dma_wait3A_1622 = arith.constant 0 : i32
    %dma_wait3A_1623 = tpu.memref_slice %arg2[%mul3A_1607, %dma_wait3A_1622] : memref<100000x128xf32, #tpu.memory_space<hbm>> -> memref<128x128xf32, #tpu.memory_space<hbm>>
    %dma_wait3A_1624 = arith.constant 0 : i32
    %dma_wait3A_1625 = arith.constant 0 : i32
    %dma_wait3A_1626 = tpu.memref_slice %arg5[%dma_wait3A_1617, %dma_wait3A_1624, %dma_wait3A_1625] : memref<6x128x128xf32, #tpu.memory_space<vmem>> -> memref<1x128x128xf32, #tpu.memory_space<vmem>>
    %dma_wait3A_1627 = tpu.memref_squeeze %dma_wait3A_1626 : memref<1x128x128xf32, #tpu.memory_space<vmem>> -> memref<128x128xf32, #tpu.memory_space<vmem>>
    %dma_wait3A_1628 = arith.constant 0 : i32
    %dma_wait3A_1629 = tpu.memref_slice %arg2[%mul3A_1607, %dma_wait3A_1628] : memref<100000x128xf32, #tpu.memory_space<hbm>> -> memref<128x128xf32, #tpu.memory_space<hbm>>
    tpu.wait_dma2 semaphore(%arg16 : memref<!tpu.dma_semaphore, #tpu.memory_space<semaphore_mem>>) src(%dma_wait3A_1629 : memref<128x128xf32, #tpu.memory_space<hbm>>) dst(%dma_wait3A_1627 : memref<128x128xf32, #tpu.memory_space<vmem>>)
    %dma_start3A_1630 = arith.constant 5 : i32
    %dma_start3A_1631 = arith.constant 5 : i32
    %dma_start3A_1632 = arith.constant 0 : i32
    %dma_start3A_1633 = arith.constant 0 : i32
    %dma_start3A_1634 = tpu.memref_slice %arg5[%dma_start3A_1630, %dma_start3A_1632, %dma_start3A_1633] : memref<6x128x128xf32, #tpu.memory_space<vmem>> -> memref<1x128x128xf32, #tpu.memory_space<vmem>>
    %dma_start3A_1635 = tpu.memref_squeeze %dma_start3A_1634 : memref<1x128x128xf32, #tpu.memory_space<vmem>> -> memref<128x128xf32, #tpu.memory_space<vmem>>
    %dma_start3A_1636 = arith.constant 0 : i32
    %dma_start3A_1637 = tpu.memref_slice %arg6[%dma_start3A_1631, %dma_start3A_1636] : memref<6x128xi32, #tpu.memory_space<vmem>> -> memref<1x128xi32, #tpu.memory_space<vmem>>
    %dma_start3A_1638 = tpu.memref_squeeze %dma_start3A_1637 : memref<1x128xi32, #tpu.memory_space<vmem>> -> memref<128xi32, #tpu.memory_space<vmem>>
    %dma_start3A_1639 = arith.constant 0 : i32
    %dma_start3A_1640 = arith.constant 0 : i32
    %dma_start3A_1641 = tpu.memref_slice %arg10[%dma_start3A_1639, %dma_start3A_1640] : memref<64x128xf32, #tpu.memory_space<vmem_shared>> -> memref<64x128xf32, #tpu.memory_space<vmem_shared>>
    tpu.enqueue_indirect_dma source(%dma_start3A_1635 : memref<128x128xf32, #tpu.memory_space<vmem>>) target(%dma_start3A_1641 : memref<64x128xf32, #tpu.memory_space<vmem_shared>>) offsets(%dma_start3A_1638 : memref<128xi32, #tpu.memory_space<vmem>>) semaphore(%arg22 : memref<!tpu.dma_semaphore, #tpu.memory_space<semaphore_mem>>) {add = true}
    %dma_wait3A_1642 = arith.constant 4 : i32
    %dma_wait3A_1643 = arith.constant 4 : i32
    %dma_wait3A_1644 = arith.constant 0 : i32
    %dma_wait3A_1645 = arith.constant 0 : i32
    %dma_wait3A_1646 = tpu.memref_slice %arg5[%dma_wait3A_1642, %dma_wait3A_1644, %dma_wait3A_1645] : memref<6x128x128xf32, #tpu.memory_space<vmem>> -> memref<1x128x128xf32, #tpu.memory_space<vmem>>
    %dma_wait3A_1647 = tpu.memref_squeeze %dma_wait3A_1646 : memref<1x128x128xf32, #tpu.memory_space<vmem>> -> memref<128x128xf32, #tpu.memory_space<vmem>>
    %dma_wait3A_1648 = arith.constant 0 : i32
    %dma_wait3A_1649 = tpu.memref_slice %arg6[%dma_wait3A_1643, %dma_wait3A_1648] : memref<6x128xi32, #tpu.memory_space<vmem>> -> memref<1x128xi32, #tpu.memory_space<vmem>>
    %dma_wait3A_1650 = tpu.memref_squeeze %dma_wait3A_1649 : memref<1x128xi32, #tpu.memory_space<vmem>> -> memref<128xi32, #tpu.memory_space<vmem>>
    %dma_wait3A_1651 = arith.constant 0 : i32
    %dma_wait3A_1652 = arith.constant 0 : i32
    %dma_wait3A_1653 = tpu.memref_slice %arg10[%dma_wait3A_1651, %dma_wait3A_1652] : memref<64x128xf32, #tpu.memory_space<vmem_shared>> -> memref<64x128xf32, #tpu.memory_space<vmem_shared>>
    tpu.wait_indirect_dma semaphore(%arg21 : memref<!tpu.dma_semaphore, #tpu.memory_space<semaphore_mem>>) src(%dma_wait3A_1647 : memref<128x128xf32, #tpu.memory_space<vmem>>) dst(%dma_wait3A_1653 : memref<64x128xf32, #tpu.memory_space<vmem_shared>>)
    %add3A_1654 = arith.constant 704 : i32
    %add3A_1655 = arith.addi %add3A, %add3A_1654 : i32
    %mul3A_1656 = arith.constant 128 : i32
    %mul3A_1657 = arith.muli %add3A_1655, %mul3A_1656 : i32
    %dma_start3A_1658 = arith.constant 4 : i32
    %dma_start3A_1659 = arith.constant 0 : i32
    %dma_start3A_1660 = tpu.memref_slice %arg6[%dma_start3A_1658, %dma_start3A_1659] : memref<6x128xi32, #tpu.memory_space<vmem>> -> memref<1x128xi32, #tpu.memory_space<vmem>>
    %dma_start3A_1661 = tpu.memref_squeeze %dma_start3A_1660 : memref<1x128xi32, #tpu.memory_space<vmem>> -> memref<128xi32, #tpu.memory_space<vmem>>
    %dma_start3A_1662 = tpu.memref_slice %arg3[%mul3A_1657] : memref<100000xi32, #tpu.memory_space<hbm>> -> memref<128xi32, #tpu.memory_space<hbm>>
    %dma_start3A_1663 = arith.constant 0 : i32
    %dma_start3A_1664 = tpu.memref_slice %arg6[%dma_start3A_1658, %dma_start3A_1663] : memref<6x128xi32, #tpu.memory_space<vmem>> -> memref<1x128xi32, #tpu.memory_space<vmem>>
    %dma_start3A_1665 = tpu.memref_squeeze %dma_start3A_1664 : memref<1x128xi32, #tpu.memory_space<vmem>> -> memref<128xi32, #tpu.memory_space<vmem>>
    %dma_start3A_1666 = tpu.memref_slice %arg3[%mul3A_1657] : memref<100000xi32, #tpu.memory_space<hbm>> -> memref<128xi32, #tpu.memory_space<hbm>>
    tpu.enqueue_dma source(%dma_start3A_1666 : memref<128xi32, #tpu.memory_space<hbm>>) target(%dma_start3A_1665 : memref<128xi32, #tpu.memory_space<vmem>>) target_semaphore(%arg15 : memref<!tpu.dma_semaphore, #tpu.memory_space<semaphore_mem>>)
    %dma_start3A_1667 = arith.constant 4 : i32
    %dma_start3A_1668 = arith.constant 0 : i32
    %dma_start3A_1669 = arith.constant 0 : i32
    %dma_start3A_1670 = tpu.memref_slice %arg5[%dma_start3A_1667, %dma_start3A_1668, %dma_start3A_1669] : memref<6x128x128xf32, #tpu.memory_space<vmem>> -> memref<1x128x128xf32, #tpu.memory_space<vmem>>
    %dma_start3A_1671 = tpu.memref_squeeze %dma_start3A_1670 : memref<1x128x128xf32, #tpu.memory_space<vmem>> -> memref<128x128xf32, #tpu.memory_space<vmem>>
    %dma_start3A_1672 = arith.constant 0 : i32
    %dma_start3A_1673 = tpu.memref_slice %arg2[%mul3A_1657, %dma_start3A_1672] : memref<100000x128xf32, #tpu.memory_space<hbm>> -> memref<128x128xf32, #tpu.memory_space<hbm>>
    %dma_start3A_1674 = arith.constant 0 : i32
    %dma_start3A_1675 = arith.constant 0 : i32
    %dma_start3A_1676 = tpu.memref_slice %arg5[%dma_start3A_1667, %dma_start3A_1674, %dma_start3A_1675] : memref<6x128x128xf32, #tpu.memory_space<vmem>> -> memref<1x128x128xf32, #tpu.memory_space<vmem>>
    %dma_start3A_1677 = tpu.memref_squeeze %dma_start3A_1676 : memref<1x128x128xf32, #tpu.memory_space<vmem>> -> memref<128x128xf32, #tpu.memory_space<vmem>>
    %dma_start3A_1678 = arith.constant 0 : i32
    %dma_start3A_1679 = tpu.memref_slice %arg2[%mul3A_1657, %dma_start3A_1678] : memref<100000x128xf32, #tpu.memory_space<hbm>> -> memref<128x128xf32, #tpu.memory_space<hbm>>
    tpu.enqueue_dma source(%dma_start3A_1679 : memref<128x128xf32, #tpu.memory_space<hbm>>) target(%dma_start3A_1677 : memref<128x128xf32, #tpu.memory_space<vmem>>) target_semaphore(%arg15 : memref<!tpu.dma_semaphore, #tpu.memory_space<semaphore_mem>>)
    %add3A_1680 = arith.constant 576 : i32
    %add3A_1681 = arith.addi %add3A, %add3A_1680 : i32
    %mul3A_1682 = arith.constant 128 : i32
    %mul3A_1683 = arith.muli %add3A_1681, %mul3A_1682 : i32
    %dma_wait3A_1684 = arith.constant 0 : i32
    %dma_wait3A_1685 = arith.constant 0 : i32
    %dma_wait3A_1686 = tpu.memref_slice %arg6[%dma_wait3A_1684, %dma_wait3A_1685] : memref<6x128xi32, #tpu.memory_space<vmem>> -> memref<1x128xi32, #tpu.memory_space<vmem>>
    %dma_wait3A_1687 = tpu.memref_squeeze %dma_wait3A_1686 : memref<1x128xi32, #tpu.memory_space<vmem>> -> memref<128xi32, #tpu.memory_space<vmem>>
    %dma_wait3A_1688 = tpu.memref_slice %arg3[%mul3A_1683] : memref<100000xi32, #tpu.memory_space<hbm>> -> memref<128xi32, #tpu.memory_space<hbm>>
    %dma_wait3A_1689 = arith.constant 0 : i32
    %dma_wait3A_1690 = tpu.memref_slice %arg6[%dma_wait3A_1684, %dma_wait3A_1689] : memref<6x128xi32, #tpu.memory_space<vmem>> -> memref<1x128xi32, #tpu.memory_space<vmem>>
    %dma_wait3A_1691 = tpu.memref_squeeze %dma_wait3A_1690 : memref<1x128xi32, #tpu.memory_space<vmem>> -> memref<128xi32, #tpu.memory_space<vmem>>
    %dma_wait3A_1692 = tpu.memref_slice %arg3[%mul3A_1683] : memref<100000xi32, #tpu.memory_space<hbm>> -> memref<128xi32, #tpu.memory_space<hbm>>
    tpu.wait_dma2 semaphore(%arg11 : memref<!tpu.dma_semaphore, #tpu.memory_space<semaphore_mem>>) src(%dma_wait3A_1692 : memref<128xi32, #tpu.memory_space<hbm>>) dst(%dma_wait3A_1691 : memref<128xi32, #tpu.memory_space<vmem>>)
    %dma_wait3A_1693 = arith.constant 0 : i32
    %dma_wait3A_1694 = arith.constant 0 : i32
    %dma_wait3A_1695 = arith.constant 0 : i32
    %dma_wait3A_1696 = tpu.memref_slice %arg5[%dma_wait3A_1693, %dma_wait3A_1694, %dma_wait3A_1695] : memref<6x128x128xf32, #tpu.memory_space<vmem>> -> memref<1x128x128xf32, #tpu.memory_space<vmem>>
    %dma_wait3A_1697 = tpu.memref_squeeze %dma_wait3A_1696 : memref<1x128x128xf32, #tpu.memory_space<vmem>> -> memref<128x128xf32, #tpu.memory_space<vmem>>
    %dma_wait3A_1698 = arith.constant 0 : i32
    %dma_wait3A_1699 = tpu.memref_slice %arg2[%mul3A_1683, %dma_wait3A_1698] : memref<100000x128xf32, #tpu.memory_space<hbm>> -> memref<128x128xf32, #tpu.memory_space<hbm>>
    %dma_wait3A_1700 = arith.constant 0 : i32
    %dma_wait3A_1701 = arith.constant 0 : i32
    %dma_wait3A_1702 = tpu.memref_slice %arg5[%dma_wait3A_1693, %dma_wait3A_1700, %dma_wait3A_1701] : memref<6x128x128xf32, #tpu.memory_space<vmem>> -> memref<1x128x128xf32, #tpu.memory_space<vmem>>
    %dma_wait3A_1703 = tpu.memref_squeeze %dma_wait3A_1702 : memref<1x128x128xf32, #tpu.memory_space<vmem>> -> memref<128x128xf32, #tpu.memory_space<vmem>>
    %dma_wait3A_1704 = arith.constant 0 : i32
    %dma_wait3A_1705 = tpu.memref_slice %arg2[%mul3A_1683, %dma_wait3A_1704] : memref<100000x128xf32, #tpu.memory_space<hbm>> -> memref<128x128xf32, #tpu.memory_space<hbm>>
    tpu.wait_dma2 semaphore(%arg11 : memref<!tpu.dma_semaphore, #tpu.memory_space<semaphore_mem>>) src(%dma_wait3A_1705 : memref<128x128xf32, #tpu.memory_space<hbm>>) dst(%dma_wait3A_1703 : memref<128x128xf32, #tpu.memory_space<vmem>>)
    %dma_start3A_1706 = arith.constant 0 : i32
    %dma_start3A_1707 = arith.constant 0 : i32
    %dma_start3A_1708 = arith.constant 0 : i32
    %dma_start3A_1709 = arith.constant 0 : i32
    %dma_start3A_1710 = tpu.memref_slice %arg5[%dma_start3A_1706, %dma_start3A_1708, %dma_start3A_1709] : memref<6x128x128xf32, #tpu.memory_space<vmem>> -> memref<1x128x128xf32, #tpu.memory_space<vmem>>
    %dma_start3A_1711 = tpu.memref_squeeze %dma_start3A_1710 : memref<1x128x128xf32, #tpu.memory_space<vmem>> -> memref<128x128xf32, #tpu.memory_space<vmem>>
    %dma_start3A_1712 = arith.constant 0 : i32
    %dma_start3A_1713 = tpu.memref_slice %arg6[%dma_start3A_1707, %dma_start3A_1712] : memref<6x128xi32, #tpu.memory_space<vmem>> -> memref<1x128xi32, #tpu.memory_space<vmem>>
    %dma_start3A_1714 = tpu.memref_squeeze %dma_start3A_1713 : memref<1x128xi32, #tpu.memory_space<vmem>> -> memref<128xi32, #tpu.memory_space<vmem>>
    %dma_start3A_1715 = arith.constant 0 : i32
    %dma_start3A_1716 = arith.constant 0 : i32
    %dma_start3A_1717 = tpu.memref_slice %arg10[%dma_start3A_1715, %dma_start3A_1716] : memref<64x128xf32, #tpu.memory_space<vmem_shared>> -> memref<64x128xf32, #tpu.memory_space<vmem_shared>>
    tpu.enqueue_indirect_dma source(%dma_start3A_1711 : memref<128x128xf32, #tpu.memory_space<vmem>>) target(%dma_start3A_1717 : memref<64x128xf32, #tpu.memory_space<vmem_shared>>) offsets(%dma_start3A_1714 : memref<128xi32, #tpu.memory_space<vmem>>) semaphore(%arg17 : memref<!tpu.dma_semaphore, #tpu.memory_space<semaphore_mem>>) {add = true}
    %dma_wait3A_1718 = arith.constant 5 : i32
    %dma_wait3A_1719 = arith.constant 5 : i32
    %dma_wait3A_1720 = arith.constant 0 : i32
    %dma_wait3A_1721 = arith.constant 0 : i32
    %dma_wait3A_1722 = tpu.memref_slice %arg5[%dma_wait3A_1718, %dma_wait3A_1720, %dma_wait3A_1721] : memref<6x128x128xf32, #tpu.memory_space<vmem>> -> memref<1x128x128xf32, #tpu.memory_space<vmem>>
    %dma_wait3A_1723 = tpu.memref_squeeze %dma_wait3A_1722 : memref<1x128x128xf32, #tpu.memory_space<vmem>> -> memref<128x128xf32, #tpu.memory_space<vmem>>
    %dma_wait3A_1724 = arith.constant 0 : i32
    %dma_wait3A_1725 = tpu.memref_slice %arg6[%dma_wait3A_1719, %dma_wait3A_1724] : memref<6x128xi32, #tpu.memory_space<vmem>> -> memref<1x128xi32, #tpu.memory_space<vmem>>
    %dma_wait3A_1726 = tpu.memref_squeeze %dma_wait3A_1725 : memref<1x128xi32, #tpu.memory_space<vmem>> -> memref<128xi32, #tpu.memory_space<vmem>>
    %dma_wait3A_1727 = arith.constant 0 : i32
    %dma_wait3A_1728 = arith.constant 0 : i32
    %dma_wait3A_1729 = tpu.memref_slice %arg10[%dma_wait3A_1727, %dma_wait3A_1728] : memref<64x128xf32, #tpu.memory_space<vmem_shared>> -> memref<64x128xf32, #tpu.memory_space<vmem_shared>>
    tpu.wait_indirect_dma semaphore(%arg22 : memref<!tpu.dma_semaphore, #tpu.memory_space<semaphore_mem>>) src(%dma_wait3A_1723 : memref<128x128xf32, #tpu.memory_space<vmem>>) dst(%dma_wait3A_1729 : memref<64x128xf32, #tpu.memory_space<vmem_shared>>)
    %add3A_1730 = arith.constant 736 : i32
    %add3A_1731 = arith.addi %add3A, %add3A_1730 : i32
    %mul3A_1732 = arith.constant 128 : i32
    %mul3A_1733 = arith.muli %add3A_1731, %mul3A_1732 : i32
    %dma_start3A_1734 = arith.constant 5 : i32
    %dma_start3A_1735 = arith.constant 0 : i32
    %dma_start3A_1736 = tpu.memref_slice %arg6[%dma_start3A_1734, %dma_start3A_1735] : memref<6x128xi32, #tpu.memory_space<vmem>> -> memref<1x128xi32, #tpu.memory_space<vmem>>
    %dma_start3A_1737 = tpu.memref_squeeze %dma_start3A_1736 : memref<1x128xi32, #tpu.memory_space<vmem>> -> memref<128xi32, #tpu.memory_space<vmem>>
    %dma_start3A_1738 = tpu.memref_slice %arg3[%mul3A_1733] : memref<100000xi32, #tpu.memory_space<hbm>> -> memref<128xi32, #tpu.memory_space<hbm>>
    %dma_start3A_1739 = arith.constant 0 : i32
    %dma_start3A_1740 = tpu.memref_slice %arg6[%dma_start3A_1734, %dma_start3A_1739] : memref<6x128xi32, #tpu.memory_space<vmem>> -> memref<1x128xi32, #tpu.memory_space<vmem>>
    %dma_start3A_1741 = tpu.memref_squeeze %dma_start3A_1740 : memref<1x128xi32, #tpu.memory_space<vmem>> -> memref<128xi32, #tpu.memory_space<vmem>>
    %dma_start3A_1742 = tpu.memref_slice %arg3[%mul3A_1733] : memref<100000xi32, #tpu.memory_space<hbm>> -> memref<128xi32, #tpu.memory_space<hbm>>
    tpu.enqueue_dma source(%dma_start3A_1742 : memref<128xi32, #tpu.memory_space<hbm>>) target(%dma_start3A_1741 : memref<128xi32, #tpu.memory_space<vmem>>) target_semaphore(%arg16 : memref<!tpu.dma_semaphore, #tpu.memory_space<semaphore_mem>>)
    %dma_start3A_1743 = arith.constant 5 : i32
    %dma_start3A_1744 = arith.constant 0 : i32
    %dma_start3A_1745 = arith.constant 0 : i32
    %dma_start3A_1746 = tpu.memref_slice %arg5[%dma_start3A_1743, %dma_start3A_1744, %dma_start3A_1745] : memref<6x128x128xf32, #tpu.memory_space<vmem>> -> memref<1x128x128xf32, #tpu.memory_space<vmem>>
    %dma_start3A_1747 = tpu.memref_squeeze %dma_start3A_1746 : memref<1x128x128xf32, #tpu.memory_space<vmem>> -> memref<128x128xf32, #tpu.memory_space<vmem>>
    %dma_start3A_1748 = arith.constant 0 : i32
    %dma_start3A_1749 = tpu.memref_slice %arg2[%mul3A_1733, %dma_start3A_1748] : memref<100000x128xf32, #tpu.memory_space<hbm>> -> memref<128x128xf32, #tpu.memory_space<hbm>>
    %dma_start3A_1750 = arith.constant 0 : i32
    %dma_start3A_1751 = arith.constant 0 : i32
    %dma_start3A_1752 = tpu.memref_slice %arg5[%dma_start3A_1743, %dma_start3A_1750, %dma_start3A_1751] : memref<6x128x128xf32, #tpu.memory_space<vmem>> -> memref<1x128x128xf32, #tpu.memory_space<vmem>>
    %dma_start3A_1753 = tpu.memref_squeeze %dma_start3A_1752 : memref<1x128x128xf32, #tpu.memory_space<vmem>> -> memref<128x128xf32, #tpu.memory_space<vmem>>
    %dma_start3A_1754 = arith.constant 0 : i32
    %dma_start3A_1755 = tpu.memref_slice %arg2[%mul3A_1733, %dma_start3A_1754] : memref<100000x128xf32, #tpu.memory_space<hbm>> -> memref<128x128xf32, #tpu.memory_space<hbm>>
    tpu.enqueue_dma source(%dma_start3A_1755 : memref<128x128xf32, #tpu.memory_space<hbm>>) target(%dma_start3A_1753 : memref<128x128xf32, #tpu.memory_space<vmem>>) target_semaphore(%arg16 : memref<!tpu.dma_semaphore, #tpu.memory_space<semaphore_mem>>)
    %add3A_1756 = arith.constant 608 : i32
    %add3A_1757 = arith.addi %add3A, %add3A_1756 : i32
    %mul3A_1758 = arith.constant 128 : i32
    %mul3A_1759 = arith.muli %add3A_1757, %mul3A_1758 : i32
    %dma_wait3A_1760 = arith.constant 1 : i32
    %dma_wait3A_1761 = arith.constant 0 : i32
    %dma_wait3A_1762 = tpu.memref_slice %arg6[%dma_wait3A_1760, %dma_wait3A_1761] : memref<6x128xi32, #tpu.memory_space<vmem>> -> memref<1x128xi32, #tpu.memory_space<vmem>>
    %dma_wait3A_1763 = tpu.memref_squeeze %dma_wait3A_1762 : memref<1x128xi32, #tpu.memory_space<vmem>> -> memref<128xi32, #tpu.memory_space<vmem>>
    %dma_wait3A_1764 = tpu.memref_slice %arg3[%mul3A_1759] : memref<100000xi32, #tpu.memory_space<hbm>> -> memref<128xi32, #tpu.memory_space<hbm>>
    %dma_wait3A_1765 = arith.constant 0 : i32
    %dma_wait3A_1766 = tpu.memref_slice %arg6[%dma_wait3A_1760, %dma_wait3A_1765] : memref<6x128xi32, #tpu.memory_space<vmem>> -> memref<1x128xi32, #tpu.memory_space<vmem>>
    %dma_wait3A_1767 = tpu.memref_squeeze %dma_wait3A_1766 : memref<1x128xi32, #tpu.memory_space<vmem>> -> memref<128xi32, #tpu.memory_space<vmem>>
    %dma_wait3A_1768 = tpu.memref_slice %arg3[%mul3A_1759] : memref<100000xi32, #tpu.memory_space<hbm>> -> memref<128xi32, #tpu.memory_space<hbm>>
    tpu.wait_dma2 semaphore(%arg12 : memref<!tpu.dma_semaphore, #tpu.memory_space<semaphore_mem>>) src(%dma_wait3A_1768 : memref<128xi32, #tpu.memory_space<hbm>>) dst(%dma_wait3A_1767 : memref<128xi32, #tpu.memory_space<vmem>>)
    %dma_wait3A_1769 = arith.constant 1 : i32
    %dma_wait3A_1770 = arith.constant 0 : i32
    %dma_wait3A_1771 = arith.constant 0 : i32
    %dma_wait3A_1772 = tpu.memref_slice %arg5[%dma_wait3A_1769, %dma_wait3A_1770, %dma_wait3A_1771] : memref<6x128x128xf32, #tpu.memory_space<vmem>> -> memref<1x128x128xf32, #tpu.memory_space<vmem>>
    %dma_wait3A_1773 = tpu.memref_squeeze %dma_wait3A_1772 : memref<1x128x128xf32, #tpu.memory_space<vmem>> -> memref<128x128xf32, #tpu.memory_space<vmem>>
    %dma_wait3A_1774 = arith.constant 0 : i32
    %dma_wait3A_1775 = tpu.memref_slice %arg2[%mul3A_1759, %dma_wait3A_1774] : memref<100000x128xf32, #tpu.memory_space<hbm>> -> memref<128x128xf32, #tpu.memory_space<hbm>>
    %dma_wait3A_1776 = arith.constant 0 : i32
    %dma_wait3A_1777 = arith.constant 0 : i32
    %dma_wait3A_1778 = tpu.memref_slice %arg5[%dma_wait3A_1769, %dma_wait3A_1776, %dma_wait3A_1777] : memref<6x128x128xf32, #tpu.memory_space<vmem>> -> memref<1x128x128xf32, #tpu.memory_space<vmem>>
    %dma_wait3A_1779 = tpu.memref_squeeze %dma_wait3A_1778 : memref<1x128x128xf32, #tpu.memory_space<vmem>> -> memref<128x128xf32, #tpu.memory_space<vmem>>
    %dma_wait3A_1780 = arith.constant 0 : i32
    %dma_wait3A_1781 = tpu.memref_slice %arg2[%mul3A_1759, %dma_wait3A_1780] : memref<100000x128xf32, #tpu.memory_space<hbm>> -> memref<128x128xf32, #tpu.memory_space<hbm>>
    tpu.wait_dma2 semaphore(%arg12 : memref<!tpu.dma_semaphore, #tpu.memory_space<semaphore_mem>>) src(%dma_wait3A_1781 : memref<128x128xf32, #tpu.memory_space<hbm>>) dst(%dma_wait3A_1779 : memref<128x128xf32, #tpu.memory_space<vmem>>)
    %dma_start3A_1782 = arith.constant 1 : i32
    %dma_start3A_1783 = arith.constant 1 : i32
    %dma_start3A_1784 = arith.constant 0 : i32
    %dma_start3A_1785 = arith.constant 0 : i32
    %dma_start3A_1786 = tpu.memref_slice %arg5[%dma_start3A_1782, %dma_start3A_1784, %dma_start3A_1785] : memref<6x128x128xf32, #tpu.memory_space<vmem>> -> memref<1x128x128xf32, #tpu.memory_space<vmem>>
    %dma_start3A_1787 = tpu.memref_squeeze %dma_start3A_1786 : memref<1x128x128xf32, #tpu.memory_space<vmem>> -> memref<128x128xf32, #tpu.memory_space<vmem>>
    %dma_start3A_1788 = arith.constant 0 : i32
    %dma_start3A_1789 = tpu.memref_slice %arg6[%dma_start3A_1783, %dma_start3A_1788] : memref<6x128xi32, #tpu.memory_space<vmem>> -> memref<1x128xi32, #tpu.memory_space<vmem>>
    %dma_start3A_1790 = tpu.memref_squeeze %dma_start3A_1789 : memref<1x128xi32, #tpu.memory_space<vmem>> -> memref<128xi32, #tpu.memory_space<vmem>>
    %dma_start3A_1791 = arith.constant 0 : i32
    %dma_start3A_1792 = arith.constant 0 : i32
    %dma_start3A_1793 = tpu.memref_slice %arg10[%dma_start3A_1791, %dma_start3A_1792] : memref<64x128xf32, #tpu.memory_space<vmem_shared>> -> memref<64x128xf32, #tpu.memory_space<vmem_shared>>
    tpu.enqueue_indirect_dma source(%dma_start3A_1787 : memref<128x128xf32, #tpu.memory_space<vmem>>) target(%dma_start3A_1793 : memref<64x128xf32, #tpu.memory_space<vmem_shared>>) offsets(%dma_start3A_1790 : memref<128xi32, #tpu.memory_space<vmem>>) semaphore(%arg18 : memref<!tpu.dma_semaphore, #tpu.memory_space<semaphore_mem>>) {add = true}
    %convert_element_type3A = arith.extui %lt3A_1 : i1 to i32
    %cond3A = arith.constant 0 : i32
    %cond3A_1794 = arith.cmpi ne, %convert_element_type3A, %cond3A : i32
    scf.if %cond3A_1794 {
      %dma_wait3A_2023 = arith.constant 0 : i32
      %dma_wait3A_2024 = arith.constant 0 : i32
      %dma_wait3A_2025 = arith.constant 0 : i32
      %dma_wait3A_2026 = arith.constant 0 : i32
      %dma_wait3A_2027 = tpu.memref_slice %arg5[%dma_wait3A_2023, %dma_wait3A_2025, %dma_wait3A_2026] : memref<6x128x128xf32, #tpu.memory_space<vmem>> -> memref<1x128x128xf32, #tpu.memory_space<vmem>>
      %dma_wait3A_2028 = tpu.memref_squeeze %dma_wait3A_2027 : memref<1x128x128xf32, #tpu.memory_space<vmem>> -> memref<128x128xf32, #tpu.memory_space<vmem>>
      %dma_wait3A_2029 = arith.constant 0 : i32
      %dma_wait3A_2030 = tpu.memref_slice %arg6[%dma_wait3A_2024, %dma_wait3A_2029] : memref<6x128xi32, #tpu.memory_space<vmem>> -> memref<1x128xi32, #tpu.memory_space<vmem>>
      %dma_wait3A_2031 = tpu.memref_squeeze %dma_wait3A_2030 : memref<1x128xi32, #tpu.memory_space<vmem>> -> memref<128xi32, #tpu.memory_space<vmem>>
      %dma_wait3A_2032 = arith.constant 0 : i32
      %dma_wait3A_2033 = arith.constant 0 : i32
      %dma_wait3A_2034 = tpu.memref_slice %arg10[%dma_wait3A_2032, %dma_wait3A_2033] : memref<64x128xf32, #tpu.memory_space<vmem_shared>> -> memref<64x128xf32, #tpu.memory_space<vmem_shared>>
      tpu.wait_indirect_dma semaphore(%arg17 : memref<!tpu.dma_semaphore, #tpu.memory_space<semaphore_mem>>) src(%dma_wait3A_2028 : memref<128x128xf32, #tpu.memory_space<vmem>>) dst(%dma_wait3A_2034 : memref<64x128xf32, #tpu.memory_space<vmem_shared>>)
      %add3A_2035 = arith.constant 768 : i32
      %add3A_2036 = arith.addi %add3A, %add3A_2035 : i32
      %mul3A_2037 = arith.constant 128 : i32
      %mul3A_2038 = arith.muli %add3A_2036, %mul3A_2037 : i32
      %dma_start3A_2039 = arith.constant 0 : i32
      %dma_start3A_2040 = arith.constant 0 : i32
      %dma_start3A_2041 = tpu.memref_slice %arg6[%dma_start3A_2039, %dma_start3A_2040] : memref<6x128xi32, #tpu.memory_space<vmem>> -> memref<1x128xi32, #tpu.memory_space<vmem>>
      %dma_start3A_2042 = tpu.memref_squeeze %dma_start3A_2041 : memref<1x128xi32, #tpu.memory_space<vmem>> -> memref<128xi32, #tpu.memory_space<vmem>>
      %dma_start3A_2043 = tpu.memref_slice %arg3[%mul3A_2038] : memref<100000xi32, #tpu.memory_space<hbm>> -> memref<128xi32, #tpu.memory_space<hbm>>
      %dma_start3A_2044 = arith.constant 0 : i32
      %dma_start3A_2045 = tpu.memref_slice %arg6[%dma_start3A_2039, %dma_start3A_2044] : memref<6x128xi32, #tpu.memory_space<vmem>> -> memref<1x128xi32, #tpu.memory_space<vmem>>
      %dma_start3A_2046 = tpu.memref_squeeze %dma_start3A_2045 : memref<1x128xi32, #tpu.memory_space<vmem>> -> memref<128xi32, #tpu.memory_space<vmem>>
      %dma_start3A_2047 = tpu.memref_slice %arg3[%mul3A_2038] : memref<100000xi32, #tpu.memory_space<hbm>> -> memref<128xi32, #tpu.memory_space<hbm>>
      tpu.enqueue_dma source(%dma_start3A_2047 : memref<128xi32, #tpu.memory_space<hbm>>) target(%dma_start3A_2046 : memref<128xi32, #tpu.memory_space<vmem>>) target_semaphore(%arg11 : memref<!tpu.dma_semaphore, #tpu.memory_space<semaphore_mem>>)
      %dma_start3A_2048 = arith.constant 0 : i32
      %dma_start3A_2049 = arith.constant 0 : i32
      %dma_start3A_2050 = arith.constant 0 : i32
      %dma_start3A_2051 = tpu.memref_slice %arg5[%dma_start3A_2048, %dma_start3A_2049, %dma_start3A_2050] : memref<6x128x128xf32, #tpu.memory_space<vmem>> -> memref<1x128x128xf32, #tpu.memory_space<vmem>>
      %dma_start3A_2052 = tpu.memref_squeeze %dma_start3A_2051 : memref<1x128x128xf32, #tpu.memory_space<vmem>> -> memref<128x128xf32, #tpu.memory_space<vmem>>
      %dma_start3A_2053 = arith.constant 0 : i32
      %dma_start3A_2054 = tpu.memref_slice %arg2[%mul3A_2038, %dma_start3A_2053] : memref<100000x128xf32, #tpu.memory_space<hbm>> -> memref<128x128xf32, #tpu.memory_space<hbm>>
      %dma_start3A_2055 = arith.constant 0 : i32
      %dma_start3A_2056 = arith.constant 0 : i32
      %dma_start3A_2057 = tpu.memref_slice %arg5[%dma_start3A_2048, %dma_start3A_2055, %dma_start3A_2056] : memref<6x128x128xf32, #tpu.memory_space<vmem>> -> memref<1x128x128xf32, #tpu.memory_space<vmem>>
      %dma_start3A_2058 = tpu.memref_squeeze %dma_start3A_2057 : memref<1x128x128xf32, #tpu.memory_space<vmem>> -> memref<128x128xf32, #tpu.memory_space<vmem>>
      %dma_start3A_2059 = arith.constant 0 : i32
      %dma_start3A_2060 = tpu.memref_slice %arg2[%mul3A_2038, %dma_start3A_2059] : memref<100000x128xf32, #tpu.memory_space<hbm>> -> memref<128x128xf32, #tpu.memory_space<hbm>>
      tpu.enqueue_dma source(%dma_start3A_2060 : memref<128x128xf32, #tpu.memory_space<hbm>>) target(%dma_start3A_2058 : memref<128x128xf32, #tpu.memory_space<vmem>>) target_semaphore(%arg11 : memref<!tpu.dma_semaphore, #tpu.memory_space<semaphore_mem>>)
    } else {
    }
    %add3A_1795 = arith.constant 640 : i32
    %add3A_1796 = arith.addi %add3A, %add3A_1795 : i32
    %mul3A_1797 = arith.constant 128 : i32
    %mul3A_1798 = arith.muli %add3A_1796, %mul3A_1797 : i32
    %dma_wait3A_1799 = arith.constant 2 : i32
    %dma_wait3A_1800 = arith.constant 0 : i32
    %dma_wait3A_1801 = tpu.memref_slice %arg6[%dma_wait3A_1799, %dma_wait3A_1800] : memref<6x128xi32, #tpu.memory_space<vmem>> -> memref<1x128xi32, #tpu.memory_space<vmem>>
    %dma_wait3A_1802 = tpu.memref_squeeze %dma_wait3A_1801 : memref<1x128xi32, #tpu.memory_space<vmem>> -> memref<128xi32, #tpu.memory_space<vmem>>
    %dma_wait3A_1803 = tpu.memref_slice %arg3[%mul3A_1798] : memref<100000xi32, #tpu.memory_space<hbm>> -> memref<128xi32, #tpu.memory_space<hbm>>
    %dma_wait3A_1804 = arith.constant 0 : i32
    %dma_wait3A_1805 = tpu.memref_slice %arg6[%dma_wait3A_1799, %dma_wait3A_1804] : memref<6x128xi32, #tpu.memory_space<vmem>> -> memref<1x128xi32, #tpu.memory_space<vmem>>
    %dma_wait3A_1806 = tpu.memref_squeeze %dma_wait3A_1805 : memref<1x128xi32, #tpu.memory_space<vmem>> -> memref<128xi32, #tpu.memory_space<vmem>>
    %dma_wait3A_1807 = tpu.memref_slice %arg3[%mul3A_1798] : memref<100000xi32, #tpu.memory_space<hbm>> -> memref<128xi32, #tpu.memory_space<hbm>>
    tpu.wait_dma2 semaphore(%arg13 : memref<!tpu.dma_semaphore, #tpu.memory_space<semaphore_mem>>) src(%dma_wait3A_1807 : memref<128xi32, #tpu.memory_space<hbm>>) dst(%dma_wait3A_1806 : memref<128xi32, #tpu.memory_space<vmem>>)
    %dma_wait3A_1808 = arith.constant 2 : i32
    %dma_wait3A_1809 = arith.constant 0 : i32
    %dma_wait3A_1810 = arith.constant 0 : i32
    %dma_wait3A_1811 = tpu.memref_slice %arg5[%dma_wait3A_1808, %dma_wait3A_1809, %dma_wait3A_1810] : memref<6x128x128xf32, #tpu.memory_space<vmem>> -> memref<1x128x128xf32, #tpu.memory_space<vmem>>
    %dma_wait3A_1812 = tpu.memref_squeeze %dma_wait3A_1811 : memref<1x128x128xf32, #tpu.memory_space<vmem>> -> memref<128x128xf32, #tpu.memory_space<vmem>>
    %dma_wait3A_1813 = arith.constant 0 : i32
    %dma_wait3A_1814 = tpu.memref_slice %arg2[%mul3A_1798, %dma_wait3A_1813] : memref<100000x128xf32, #tpu.memory_space<hbm>> -> memref<128x128xf32, #tpu.memory_space<hbm>>
    %dma_wait3A_1815 = arith.constant 0 : i32
    %dma_wait3A_1816 = arith.constant 0 : i32
    %dma_wait3A_1817 = tpu.memref_slice %arg5[%dma_wait3A_1808, %dma_wait3A_1815, %dma_wait3A_1816] : memref<6x128x128xf32, #tpu.memory_space<vmem>> -> memref<1x128x128xf32, #tpu.memory_space<vmem>>
    %dma_wait3A_1818 = tpu.memref_squeeze %dma_wait3A_1817 : memref<1x128x128xf32, #tpu.memory_space<vmem>> -> memref<128x128xf32, #tpu.memory_space<vmem>>
    %dma_wait3A_1819 = arith.constant 0 : i32
    %dma_wait3A_1820 = tpu.memref_slice %arg2[%mul3A_1798, %dma_wait3A_1819] : memref<100000x128xf32, #tpu.memory_space<hbm>> -> memref<128x128xf32, #tpu.memory_space<hbm>>
    tpu.wait_dma2 semaphore(%arg13 : memref<!tpu.dma_semaphore, #tpu.memory_space<semaphore_mem>>) src(%dma_wait3A_1820 : memref<128x128xf32, #tpu.memory_space<hbm>>) dst(%dma_wait3A_1818 : memref<128x128xf32, #tpu.memory_space<vmem>>)
    %dma_start3A_1821 = arith.constant 2 : i32
    %dma_start3A_1822 = arith.constant 2 : i32
    %dma_start3A_1823 = arith.constant 0 : i32
    %dma_start3A_1824 = arith.constant 0 : i32
    %dma_start3A_1825 = tpu.memref_slice %arg5[%dma_start3A_1821, %dma_start3A_1823, %dma_start3A_1824] : memref<6x128x128xf32, #tpu.memory_space<vmem>> -> memref<1x128x128xf32, #tpu.memory_space<vmem>>
    %dma_start3A_1826 = tpu.memref_squeeze %dma_start3A_1825 : memref<1x128x128xf32, #tpu.memory_space<vmem>> -> memref<128x128xf32, #tpu.memory_space<vmem>>
    %dma_start3A_1827 = arith.constant 0 : i32
    %dma_start3A_1828 = tpu.memref_slice %arg6[%dma_start3A_1822, %dma_start3A_1827] : memref<6x128xi32, #tpu.memory_space<vmem>> -> memref<1x128xi32, #tpu.memory_space<vmem>>
    %dma_start3A_1829 = tpu.memref_squeeze %dma_start3A_1828 : memref<1x128xi32, #tpu.memory_space<vmem>> -> memref<128xi32, #tpu.memory_space<vmem>>
    %dma_start3A_1830 = arith.constant 0 : i32
    %dma_start3A_1831 = arith.constant 0 : i32
    %dma_start3A_1832 = tpu.memref_slice %arg10[%dma_start3A_1830, %dma_start3A_1831] : memref<64x128xf32, #tpu.memory_space<vmem_shared>> -> memref<64x128xf32, #tpu.memory_space<vmem_shared>>
    tpu.enqueue_indirect_dma source(%dma_start3A_1826 : memref<128x128xf32, #tpu.memory_space<vmem>>) target(%dma_start3A_1832 : memref<64x128xf32, #tpu.memory_space<vmem_shared>>) offsets(%dma_start3A_1829 : memref<128xi32, #tpu.memory_space<vmem>>) semaphore(%arg19 : memref<!tpu.dma_semaphore, #tpu.memory_space<semaphore_mem>>) {add = true}
    %add3A_1833 = arith.constant 672 : i32
    %add3A_1834 = arith.addi %add3A, %add3A_1833 : i32
    %mul3A_1835 = arith.constant 128 : i32
    %mul3A_1836 = arith.muli %add3A_1834, %mul3A_1835 : i32
    %dma_wait3A_1837 = arith.constant 3 : i32
    %dma_wait3A_1838 = arith.constant 0 : i32
    %dma_wait3A_1839 = tpu.memref_slice %arg6[%dma_wait3A_1837, %dma_wait3A_1838] : memref<6x128xi32, #tpu.memory_space<vmem>> -> memref<1x128xi32, #tpu.memory_space<vmem>>
    %dma_wait3A_1840 = tpu.memref_squeeze %dma_wait3A_1839 : memref<1x128xi32, #tpu.memory_space<vmem>> -> memref<128xi32, #tpu.memory_space<vmem>>
    %dma_wait3A_1841 = tpu.memref_slice %arg3[%mul3A_1836] : memref<100000xi32, #tpu.memory_space<hbm>> -> memref<128xi32, #tpu.memory_space<hbm>>
    %dma_wait3A_1842 = arith.constant 0 : i32
    %dma_wait3A_1843 = tpu.memref_slice %arg6[%dma_wait3A_1837, %dma_wait3A_1842] : memref<6x128xi32, #tpu.memory_space<vmem>> -> memref<1x128xi32, #tpu.memory_space<vmem>>
    %dma_wait3A_1844 = tpu.memref_squeeze %dma_wait3A_1843 : memref<1x128xi32, #tpu.memory_space<vmem>> -> memref<128xi32, #tpu.memory_space<vmem>>
    %dma_wait3A_1845 = tpu.memref_slice %arg3[%mul3A_1836] : memref<100000xi32, #tpu.memory_space<hbm>> -> memref<128xi32, #tpu.memory_space<hbm>>
    tpu.wait_dma2 semaphore(%arg14 : memref<!tpu.dma_semaphore, #tpu.memory_space<semaphore_mem>>) src(%dma_wait3A_1845 : memref<128xi32, #tpu.memory_space<hbm>>) dst(%dma_wait3A_1844 : memref<128xi32, #tpu.memory_space<vmem>>)
    %dma_wait3A_1846 = arith.constant 3 : i32
    %dma_wait3A_1847 = arith.constant 0 : i32
    %dma_wait3A_1848 = arith.constant 0 : i32
    %dma_wait3A_1849 = tpu.memref_slice %arg5[%dma_wait3A_1846, %dma_wait3A_1847, %dma_wait3A_1848] : memref<6x128x128xf32, #tpu.memory_space<vmem>> -> memref<1x128x128xf32, #tpu.memory_space<vmem>>
    %dma_wait3A_1850 = tpu.memref_squeeze %dma_wait3A_1849 : memref<1x128x128xf32, #tpu.memory_space<vmem>> -> memref<128x128xf32, #tpu.memory_space<vmem>>
    %dma_wait3A_1851 = arith.constant 0 : i32
    %dma_wait3A_1852 = tpu.memref_slice %arg2[%mul3A_1836, %dma_wait3A_1851] : memref<100000x128xf32, #tpu.memory_space<hbm>> -> memref<128x128xf32, #tpu.memory_space<hbm>>
    %dma_wait3A_1853 = arith.constant 0 : i32
    %dma_wait3A_1854 = arith.constant 0 : i32
    %dma_wait3A_1855 = tpu.memref_slice %arg5[%dma_wait3A_1846, %dma_wait3A_1853, %dma_wait3A_1854] : memref<6x128x128xf32, #tpu.memory_space<vmem>> -> memref<1x128x128xf32, #tpu.memory_space<vmem>>
    %dma_wait3A_1856 = tpu.memref_squeeze %dma_wait3A_1855 : memref<1x128x128xf32, #tpu.memory_space<vmem>> -> memref<128x128xf32, #tpu.memory_space<vmem>>
    %dma_wait3A_1857 = arith.constant 0 : i32
    %dma_wait3A_1858 = tpu.memref_slice %arg2[%mul3A_1836, %dma_wait3A_1857] : memref<100000x128xf32, #tpu.memory_space<hbm>> -> memref<128x128xf32, #tpu.memory_space<hbm>>
    tpu.wait_dma2 semaphore(%arg14 : memref<!tpu.dma_semaphore, #tpu.memory_space<semaphore_mem>>) src(%dma_wait3A_1858 : memref<128x128xf32, #tpu.memory_space<hbm>>) dst(%dma_wait3A_1856 : memref<128x128xf32, #tpu.memory_space<vmem>>)
    %dma_start3A_1859 = arith.constant 3 : i32
    %dma_start3A_1860 = arith.constant 3 : i32
    %dma_start3A_1861 = arith.constant 0 : i32
    %dma_start3A_1862 = arith.constant 0 : i32
    %dma_start3A_1863 = tpu.memref_slice %arg5[%dma_start3A_1859, %dma_start3A_1861, %dma_start3A_1862] : memref<6x128x128xf32, #tpu.memory_space<vmem>> -> memref<1x128x128xf32, #tpu.memory_space<vmem>>
    %dma_start3A_1864 = tpu.memref_squeeze %dma_start3A_1863 : memref<1x128x128xf32, #tpu.memory_space<vmem>> -> memref<128x128xf32, #tpu.memory_space<vmem>>
    %dma_start3A_1865 = arith.constant 0 : i32
    %dma_start3A_1866 = tpu.memref_slice %arg6[%dma_start3A_1860, %dma_start3A_1865] : memref<6x128xi32, #tpu.memory_space<vmem>> -> memref<1x128xi32, #tpu.memory_space<vmem>>
    %dma_start3A_1867 = tpu.memref_squeeze %dma_start3A_1866 : memref<1x128xi32, #tpu.memory_space<vmem>> -> memref<128xi32, #tpu.memory_space<vmem>>
    %dma_start3A_1868 = arith.constant 0 : i32
    %dma_start3A_1869 = arith.constant 0 : i32
    %dma_start3A_1870 = tpu.memref_slice %arg10[%dma_start3A_1868, %dma_start3A_1869] : memref<64x128xf32, #tpu.memory_space<vmem_shared>> -> memref<64x128xf32, #tpu.memory_space<vmem_shared>>
    tpu.enqueue_indirect_dma source(%dma_start3A_1864 : memref<128x128xf32, #tpu.memory_space<vmem>>) target(%dma_start3A_1870 : memref<64x128xf32, #tpu.memory_space<vmem_shared>>) offsets(%dma_start3A_1867 : memref<128xi32, #tpu.memory_space<vmem>>) semaphore(%arg20 : memref<!tpu.dma_semaphore, #tpu.memory_space<semaphore_mem>>) {add = true}
    %add3A_1871 = arith.constant 704 : i32
    %add3A_1872 = arith.addi %add3A, %add3A_1871 : i32
    %mul3A_1873 = arith.constant 128 : i32
    %mul3A_1874 = arith.muli %add3A_1872, %mul3A_1873 : i32
    %dma_wait3A_1875 = arith.constant 4 : i32
    %dma_wait3A_1876 = arith.constant 0 : i32
    %dma_wait3A_1877 = tpu.memref_slice %arg6[%dma_wait3A_1875, %dma_wait3A_1876] : memref<6x128xi32, #tpu.memory_space<vmem>> -> memref<1x128xi32, #tpu.memory_space<vmem>>
    %dma_wait3A_1878 = tpu.memref_squeeze %dma_wait3A_1877 : memref<1x128xi32, #tpu.memory_space<vmem>> -> memref<128xi32, #tpu.memory_space<vmem>>
    %dma_wait3A_1879 = tpu.memref_slice %arg3[%mul3A_1874] : memref<100000xi32, #tpu.memory_space<hbm>> -> memref<128xi32, #tpu.memory_space<hbm>>
    %dma_wait3A_1880 = arith.constant 0 : i32
    %dma_wait3A_1881 = tpu.memref_slice %arg6[%dma_wait3A_1875, %dma_wait3A_1880] : memref<6x128xi32, #tpu.memory_space<vmem>> -> memref<1x128xi32, #tpu.memory_space<vmem>>
    %dma_wait3A_1882 = tpu.memref_squeeze %dma_wait3A_1881 : memref<1x128xi32, #tpu.memory_space<vmem>> -> memref<128xi32, #tpu.memory_space<vmem>>
    %dma_wait3A_1883 = tpu.memref_slice %arg3[%mul3A_1874] : memref<100000xi32, #tpu.memory_space<hbm>> -> memref<128xi32, #tpu.memory_space<hbm>>
    tpu.wait_dma2 semaphore(%arg15 : memref<!tpu.dma_semaphore, #tpu.memory_space<semaphore_mem>>) src(%dma_wait3A_1883 : memref<128xi32, #tpu.memory_space<hbm>>) dst(%dma_wait3A_1882 : memref<128xi32, #tpu.memory_space<vmem>>)
    %dma_wait3A_1884 = arith.constant 4 : i32
    %dma_wait3A_1885 = arith.constant 0 : i32
    %dma_wait3A_1886 = arith.constant 0 : i32
    %dma_wait3A_1887 = tpu.memref_slice %arg5[%dma_wait3A_1884, %dma_wait3A_1885, %dma_wait3A_1886] : memref<6x128x128xf32, #tpu.memory_space<vmem>> -> memref<1x128x128xf32, #tpu.memory_space<vmem>>
    %dma_wait3A_1888 = tpu.memref_squeeze %dma_wait3A_1887 : memref<1x128x128xf32, #tpu.memory_space<vmem>> -> memref<128x128xf32, #tpu.memory_space<vmem>>
    %dma_wait3A_1889 = arith.constant 0 : i32
    %dma_wait3A_1890 = tpu.memref_slice %arg2[%mul3A_1874, %dma_wait3A_1889] : memref<100000x128xf32, #tpu.memory_space<hbm>> -> memref<128x128xf32, #tpu.memory_space<hbm>>
    %dma_wait3A_1891 = arith.constant 0 : i32
    %dma_wait3A_1892 = arith.constant 0 : i32
    %dma_wait3A_1893 = tpu.memref_slice %arg5[%dma_wait3A_1884, %dma_wait3A_1891, %dma_wait3A_1892] : memref<6x128x128xf32, #tpu.memory_space<vmem>> -> memref<1x128x128xf32, #tpu.memory_space<vmem>>
    %dma_wait3A_1894 = tpu.memref_squeeze %dma_wait3A_1893 : memref<1x128x128xf32, #tpu.memory_space<vmem>> -> memref<128x128xf32, #tpu.memory_space<vmem>>
    %dma_wait3A_1895 = arith.constant 0 : i32
    %dma_wait3A_1896 = tpu.memref_slice %arg2[%mul3A_1874, %dma_wait3A_1895] : memref<100000x128xf32, #tpu.memory_space<hbm>> -> memref<128x128xf32, #tpu.memory_space<hbm>>
    tpu.wait_dma2 semaphore(%arg15 : memref<!tpu.dma_semaphore, #tpu.memory_space<semaphore_mem>>) src(%dma_wait3A_1896 : memref<128x128xf32, #tpu.memory_space<hbm>>) dst(%dma_wait3A_1894 : memref<128x128xf32, #tpu.memory_space<vmem>>)
    %dma_start3A_1897 = arith.constant 4 : i32
    %dma_start3A_1898 = arith.constant 4 : i32
    %dma_start3A_1899 = arith.constant 0 : i32
    %dma_start3A_1900 = arith.constant 0 : i32
    %dma_start3A_1901 = tpu.memref_slice %arg5[%dma_start3A_1897, %dma_start3A_1899, %dma_start3A_1900] : memref<6x128x128xf32, #tpu.memory_space<vmem>> -> memref<1x128x128xf32, #tpu.memory_space<vmem>>
    %dma_start3A_1902 = tpu.memref_squeeze %dma_start3A_1901 : memref<1x128x128xf32, #tpu.memory_space<vmem>> -> memref<128x128xf32, #tpu.memory_space<vmem>>
    %dma_start3A_1903 = arith.constant 0 : i32
    %dma_start3A_1904 = tpu.memref_slice %arg6[%dma_start3A_1898, %dma_start3A_1903] : memref<6x128xi32, #tpu.memory_space<vmem>> -> memref<1x128xi32, #tpu.memory_space<vmem>>
    %dma_start3A_1905 = tpu.memref_squeeze %dma_start3A_1904 : memref<1x128xi32, #tpu.memory_space<vmem>> -> memref<128xi32, #tpu.memory_space<vmem>>
    %dma_start3A_1906 = arith.constant 0 : i32
    %dma_start3A_1907 = arith.constant 0 : i32
    %dma_start3A_1908 = tpu.memref_slice %arg10[%dma_start3A_1906, %dma_start3A_1907] : memref<64x128xf32, #tpu.memory_space<vmem_shared>> -> memref<64x128xf32, #tpu.memory_space<vmem_shared>>
    tpu.enqueue_indirect_dma source(%dma_start3A_1902 : memref<128x128xf32, #tpu.memory_space<vmem>>) target(%dma_start3A_1908 : memref<64x128xf32, #tpu.memory_space<vmem_shared>>) offsets(%dma_start3A_1905 : memref<128xi32, #tpu.memory_space<vmem>>) semaphore(%arg21 : memref<!tpu.dma_semaphore, #tpu.memory_space<semaphore_mem>>) {add = true}
    %add3A_1909 = arith.constant 736 : i32
    %add3A_1910 = arith.addi %add3A, %add3A_1909 : i32
    %mul3A_1911 = arith.constant 128 : i32
    %mul3A_1912 = arith.muli %add3A_1910, %mul3A_1911 : i32
    %dma_wait3A_1913 = arith.constant 5 : i32
    %dma_wait3A_1914 = arith.constant 0 : i32
    %dma_wait3A_1915 = tpu.memref_slice %arg6[%dma_wait3A_1913, %dma_wait3A_1914] : memref<6x128xi32, #tpu.memory_space<vmem>> -> memref<1x128xi32, #tpu.memory_space<vmem>>
    %dma_wait3A_1916 = tpu.memref_squeeze %dma_wait3A_1915 : memref<1x128xi32, #tpu.memory_space<vmem>> -> memref<128xi32, #tpu.memory_space<vmem>>
    %dma_wait3A_1917 = tpu.memref_slice %arg3[%mul3A_1912] : memref<100000xi32, #tpu.memory_space<hbm>> -> memref<128xi32, #tpu.memory_space<hbm>>
    %dma_wait3A_1918 = arith.constant 0 : i32
    %dma_wait3A_1919 = tpu.memref_slice %arg6[%dma_wait3A_1913, %dma_wait3A_1918] : memref<6x128xi32, #tpu.memory_space<vmem>> -> memref<1x128xi32, #tpu.memory_space<vmem>>
    %dma_wait3A_1920 = tpu.memref_squeeze %dma_wait3A_1919 : memref<1x128xi32, #tpu.memory_space<vmem>> -> memref<128xi32, #tpu.memory_space<vmem>>
    %dma_wait3A_1921 = tpu.memref_slice %arg3[%mul3A_1912] : memref<100000xi32, #tpu.memory_space<hbm>> -> memref<128xi32, #tpu.memory_space<hbm>>
    tpu.wait_dma2 semaphore(%arg16 : memref<!tpu.dma_semaphore, #tpu.memory_space<semaphore_mem>>) src(%dma_wait3A_1921 : memref<128xi32, #tpu.memory_space<hbm>>) dst(%dma_wait3A_1920 : memref<128xi32, #tpu.memory_space<vmem>>)
    %dma_wait3A_1922 = arith.constant 5 : i32
    %dma_wait3A_1923 = arith.constant 0 : i32
    %dma_wait3A_1924 = arith.constant 0 : i32
    %dma_wait3A_1925 = tpu.memref_slice %arg5[%dma_wait3A_1922, %dma_wait3A_1923, %dma_wait3A_1924] : memref<6x128x128xf32, #tpu.memory_space<vmem>> -> memref<1x128x128xf32, #tpu.memory_space<vmem>>
    %dma_wait3A_1926 = tpu.memref_squeeze %dma_wait3A_1925 : memref<1x128x128xf32, #tpu.memory_space<vmem>> -> memref<128x128xf32, #tpu.memory_space<vmem>>
    %dma_wait3A_1927 = arith.constant 0 : i32
    %dma_wait3A_1928 = tpu.memref_slice %arg2[%mul3A_1912, %dma_wait3A_1927] : memref<100000x128xf32, #tpu.memory_space<hbm>> -> memref<128x128xf32, #tpu.memory_space<hbm>>
    %dma_wait3A_1929 = arith.constant 0 : i32
    %dma_wait3A_1930 = arith.constant 0 : i32
    %dma_wait3A_1931 = tpu.memref_slice %arg5[%dma_wait3A_1922, %dma_wait3A_1929, %dma_wait3A_1930] : memref<6x128x128xf32, #tpu.memory_space<vmem>> -> memref<1x128x128xf32, #tpu.memory_space<vmem>>
    %dma_wait3A_1932 = tpu.memref_squeeze %dma_wait3A_1931 : memref<1x128x128xf32, #tpu.memory_space<vmem>> -> memref<128x128xf32, #tpu.memory_space<vmem>>
    %dma_wait3A_1933 = arith.constant 0 : i32
    %dma_wait3A_1934 = tpu.memref_slice %arg2[%mul3A_1912, %dma_wait3A_1933] : memref<100000x128xf32, #tpu.memory_space<hbm>> -> memref<128x128xf32, #tpu.memory_space<hbm>>
    tpu.wait_dma2 semaphore(%arg16 : memref<!tpu.dma_semaphore, #tpu.memory_space<semaphore_mem>>) src(%dma_wait3A_1934 : memref<128x128xf32, #tpu.memory_space<hbm>>) dst(%dma_wait3A_1932 : memref<128x128xf32, #tpu.memory_space<vmem>>)
    %dma_start3A_1935 = arith.constant 5 : i32
    %dma_start3A_1936 = arith.constant 5 : i32
    %dma_start3A_1937 = arith.constant 0 : i32
    %dma_start3A_1938 = arith.constant 0 : i32
    %dma_start3A_1939 = tpu.memref_slice %arg5[%dma_start3A_1935, %dma_start3A_1937, %dma_start3A_1938] : memref<6x128x128xf32, #tpu.memory_space<vmem>> -> memref<1x128x128xf32, #tpu.memory_space<vmem>>
    %dma_start3A_1940 = tpu.memref_squeeze %dma_start3A_1939 : memref<1x128x128xf32, #tpu.memory_space<vmem>> -> memref<128x128xf32, #tpu.memory_space<vmem>>
    %dma_start3A_1941 = arith.constant 0 : i32
    %dma_start3A_1942 = tpu.memref_slice %arg6[%dma_start3A_1936, %dma_start3A_1941] : memref<6x128xi32, #tpu.memory_space<vmem>> -> memref<1x128xi32, #tpu.memory_space<vmem>>
    %dma_start3A_1943 = tpu.memref_squeeze %dma_start3A_1942 : memref<1x128xi32, #tpu.memory_space<vmem>> -> memref<128xi32, #tpu.memory_space<vmem>>
    %dma_start3A_1944 = arith.constant 0 : i32
    %dma_start3A_1945 = arith.constant 0 : i32
    %dma_start3A_1946 = tpu.memref_slice %arg10[%dma_start3A_1944, %dma_start3A_1945] : memref<64x128xf32, #tpu.memory_space<vmem_shared>> -> memref<64x128xf32, #tpu.memory_space<vmem_shared>>
    tpu.enqueue_indirect_dma source(%dma_start3A_1940 : memref<128x128xf32, #tpu.memory_space<vmem>>) target(%dma_start3A_1946 : memref<64x128xf32, #tpu.memory_space<vmem_shared>>) offsets(%dma_start3A_1943 : memref<128xi32, #tpu.memory_space<vmem>>) semaphore(%arg22 : memref<!tpu.dma_semaphore, #tpu.memory_space<semaphore_mem>>) {add = true}
    %convert_element_type3A_1947 = arith.extui %lt3A_1 : i1 to i32
    %cond3A_1948 = arith.constant 0 : i32
    %cond3A_1949 = arith.cmpi ne, %convert_element_type3A_1947, %cond3A_1948 : i32
    scf.if %cond3A_1949 {
      %add3A_2023 = arith.constant 768 : i32
      %add3A_2024 = arith.addi %add3A, %add3A_2023 : i32
      %mul3A_2025 = arith.constant 128 : i32
      %mul3A_2026 = arith.muli %add3A_2024, %mul3A_2025 : i32
      %dma_wait3A_2027 = arith.constant 0 : i32
      %dma_wait3A_2028 = arith.constant 0 : i32
      %dma_wait3A_2029 = tpu.memref_slice %arg6[%dma_wait3A_2027, %dma_wait3A_2028] : memref<6x128xi32, #tpu.memory_space<vmem>> -> memref<1x128xi32, #tpu.memory_space<vmem>>
      %dma_wait3A_2030 = tpu.memref_squeeze %dma_wait3A_2029 : memref<1x128xi32, #tpu.memory_space<vmem>> -> memref<128xi32, #tpu.memory_space<vmem>>
      %dma_wait3A_2031 = tpu.memref_slice %arg3[%mul3A_2026] : memref<100000xi32, #tpu.memory_space<hbm>> -> memref<128xi32, #tpu.memory_space<hbm>>
      %dma_wait3A_2032 = arith.constant 0 : i32
      %dma_wait3A_2033 = tpu.memref_slice %arg6[%dma_wait3A_2027, %dma_wait3A_2032] : memref<6x128xi32, #tpu.memory_space<vmem>> -> memref<1x128xi32, #tpu.memory_space<vmem>>
      %dma_wait3A_2034 = tpu.memref_squeeze %dma_wait3A_2033 : memref<1x128xi32, #tpu.memory_space<vmem>> -> memref<128xi32, #tpu.memory_space<vmem>>
      %dma_wait3A_2035 = tpu.memref_slice %arg3[%mul3A_2026] : memref<100000xi32, #tpu.memory_space<hbm>> -> memref<128xi32, #tpu.memory_space<hbm>>
      tpu.wait_dma2 semaphore(%arg11 : memref<!tpu.dma_semaphore, #tpu.memory_space<semaphore_mem>>) src(%dma_wait3A_2035 : memref<128xi32, #tpu.memory_space<hbm>>) dst(%dma_wait3A_2034 : memref<128xi32, #tpu.memory_space<vmem>>)
      %dma_wait3A_2036 = arith.constant 0 : i32
      %dma_wait3A_2037 = arith.constant 0 : i32
      %dma_wait3A_2038 = arith.constant 0 : i32
      %dma_wait3A_2039 = tpu.memref_slice %arg5[%dma_wait3A_2036, %dma_wait3A_2037, %dma_wait3A_2038] : memref<6x128x128xf32, #tpu.memory_space<vmem>> -> memref<1x128x128xf32, #tpu.memory_space<vmem>>
      %dma_wait3A_2040 = tpu.memref_squeeze %dma_wait3A_2039 : memref<1x128x128xf32, #tpu.memory_space<vmem>> -> memref<128x128xf32, #tpu.memory_space<vmem>>
      %dma_wait3A_2041 = arith.constant 0 : i32
      %dma_wait3A_2042 = tpu.memref_slice %arg2[%mul3A_2026, %dma_wait3A_2041] : memref<100000x128xf32, #tpu.memory_space<hbm>> -> memref<128x128xf32, #tpu.memory_space<hbm>>
      %dma_wait3A_2043 = arith.constant 0 : i32
      %dma_wait3A_2044 = arith.constant 0 : i32
      %dma_wait3A_2045 = tpu.memref_slice %arg5[%dma_wait3A_2036, %dma_wait3A_2043, %dma_wait3A_2044] : memref<6x128x128xf32, #tpu.memory_space<vmem>> -> memref<1x128x128xf32, #tpu.memory_space<vmem>>
      %dma_wait3A_2046 = tpu.memref_squeeze %dma_wait3A_2045 : memref<1x128x128xf32, #tpu.memory_space<vmem>> -> memref<128x128xf32, #tpu.memory_space<vmem>>
      %dma_wait3A_2047 = arith.constant 0 : i32
      %dma_wait3A_2048 = tpu.memref_slice %arg2[%mul3A_2026, %dma_wait3A_2047] : memref<100000x128xf32, #tpu.memory_space<hbm>> -> memref<128x128xf32, #tpu.memory_space<hbm>>
      tpu.wait_dma2 semaphore(%arg11 : memref<!tpu.dma_semaphore, #tpu.memory_space<semaphore_mem>>) src(%dma_wait3A_2048 : memref<128x128xf32, #tpu.memory_space<hbm>>) dst(%dma_wait3A_2046 : memref<128x128xf32, #tpu.memory_space<vmem>>)
      %dma_start3A_2049 = arith.constant 0 : i32
      %dma_start3A_2050 = arith.constant 0 : i32
      %dma_start3A_2051 = arith.constant 0 : i32
      %dma_start3A_2052 = arith.constant 0 : i32
      %dma_start3A_2053 = tpu.memref_slice %arg5[%dma_start3A_2049, %dma_start3A_2051, %dma_start3A_2052] : memref<6x128x128xf32, #tpu.memory_space<vmem>> -> memref<1x128x128xf32, #tpu.memory_space<vmem>>
      %dma_start3A_2054 = tpu.memref_squeeze %dma_start3A_2053 : memref<1x128x128xf32, #tpu.memory_space<vmem>> -> memref<128x128xf32, #tpu.memory_space<vmem>>
      %dma_start3A_2055 = arith.constant 0 : i32
      %dma_start3A_2056 = tpu.memref_slice %arg6[%dma_start3A_2050, %dma_start3A_2055] : memref<6x128xi32, #tpu.memory_space<vmem>> -> memref<1x128xi32, #tpu.memory_space<vmem>>
      %dma_start3A_2057 = tpu.memref_squeeze %dma_start3A_2056 : memref<1x128xi32, #tpu.memory_space<vmem>> -> memref<128xi32, #tpu.memory_space<vmem>>
      %dma_start3A_2058 = arith.constant 0 : i32
      %dma_start3A_2059 = arith.constant 0 : i32
      %dma_start3A_2060 = tpu.memref_slice %arg10[%dma_start3A_2058, %dma_start3A_2059] : memref<64x128xf32, #tpu.memory_space<vmem_shared>> -> memref<64x128xf32, #tpu.memory_space<vmem_shared>>
      tpu.enqueue_indirect_dma source(%dma_start3A_2054 : memref<128x128xf32, #tpu.memory_space<vmem>>) target(%dma_start3A_2060 : memref<64x128xf32, #tpu.memory_space<vmem_shared>>) offsets(%dma_start3A_2057 : memref<128xi32, #tpu.memory_space<vmem>>) semaphore(%arg17 : memref<!tpu.dma_semaphore, #tpu.memory_space<semaphore_mem>>) {add = true}
    } else {
    }
    %dma_wait3A_1950 = arith.constant 1 : i32
    %dma_wait3A_1951 = arith.constant 1 : i32
    %dma_wait3A_1952 = arith.constant 0 : i32
    %dma_wait3A_1953 = arith.constant 0 : i32
    %dma_wait3A_1954 = tpu.memref_slice %arg5[%dma_wait3A_1950, %dma_wait3A_1952, %dma_wait3A_1953] : memref<6x128x128xf32, #tpu.memory_space<vmem>> -> memref<1x128x128xf32, #tpu.memory_space<vmem>>
    %dma_wait3A_1955 = tpu.memref_squeeze %dma_wait3A_1954 : memref<1x128x128xf32, #tpu.memory_space<vmem>> -> memref<128x128xf32, #tpu.memory_space<vmem>>
    %dma_wait3A_1956 = arith.constant 0 : i32
    %dma_wait3A_1957 = tpu.memref_slice %arg6[%dma_wait3A_1951, %dma_wait3A_1956] : memref<6x128xi32, #tpu.memory_space<vmem>> -> memref<1x128xi32, #tpu.memory_space<vmem>>
    %dma_wait3A_1958 = tpu.memref_squeeze %dma_wait3A_1957 : memref<1x128xi32, #tpu.memory_space<vmem>> -> memref<128xi32, #tpu.memory_space<vmem>>
    %dma_wait3A_1959 = arith.constant 0 : i32
    %dma_wait3A_1960 = arith.constant 0 : i32
    %dma_wait3A_1961 = tpu.memref_slice %arg10[%dma_wait3A_1959, %dma_wait3A_1960] : memref<64x128xf32, #tpu.memory_space<vmem_shared>> -> memref<64x128xf32, #tpu.memory_space<vmem_shared>>
    tpu.wait_indirect_dma semaphore(%arg18 : memref<!tpu.dma_semaphore, #tpu.memory_space<semaphore_mem>>) src(%dma_wait3A_1955 : memref<128x128xf32, #tpu.memory_space<vmem>>) dst(%dma_wait3A_1961 : memref<64x128xf32, #tpu.memory_space<vmem_shared>>)
    %dma_wait3A_1962 = arith.constant 2 : i32
    %dma_wait3A_1963 = arith.constant 2 : i32
    %dma_wait3A_1964 = arith.constant 0 : i32
    %dma_wait3A_1965 = arith.constant 0 : i32
    %dma_wait3A_1966 = tpu.memref_slice %arg5[%dma_wait3A_1962, %dma_wait3A_1964, %dma_wait3A_1965] : memref<6x128x128xf32, #tpu.memory_space<vmem>> -> memref<1x128x128xf32, #tpu.memory_space<vmem>>
    %dma_wait3A_1967 = tpu.memref_squeeze %dma_wait3A_1966 : memref<1x128x128xf32, #tpu.memory_space<vmem>> -> memref<128x128xf32, #tpu.memory_space<vmem>>
    %dma_wait3A_1968 = arith.constant 0 : i32
    %dma_wait3A_1969 = tpu.memref_slice %arg6[%dma_wait3A_1963, %dma_wait3A_1968] : memref<6x128xi32, #tpu.memory_space<vmem>> -> memref<1x128xi32, #tpu.memory_space<vmem>>
    %dma_wait3A_1970 = tpu.memref_squeeze %dma_wait3A_1969 : memref<1x128xi32, #tpu.memory_space<vmem>> -> memref<128xi32, #tpu.memory_space<vmem>>
    %dma_wait3A_1971 = arith.constant 0 : i32
    %dma_wait3A_1972 = arith.constant 0 : i32
    %dma_wait3A_1973 = tpu.memref_slice %arg10[%dma_wait3A_1971, %dma_wait3A_1972] : memref<64x128xf32, #tpu.memory_space<vmem_shared>> -> memref<64x128xf32, #tpu.memory_space<vmem_shared>>
    tpu.wait_indirect_dma semaphore(%arg19 : memref<!tpu.dma_semaphore, #tpu.memory_space<semaphore_mem>>) src(%dma_wait3A_1967 : memref<128x128xf32, #tpu.memory_space<vmem>>) dst(%dma_wait3A_1973 : memref<64x128xf32, #tpu.memory_space<vmem_shared>>)
    %dma_wait3A_1974 = arith.constant 3 : i32
    %dma_wait3A_1975 = arith.constant 3 : i32
    %dma_wait3A_1976 = arith.constant 0 : i32
    %dma_wait3A_1977 = arith.constant 0 : i32
    %dma_wait3A_1978 = tpu.memref_slice %arg5[%dma_wait3A_1974, %dma_wait3A_1976, %dma_wait3A_1977] : memref<6x128x128xf32, #tpu.memory_space<vmem>> -> memref<1x128x128xf32, #tpu.memory_space<vmem>>
    %dma_wait3A_1979 = tpu.memref_squeeze %dma_wait3A_1978 : memref<1x128x128xf32, #tpu.memory_space<vmem>> -> memref<128x128xf32, #tpu.memory_space<vmem>>
    %dma_wait3A_1980 = arith.constant 0 : i32
    %dma_wait3A_1981 = tpu.memref_slice %arg6[%dma_wait3A_1975, %dma_wait3A_1980] : memref<6x128xi32, #tpu.memory_space<vmem>> -> memref<1x128xi32, #tpu.memory_space<vmem>>
    %dma_wait3A_1982 = tpu.memref_squeeze %dma_wait3A_1981 : memref<1x128xi32, #tpu.memory_space<vmem>> -> memref<128xi32, #tpu.memory_space<vmem>>
    %dma_wait3A_1983 = arith.constant 0 : i32
    %dma_wait3A_1984 = arith.constant 0 : i32
    %dma_wait3A_1985 = tpu.memref_slice %arg10[%dma_wait3A_1983, %dma_wait3A_1984] : memref<64x128xf32, #tpu.memory_space<vmem_shared>> -> memref<64x128xf32, #tpu.memory_space<vmem_shared>>
    tpu.wait_indirect_dma semaphore(%arg20 : memref<!tpu.dma_semaphore, #tpu.memory_space<semaphore_mem>>) src(%dma_wait3A_1979 : memref<128x128xf32, #tpu.memory_space<vmem>>) dst(%dma_wait3A_1985 : memref<64x128xf32, #tpu.memory_space<vmem_shared>>)
    %dma_wait3A_1986 = arith.constant 4 : i32
    %dma_wait3A_1987 = arith.constant 4 : i32
    %dma_wait3A_1988 = arith.constant 0 : i32
    %dma_wait3A_1989 = arith.constant 0 : i32
    %dma_wait3A_1990 = tpu.memref_slice %arg5[%dma_wait3A_1986, %dma_wait3A_1988, %dma_wait3A_1989] : memref<6x128x128xf32, #tpu.memory_space<vmem>> -> memref<1x128x128xf32, #tpu.memory_space<vmem>>
    %dma_wait3A_1991 = tpu.memref_squeeze %dma_wait3A_1990 : memref<1x128x128xf32, #tpu.memory_space<vmem>> -> memref<128x128xf32, #tpu.memory_space<vmem>>
    %dma_wait3A_1992 = arith.constant 0 : i32
    %dma_wait3A_1993 = tpu.memref_slice %arg6[%dma_wait3A_1987, %dma_wait3A_1992] : memref<6x128xi32, #tpu.memory_space<vmem>> -> memref<1x128xi32, #tpu.memory_space<vmem>>
    %dma_wait3A_1994 = tpu.memref_squeeze %dma_wait3A_1993 : memref<1x128xi32, #tpu.memory_space<vmem>> -> memref<128xi32, #tpu.memory_space<vmem>>
    %dma_wait3A_1995 = arith.constant 0 : i32
    %dma_wait3A_1996 = arith.constant 0 : i32
    %dma_wait3A_1997 = tpu.memref_slice %arg10[%dma_wait3A_1995, %dma_wait3A_1996] : memref<64x128xf32, #tpu.memory_space<vmem_shared>> -> memref<64x128xf32, #tpu.memory_space<vmem_shared>>
    tpu.wait_indirect_dma semaphore(%arg21 : memref<!tpu.dma_semaphore, #tpu.memory_space<semaphore_mem>>) src(%dma_wait3A_1991 : memref<128x128xf32, #tpu.memory_space<vmem>>) dst(%dma_wait3A_1997 : memref<64x128xf32, #tpu.memory_space<vmem_shared>>)
    %dma_wait3A_1998 = arith.constant 5 : i32
    %dma_wait3A_1999 = arith.constant 5 : i32
    %dma_wait3A_2000 = arith.constant 0 : i32
    %dma_wait3A_2001 = arith.constant 0 : i32
    %dma_wait3A_2002 = tpu.memref_slice %arg5[%dma_wait3A_1998, %dma_wait3A_2000, %dma_wait3A_2001] : memref<6x128x128xf32, #tpu.memory_space<vmem>> -> memref<1x128x128xf32, #tpu.memory_space<vmem>>
    %dma_wait3A_2003 = tpu.memref_squeeze %dma_wait3A_2002 : memref<1x128x128xf32, #tpu.memory_space<vmem>> -> memref<128x128xf32, #tpu.memory_space<vmem>>
    %dma_wait3A_2004 = arith.constant 0 : i32
    %dma_wait3A_2005 = tpu.memref_slice %arg6[%dma_wait3A_1999, %dma_wait3A_2004] : memref<6x128xi32, #tpu.memory_space<vmem>> -> memref<1x128xi32, #tpu.memory_space<vmem>>
    %dma_wait3A_2006 = tpu.memref_squeeze %dma_wait3A_2005 : memref<1x128xi32, #tpu.memory_space<vmem>> -> memref<128xi32, #tpu.memory_space<vmem>>
    %dma_wait3A_2007 = arith.constant 0 : i32
    %dma_wait3A_2008 = arith.constant 0 : i32
    %dma_wait3A_2009 = tpu.memref_slice %arg10[%dma_wait3A_2007, %dma_wait3A_2008] : memref<64x128xf32, #tpu.memory_space<vmem_shared>> -> memref<64x128xf32, #tpu.memory_space<vmem_shared>>
    tpu.wait_indirect_dma semaphore(%arg22 : memref<!tpu.dma_semaphore, #tpu.memory_space<semaphore_mem>>) src(%dma_wait3A_2003 : memref<128x128xf32, #tpu.memory_space<vmem>>) dst(%dma_wait3A_2009 : memref<64x128xf32, #tpu.memory_space<vmem_shared>>)
    %convert_element_type3A_2010 = arith.extui %lt3A_1 : i1 to i32
    %cond3A_2011 = arith.constant 0 : i32
    %cond3A_2012 = arith.cmpi ne, %convert_element_type3A_2010, %cond3A_2011 : i32
    scf.if %cond3A_2012 {
      %dma_wait3A_2023 = arith.constant 0 : i32
      %dma_wait3A_2024 = arith.constant 0 : i32
      %dma_wait3A_2025 = arith.constant 0 : i32
      %dma_wait3A_2026 = arith.constant 0 : i32
      %dma_wait3A_2027 = tpu.memref_slice %arg5[%dma_wait3A_2023, %dma_wait3A_2025, %dma_wait3A_2026] : memref<6x128x128xf32, #tpu.memory_space<vmem>> -> memref<1x128x128xf32, #tpu.memory_space<vmem>>
      %dma_wait3A_2028 = tpu.memref_squeeze %dma_wait3A_2027 : memref<1x128x128xf32, #tpu.memory_space<vmem>> -> memref<128x128xf32, #tpu.memory_space<vmem>>
      %dma_wait3A_2029 = arith.constant 0 : i32
      %dma_wait3A_2030 = tpu.memref_slice %arg6[%dma_wait3A_2024, %dma_wait3A_2029] : memref<6x128xi32, #tpu.memory_space<vmem>> -> memref<1x128xi32, #tpu.memory_space<vmem>>
      %dma_wait3A_2031 = tpu.memref_squeeze %dma_wait3A_2030 : memref<1x128xi32, #tpu.memory_space<vmem>> -> memref<128xi32, #tpu.memory_space<vmem>>
      %dma_wait3A_2032 = arith.constant 0 : i32
      %dma_wait3A_2033 = arith.constant 0 : i32
      %dma_wait3A_2034 = tpu.memref_slice %arg10[%dma_wait3A_2032, %dma_wait3A_2033] : memref<64x128xf32, #tpu.memory_space<vmem_shared>> -> memref<64x128xf32, #tpu.memory_space<vmem_shared>>
      tpu.wait_indirect_dma semaphore(%arg17 : memref<!tpu.dma_semaphore, #tpu.memory_space<semaphore_mem>>) src(%dma_wait3A_2028 : memref<128x128xf32, #tpu.memory_space<vmem>>) dst(%dma_wait3A_2034 : memref<64x128xf32, #tpu.memory_space<vmem_shared>>)
    } else {
    }
    %eq3A = arith.constant 0 : i32
    %eq3A_2013 = arith.cmpi eq, %add3A, %eq3A : i32
    %convert_element_type3A_2014 = arith.extui %eq3A_2013 : i1 to i32
    %cond3A_2015 = arith.constant 0 : i32
    %cond3A_2016 = arith.cmpi ne, %convert_element_type3A_2014, %cond3A_2015 : i32
    scf.if %cond3A_2016 {
      "tpu.region"() ({
        %run_scoped3A = tpu.sem_alloc : memref<!tpu.dma_semaphore, #tpu.memory_space<semaphore_mem>>
        %dma_start3A_2023 = arith.constant 99968 : i32
        %dma_start3A_2024 = tpu.memref_slice %arg3[%dma_start3A_2023] : memref<100000xi32, #tpu.memory_space<hbm>> -> memref<32xi32, #tpu.memory_space<hbm>>
        %dma_start3A_2025 = arith.constant 99968 : i32
        %dma_start3A_2026 = tpu.memref_slice %arg3[%dma_start3A_2025] : memref<100000xi32, #tpu.memory_space<hbm>> -> memref<32xi32, #tpu.memory_space<hbm>>
        tpu.enqueue_dma source(%dma_start3A_2026 : memref<32xi32, #tpu.memory_space<hbm>>) target(%arg9 : memref<32xi32, #tpu.memory_space<vmem>>) target_semaphore(%run_scoped3A : memref<!tpu.dma_semaphore, #tpu.memory_space<semaphore_mem>>)
        %dma_wait3A_2027 = arith.constant 99968 : i32
        %dma_wait3A_2028 = tpu.memref_slice %arg3[%dma_wait3A_2027] : memref<100000xi32, #tpu.memory_space<hbm>> -> memref<32xi32, #tpu.memory_space<hbm>>
        %dma_wait3A_2029 = arith.constant 99968 : i32
        %dma_wait3A_2030 = tpu.memref_slice %arg3[%dma_wait3A_2029] : memref<100000xi32, #tpu.memory_space<hbm>> -> memref<32xi32, #tpu.memory_space<hbm>>
        tpu.wait_dma2 semaphore(%run_scoped3A : memref<!tpu.dma_semaphore, #tpu.memory_space<semaphore_mem>>) src(%dma_wait3A_2030 : memref<32xi32, #tpu.memory_space<hbm>>) dst(%arg9 : memref<32xi32, #tpu.memory_space<vmem>>)
        tpu.yield
      }) : () -> ()
      "tpu.region"() ({
        %run_scoped3A = tpu.sem_alloc : memref<!tpu.dma_semaphore, #tpu.memory_space<semaphore_mem>>
        %dma_start3A_2023 = arith.constant 99968 : i32
        %dma_start3A_2024 = arith.constant 0 : i32
        %dma_start3A_2025 = tpu.memref_slice %arg2[%dma_start3A_2023, %dma_start3A_2024] : memref<100000x128xf32, #tpu.memory_space<hbm>> -> memref<32x128xf32, #tpu.memory_space<hbm>>
        %dma_start3A_2026 = arith.constant 99968 : i32
        %dma_start3A_2027 = arith.constant 0 : i32
        %dma_start3A_2028 = tpu.memref_slice %arg2[%dma_start3A_2026, %dma_start3A_2027] : memref<100000x128xf32, #tpu.memory_space<hbm>> -> memref<32x128xf32, #tpu.memory_space<hbm>>
        tpu.enqueue_dma source(%dma_start3A_2028 : memref<32x128xf32, #tpu.memory_space<hbm>>) target(%arg8 : memref<32x128xf32, #tpu.memory_space<vmem>>) target_semaphore(%run_scoped3A : memref<!tpu.dma_semaphore, #tpu.memory_space<semaphore_mem>>)
        %dma_wait3A_2029 = arith.constant 99968 : i32
        %dma_wait3A_2030 = arith.constant 0 : i32
        %dma_wait3A_2031 = tpu.memref_slice %arg2[%dma_wait3A_2029, %dma_wait3A_2030] : memref<100000x128xf32, #tpu.memory_space<hbm>> -> memref<32x128xf32, #tpu.memory_space<hbm>>
        %dma_wait3A_2032 = arith.constant 99968 : i32
        %dma_wait3A_2033 = arith.constant 0 : i32
        %dma_wait3A_2034 = tpu.memref_slice %arg2[%dma_wait3A_2032, %dma_wait3A_2033] : memref<100000x128xf32, #tpu.memory_space<hbm>> -> memref<32x128xf32, #tpu.memory_space<hbm>>
        tpu.wait_dma2 semaphore(%run_scoped3A : memref<!tpu.dma_semaphore, #tpu.memory_space<semaphore_mem>>) src(%dma_wait3A_2034 : memref<32x128xf32, #tpu.memory_space<hbm>>) dst(%arg8 : memref<32x128xf32, #tpu.memory_space<vmem>>)
        tpu.yield
      }) : () -> ()
      "tpu.region"() ({
        %run_scoped3A = tpu.sem_alloc : memref<!tpu.dma_semaphore, #tpu.memory_space<semaphore_mem>>
        %dma_start3A_2023 = arith.constant 0 : i32
        %dma_start3A_2024 = arith.constant 0 : i32
        %dma_start3A_2025 = tpu.memref_slice %arg10[%dma_start3A_2023, %dma_start3A_2024] : memref<64x128xf32, #tpu.memory_space<vmem_shared>> -> memref<64x128xf32, #tpu.memory_space<vmem_shared>>
        tpu.enqueue_indirect_dma source(%arg8 : memref<32x128xf32, #tpu.memory_space<vmem>>) target(%dma_start3A_2025 : memref<64x128xf32, #tpu.memory_space<vmem_shared>>) offsets(%arg9 : memref<32xi32, #tpu.memory_space<vmem>>) semaphore(%run_scoped3A : memref<!tpu.dma_semaphore, #tpu.memory_space<semaphore_mem>>) {add = true}
        %dma_wait3A_2026 = arith.constant 0 : i32
        %dma_wait3A_2027 = arith.constant 0 : i32
        %dma_wait3A_2028 = tpu.memref_slice %arg10[%dma_wait3A_2026, %dma_wait3A_2027] : memref<64x128xf32, #tpu.memory_space<vmem_shared>> -> memref<64x128xf32, #tpu.memory_space<vmem_shared>>
        tpu.wait_indirect_dma semaphore(%run_scoped3A : memref<!tpu.dma_semaphore, #tpu.memory_space<semaphore_mem>>) src(%arg8 : memref<32x128xf32, #tpu.memory_space<vmem>>) dst(%dma_wait3A_2028 : memref<64x128xf32, #tpu.memory_space<vmem_shared>>)
        tpu.yield
      }) : () -> ()
    } else {
    }
    %barrier3A_2017 = arith.constant 0 : index
    tpu.barrier barrier_id(%barrier3A_2017)
    %eq3A_2018 = arith.constant 0 : i32
    %eq3A_2019 = arith.cmpi eq, %arg1, %eq3A_2018 : i32
    %convert_element_type3A_2020 = arith.extui %eq3A_2019 : i1 to i32
    %cond3A_2021 = arith.constant 0 : i32
    %cond3A_2022 = arith.cmpi ne, %convert_element_type3A_2020, %cond3A_2021 : i32
    scf.if %cond3A_2022 {
      "tpu.region"() ({
        %run_scoped3A = tpu.sem_alloc : memref<!tpu.dma_semaphore, #tpu.memory_space<semaphore_mem>>
        %dma_start3A_2023 = arith.constant 0 : i32
        %dma_start3A_2024 = arith.constant 0 : i32
        %dma_start3A_2025 = tpu.memref_slice %arg4[%arg0, %dma_start3A_2023, %dma_start3A_2024] : memref<2x64x128xf32, #tpu.memory_space<hbm>> -> memref<1x64x128xf32, #tpu.memory_space<hbm>>
        %dma_start3A_2026 = tpu.memref_squeeze %dma_start3A_2025 : memref<1x64x128xf32, #tpu.memory_space<hbm>> -> memref<64x128xf32, #tpu.memory_space<hbm>>
        tpu.enqueue_dma source(%arg10 : memref<64x128xf32, #tpu.memory_space<vmem_shared>>) target(%dma_start3A_2026 : memref<64x128xf32, #tpu.memory_space<hbm>>) target_semaphore(%run_scoped3A : memref<!tpu.dma_semaphore, #tpu.memory_space<semaphore_mem>>)
        %dma_wait3A_2027 = arith.constant 0 : i32
        %dma_wait3A_2028 = arith.constant 0 : i32
        %dma_wait3A_2029 = tpu.memref_slice %arg4[%arg0, %dma_wait3A_2027, %dma_wait3A_2028] : memref<2x64x128xf32, #tpu.memory_space<hbm>> -> memref<1x64x128xf32, #tpu.memory_space<hbm>>
        %dma_wait3A_2030 = tpu.memref_squeeze %dma_wait3A_2029 : memref<1x64x128xf32, #tpu.memory_space<hbm>> -> memref<64x128xf32, #tpu.memory_space<hbm>>
        tpu.wait_dma2 semaphore(%run_scoped3A : memref<!tpu.dma_semaphore, #tpu.memory_space<semaphore_mem>>) src(%arg10 : memref<64x128xf32, #tpu.memory_space<vmem_shared>>) dst(%dma_wait3A_2030 : memref<64x128xf32, #tpu.memory_space<hbm>>)
        tpu.yield
      }) : () -> ()
    } else {
    }
    return
  }
}

module attributes {stable_mosaic.version = 14 : i64} {
  func.func @tc_kernel(%arg0: memref<2x64x128xf32, #tpu.memory_space<vmem>>, %arg1: memref<64x128xf32, #tpu.memory_space<vmem>>, %arg2: memref<256x128xf32, #tpu.memory_space<vmem>>, %arg3: memref<1x128xf32, #tpu.memory_space<vmem>>, %arg4: memref<64x128xf32, #tpu.memory_space<vmem>>) attributes {dimension_semantics = [], scalar_prefetch = 0 : i64, scratch_operands = 0 : i64, tpu.core_type = #tpu.core_type<tc>} {
    %get3A = arith.constant 0 : index
    %get3A_0 = arith.constant 0 : index
    %get3A_1 = arith.constant 0 : index
    %get3A_2 = vector.load %arg0[%get3A, %get3A_0, %get3A_1] : memref<2x64x128xf32, #tpu.memory_space<vmem>>, vector<1x64x128xf32>
    %get3A_3 = vector.shape_cast %get3A_2 : vector<1x64x128xf32> to vector<64x128xf32>
    %get3A_4 = arith.constant 1 : index
    %get3A_5 = arith.constant 0 : index
    %get3A_6 = arith.constant 0 : index
    %get3A_7 = vector.load %arg0[%get3A_4, %get3A_5, %get3A_6] : memref<2x64x128xf32, #tpu.memory_space<vmem>>, vector<1x64x128xf32>
    %get3A_8 = vector.shape_cast %get3A_7 : vector<1x64x128xf32> to vector<64x128xf32>
    %add3A = arith.addf %get3A_3, %get3A_8 : vector<64x128xf32>
    %get3A_9 = arith.constant 0 : index
    %get3A_10 = arith.constant 0 : index
    %get3A_11 = vector.load %arg2[%get3A_9, %get3A_10] : memref<256x128xf32, #tpu.memory_space<vmem>>, vector<128x128xf32>
    %dot_general3A = arith.constant dense<0.000000e+00> : vector<64x128xf32>
    %dot_general3A_12 = tpu.matmul %add3A, %get3A_11, %dot_general3A {dimension_numbers = #tpu.dot_dimension_numbers<[1], [0], [0], [1], [0, 0, 1, 1], [], []>, transpose_lhs_hint = false} : vector<64x128xf32>, vector<128x128xf32>, vector<64x128xf32> -> vector<64x128xf32>
    %get3A_13 = arith.constant 0 : index
    %get3A_14 = arith.constant 0 : index
    %get3A_15 = vector.load %arg1[%get3A_13, %get3A_14] : memref<64x128xf32, #tpu.memory_space<vmem>>, vector<64x128xf32>
    %get3A_16 = arith.constant 128 : index
    %get3A_17 = arith.constant 0 : index
    %get3A_18 = vector.load %arg2[%get3A_16, %get3A_17] : memref<256x128xf32, #tpu.memory_space<vmem>>, vector<128x128xf32>
    %dot_general3A_19 = arith.constant dense<0.000000e+00> : vector<64x128xf32>
    %dot_general3A_20 = tpu.matmul %get3A_15, %get3A_18, %dot_general3A_19 {dimension_numbers = #tpu.dot_dimension_numbers<[1], [0], [0], [1], [0, 0, 1, 1], [], []>, transpose_lhs_hint = false} : vector<64x128xf32>, vector<128x128xf32>, vector<64x128xf32> -> vector<64x128xf32>
    %add3A_21 = arith.addf %dot_general3A_12, %dot_general3A_20 : vector<64x128xf32>
    %get3A_22 = arith.constant 0 : index
    %get3A_23 = arith.constant 0 : index
    %get3A_24 = vector.load %arg3[%get3A_22, %get3A_23] : memref<1x128xf32, #tpu.memory_space<vmem>>, vector<1x128xf32>
    %add3A_25 = vector.broadcast %get3A_24 : vector<1x128xf32> to vector<64x128xf32>
    %add3A_26 = arith.addf %add3A_21, %add3A_25 : vector<64x128xf32>
    %swap3A = arith.constant 0 : index
    %swap3A_27 = arith.constant 0 : index
    %swap3A_28 = vector.load %arg4[%swap3A, %swap3A_27] : memref<64x128xf32, #tpu.memory_space<vmem>>, vector<64x128xf32>
    tpu.vector_store %arg4[%swap3A, %swap3A_27], %add3A_26 {strides = array<i32>} : memref<64x128xf32, #tpu.memory_space<vmem>>, vector<64x128xf32>,
    return
  }
}

</mosaic_0001>

<sc_bundles>
// kernel: kernel.4.cloned.1.call-start
scs
__scs_entry_jumppad:
0x0: {  	(pc) =	sbr.rel $0x88, $3  }
0x1: {  	(tag) =	ssettag $0x0;
	lr =	simm.s32 $0x1  }
0x2: {  	[smem:$0x3F9C] =	sst lr;
	_ =	strace $0xD0000000  }
0x3: {  	_ = 	snop  }
0x4: {  	_ = 	snop  }
0x5: {  	_ = 	snop  }
0x6: {  	_ = 	snop  }
0x7: {  	_ = 	snop  }
__scs_overlays_trampoline_lowered:
0x8: {  	[smem:$0x3FAB] =	sst s0  }
0x9: {  	[smem:$0x3FAC] =	sst s1  }
0xa: {  	[smem:$0x3FAD] =	sst s2  }
0xb: {  	[smem:$0x3FAE] =	sst s3  }
0xc: {  	[smem:$0x3FAF] =	sst s4  }
0xd: {  	[smem:$0x3FB0] =	sst s5  }
0xe: {  	[smem:$0x3FB1] =	sst s6  }
0xf: {  	[smem:$0x3FB2] =	sst s7  }
0x10: {  	[smem:$0x3FB3] =	sst s8  }
0x11: {  	[smem:$0x3FB4] =	sst s9;
	s0 =	simm.s32 @!p0 $0x0  }
0x12: {  	s1 =	sld [smem:$0x3F9A];
	s0 =	simm.s32 @p0 $0x1  }
0x13: {  	[smem:$0x3FB5] =	sst s0;
	s0 =	simm.s32 @!p1 $0x0  }
0x14: {  	s2 =	sld [smem:$0x3F99];
	s0 =	simm.s32 @p1 $0x1  }
0x15: {  	[smem:$0x3FB6] =	sst s0;
	s0 =	simm.s32 @!p2 $0x0  }
0x16: {  	s3 =	sld [smem:$0x3FDB];
	s0 =	simm.s32 @p2 $0x1  }
0x17: {  	s4 =	simm.s32 $0x1BF5;
	[smem:$0x3FB8] =	sst s0  }
0x18: {  	s0 =	sld [smem:$0x3F9B];
	_ =	swait.ge [sflag:s4], $0x0  }
0x19: {  	s7 =	sld [smem:$0x3F9C]  }
0x1a: {  	s8 =	sadd.s32 $0xFFFFE003, lr  }
0x1b: {  	s9 =	sadd.s32 $0xFFFFFEF7, lr;
	s5 =	simm.s32 $0xFFFFFFFF;
	p2 =	slt.u32 s8, $0xFFFFF086  }
0x1c: {  	p1 =	slt.u32 s9, $0xF7A;
	s5 =	simm.s32 @!p2 $0x0  }
0x1d: {  	s5 =	simm.s32 @p1 $0x1;
	p0 =	seq.s32 s7, s2  }
0x1e: {  	s7 =	smul.u32 @!p0 $0xF7A, s2;
	p2 =	seq.s32 @!p0 s5, $0x0  }
0x1f: {  	s9 =	smul.u32 $0xF7A, s1;
	s8 =	simm.s32 @!p0 $0x1BF5;
	p2 =	por !p2, p0  }
0x20: {  	[sflag:s8] =	ssyncset.s32 @!p0 $0xFFFFF086;
	s6 =	sadd.s32 @!p0 s3, s7;
	s7 =	simm.s32 @!p0 $0x108  }
0x21: {  	s3 =	sadd.s32 s3, s9;
	s6 =	sadd.s32 @!p0 $0x88, s6;
	s7 =	simm.s32 @p2 $0x1082  }
0x22: {  	[simem:s7], [sflag:s8] =	dma.local @!p0 [hbm:s6], $0xF7A  }
0x23: {  	s9 =	sor.u32 $0xD0000000, s2;
	s6 =	simm.s32 $0x108;
	_ =	swait.ge @!p0 [sflag:s8], $0x0  }
0x24: {  	s3 =	sadd.s32 $0x88, s3;
	s6 =	simm.s32 @!p1 $0x1082;
	[sflag:s4] =	ssyncset.s32 $0xFFFFF086  }
0x25: {  	[simem:s6], [sflag:s4] =	dma.local [hbm:s3], $0xF7A  }
0x26: {  	[smem:$0x3F9C] =	sst s1;
	(tag) =	ssettag s2;
	_ =	strace s9  }
0x27: {  	s1 =	sld [smem:$0x3FAC]  }
0x28: {  	s2 =	sld [smem:$0x3FAD]  }
0x29: {  	s4 =	sld [smem:$0x3FAF]  }
0x2a: {  	p0 =	seq.s32 s5, $0x0;
	s5 =	sld [smem:$0x3FB0]  }
0x2b: {  	s6 =	sld [smem:$0x3FB1]  }
0x2c: {  	s7 =	sld [smem:$0x3FB2]  }
0x2d: {  	s3 =	simm.s32 $0x108;
	s8 =	sld [smem:$0x3FB3]  }
0x2e: {  	s3 =	simm.s32 @!p0 $0x1082;
	s9 =	sld [smem:$0x3FB4]  }
0x2f: {  	lr =	sadd.s32 s0, s3;
	s0 =	sld [smem:$0x3FAB]  }
0x30: {  	s3 =	sld [smem:$0x3FAE]  }
0x31: {  	[smem:$0x3FB7] =	sst s10  }
0x32: {  	s10 =	sld [smem:$0x3FB5];
	_ =	sdelay $0x3  }
0x33: {  	p0 =	seq.s32 s10, $0x1;
	s10 =	sld [smem:$0x3FB7];
	_ =	sdelay $0x3  }
0x34: {  	[smem:$0x3FB7] =	sst s10  }
0x35: {  	s10 =	sld [smem:$0x3FB6];
	_ =	sdelay $0x3  }
0x36: {  	p1 =	seq.s32 s10, $0x1;
	s10 =	sld [smem:$0x3FB7];
	_ =	sdelay $0x3  }
0x37: {  	[smem:$0x3FB7] =	sst s10  }
0x38: {  	s10 =	sld [smem:$0x3FB8]  }
0x39: {  	_ = 	snop;
	(pc) =	sbr.ind lr, $3  }
0x3a: {  	_ = 	snop  }
0x3b: {  	_ = 	snop  }
0x3c: {  	p2 =	seq.s32 s10, $0x1;
	s10 =	sld [smem:$0x3FB7]  }
0x3d: {  	_ =	shalt  }
0x3e: {  	_ =	shalt  }
0x3f: {  	_ =	shalt  }
0x40: {  	_ =	shalt  }
0x41: {  	_ =	shalt  }
0x42: {  	_ =	shalt  }
0x43: {  	_ =	shalt  }
0x44: {  	_ =	shalt  }
0x45: {  	_ =	shalt  }
0x46: {  	_ =	shalt  }
0x47: {  	_ =	shalt  }
0x48: {  	_ =	shalt  }
0x49: {  	_ =	shalt  }
0x4a: {  	_ =	shalt  }
0x4b: {  	_ =	shalt  }
0x4c: {  	_ =	shalt  }
0x4d: {  	_ =	shalt  }
0x4e: {  	_ =	shalt  }
0x4f: {  	_ =	shalt  }
0x50: {  	_ =	shalt  }
0x51: {  	_ =	shalt  }
0x52: {  	_ =	shalt  }
0x53: {  	_ =	shalt  }
0x54: {  	_ =	shalt  }
0x55: {  	_ =	shalt  }
0x56: {  	_ =	shalt  }
0x57: {  	_ =	shalt  }
0x58: {  	_ =	shalt  }
0x59: {  	_ =	shalt  }
0x5a: {  	_ =	shalt  }
0x5b: {  	_ =	shalt  }
0x5c: {  	_ =	shalt  }
0x5d: {  	_ =	shalt  }
0x5e: {  	_ =	shalt  }
0x5f: {  	_ =	shalt  }
0x60: {  	_ =	shalt  }
0x61: {  	_ =	shalt  }
0x62: {  	_ =	shalt  }
0x63: {  	_ =	shalt  }
0x64: {  	_ =	shalt  }
0x65: {  	_ =	shalt  }
0x66: {  	_ =	shalt  }
0x67: {  	_ =	shalt  }
0x68: {  	_ =	shalt  }
0x69: {  	_ =	shalt  }
0x6a: {  	_ =	shalt  }
0x6b: {  	_ =	shalt  }
0x6c: {  	_ =	shalt  }
0x6d: {  	_ =	shalt  }
0x6e: {  	_ =	shalt  }
0x6f: {  	_ =	shalt  }
0x70: {  	_ =	shalt  }
0x71: {  	_ =	shalt  }
0x72: {  	_ =	shalt  }
0x73: {  	_ =	shalt  }
0x74: {  	_ =	shalt  }
0x75: {  	_ =	shalt  }
0x76: {  	_ =	shalt  }
0x77: {  	_ =	shalt  }
0x78: {  	_ =	shalt  }
0x79: {  	_ =	shalt  }
0x7a: {  	_ =	shalt  }
0x7b: {  	_ =	shalt  }
0x7c: {  	_ =	shalt  }
0x7d: {  	_ =	shalt  }
0x7e: {  	_ =	shalt  }
0x7f: {  	_ =	shalt  }
0x80: {  	_ =	shalt  }
0x81: {  	_ =	shalt  }
0x82: {  	_ =	shalt  }
0x83: {  	_ =	shalt  }
0x84: {  	_ =	shalt  }
0x85: {  	_ =	shalt  }
0x86: {  	_ =	shalt  }
0x87: {  	_ =	shalt  }
.Lfunc_end0:
.L_simem_size_0:
called_computation_lowered:
.L_overlay_start_0:
0x88: {  	s2 =	sld [smem:$0x3FD9]  }
0x89: {  	s3 =	sld [smem:$0x3FFE];
	_ =	sdelay $0x1  }
0x8a: {  	s1 =	srdreg.scid  }
0x8b: {  	s0 =	sand.u32 $0x1, s1  }
0x8c: {  	s17 =	sshll.u32 s0, $0xA;
	s2 =	sadd.s32 s3, s2  }
0x8d: {  	s2 =	sadd.s32 s2, s17  }
0x8e: {  	[smem:$0x3FC3] =	sst s2  }
0x8f: {  	_ = 	snop  }
0x90: {  	s2 =	sld [smem:$0x3FC9]  }
0x91: {  	s18 =	sld [smem:$0x3FC7];
	(tm) =	ssettm $0x1  }
0x92: {  	s4 =	sld [smem:$0x3FFB];
	_ =	sdelay $0x3  }
0x93: {  	_ =	strace s4  }
0x94: {  	s4 =	sld [smem:$0x3FFC];
	_ =	sdelay $0x3  }
0x95: {  	_ =	strace s4  }
0x96: {  	s4 =	sld [smem:$0x3FFD];
	_ =	sdelay $0x3  }
0x97: {  	_ =	strace s4  }
0x98: {  	_ =	strace $0x8FFFFFFF  }
0x99: {  	s19 =	sld [smem:$0x3FDB];
	_ =	sdelay $0x1  }
0x9a: {  	s5 =	simm.s32 $_scs_section_size  }
0x9b: {  	s6 =	simm.s32 $_size__tile_overlayer_lowered;
	s7 =	simm.s32 $_tile_overlayer_lowered  }
0x9c: {  	s22 =	simm.s32 $0x1BFF;
	s21 =	sshll.u32 s7, $0x1;
	s4 =	sadd.s32 s5, s19  }
0x9d: {  	s8 =	simm.s32 $0x0;
	s20 =	sshll.u32 s6, $0x1;
	s6 =	sadd.s32 s21, s4  }
0x9e: {  	[timem:s8], [sflag:s22] =	dma.local [hbm:s6], s20  }
0x9f: {  	_ =	swait.ge [sflag:s22], s20  }
0xa0: {  	s5 =	ssub.s32 $0x0, s20;
	[sflag:s22] =	ssyncset.done $0x0  }
0xa1: {  	[sflag:s22] =	ssyncadd.s32 s5;
	_ =	sdelay $0x1  }
0xa2: {  	s23 =	simm.s32 $0x1B8B  }
0xa3: {  	_ =	swait.ge [sflag:s23], $0x1  }
0xa4: {  	[sflag:s23] =	ssyncset.done $0x0  }
0xa5: {  	s25 =	simm.s32 $0x1B8E;
	s24 =	sld [smem:$0x3FFE];
	[sflag:s23] =	ssyncadd.s32 $0xFFFFFFFF  }
0xa6: {  	s26 =	simm.s32 $execute0_lowered;
	[smem:$0x3FD2] =	sst s25  }
0xa7: {  	s6 =	sshll.u32 s26, $0x1;
	_ =	strace $0x80000046;
	[dreg:$0x1] =	wrdreg $0xFFFFFFFF  }
0xa8: {  	s28 =	simm.s32 $_size_execute0_lowered;
	s4 =	sadd.s32 s4, s6;
	[dreg:$0x0] =	wrdreg $0x0  }
0xa9: {  	s6 =	sshll.u32 s28, $0x1;
	[dreg:$0x2] =	wrdreg s4  }
0xaa: {  	[dreg:$0x3] =	wrdreg s6  }
0xab: {  	[dreg:$0x4] =	wrdreg $0xC0  }
0xac: {  	_ =	task [dreg:s8], $0x5FFFF  }
0xad: {  	[dreg:$0x1] =	wrdreg $0xFFFFFFFF  }
0xae: {  	[dreg:$0x0] =	wrdreg $0x60  }
0xaf: {  	[dreg:$0x2] =	wrdreg s2  }
0xb0: {  	[dreg:$0x3] =	wrdreg s18  }
0xb1: {  	[dreg:$0x4] =	wrdreg s24  }
0xb2: {  	[dreg:$0x5] =	wrdreg $0x196800  }
0xb3: {  	[dreg:$0x6] =	wrdreg $0x9  }
0xb4: {  	_ =	task.clear_ibuf [dreg:s8], $0x7FFFF;
	_ =	strace $0x90000046  }
0xb5: {  	s29 =	simm.s32 $0x9;
	_ =	strace $0x80000048  }
0xb6: {  	_ =	swait.ge [sflag:s29], $0x1  }
0xb7: {  	[sflag:s29] =	ssyncadd.s32 $0xFFFFFFFF  }
0xb8: {  	_ =	strace $0x90000048  }
0xb9: {  	_ =	sfence  }
0xba: {  	s30 =	sld [smem:$0x0];
	_ =	sdelay $0x2  }
0xbb: {  	s31 =	sshll.u32 s1, $0xD;
	s1 =	sshrl.u32 s1, $0x2  }
0xbc: {  	s3 =	sand.u32 $0x4000, s31;
	s1 =	sadd.s32 s1, s30  }
0xbd: {  	s0 =	sor.u32 s3, s0;
	s1 =	sshll.u32 s1, $0x11  }
0xbe: {  	s0 =	sor.u32 s1, s0  }
0xbf: {  	s0 =	sadd.s32 $0x8F2B, s0  }
0xc0: {  	[sflag:s0] =	ssyncadd.remote.s32 $0x1  }
0xc1: {  	_ =	sfence.sel $0xFFFF  }
0xc2: {  	[dreg:$0x0] =	wrdreg $0xFFFFFFFF;
	(pc) =	sbr.abs _section_cstart, $3  }
0xc3: {  	[dreg:$0x1] =	wrdreg $0xFFFFFFFF  }
0xc4: {  	_ =	task.clear_ibuf [dreg:s8], $0x2FFFF;
	_ =	strace $0x9FFFFFFF  }
0xc5: {  	(tm) =	ssettm $0x7FFFFFFF  }
tec
execute0_lowered:
.L_overlay_start_1:
0x0: {  	(tag) =	ssettag $0x1  }
0x1: {  	s3 =	rddreg [dreg:$0x0]  }
0x2: {  	s4 =	rddreg [dreg:$0x1]  }
0x3: {  	s5 =	rddreg [dreg:$0x2]  }
0x4: {  	s1 =	rddreg [dreg:$0x3]  }
0x5: {  	s6 =	srdreg.scid;
	s25 =	stileid.u32  }
0x6: {  	s2 =	simm.s32 $0x0;
	s28 =	simm.s32 $0xB;
	s29 =	simm.s32 $0xC  }
0x7: {  	s6 =	sand.u32 $0x1, s6;
	s7 =	sshll.u32 s25, $0x1;
	[smem:$0x7FF] =	sst s2  }
0x8: {  	s17 =	sshll.u32 s25, $0x9;
	p1 =	sne.s32 s25, $0x0;
	s25 =	simm.s32 $0xA  }
0x9: {  	s24 =	sor.u32 s6, s7;
	_ =	strace $0x80000047;
	s18 =	sadd.s32 s17, s1  }
0xa: {  	s7 =	sshll.u32 s24, $0x4;
	s9 =	sshll.u32 s24, $0xB;
	[dreg:$0xf] =	wrdreg s18  }
0xb: {  	p0 =	sgt.u32 s24, $0xC;
	s8 =	sadd.s32 s4, s7;
	s7 =	sshll.u32 s24, $0x7  }
0xc: {  	s19 =	sadd.s32 s3, s9;
	p2 =	sne.s32 @!p0 s24, $0x0;
	[dreg:$0x5] =	wrdreg s8  }
0xd: {  	s24 =	simm.s32 $0x5;
	s20 =	sor.u32 $0x1000, s7;
	[dreg:$0x6] =	wrdreg s19  }
0xe: {  	s10 =	sor.u32 $0x2000, s7;
	s0 =	sor.u32 $0x3000, s7;
	s11 =	sor.u32 $0x4000, s7  }
0xf: {  	s19 =	sor.u32 $0x5000, s7;
	s17 =	sor.u32 $0x9000, s7;
	p2 =	por p2, p0  }
0x10: {  	s21 =	sshrl.u32 s20, $0x3;
	s9 =	sshll.u32 s20, $0x4;
	s23 =	sshrl.u32 s10, $0x3  }
0x11: {  	s30 =	sshll.u32 s10, $0x4;
	s10 =	sshrl.u32 s0, $0x3;
	s13 =	sshrl.u32 s11, $0x3  }
0x12: {  	s15 =	sshll.u32 s11, $0x4;
	s20 =	sshrl.u32 s19, $0x3;
	s11 =	sor.u32 $0x8000, s7  }
0x13: {  	s18 =	sshrl.u32 s17, $0x3;
	s8 =	sadd.s32 s4, s21;
	s22 =	sadd.s32 s3, s9  }
0x14: {  	s26 =	sadd.s32 s4, s23;
	s31 =	sadd.s32 s3, s30;
	[dreg:$0x7] =	wrdreg s8  }
0x15: {  	s9 =	sshll.u32 s0, $0x4;
	s14 =	sadd.s32 s4, s13;
	[dreg:$0x8] =	wrdreg s22  }
0x16: {  	s16 =	sadd.s32 s3, s15;
	s21 =	sor.u32 $0x6000, s7;
	[dreg:$0x9] =	wrdreg s26  }
0x17: {  	s0 =	sor.u32 $0x7000, s7;
	s13 =	sshrl.u32 s11, $0x3;
	[dreg:$0xa] =	wrdreg s31  }
0x18: {  	s15 =	sshll.u32 s11, $0x4;
	s8 =	sadd.s32 s4, s10;
	[dreg:$0xd] =	wrdreg s14  }
0x19: {  	s12 =	sadd.s32 s3, s9;
	[dreg:$0xe] =	wrdreg s16;
	s9 =	sshll.u32 s19, $0x4  }
0x1a: {  	s23 =	sshrl.u32 s21, $0x3;
	s30 =	sshll.u32 s21, $0x4;
	s10 =	sshrl.u32 s0, $0x3  }
0x1b: {  	s14 =	sadd.s32 s4, s13;
	s16 =	sadd.s32 s3, s15;
	[dreg:$0xb] =	wrdreg s8  }
0x1c: {  	s19 =	sor.u32 $0xA000, s7;
	s15 =	sor.u32 $0xD000, s7;
	[dreg:$0xc] =	wrdreg s12  }
0x1d: {  	s8 =	sadd.s32 s4, s20;
	s22 =	sadd.s32 s3, s9;
	[dreg:$0x16] =	wrdreg s14  }
0x1e: {  	s26 =	sadd.s32 s4, s23;
	s31 =	sadd.s32 s3, s30;
	[dreg:$0x17] =	wrdreg s16  }
0x1f: {  	s9 =	sshll.u32 s0, $0x4;
	s21 =	sshrl.u32 s19, $0x3;
	[dreg:$0x10] =	wrdreg s8  }
0x20: {  	s23 =	sshll.u32 s19, $0x4;
	s30 =	sor.u32 $0xB000, s7;
	[dreg:$0x11] =	wrdreg s22  }
0x21: {  	s0 =	sor.u32 $0xC000, s7;
	s16 =	sshrl.u32 s15, $0x3;
	[dreg:$0x12] =	wrdreg s26  }
0x22: {  	[dreg:$0x13] =	wrdreg s31;
	s8 =	sadd.s32 s4, s10;
	s12 =	sadd.s32 s3, s9  }
0x23: {  	s9 =	sshll.u32 s17, $0x4;
	s22 =	sadd.s32 s4, s21;
	s26 =	sadd.s32 s3, s23  }
0x24: {  	s31 =	sshrl.u32 s30, $0x3;
	s11 =	sshrl.u32 s0, $0x3;
	[dreg:$0x14] =	wrdreg s8  }
0x25: {  	s13 =	sshll.u32 s0, $0x4;
	s17 =	sor.u32 $0xE000, s7;
	[dreg:$0x15] =	wrdreg s12  }
0x26: {  	s23 =	sor.u32 $0xF000, s7;
	s10 =	sor.u32 $0x15000, s7;
	[dreg:$0x1a] =	wrdreg s22  }
0x27: {  	s8 =	sadd.s32 s4, s18;
	s20 =	sadd.s32 s3, s9;
	[dreg:$0x1b] =	wrdreg s26  }
0x28: {  	s9 =	sshll.u32 s30, $0x4;
	s12 =	sadd.s32 s4, s11;
	s14 =	sadd.s32 s3, s13  }
0x29: {  	s19 =	sshrl.u32 s17, $0x3;
	s21 =	sshll.u32 s17, $0x4;
	[dreg:$0x18] =	wrdreg s8  }
0x2a: {  	s26 =	sshrl.u32 s23, $0x3;
	s30 =	sor.u32 $0x10000, s7;
	[dreg:$0x19] =	wrdreg s20  }
0x2b: {  	s13 =	sor.u32 $0x11000, s7;
	s8 =	sadd.s32 s4, s31;
	[dreg:$0x1e] =	wrdreg s12  }
0x2c: {  	s9 =	sadd.s32 s3, s9;
	[dreg:$0x1f] =	wrdreg s14;
	s20 =	sadd.s32 s4, s19  }
0x2d: {  	s22 =	sadd.s32 s3, s21;
	s0 =	sshrl.u32 s30, $0x3;
	[dreg:$0x1c] =	wrdreg s8  }
0x2e: {  	s11 =	sshll.u32 s30, $0x4;
	s14 =	sshrl.u32 s13, $0x3;
	[dreg:$0x1d] =	wrdreg s9  }
0x2f: {  	s21 =	sor.u32 $0x13000, s7;
	s8 =	sadd.s32 s4, s16;
	[smem:$0x7E4] =	sst s20  }
0x30: {  	s9 =	sshll.u32 s15, $0x4;
	[smem:$0x7E5] =	sst s22;
	s12 =	sadd.s32 s3, s11  }
0x31: {  	s15 =	sor.u32 $0x12000, s7;
	s22 =	sshrl.u32 s21, $0x3;
	s11 =	sshrl.u32 s10, $0x3  }
0x32: {  	[smem:$0x7E2] =	sst s8;
	s18 =	sadd.s32 s3, s9;
	s8 =	sadd.s32 s4, s26  }
0x33: {  	s9 =	sshll.u32 s23, $0x4;
	[smem:$0x7E9] =	sst s12;
	s17 =	sshrl.u32 s15, $0x3  }
0x34: {  	s19 =	sshll.u32 s15, $0x4;
	s23 =	sor.u32 $0x14000, s7;
	[smem:$0x7E3] =	sst s18  }
0x35: {  	s12 =	sor.u32 $0x16000, s7;
	[smem:$0x7E6] =	sst s8;
	s31 =	sadd.s32 s3, s9  }
0x36: {  	s9 =	sadd.s32 s4, s0;
	s8 =	sadd.s32 s4, s14;
	[smem:$0x7E7] =	sst s31  }
0x37: {  	s18 =	sadd.s32 s4, s17;
	s20 =	sadd.s32 s3, s19;
	[smem:$0x7E8] =	sst s9  }
0x38: {  	s30 =	sshrl.u32 s23, $0x3;
	s0 =	sshll.u32 s23, $0x4;
	[smem:$0x7EA] =	sst s8  }
0x39: {  	s14 =	sshrl.u32 s12, $0x3;
	s19 =	sshll.u32 s6, $0xA;
	[smem:$0x7EC] =	sst s18  }
0x3a: {  	s6 =	ssub.s32 $0x2, s6;
	s9 =	sshll.u32 s13, $0x4;
	[smem:$0x7ED] =	sst s20  }
0x3b: {  	s8 =	sadd.s32 s4, s22;
	s31 =	sadd.s32 s4, s30;
	s15 =	sadd.s32 s4, s14  }
0x3c: {  	s18 =	sor.u32 $0x17000, s7;
	s7 =	sor.u32 $0x18000, s7;
	s5 =	sadd.s32 s19, s5  }
0x3d: {  	s14 =	simm.s32 $0x1;
	s19 =	simm.s32 $0x7;
	[smem:$0x7EE] =	sst s8  }
0x3e: {  	s16 =	sadd.s32 s3, s9;
	s9 =	sshll.u32 s21, $0x4;
	[smem:$0x7F0] =	sst s31  }
0x3f: {  	s8 =	sadd.s32 s4, s11;
	[smem:$0x7F4] =	sst s15;
	s20 =	sshrl.u32 s18, $0x3  }
0x40: {  	s22 =	sshrl.u32 s7, $0x3;
	s7 =	sshll.u32 s7, $0x4;
	s31 =	sadd.s32 $0xC00, s5  }
0x41: {  	s5 =	simm.s32 $0x18080;
	s11 =	simm.s32 $0x18200;
	[smem:$0x7EB] =	sst s16  }
0x42: {  	s15 =	simm.s32 $0x80;
	s26 =	sadd.s32 s3, s9;
	[smem:$0x7F2] =	sst s8  }
0x43: {  	s9 =	sadd.s32 s3, s0;
	s16 =	sshll.u32 s12, $0x4;
	[smem:$0x7FC] =	sst s31  }
0x44: {  	s8 =	sadd.s32 s4, s20;
	s23 =	sadd.s32 s4, s22;
	[smem:$0x7EF] =	sst s26  }
0x45: {  	s7 =	sadd.s32 s3, s7;
	s4 =	sadd.s32 $0x30D0, s4;
	[smem:$0x7F1] =	sst s9  }
0x46: {  	s12 =	simm.s32 $0x10000;
	s20 =	simm.s32 $0x3;
	[smem:$0x7F6] =	sst s8  }
0x47: {  	s22 =	simm.s32 $0x4;
	s9 =	sshll.u32 s10, $0x4;
	[smem:$0x7F8] =	sst s23  }
0x48: {  	s17 =	sadd.s32 s3, s16;
	[smem:$0x7F9] =	sst s7;
	s26 =	sshrl.u32 s6, $0x1  }
0x49: {  	[smem:$0x7FA] =	sst s4;
	s7 =	simm.s32 $0x18100;
	s8 =	simm.s32 $0x8000  }
0x4a: {  	s10 =	simm.s32 $0xC000;
	s16 =	simm.s32 $0x18280;
	s23 =	simm.s32 $0x9  }
0x4b: {  	s13 =	sadd.s32 s3, s9;
	[smem:$0x7F5] =	sst s17;
	s9 =	sshll.u32 s18, $0x4  }
0x4c: {  	s30 =	ssub.s32 s6, s26;
	s6 =	simm.s32 $0x4000;
	s17 =	simm.s32 $0x14000  }
0x4d: {  	s18 =	simm.s32 $0x2;
	[smem:$0x7F3] =	sst s13;
	s21 =	sadd.s32 s3, s9  }
0x4e: {  	s26 =	simm.s32 $0x6;
	s3 =	sadd.s32 $0x186800, s3;
	[smem:$0x7F7] =	sst s21  }
0x4f: {  	s9 =	simm.s32 $0x18180;
	s13 =	simm.s32 $0x18400;
	[smem:$0x7FB] =	sst s3  }
0x50: {  	v0 =	vimm.f32 $0.0e+00;
	s3 =	smax.u32 s30, $0x1;
	[smem:$0x7FD] =	sst s13;
	s21 =	simm.s32 $0x8  }
.LBB2_1:
0x51: {  	s30 =	rddreg [dreg:$0x5];
	s0 =	simm.s32 $0x18000  }
0x52: {  	[tilespmem:s0], [sflag:$0x1] =	stream.linear.gather [hbm4b:s30+s2], $0x80, $0x38;
	[tilespmem:$0x19880] =	vst v63  }
0x53: {  	s31 =	rddreg [dreg:$0x6]  }
0x54: {  	[tilespmem:s2], [sflag:$0x1] =	stream.linear.gather [hbm4b:s31+s2], $0x4000, $0x38;
	[tilespmem:$0x19880] =	vst v63  }
0x55: {  	s4 =	rddreg [dreg:$0x7]  }
0x56: {  	[tilespmem:s5], [sflag:$0x2] =	stream.linear.gather [hbm4b:s4+s2], $0x80, $0x38;
	[tilespmem:$0x19880] =	vst v63  }
0x57: {  	s13 =	rddreg [dreg:$0x8]  }
0x58: {  	[tilespmem:s6], [sflag:$0x2] =	stream.linear.gather [hbm4b:s13+s2], $0x4000, $0x38;
	[tilespmem:$0x19880] =	vst v63  }
0x59: {  	s4 =	rddreg [dreg:$0x9]  }
0x5a: {  	[tilespmem:s7], [sflag:$0x3] =	stream.linear.gather [hbm4b:s4+s2], $0x80, $0x38;
	[tilespmem:$0x19880] =	vst v63  }
0x5b: {  	s13 =	rddreg [dreg:$0xa]  }
0x5c: {  	[tilespmem:s8], [sflag:$0x3] =	stream.linear.gather [hbm4b:s13+s2], $0x4000, $0x38;
	[tilespmem:$0x19880] =	vst v63  }
0x5d: {  	s4 =	rddreg [dreg:$0xb]  }
0x5e: {  	[tilespmem:s9], [sflag:$0x4] =	stream.linear.gather [hbm4b:s4+s2], $0x80, $0x38;
	[tilespmem:$0x19880] =	vst v63  }
0x5f: {  	s13 =	rddreg [dreg:$0xc]  }
0x60: {  	[tilespmem:s10], [sflag:$0x4] =	stream.linear.gather [hbm4b:s13+s2], $0x4000, $0x38;
	[tilespmem:$0x19880] =	vst v63  }
0x61: {  	s4 =	rddreg [dreg:$0xd]  }
0x62: {  	[tilespmem:s11], [sflag:$0x5] =	stream.linear.gather [hbm4b:s4+s2], $0x80, $0x38;
	[tilespmem:$0x19880] =	vst v63  }
0x63: {  	s13 =	rddreg [dreg:$0xe]  }
0x64: {  	[tilespmem:s12], [sflag:$0x5] =	stream.linear.gather [hbm4b:s13+s2], $0x4000, $0x38;
	[tilespmem:$0x19880] =	vst v63  }
0x65: {  	[tilespmem:$0x18400] =	vst v0  }
0x66: {  	[tilespmem:$0x18410] =	vst v0  }
0x67: {  	[tilespmem:$0x18420] =	vst v0  }
0x68: {  	[tilespmem:$0x18430] =	vst v0  }
0x69: {  	[tilespmem:$0x18440] =	vst v0  }
0x6a: {  	[tilespmem:$0x18450] =	vst v0  }
0x6b: {  	[tilespmem:$0x18460] =	vst v0  }
0x6c: {  	[tilespmem:$0x18470] =	vst v0  }
0x6d: {  	[tilespmem:$0x18480] =	vst v0  }
0x6e: {  	[tilespmem:$0x18490] =	vst v0  }
0x6f: {  	[tilespmem:$0x184A0] =	vst v0  }
0x70: {  	[tilespmem:$0x184B0] =	vst v0  }
0x71: {  	[tilespmem:$0x184C0] =	vst v0  }
0x72: {  	[tilespmem:$0x184D0] =	vst v0  }
0x73: {  	[tilespmem:$0x184E0] =	vst v0  }
0x74: {  	[tilespmem:$0x184F0] =	vst v0  }
0x75: {  	[tilespmem:$0x18500] =	vst v0  }
0x76: {  	[tilespmem:$0x18510] =	vst v0  }
0x77: {  	[tilespmem:$0x18520] =	vst v0  }
0x78: {  	[tilespmem:$0x18530] =	vst v0  }
0x79: {  	[tilespmem:$0x18540] =	vst v0  }
0x7a: {  	[tilespmem:$0x18550] =	vst v0  }
0x7b: {  	[tilespmem:$0x18560] =	vst v0  }
0x7c: {  	[tilespmem:$0x18570] =	vst v0  }
0x7d: {  	[tilespmem:$0x18580] =	vst v0  }
0x7e: {  	[tilespmem:$0x18590] =	vst v0  }
0x7f: {  	[tilespmem:$0x185A0] =	vst v0  }
0x80: {  	[tilespmem:$0x185B0] =	vst v0  }
0x81: {  	[tilespmem:$0x185C0] =	vst v0  }
0x82: {  	s13 =	sld [smem:$0x7FD];
	[tilespmem:$0x185D0] =	vst v0  }
0x83: {  	[tilespmem:$0x185E0] =	vst v0  }
0x84: {  	s4 =	rddreg [dreg:$0xf];
	[tilespmem:$0x185F0] =	vst v0  }
0x85: {  	[spmem:s4] =	stream.linear.scatter [tilespmem:s13], [sflag:$0xD], $0x200, $0x38;
	[tilespmem:$0x19880] =	vst v63  }
0x86: {  	s4 =	simm.s32 $0xD  }
0x87: {  	_ =	swait.ge [sflag:s4], $0x200  }
0x88: {  	[sflag:s4] =	ssyncset.done $0x0  }
0x89: {  	[sflag:s4] =	ssyncadd.s32 $0xFFFFFE00  }
0x8a: {  	[bflag:$0x0] =	sbarrier.arrive $0xFFFF  }
0x8b: {  	_ =	swait.ge [sflag:s14], $0x80  }
0x8c: {  	[sflag:s14] =	ssyncset.done $0x0  }
0x8d: {  	[sflag:s14] =	ssyncadd.s32 $0xFFFFFF80  }
0x8e: {  	_ =	swait.ge [sflag:s14], $0x4000  }
0x8f: {  	[sflag:s14] =	ssyncset.done $0x0  }
0x90: {  	[sflag:s14] =	ssyncadd.s32 $0xFFFFC000  }
0x91: {  	[spmem:s1] =	stream.indirect.scatter.add.f32 [tilespmem:s2], [sflag:$0x7], $0x80, s0, s15, $0xb8;
	[tilespmem:$0x19880] =	vst v63  }
0x92: {  	s4 =	rddreg [dreg:$0x10]  }
0x93: {  	[tilespmem:s16], [sflag:$0x6] =	stream.linear.gather [hbm4b:s4+s2], $0x80, $0x38;
	[tilespmem:$0x19880] =	vst v63  }
0x94: {  	s13 =	rddreg [dreg:$0x11]  }
0x95: {  	[tilespmem:s17], [sflag:$0x6] =	stream.linear.gather [hbm4b:s13+s2], $0x4000, $0x38;
	[tilespmem:$0x19880] =	vst v63  }
0x96: {  	_ =	swait.ge [sflag:s18], $0x80  }
0x97: {  	[sflag:s18] =	ssyncset.done $0x0  }
0x98: {  	[sflag:s18] =	ssyncadd.s32 $0xFFFFFF80  }
0x99: {  	_ =	swait.ge [sflag:s18], $0x4000  }
0x9a: {  	[sflag:s18] =	ssyncset.done $0x0  }
0x9b: {  	[sflag:s18] =	ssyncadd.s32 $0xFFFFC000  }
0x9c: {  	[spmem:s1] =	stream.indirect.scatter.add.f32 [tilespmem:s6], [sflag:$0x8], $0x80, s5, s15, $0xb8;
	[tilespmem:$0x19880] =	vst v63  }
0x9d: {  	_ =	swait.ge [sflag:s19], $0x4000  }
0x9e: {  	[sflag:s19] =	ssyncset.done $0x0  }
0x9f: {  	s4 =	rddreg [dreg:$0x12];
	[sflag:s19] =	ssyncadd.s32 $0xFFFFC000  }
0xa0: {  	[tilespmem:s0], [sflag:$0x1] =	stream.linear.gather [hbm4b:s4+s2], $0x80, $0x38;
	[tilespmem:$0x19880] =	vst v63  }
0xa1: {  	s13 =	rddreg [dreg:$0x13]  }
0xa2: {  	[tilespmem:s2], [sflag:$0x1] =	stream.linear.gather [hbm4b:s13+s2], $0x4000, $0x38;
	[tilespmem:$0x19880] =	vst v63  }
0xa3: {  	_ =	swait.ge [sflag:s20], $0x80  }
0xa4: {  	[sflag:s20] =	ssyncset.done $0x0  }
0xa5: {  	[sflag:s20] =	ssyncadd.s32 $0xFFFFFF80  }
0xa6: {  	_ =	swait.ge [sflag:s20], $0x4000  }
0xa7: {  	[sflag:s20] =	ssyncset.done $0x0  }
0xa8: {  	[sflag:s20] =	ssyncadd.s32 $0xFFFFC000  }
0xa9: {  	[spmem:s1] =	stream.indirect.scatter.add.f32 [tilespmem:s8], [sflag:$0x9], $0x80, s7, s15, $0xb8;
	[tilespmem:$0x19880] =	vst v63  }
0xaa: {  	_ =	swait.ge [sflag:s21], $0x4000  }
0xab: {  	[sflag:s21] =	ssyncset.done $0x0  }
0xac: {  	s4 =	rddreg [dreg:$0x14];
	[sflag:s21] =	ssyncadd.s32 $0xFFFFC000  }
0xad: {  	[tilespmem:s5], [sflag:$0x2] =	stream.linear.gather [hbm4b:s4+s2], $0x80, $0x38;
	[tilespmem:$0x19880] =	vst v63  }
0xae: {  	s13 =	rddreg [dreg:$0x15]  }
0xaf: {  	[tilespmem:s6], [sflag:$0x2] =	stream.linear.gather [hbm4b:s13+s2], $0x4000, $0x38;
	[tilespmem:$0x19880] =	vst v63  }
0xb0: {  	_ =	swait.ge [sflag:s22], $0x80  }
0xb1: {  	[sflag:s22] =	ssyncset.done $0x0  }
0xb2: {  	[sflag:s22] =	ssyncadd.s32 $0xFFFFFF80  }
0xb3: {  	_ =	swait.ge [sflag:s22], $0x4000  }
0xb4: {  	[sflag:s22] =	ssyncset.done $0x0  }
0xb5: {  	[sflag:s22] =	ssyncadd.s32 $0xFFFFC000  }
0xb6: {  	[spmem:s1] =	stream.indirect.scatter.add.f32 [tilespmem:s10], [sflag:$0xA], $0x80, s9, s15, $0xb8;
	[tilespmem:$0x19880] =	vst v63  }
0xb7: {  	_ =	swait.ge [sflag:s23], $0x4000  }
0xb8: {  	[sflag:s23] =	ssyncset.done $0x0  }
0xb9: {  	s4 =	rddreg [dreg:$0x16];
	[sflag:s23] =	ssyncadd.s32 $0xFFFFC000  }
0xba: {  	[tilespmem:s7], [sflag:$0x3] =	stream.linear.gather [hbm4b:s4+s2], $0x80, $0x38;
	[tilespmem:$0x19880] =	vst v63  }
0xbb: {  	s13 =	rddreg [dreg:$0x17]  }
0xbc: {  	[tilespmem:s8], [sflag:$0x3] =	stream.linear.gather [hbm4b:s13+s2], $0x4000, $0x38;
	[tilespmem:$0x19880] =	vst v63  }
0xbd: {  	_ =	swait.ge [sflag:s24], $0x80  }
0xbe: {  	[sflag:s24] =	ssyncset.done $0x0  }
0xbf: {  	[sflag:s24] =	ssyncadd.s32 $0xFFFFFF80  }
0xc0: {  	_ =	swait.ge [sflag:s24], $0x4000  }
0xc1: {  	[sflag:s24] =	ssyncset.done $0x0  }
0xc2: {  	[sflag:s24] =	ssyncadd.s32 $0xFFFFC000  }
0xc3: {  	[spmem:s1] =	stream.indirect.scatter.add.f32 [tilespmem:s12], [sflag:$0xB], $0x80, s11, s15, $0xb8;
	[tilespmem:$0x19880] =	vst v63  }
0xc4: {  	_ =	swait.ge [sflag:s25], $0x4000  }
0xc5: {  	[sflag:s25] =	ssyncset.done $0x0  }
0xc6: {  	s4 =	rddreg [dreg:$0x18];
	[sflag:s25] =	ssyncadd.s32 $0xFFFFC000  }
0xc7: {  	[tilespmem:s9], [sflag:$0x4] =	stream.linear.gather [hbm4b:s4+s2], $0x80, $0x38;
	[tilespmem:$0x19880] =	vst v63  }
0xc8: {  	s13 =	rddreg [dreg:$0x19]  }
0xc9: {  	[tilespmem:s10], [sflag:$0x4] =	stream.linear.gather [hbm4b:s13+s2], $0x4000, $0x38;
	[tilespmem:$0x19880] =	vst v63  }
0xca: {  	_ =	swait.ge [sflag:s26], $0x80  }
0xcb: {  	[sflag:s26] =	ssyncset.done $0x0  }
0xcc: {  	[sflag:s26] =	ssyncadd.s32 $0xFFFFFF80  }
0xcd: {  	_ =	swait.ge [sflag:s26], $0x4000  }
0xce: {  	[sflag:s26] =	ssyncset.done $0x0  }
0xcf: {  	[sflag:s26] =	ssyncadd.s32 $0xFFFFC000  }
0xd0: {  	[spmem:s1] =	stream.indirect.scatter.add.f32 [tilespmem:s17], [sflag:$0xC], $0x80, s16, s15, $0xb8;
	[tilespmem:$0x19880] =	vst v63  }
0xd1: {  	_ =	swait.ge [sflag:s28], $0x4000  }
0xd2: {  	[sflag:s28] =	ssyncset.done $0x0  }
0xd3: {  	s4 =	rddreg [dreg:$0x1a];
	[sflag:s28] =	ssyncadd.s32 $0xFFFFC000  }
0xd4: {  	[tilespmem:s11], [sflag:$0x5] =	stream.linear.gather [hbm4b:s4+s2], $0x80, $0x38;
	[tilespmem:$0x19880] =	vst v63  }
0xd5: {  	s13 =	rddreg [dreg:$0x1b]  }
0xd6: {  	[tilespmem:s12], [sflag:$0x5] =	stream.linear.gather [hbm4b:s13+s2], $0x4000, $0x38;
	[tilespmem:$0x19880] =	vst v63  }
0xd7: {  	_ =	swait.ge [sflag:s14], $0x80  }
0xd8: {  	[sflag:s14] =	ssyncset.done $0x0  }
0xd9: {  	[sflag:s14] =	ssyncadd.s32 $0xFFFFFF80  }
0xda: {  	_ =	swait.ge [sflag:s14], $0x4000  }
0xdb: {  	[sflag:s14] =	ssyncset.done $0x0  }
0xdc: {  	[sflag:s14] =	ssyncadd.s32 $0xFFFFC000  }
0xdd: {  	[spmem:s1] =	stream.indirect.scatter.add.f32 [tilespmem:s2], [sflag:$0x7], $0x80, s0, s15, $0xb8;
	[tilespmem:$0x19880] =	vst v63  }
0xde: {  	_ =	swait.ge [sflag:s29], $0x4000  }
0xdf: {  	[sflag:s29] =	ssyncset.done $0x0  }
0xe0: {  	s4 =	rddreg [dreg:$0x1c];
	[sflag:s29] =	ssyncadd.s32 $0xFFFFC000  }
0xe1: {  	[tilespmem:s16], [sflag:$0x6] =	stream.linear.gather [hbm4b:s4+s2], $0x80, $0x38;
	[tilespmem:$0x19880] =	vst v63  }
0xe2: {  	s13 =	rddreg [dreg:$0x1d]  }
0xe3: {  	[tilespmem:s17], [sflag:$0x6] =	stream.linear.gather [hbm4b:s13+s2], $0x4000, $0x38;
	[tilespmem:$0x19880] =	vst v63  }
0xe4: {  	_ =	swait.ge [sflag:s18], $0x80  }
0xe5: {  	[sflag:s18] =	ssyncset.done $0x0  }
0xe6: {  	[sflag:s18] =	ssyncadd.s32 $0xFFFFFF80  }
0xe7: {  	_ =	swait.ge [sflag:s18], $0x4000  }
0xe8: {  	[sflag:s18] =	ssyncset.done $0x0  }
0xe9: {  	[sflag:s18] =	ssyncadd.s32 $0xFFFFC000  }
0xea: {  	[spmem:s1] =	stream.indirect.scatter.add.f32 [tilespmem:s6], [sflag:$0x8], $0x80, s5, s15, $0xb8;
	[tilespmem:$0x19880] =	vst v63  }
0xeb: {  	_ =	swait.ge [sflag:s19], $0x4000  }
0xec: {  	[sflag:s19] =	ssyncset.done $0x0  }
0xed: {  	s4 =	rddreg [dreg:$0x1e];
	[sflag:s19] =	ssyncadd.s32 $0xFFFFC000  }
0xee: {  	[tilespmem:s0], [sflag:$0x1] =	stream.linear.gather [hbm4b:s4+s2], $0x80, $0x38;
	[tilespmem:$0x19880] =	vst v63  }
0xef: {  	s13 =	rddreg [dreg:$0x1f]  }
0xf0: {  	[tilespmem:s2], [sflag:$0x1] =	stream.linear.gather [hbm4b:s13+s2], $0x4000, $0x38;
	[tilespmem:$0x19880] =	vst v63  }
0xf1: {  	_ =	swait.ge [sflag:s20], $0x80  }
0xf2: {  	[sflag:s20] =	ssyncset.done $0x0  }
0xf3: {  	[sflag:s20] =	ssyncadd.s32 $0xFFFFFF80  }
0xf4: {  	_ =	swait.ge [sflag:s20], $0x4000  }
0xf5: {  	[sflag:s20] =	ssyncset.done $0x0  }
0xf6: {  	[sflag:s20] =	ssyncadd.s32 $0xFFFFC000  }
0xf7: {  	[spmem:s1] =	stream.indirect.scatter.add.f32 [tilespmem:s8], [sflag:$0x9], $0x80, s7, s15, $0xb8;
	[tilespmem:$0x19880] =	vst v63  }
0xf8: {  	_ =	swait.ge [sflag:s21], $0x4000  }
0xf9: {  	s4 =	sld [smem:$0x7E2]  }
0xfa: {  	[sflag:s21] =	ssyncset.done $0x0  }
0xfb: {  	s13 =	sld [smem:$0x7E3];
	[sflag:s21] =	ssyncadd.s32 $0xFFFFC000  }
0xfc: {  	[tilespmem:s5], [sflag:$0x2] =	stream.linear.gather [hbm4b:s4+s2], $0x80, $0x38;
	[tilespmem:$0x19880] =	vst v63  }
0xfd: {  	_ = 	snop  }
0xfe: {  	[tilespmem:s6], [sflag:$0x2] =	stream.linear.gather [hbm4b:s13+s2], $0x4000, $0x38;
	[tilespmem:$0x19880] =	vst v63  }
0xff: {  	_ =	swait.ge [sflag:s22], $0x80  }
0x100: {  	[sflag:s22] =	ssyncset.done $0x0  }
0x101: {  	[sflag:s22] =	ssyncadd.s32 $0xFFFFFF80  }
0x102: {  	_ =	swait.ge [sflag:s22], $0x4000  }
0x103: {  	[sflag:s22] =	ssyncset.done $0x0  }
0x104: {  	[sflag:s22] =	ssyncadd.s32 $0xFFFFC000  }
0x105: {  	[spmem:s1] =	stream.indirect.scatter.add.f32 [tilespmem:s10], [sflag:$0xA], $0x80, s9, s15, $0xb8;
	[tilespmem:$0x19880] =	vst v63  }
0x106: {  	_ =	swait.ge [sflag:s23], $0x4000  }
0x107: {  	s4 =	sld [smem:$0x7E4]  }
0x108: {  	[sflag:s23] =	ssyncset.done $0x0  }
0x109: {  	s13 =	sld [smem:$0x7E5];
	[sflag:s23] =	ssyncadd.s32 $0xFFFFC000  }
0x10a: {  	[tilespmem:s7], [sflag:$0x3] =	stream.linear.gather [hbm4b:s4+s2], $0x80, $0x38;
	[tilespmem:$0x19880] =	vst v63  }
0x10b: {  	_ = 	snop  }
0x10c: {  	[tilespmem:s8], [sflag:$0x3] =	stream.linear.gather [hbm4b:s13+s2], $0x4000, $0x38;
	[tilespmem:$0x19880] =	vst v63  }
0x10d: {  	_ =	swait.ge [sflag:s24], $0x80  }
0x10e: {  	[sflag:s24] =	ssyncset.done $0x0  }
0x10f: {  	[sflag:s24] =	ssyncadd.s32 $0xFFFFFF80  }
0x110: {  	_ =	swait.ge [sflag:s24], $0x4000  }
0x111: {  	[sflag:s24] =	ssyncset.done $0x0  }
0x112: {  	[sflag:s24] =	ssyncadd.s32 $0xFFFFC000  }
0x113: {  	[spmem:s1] =	stream.indirect.scatter.add.f32 [tilespmem:s12], [sflag:$0xB], $0x80, s11, s15, $0xb8;
	[tilespmem:$0x19880] =	vst v63  }
0x114: {  	_ =	swait.ge [sflag:s25], $0x4000  }
0x115: {  	s4 =	sld [smem:$0x7E6]  }
0x116: {  	[sflag:s25] =	ssyncset.done $0x0  }
0x117: {  	s13 =	sld [smem:$0x7E7];
	[sflag:s25] =	ssyncadd.s32 $0xFFFFC000  }
0x118: {  	[tilespmem:s9], [sflag:$0x4] =	stream.linear.gather [hbm4b:s4+s2], $0x80, $0x38;
	[tilespmem:$0x19880] =	vst v63  }
0x119: {  	_ = 	snop  }
0x11a: {  	[tilespmem:s10], [sflag:$0x4] =	stream.linear.gather [hbm4b:s13+s2], $0x4000, $0x38;
	[tilespmem:$0x19880] =	vst v63  }
0x11b: {  	_ =	swait.ge [sflag:s26], $0x80  }
0x11c: {  	[sflag:s26] =	ssyncset.done $0x0  }
0x11d: {  	[sflag:s26] =	ssyncadd.s32 $0xFFFFFF80  }
0x11e: {  	_ =	swait.ge [sflag:s26], $0x4000  }
0x11f: {  	[sflag:s26] =	ssyncset.done $0x0  }
0x120: {  	[sflag:s26] =	ssyncadd.s32 $0xFFFFC000  }
0x121: {  	[spmem:s1] =	stream.indirect.scatter.add.f32 [tilespmem:s17], [sflag:$0xC], $0x80, s16, s15, $0xb8;
	[tilespmem:$0x19880] =	vst v63  }
0x122: {  	_ =	swait.ge [sflag:s28], $0x4000  }
0x123: {  	s4 =	sld [smem:$0x7E8]  }
0x124: {  	[sflag:s28] =	ssyncset.done $0x0  }
0x125: {  	s13 =	sld [smem:$0x7E9];
	[sflag:s28] =	ssyncadd.s32 $0xFFFFC000  }
0x126: {  	[tilespmem:s11], [sflag:$0x5] =	stream.linear.gather [hbm4b:s4+s2], $0x80, $0x38;
	[tilespmem:$0x19880] =	vst v63  }
0x127: {  	_ = 	snop  }
0x128: {  	[tilespmem:s12], [sflag:$0x5] =	stream.linear.gather [hbm4b:s13+s2], $0x4000, $0x38;
	[tilespmem:$0x19880] =	vst v63  }
0x129: {  	_ =	swait.ge [sflag:s14], $0x80  }
0x12a: {  	[sflag:s14] =	ssyncset.done $0x0  }
0x12b: {  	[sflag:s14] =	ssyncadd.s32 $0xFFFFFF80  }
0x12c: {  	_ =	swait.ge [sflag:s14], $0x4000  }
0x12d: {  	[sflag:s14] =	ssyncset.done $0x0  }
0x12e: {  	[sflag:s14] =	ssyncadd.s32 $0xFFFFC000  }
0x12f: {  	[spmem:s1] =	stream.indirect.scatter.add.f32 [tilespmem:s2], [sflag:$0x7], $0x80, s0, s15, $0xb8;
	[tilespmem:$0x19880] =	vst v63  }
0x130: {  	_ =	swait.ge [sflag:s29], $0x4000  }
0x131: {  	s4 =	sld [smem:$0x7EA]  }
0x132: {  	[sflag:s29] =	ssyncset.done $0x0  }
0x133: {  	s13 =	sld [smem:$0x7EB];
	[sflag:s29] =	ssyncadd.s32 $0xFFFFC000  }
0x134: {  	[tilespmem:s16], [sflag:$0x6] =	stream.linear.gather [hbm4b:s4+s2], $0x80, $0x38;
	[tilespmem:$0x19880] =	vst v63  }
0x135: {  	_ = 	snop  }
0x136: {  	[tilespmem:s17], [sflag:$0x6] =	stream.linear.gather [hbm4b:s13+s2], $0x4000, $0x38;
	[tilespmem:$0x19880] =	vst v63  }
0x137: {  	_ =	swait.ge [sflag:s18], $0x80  }
0x138: {  	[sflag:s18] =	ssyncset.done $0x0  }
0x139: {  	[sflag:s18] =	ssyncadd.s32 $0xFFFFFF80  }
0x13a: {  	_ =	swait.ge [sflag:s18], $0x4000  }
0x13b: {  	[sflag:s18] =	ssyncset.done $0x0  }
0x13c: {  	[sflag:s18] =	ssyncadd.s32 $0xFFFFC000  }
0x13d: {  	[spmem:s1] =	stream.indirect.scatter.add.f32 [tilespmem:s6], [sflag:$0x8], $0x80, s5, s15, $0xb8;
	[tilespmem:$0x19880] =	vst v63  }
0x13e: {  	_ =	swait.ge [sflag:s19], $0x4000  }
0x13f: {  	s4 =	sld [smem:$0x7EC]  }
0x140: {  	[sflag:s19] =	ssyncset.done $0x0  }
0x141: {  	s13 =	sld [smem:$0x7ED];
	[sflag:s19] =	ssyncadd.s32 $0xFFFFC000  }
0x142: {  	[tilespmem:s0], [sflag:$0x1] =	stream.linear.gather [hbm4b:s4+s2], $0x80, $0x38;
	[tilespmem:$0x19880] =	vst v63  }
0x143: {  	_ = 	snop  }
0x144: {  	[tilespmem:s2], [sflag:$0x1] =	stream.linear.gather [hbm4b:s13+s2], $0x4000, $0x38;
	[tilespmem:$0x19880] =	vst v63  }
0x145: {  	_ =	swait.ge [sflag:s20], $0x80  }
0x146: {  	[sflag:s20] =	ssyncset.done $0x0  }
0x147: {  	[sflag:s20] =	ssyncadd.s32 $0xFFFFFF80  }
0x148: {  	_ =	swait.ge [sflag:s20], $0x4000  }
0x149: {  	[sflag:s20] =	ssyncset.done $0x0  }
0x14a: {  	[sflag:s20] =	ssyncadd.s32 $0xFFFFC000  }
0x14b: {  	[spmem:s1] =	stream.indirect.scatter.add.f32 [tilespmem:s8], [sflag:$0x9], $0x80, s7, s15, $0xb8;
	[tilespmem:$0x19880] =	vst v63  }
0x14c: {  	_ =	swait.ge [sflag:s21], $0x4000  }
0x14d: {  	s4 =	sld [smem:$0x7EE]  }
0x14e: {  	[sflag:s21] =	ssyncset.done $0x0  }
0x14f: {  	s13 =	sld [smem:$0x7EF];
	[sflag:s21] =	ssyncadd.s32 $0xFFFFC000  }
0x150: {  	[tilespmem:s5], [sflag:$0x2] =	stream.linear.gather [hbm4b:s4+s2], $0x80, $0x38;
	[tilespmem:$0x19880] =	vst v63  }
0x151: {  	_ = 	snop  }
0x152: {  	[tilespmem:s6], [sflag:$0x2] =	stream.linear.gather [hbm4b:s13+s2], $0x4000, $0x38;
	[tilespmem:$0x19880] =	vst v63  }
0x153: {  	_ =	swait.ge [sflag:s22], $0x80  }
0x154: {  	[sflag:s22] =	ssyncset.done $0x0  }
0x155: {  	[sflag:s22] =	ssyncadd.s32 $0xFFFFFF80  }
0x156: {  	_ =	swait.ge [sflag:s22], $0x4000  }
0x157: {  	[sflag:s22] =	ssyncset.done $0x0  }
0x158: {  	[sflag:s22] =	ssyncadd.s32 $0xFFFFC000  }
0x159: {  	[spmem:s1] =	stream.indirect.scatter.add.f32 [tilespmem:s10], [sflag:$0xA], $0x80, s9, s15, $0xb8;
	[tilespmem:$0x19880] =	vst v63  }
0x15a: {  	_ =	swait.ge [sflag:s23], $0x4000  }
0x15b: {  	s4 =	sld [smem:$0x7F0]  }
0x15c: {  	[sflag:s23] =	ssyncset.done $0x0  }
0x15d: {  	s13 =	sld [smem:$0x7F1];
	[sflag:s23] =	ssyncadd.s32 $0xFFFFC000  }
0x15e: {  	[tilespmem:s7], [sflag:$0x3] =	stream.linear.gather [hbm4b:s4+s2], $0x80, $0x38;
	[tilespmem:$0x19880] =	vst v63  }
0x15f: {  	_ = 	snop  }
0x160: {  	[tilespmem:s8], [sflag:$0x3] =	stream.linear.gather [hbm4b:s13+s2], $0x4000, $0x38;
	[tilespmem:$0x19880] =	vst v63  }
0x161: {  	_ =	swait.ge [sflag:s24], $0x80  }
0x162: {  	[sflag:s24] =	ssyncset.done $0x0  }
0x163: {  	[sflag:s24] =	ssyncadd.s32 $0xFFFFFF80  }
0x164: {  	_ =	swait.ge [sflag:s24], $0x4000  }
0x165: {  	[sflag:s24] =	ssyncset.done $0x0  }
0x166: {  	[sflag:s24] =	ssyncadd.s32 $0xFFFFC000  }
0x167: {  	[spmem:s1] =	stream.indirect.scatter.add.f32 [tilespmem:s12], [sflag:$0xB], $0x80, s11, s15, $0xb8;
	[tilespmem:$0x19880] =	vst v63  }
0x168: {  	_ =	swait.ge [sflag:s25], $0x4000  }
0x169: {  	s4 =	sld [smem:$0x7F2]  }
0x16a: {  	[sflag:s25] =	ssyncset.done $0x0  }
0x16b: {  	s13 =	sld [smem:$0x7F3];
	[sflag:s25] =	ssyncadd.s32 $0xFFFFC000  }
0x16c: {  	[tilespmem:s9], [sflag:$0x4] =	stream.linear.gather [hbm4b:s4+s2], $0x80, $0x38;
	[tilespmem:$0x19880] =	vst v63  }
0x16d: {  	_ = 	snop  }
0x16e: {  	[tilespmem:s10], [sflag:$0x4] =	stream.linear.gather [hbm4b:s13+s2], $0x4000, $0x38;
	[tilespmem:$0x19880] =	vst v63  }
0x16f: {  	_ =	swait.ge [sflag:s26], $0x80  }
0x170: {  	[sflag:s26] =	ssyncset.done $0x0  }
0x171: {  	[sflag:s26] =	ssyncadd.s32 $0xFFFFFF80  }
0x172: {  	_ =	swait.ge [sflag:s26], $0x4000  }
0x173: {  	[sflag:s26] =	ssyncset.done $0x0  }
0x174: {  	[sflag:s26] =	ssyncadd.s32 $0xFFFFC000  }
0x175: {  	[spmem:s1] =	stream.indirect.scatter.add.f32 [tilespmem:s17], [sflag:$0xC], $0x80, s16, s15, $0xb8;
	[tilespmem:$0x19880] =	vst v63  }
0x176: {  	_ =	swait.ge [sflag:s28], $0x4000  }
0x177: {  	s4 =	sld [smem:$0x7F4]  }
0x178: {  	[sflag:s28] =	ssyncset.done $0x0  }
0x179: {  	s13 =	sld [smem:$0x7F5];
	[sflag:s28] =	ssyncadd.s32 $0xFFFFC000  }
0x17a: {  	[tilespmem:s11], [sflag:$0x5] =	stream.linear.gather [hbm4b:s4+s2], $0x80, $0x38;
	[tilespmem:$0x19880] =	vst v63  }
0x17b: {  	_ = 	snop  }
0x17c: {  	[tilespmem:s12], [sflag:$0x5] =	stream.linear.gather [hbm4b:s13+s2], $0x4000, $0x38;
	[tilespmem:$0x19880] =	vst v63  }
0x17d: {  	_ =	swait.ge [sflag:s14], $0x80  }
0x17e: {  	[sflag:s14] =	ssyncset.done $0x0  }
0x17f: {  	[sflag:s14] =	ssyncadd.s32 $0xFFFFFF80  }
0x180: {  	_ =	swait.ge [sflag:s14], $0x4000  }
0x181: {  	[sflag:s14] =	ssyncset.done $0x0  }
0x182: {  	[sflag:s14] =	ssyncadd.s32 $0xFFFFC000  }
0x183: {  	[spmem:s1] =	stream.indirect.scatter.add.f32 [tilespmem:s2], [sflag:$0x7], $0x80, s0, s15, $0xb8;
	[tilespmem:$0x19880] =	vst v63  }
0x184: {  	_ =	swait.ge [sflag:s29], $0x4000  }
0x185: {  	s4 =	sld [smem:$0x7F6]  }
0x186: {  	[sflag:s29] =	ssyncset.done $0x0  }
0x187: {  	s13 =	sld [smem:$0x7F7];
	[sflag:s29] =	ssyncadd.s32 $0xFFFFC000  }
0x188: {  	[tilespmem:s16], [sflag:$0x6] =	stream.linear.gather [hbm4b:s4+s2], $0x80, $0x38;
	[tilespmem:$0x19880] =	vst v63  }
0x189: {  	_ = 	snop  }
0x18a: {  	[tilespmem:s17], [sflag:$0x6] =	stream.linear.gather [hbm4b:s13+s2], $0x4000, $0x38;
	[tilespmem:$0x19880] =	vst v63  }
0x18b: {  	_ =	swait.ge [sflag:s18], $0x80  }
0x18c: {  	[sflag:s18] =	ssyncset.done $0x0  }
0x18d: {  	[sflag:s18] =	ssyncadd.s32 $0xFFFFFF80  }
0x18e: {  	_ =	swait.ge [sflag:s18], $0x4000  }
0x18f: {  	[sflag:s18] =	ssyncset.done $0x0  }
0x190: {  	s30 =	simm.s32 @!p0 $0x7;
	[sflag:s18] =	ssyncadd.s32 $0xFFFFC000  }
0x191: {  	[spmem:s1] =	stream.indirect.scatter.add.f32 [tilespmem:s6], [sflag:$0x8], $0x80, s5, s15, $0xb8;
	[tilespmem:$0x19880] =	vst v63  }
0x192: {  	_ =	swait.ge @!p0 [sflag:s30], $0x4000  }
0x193: {  	s31 =	sld [smem:$0x7F8]  }
0x194: {  	s0 =	simm.s32 @!p0 $0x0;
	[sflag:s30] =	ssyncset.done @!p0 $0x0  }
0x195: {  	s13 =	simm.s32 @!p0 $0x18000;
	s4 =	sld [smem:$0x7F9];
	[sflag:s30] =	ssyncadd.s32 @!p0 $0xFFFFC000  }
0x196: {  	[tilespmem:s13], [sflag:$0x1] =	stream.linear.gather @!p0 [hbm4b:s31+s0], $0x80, $0x38;
	[tilespmem:$0x19880] =	vst v63  }
0x197: {  	_ = 	snop  }
0x198: {  	[tilespmem:s0], [sflag:$0x1] =	stream.linear.gather @!p0 [hbm4b:s4+s0], $0x4000, $0x38;
	[tilespmem:$0x19880] =	vst v63  }
0x199: {  	_ =	swait.ge [sflag:s20], $0x80  }
0x19a: {  	[sflag:s20] =	ssyncset.done $0x0  }
0x19b: {  	[sflag:s20] =	ssyncadd.s32 $0xFFFFFF80  }
0x19c: {  	_ =	swait.ge [sflag:s20], $0x4000  }
0x19d: {  	[sflag:s20] =	ssyncset.done $0x0  }
0x19e: {  	[sflag:s20] =	ssyncadd.s32 $0xFFFFC000  }
0x19f: {  	[spmem:s1] =	stream.indirect.scatter.add.f32 [tilespmem:s8], [sflag:$0x9], $0x80, s7, s15, $0xb8;
	[tilespmem:$0x19880] =	vst v63  }
0x1a0: {  	_ =	swait.ge [sflag:s22], $0x80  }
0x1a1: {  	[sflag:s22] =	ssyncset.done $0x0  }
0x1a2: {  	[sflag:s22] =	ssyncadd.s32 $0xFFFFFF80  }
0x1a3: {  	_ =	swait.ge [sflag:s22], $0x4000  }
0x1a4: {  	[sflag:s22] =	ssyncset.done $0x0  }
0x1a5: {  	[sflag:s22] =	ssyncadd.s32 $0xFFFFC000  }
0x1a6: {  	[spmem:s1] =	stream.indirect.scatter.add.f32 [tilespmem:s10], [sflag:$0xA], $0x80, s9, s15, $0xb8;
	[tilespmem:$0x19880] =	vst v63  }
0x1a7: {  	_ =	swait.ge [sflag:s24], $0x80  }
0x1a8: {  	[sflag:s24] =	ssyncset.done $0x0  }
0x1a9: {  	[sflag:s24] =	ssyncadd.s32 $0xFFFFFF80  }
0x1aa: {  	_ =	swait.ge [sflag:s24], $0x4000  }
0x1ab: {  	[sflag:s24] =	ssyncset.done $0x0  }
0x1ac: {  	[sflag:s24] =	ssyncadd.s32 $0xFFFFC000  }
0x1ad: {  	[spmem:s1] =	stream.indirect.scatter.add.f32 [tilespmem:s12], [sflag:$0xB], $0x80, s11, s15, $0xb8;
	[tilespmem:$0x19880] =	vst v63  }
0x1ae: {  	_ =	swait.ge [sflag:s26], $0x80  }
0x1af: {  	[sflag:s26] =	ssyncset.done $0x0  }
0x1b0: {  	[sflag:s26] =	ssyncadd.s32 $0xFFFFFF80  }
0x1b1: {  	_ =	swait.ge [sflag:s26], $0x4000  }
0x1b2: {  	[sflag:s26] =	ssyncset.done $0x0  }
0x1b3: {  	s4 =	simm.s32 @!p0 $0x1;
	[sflag:s26] =	ssyncadd.s32 $0xFFFFC000  }
0x1b4: {  	[spmem:s1] =	stream.indirect.scatter.add.f32 [tilespmem:s17], [sflag:$0xC], $0x80, s16, s15, $0xb8;
	[tilespmem:$0x19880] =	vst v63  }
0x1b5: {  	_ =	swait.ge @!p0 [sflag:s4], $0x80  }
0x1b6: {  	[sflag:s4] =	ssyncset.done @!p0 $0x0  }
0x1b7: {  	[sflag:s4] =	ssyncadd.s32 @!p0 $0xFFFFFF80  }
0x1b8: {  	_ =	swait.ge @!p0 [sflag:s4], $0x4000  }
0x1b9: {  	[sflag:s4] =	ssyncset.done @!p0 $0x0  }
0x1ba: {  	[sflag:s4] =	ssyncadd.s32 @!p0 $0xFFFFC000;
	s4 =	simm.s32 @!p0 $0x80  }
0x1bb: {  	[spmem:s1] =	stream.indirect.scatter.add.f32 @!p0 [tilespmem:s0], [sflag:$0x7], $0x80, s13, s4, $0xb8;
	[tilespmem:$0x19880] =	vst v63  }
0x1bc: {  	_ =	swait.ge [sflag:s21], $0x4000  }
0x1bd: {  	[sflag:s21] =	ssyncset.done $0x0  }
0x1be: {  	[sflag:s21] =	ssyncadd.s32 $0xFFFFC000  }
0x1bf: {  	_ =	swait.ge [sflag:s23], $0x4000  }
0x1c0: {  	[sflag:s23] =	ssyncset.done $0x0  }
0x1c1: {  	[sflag:s23] =	ssyncadd.s32 $0xFFFFC000  }
0x1c2: {  	_ =	swait.ge [sflag:s25], $0x4000  }
0x1c3: {  	[sflag:s25] =	ssyncset.done $0x0  }
0x1c4: {  	[sflag:s25] =	ssyncadd.s32 $0xFFFFC000  }
0x1c5: {  	_ =	swait.ge [sflag:s28], $0x4000  }
0x1c6: {  	[sflag:s28] =	ssyncset.done $0x0  }
0x1c7: {  	[sflag:s28] =	ssyncadd.s32 $0xFFFFC000  }
0x1c8: {  	_ =	swait.ge [sflag:s29], $0x4000  }
0x1c9: {  	[sflag:s29] =	ssyncset.done $0x0  }
0x1ca: {  	[sflag:s29] =	ssyncadd.s32 $0xFFFFC000  }
0x1cb: {  	_ =	swait.ge @!p0 [sflag:s30], $0x4000  }
0x1cc: {  	s0 =	sld [smem:$0x7FA]  }
0x1cd: {  	[sflag:s30] =	ssyncset.done @!p0 $0x0  }
0x1ce: {  	s4 =	simm.s32 @!p2 $0x0;
	s13 =	simm.s32 @!p2 $0x19600;
	[sflag:s30] =	ssyncadd.s32 @!p0 $0xFFFFC000  }
0x1cf: {  	[tilespmem:s13], [sflag:$0xD] =	stream.linear.gather @!p2 [hbm4b:s0+s4], $0x20, $0x38;
	[tilespmem:$0x19880] =	vst v63  }
0x1d0: {  	s0 =	simm.s32 @!p2 $0xD  }
0x1d1: {  	_ =	swait.ge @!p2 [sflag:s0], $0x20  }
0x1d2: {  	s30 =	sld [smem:$0x7FB]  }
0x1d3: {  	[sflag:s0] =	ssyncset.done @!p2 $0x0  }
0x1d4: {  	s31 =	simm.s32 @!p2 $0x18600;
	[sflag:s0] =	ssyncadd.s32 @!p2 $0xFFFFFFE0  }
0x1d5: {  	[tilespmem:s31], [sflag:$0xD] =	stream.linear.gather @!p2 [hbm4b:s30+s4], $0x1000, $0x38;
	[tilespmem:$0x19880] =	vst v63  }
0x1d6: {  	_ =	swait.ge @!p2 [sflag:s0], $0x1000  }
0x1d7: {  	[sflag:s0] =	ssyncset.done @!p2 $0x0  }
0x1d8: {  	s4 =	simm.s32 @!p2 $0x20;
	[sflag:s0] =	ssyncadd.s32 @!p2 $0xFFFFF000  }
0x1d9: {  	[spmem:s1] =	stream.indirect.scatter.add.f32 @!p2 [tilespmem:s31], [sflag:$0xD], $0x80, s13, s4, $0xb8;
	[tilespmem:$0x19880] =	vst v63  }
0x1da: {  	_ =	swait.ge @!p2 [sflag:s0], $0x1000  }
0x1db: {  	[sflag:s0] =	ssyncset.done @!p2 $0x0  }
0x1dc: {  	[sflag:s0] =	ssyncadd.s32 @!p2 $0xFFFFF000  }
0x1dd: {  	[bflag:$0x0] =	sbarrier.arrive $0xFFFF  }
0x1de: {  	s0 =	sld [smem:$0x7FC]  }
0x1df: {  	s3 =	sadd.s32 $0xFFFFFFFF, s3  }
0x1e0: {  	p3 =	sne.s32 s3, $0x0;
	s4 =	sshrl.u32 @!p1 s1, $0x3;
	s13 =	simm.s32 @!p1 $0x1C0D  }
0x1e1: {  	[hbm:s0], [sflag:s13] =	dma.local @!p1 [spmem:s4], $0x400  }
.Ltmp0:
0x1e2: {  	_ = 	snop;
	(pc) =	sbr.rel @p3 .LBB2_1-.Ltmp0, $4  }
0x1e3: {  	s0 =	simm.s32 @!p1 $0xD  }
0x1e4: {  	_ =	swait.ge @!p1 [sflag:s0], $0x400  }
0x1e5: {  	[sflag:s0] =	ssyncset.done @!p1 $0x0  }
0x1e6: {  	[sflag:s0] =	ssyncadd.s32 @!p1 $0xFFFFFC00  }
0x1e7: {  	_ =	sfence.sel $0x180000  }
0x1e8: {  	[bflag:$0x0] =	sbarrier.arrive $0xFFFF  }
0x1e9: {  	_ =	strace $0x90000047  }
0x1ea: {  	[bflag:$0x2] =	sbarrier.arrive $0xFFFF  }
0x1eb: {  	s0 =	rddreg [dreg:$0x4]  }
0x1ec: {  	s0 =	sadd.s32 @!p1 $0x100000, s0  }
0x1ed: {  	[sflag:s0] =	ssyncadd.tile.s32 @!p1 $0x1;
	_ =	shalt  }
.Lfunc_end2:
_tile_overlayer_lowered:
.L_overlay_start_2:
0x1ee: {  	(tag) =	ssettag $0x2  }
0x1ef: {  	s0 =	rddreg [dreg:$0x0];
	s2 =	stileid.u32  }
0x1f0: {  	s1 =	rddreg [dreg:$0x1];
	p0 =	sne.s32 s2, $0x0  }
0x1f1: {  	s3 =	rddreg [dreg:$0x2];
	[bflag:$0x3] =	sbarrier.arrive $0xFFFF;
	s2 =	simm.s32 @!p0 $0x1C0D  }
0x1f2: {  	[timem:s3], [sflag:s2] =	dma.local @!p0 [hbm:s0], s1  }
0x1f3: {  	s0 =	simm.s32 @!p0 $0xD  }
0x1f4: {  	_ =	swait.ge @!p0 [sflag:s0], s1  }
0x1f5: {  	s1 =	ssub.s32 @!p0 $0x0, s1;
	[sflag:s0] =	ssyncset.done @!p0 $0x0  }
0x1f6: {  	[sflag:s0] =	ssyncadd.s32 @!p0 s1  }
0x1f7: {  	[bflag:$0x3] =	sbarrier.arrive $0xFFFF  }
0x1f8: {  	_ =	shalt  }

</sc_bundles>
